<compile_context>
chip_gen: v7x
topology: tpu7x:2x2x1
jax: 0.10.2.dev20260603
libtpu: 0.0.44.dev20260713+nightly
codegen_flags: <defaults>
</compile_context>

<pallas_src>
import functools

import jax
import jax.numpy as jnp
import numpy as np
from jax import lax
from jax.experimental import pallas as pl
from jax.experimental.pallas import tpu as pltpu
from jax.experimental.pallas import tpu_sc as plsc

_N = 10000
_E = 320000
_C = 128
_H = 4
_DH = _C // _H
_DG = 16
_GF = 32
_NRBF = 32
_NSP = 100
_CUTOFF = 5.0
_AVG_NN = 32.0
_SPHC_NORM = 32.0

_BE = 2560
_GE = _E // _BE
_BN = 2000
_GN = _N // _BN

_RD = 256
_SD = 384

_f32 = jnp.float32


def _sel(nin, nout, group):
    d = lax.broadcasted_iota(jnp.int32, (nin, nout), 0) // group
    h = lax.broadcasted_iota(jnp.int32, (nin, nout), 1)
    return jnp.where(d == h, 1.0, 0.0).astype(_f32)


def _selT(nin, nout, group):
    h = lax.broadcasted_iota(jnp.int32, (nin, nout), 0)
    d = lax.broadcasted_iota(jnp.int32, (nin, nout), 1) // group
    return jnp.where(d == h, 1.0, 0.0).astype(_f32)


def _rep28():
    i = lax.broadcasted_iota(jnp.int32, (2, 8), 0)
    j = lax.broadcasted_iota(jnp.int32, (2, 8), 1)
    return jnp.where((j < 3) == (i == 0), 1.0, 0.0).astype(_f32)


def _irrep_norm2(a):
    return jnp.concatenate(
        [jnp.sum(a[:, :3] * a[:, :3], axis=-1, keepdims=True),
         jnp.sum(a[:, 3:] * a[:, 3:], axis=-1, keepdims=True)], axis=-1)


def _dot(a, b):
    return jnp.dot(a, b, preferred_element_type=_f32)



def _edge_pre_body(ev, d, cut, es_o):
    d1 = d[...]
    cutv = cut[...]
    mu0 = np.float32(np.exp(-_CUTOFF))
    dmu = np.float32((1.0 - np.exp(-_CUTOFF)) / (_NRBF - 1))
    mus = mu0 + dmu * lax.broadcasted_iota(jnp.int32, (1, _NRBF), 1).astype(_f32)
    beta = np.float32((2.0 / _NRBF * (1.0 - np.exp(-_CUTOFF))) ** -2)
    ef = jnp.exp(-beta * (jnp.exp(-d1) - mus) ** 2)
    v = ev[...]
    r = jnp.sqrt(jnp.sum(v * v, axis=-1, keepdims=True) + 1e-12)
    u = v / r
    x = u[:, 0:1]
    y = u[:, 1:2]
    z = u[:, 2:3]
    s3 = np.float32(3.0 ** 0.5)
    s15 = np.float32(15.0 ** 0.5)
    s5 = np.float32(5.0 ** 0.5)
    sh = jnp.concatenate(
        [s3 * x, s3 * y, s3 * z,
         s15 * x * y, s15 * y * z, 0.5 * s5 * (3.0 * z * z - 1.0),
         s15 * x * z, 0.5 * s15 * (x * x - y * y)], axis=-1)
    es_o[...] = jnp.concatenate(
        [ef, sh, sh * cutv, cutv,
         jnp.zeros((sh.shape[0], 79), _f32)], axis=-1)


_edge_pre = pl.pallas_call(
    _edge_pre_body,
    grid=(_GE,),
    in_specs=[pl.BlockSpec((_BE, 3), lambda i: (i, 0)),
              pl.BlockSpec((_BE, 1), lambda i: (i, 0)),
              pl.BlockSpec((_BE, 1), lambda i: (i, 0))],
    out_specs=[pl.BlockSpec((_BE, _C), lambda i: (i, 0))],
    out_shape=[jax.ShapeDtypeStruct((_E, _C), _f32)],
)


def _node_init_body(sp, chi0, chi1, emb, h_o, chi_o):
    s = sp[...]
    ids = lax.broadcasted_iota(jnp.int32, (1, _NSP), 1)
    oh = (s == ids).astype(_f32)
    h_o[...] = _dot(oh, emb[...])
    chi_o[...] = (chi0[0] + chi1[0]) * np.float32(1.0 / _SPHC_NORM)


_node_init = pl.pallas_call(
    _node_init_body,
    grid=(_GN,),
    in_specs=[pl.BlockSpec((_BN, 1), lambda i: (i, 0)),
              pl.BlockSpec((1, _BN, 8), lambda i: (0, i, 0)),
              pl.BlockSpec((1, _BN, 8), lambda i: (1, i, 0)),
              pl.BlockSpec((_NSP, _C), lambda i: (0, 0))],
    out_specs=[pl.BlockSpec((_BN, _C), lambda i: (i, 0)),
               pl.BlockSpec((_BN, 8), lambda i: (i, 0))],
    out_shape=[jax.ShapeDtypeStruct((_N, _C), _f32),
               jax.ShapeDtypeStruct((_N, 8), _f32)],
)


def _pack_qk_body(h, chi, wq, wk, wqg, wkg, r_o, s_o):
    hh = h[...]
    chiv = chi[...]
    z = jnp.zeros((hh.shape[0], 88), _f32)
    r_o[...] = jnp.concatenate(
        [_dot(hh, wq[...]), _dot(hh, wqg[...]), chiv, z], axis=-1)
    s_o[...] = jnp.concatenate(
        [_dot(hh, wk[...]), hh, _dot(hh, wkg[...]), chiv, z], axis=-1)


_pack_qk = pl.pallas_call(
    _pack_qk_body,
    grid=(_GN,),
    in_specs=[pl.BlockSpec((_BN, _C), lambda i: (i, 0)),
              pl.BlockSpec((_BN, 8), lambda i: (i, 0)),
              pl.BlockSpec((_C, _C), lambda i: (0, 0)),
              pl.BlockSpec((_C, _C), lambda i: (0, 0)),
              pl.BlockSpec((_C, _GF), lambda i: (0, 0)),
              pl.BlockSpec((_C, _GF), lambda i: (0, 0))],
    out_specs=[pl.BlockSpec((_BN, _RD), lambda i: (i, 0)),
               pl.BlockSpec((_BN, _SD), lambda i: (i, 0))],
    out_shape=[jax.ShapeDtypeStruct((_N, _RD), _f32),
               jax.ShapeDtypeStruct((_N, _SD), _f32)],
)


def _edge_compute_body(es, rg, sg,
                       fbrW1, fbrb1, fbrW2, fbrb2,
                       fbsW1, fbsb1, fbsW2, fbsb2,
                       gbrW1, gbrb1, gbrW2, gbrb2,
                       gbsW1, gbsb1, gbsW2, gbsb2,
                       msg_o, mchi_o):
    silu = jax.nn.silu
    esv = es[...]
    rgv = rg[...]
    sgv = sg[...]
    qr = rgv[:, :_C]
    qgr = rgv[:, _C:_C + _GF]
    chir = rgv[:, _C + _GF:_C + _GF + 8]
    ks = sgv[:, :_C]
    vs = sgv[:, _C:2 * _C]
    kgs = sgv[:, 2 * _C:2 * _C + _GF]
    chis = sgv[:, 2 * _C + _GF:2 * _C + _GF + 8]
    chij = chis - chir
    cs = _irrep_norm2(chij)
    efv = esv[:, :_NRBF]
    shv = esv[:, _NRBF:_NRBF + 8]
    cutv = esv[:, 48:49]
    w = (_dot(silu(_dot(efv, fbrW1[...]) + fbrb1[...]), fbrW2[...]) + fbrb2[...]
         + _dot(silu(_dot(cs, fbsW1[...]) + fbsb1[...]), fbsW2[...]) + fbsb2[...])
    p = qr * w * ks
    alpha = _dot(p, _sel(_C, _H, _DH)) * np.float32(_DH ** -0.5) * cutv
    msg_o[...] = _dot(alpha, _selT(_H, _C, _DH)) * vs
    wg = (_dot(silu(_dot(efv, gbrW1[...]) + gbrb1[...]), gbrW2[...]) + gbrb2[...]
          + _dot(silu(_dot(cs, gbsW1[...]) + gbsb1[...]), gbsW2[...]) + gbsb2[...])
    pg = qgr * wg * kgs
    ag = _dot(pg, _sel(_GF, 2, _DG)) * np.float32(_DG ** -0.5) * cutv
    mchi_o[...] = _dot(ag, _rep28()) * shv


_edge_compute = pl.pallas_call(
    _edge_compute_body,
    grid=(_GE,),
    in_specs=[pl.BlockSpec((_BE, _C), lambda i: (i, 0)),
              pl.BlockSpec((_BE, _RD), lambda i: (i, 0)),
              pl.BlockSpec((_BE, _SD), lambda i: (i, 0)),
              pl.BlockSpec((_NRBF, 128), lambda i: (0, 0)),
              pl.BlockSpec((1, 128), lambda i: (0, 0)),
              pl.BlockSpec((128, _C), lambda i: (0, 0)),
              pl.BlockSpec((1, _C), lambda i: (0, 0)),
              pl.BlockSpec((2, 128), lambda i: (0, 0)),
              pl.BlockSpec((1, 128), lambda i: (0, 0)),
              pl.BlockSpec((128, _C), lambda i: (0, 0)),
              pl.BlockSpec((1, _C), lambda i: (0, 0)),
              pl.BlockSpec((_NRBF, 64), lambda i: (0, 0)),
              pl.BlockSpec((1, 64), lambda i: (0, 0)),
              pl.BlockSpec((64, _GF), lambda i: (0, 0)),
              pl.BlockSpec((1, _GF), lambda i: (0, 0)),
              pl.BlockSpec((2, 64), lambda i: (0, 0)),
              pl.BlockSpec((1, 64), lambda i: (0, 0)),
              pl.BlockSpec((64, _GF), lambda i: (0, 0)),
              pl.BlockSpec((1, _GF), lambda i: (0, 0))],
    out_specs=[pl.BlockSpec((_BE, _C), lambda i: (i, 0)),
               pl.BlockSpec((_BE, 8), lambda i: (i, 0))],
    out_shape=[jax.ShapeDtypeStruct((_E, _C), _f32),
               jax.ShapeDtypeStruct((_E, 8), _f32)],
)


def _node_update_body(h, chi, dh, dchi, wia, wca, wib, wcb, bia, bib, h_o, chi_o):
    inv = np.float32(1.0 / _AVG_NN)
    h2 = h[...] + (dh[0] + dh[1]) * inv
    chi2 = chi[...] + (dchi[0] + dchi[1]) * inv
    cn = _irrep_norm2(chi2)
    ya = _dot(h2, wia[...]) + _dot(cn, wca[...]) + bia[...]
    yb = _dot(h2, wib[...]) + _dot(cn, wcb[...]) + bib[...]
    h_o[...] = h2 + ya
    chi_o[...] = chi2 * (1.0 + _dot(yb, _rep28()))


_node_update = pl.pallas_call(
    _node_update_body,
    grid=(_GN,),
    in_specs=[pl.BlockSpec((_BN, _C), lambda i: (i, 0)),
              pl.BlockSpec((_BN, 8), lambda i: (i, 0)),
              pl.BlockSpec((2, _BN, _C), lambda i: (0, i, 0)),
              pl.BlockSpec((2, _BN, 8), lambda i: (0, i, 0)),
              pl.BlockSpec((_C, _C), lambda i: (0, 0)),
              pl.BlockSpec((2, _C), lambda i: (0, 0)),
              pl.BlockSpec((_C, 2), lambda i: (0, 0)),
              pl.BlockSpec((2, 2), lambda i: (0, 0)),
              pl.BlockSpec((1, _C), lambda i: (0, 0)),
              pl.BlockSpec((1, 2), lambda i: (0, 0))],
    out_specs=[pl.BlockSpec((_BN, _C), lambda i: (i, 0)),
               pl.BlockSpec((_BN, 8), lambda i: (i, 0))],
    out_shape=[jax.ShapeDtypeStruct((_N, _C), _f32),
               jax.ShapeDtypeStruct((_N, 8), _f32)],
)


def _readout_body(h, w0, b0, w1, b1, w2, b2, e_o):
    silu = jax.nn.silu
    e = silu(_dot(h[...], w0[...]) + b0[...])
    e = silu(_dot(e, w1[...]) + b1[...])
    e_o[...] = _dot(e, w2[...]) + b2[...]


_readout = pl.pallas_call(
    _readout_body,
    grid=(_GN,),
    in_specs=[pl.BlockSpec((_BN, _C), lambda i: (i, 0)),
              pl.BlockSpec((_C, _C), lambda i: (0, 0)),
              pl.BlockSpec((1, _C), lambda i: (0, 0)),
              pl.BlockSpec((_C, _C), lambda i: (0, 0)),
              pl.BlockSpec((1, _C), lambda i: (0, 0)),
              pl.BlockSpec((_C, 1), lambda i: (0, 0)),
              pl.BlockSpec((1, 1), lambda i: (0, 0))],
    out_specs=[pl.BlockSpec((_BN, 1), lambda i: (i, 0))],
    out_shape=[jax.ShapeDtypeStruct((_N, 1), _f32)],
)



_NC = 2
_NS = 16
_NW = _NC * _NS
_CH = 128
_NCHUNK = _E // _CH
_CPW = -(-_NCHUNK // _NW)
_NCH_HALF = _NCHUNK // _NC
_CPT = -(-_NCH_HALF // _NS)
_NROW = 624
_TAIL0 = _NROW * _NS
_TAILN = _N - _TAIL0

_sc_cache = {}


def _sc_mesh():
    return plsc.VectorSubcoreMesh(core_axis_name="c", subcore_axis_name="s",
                                  num_cores=_NC, num_subcores=_NS)


_sc_params = pltpu.CompilerParams(use_tc_tiling_on_sc=False)


def _gather_body(r_tab, s_tab, snd, rcv, r_out, s_out, ridx, sidx, rbuf, sbuf, sem1, sem2):
    wid = lax.axis_index("s") * _NC + lax.axis_index("c")

    def step(i, carry):
        c = wid + i * _NW

        @pl.when(c < _NCHUNK)
        def _():
            base = c * _CH
            pltpu.sync_copy(rcv.at[pl.ds(base, _CH)], ridx)
            pltpu.sync_copy(snd.at[pl.ds(base, _CH)], sidx)
            cp1 = pltpu.async_copy(r_tab.at[ridx], rbuf, sem1)
            cp2 = pltpu.async_copy(s_tab.at[sidx], sbuf, sem2)
            cp1.wait()
            cp2.wait()
            pltpu.sync_copy(rbuf, r_out.at[pl.ds(base, _CH)])
            pltpu.sync_copy(sbuf, s_out.at[pl.ds(base, _CH)])

        return carry

    lax.fori_loop(0, _CPW, step, 0)


def _gather(r_tab, s_tab, snd, rcv):
    if "gather" not in _sc_cache:
        _sc_cache["gather"] = functools.partial(
            pl.kernel,
            out_type=(jax.ShapeDtypeStruct((_E, _RD), _f32),
                      jax.ShapeDtypeStruct((_E, _SD), _f32)),
            mesh=_sc_mesh(),
            scratch_types=(pltpu.VMEM((_CH,), jnp.int32),
                           pltpu.VMEM((_CH,), jnp.int32),
                           pltpu.VMEM((_CH, _RD), _f32),
                           pltpu.VMEM((_CH, _SD), _f32),
                           pltpu.SemaphoreType.DMA,
                           pltpu.SemaphoreType.DMA),
        )(_gather_body)
    return _sc_cache["gather"](r_tab, s_tab, snd, rcv)


def _make_scatter(dims):
    out_type = tuple(jax.ShapeDtypeStruct((_NC, _N, d), _f32) for d in dims)
    scratch = [pltpu.VMEM((_CH,), jnp.int32)]
    for d in dims:
        scratch.append(pltpu.VMEM((_CH, d), _f32))
    for d in dims:
        scratch.append(pltpu.VMEM_SHARED((_N, d), _f32))

    @functools.partial(pl.kernel, out_type=out_type, mesh=_sc_mesh(),
                       compiler_params=_sc_params,
                       scratch_types=tuple(scratch))
    def _scatter(*refs):
        nvals = len(dims)
        vals = refs[:nvals]
        rcv = refs[nvals]
        zeros = refs[nvals + 1:2 * nvals + 1]
        outs = refs[2 * nvals + 1:3 * nvals + 1]
        idx = refs[3 * nvals + 1]
        bufs = refs[3 * nvals + 2:4 * nvals + 2]
        accs = refs[4 * nvals + 2:5 * nvals + 2]

        cid = lax.axis_index("c")
        sid = lax.axis_index("s")
        row0 = sid * _NROW

        for z, a in zip(zeros, accs):
            pltpu.sync_copy(z.at[pl.ds(row0, _NROW)], a.at[pl.ds(row0, _NROW)])

        @pl.when(sid == _NS - 1)
        def _():
            for z, a in zip(zeros, accs):
                pltpu.sync_copy(z.at[pl.ds(_TAIL0, _TAILN)],
                                a.at[pl.ds(_TAIL0, _TAILN)])

        plsc.subcore_barrier()

        def step(i, carry):
            lc = sid + i * _NS

            @pl.when(lc < _NCH_HALF)
            def _():
                base = (cid * _NCH_HALF + lc) * _CH
                pltpu.sync_copy(rcv.at[pl.ds(base, _CH)], idx)
                for v, b, a in zip(vals, bufs, accs):
                    pltpu.sync_copy(v.at[pl.ds(base, _CH)], b)
                    pltpu.sync_copy(b, a.at[idx], add=True)

            return carry

        lax.fori_loop(0, _CPT, step, 0)
        plsc.subcore_barrier()

        for a, o in zip(accs, outs):
            pltpu.sync_copy(a.at[pl.ds(row0, _NROW)],
                            o.at[cid, pl.ds(row0, _NROW)])

        @pl.when(sid == _NS - 1)
        def _():
            for a, o in zip(accs, outs):
                pltpu.sync_copy(a.at[pl.ds(_TAIL0, _TAILN)],
                                o.at[cid, pl.ds(_TAIL0, _TAILN)])

    return _scatter


def _scatter8(*args):
    if "s8" not in _sc_cache:
        _sc_cache["s8"] = _make_scatter([8])
    return _sc_cache["s8"](*args)


def _scatter_layer(*args):
    if "sl" not in _sc_cache:
        _sc_cache["sl"] = _make_scatter([_C, 8])
    return _sc_cache["sl"](*args)



def kernel(edge_vectors, distances, cutoffs, node_species, senders, receivers, params):
    d2 = distances.reshape(_E, 1)
    c2 = cutoffs.reshape(_E, 1)
    sp2 = node_species.reshape(_N, 1).astype(jnp.int32)
    snd = senders.astype(jnp.int32)
    rcv = receivers.astype(jnp.int32)

    (es,) = _edge_pre(edge_vectors, d2, c2)
    shc = es[:, 40:48]

    z8 = jnp.zeros((_N, 8), _f32)
    z128 = jnp.zeros((_N, _C), _f32)

    (chi_p,) = _scatter8(shc, rcv, z8)
    h, chi = _node_init(sp2, chi_p, chi_p, params['embed'])

    for lp in params['layers']:
        r_tab, s_tab = _pack_qk(h, chi, lp['Wq'], lp['Wk'], lp['Wqg'], lp['Wkg'])
        r_g, s_g = _gather(r_tab, s_tab, snd, rcv)
        msg, mchi = _edge_compute(
            es, r_g, s_g,
            lp['fbr_W1'], lp['fbr_b1'].reshape(1, -1),
            lp['fbr_W2'], lp['fbr_b2'].reshape(1, -1),
            lp['fbs_W1'], lp['fbs_b1'].reshape(1, -1),
            lp['fbs_W2'], lp['fbs_b2'].reshape(1, -1),
            lp['gbr_W1'], lp['gbr_b1'].reshape(1, -1),
            lp['gbr_W2'], lp['gbr_b2'].reshape(1, -1),
            lp['gbs_W1'], lp['gbs_b1'].reshape(1, -1),
            lp['gbs_W2'], lp['gbs_b2'].reshape(1, -1))
        dh_p, dchi_p = _scatter_layer(msg, mchi, rcv, z128, z8)
        wi = lp['Wi']
        bi = lp['bi']
        h, chi = _node_update(
            h, chi, dh_p, dchi_p,
            wi[:_C, :_C], wi[_C:, :_C], wi[:_C, _C:], wi[_C:, _C:],
            bi[:_C].reshape(1, _C), bi[_C:].reshape(1, 2))

    (e,) = _readout(
        h, params['We0'], params['be0'].reshape(1, _C),
        params['We1'], params['be1'].reshape(1, _C),
        params['We2'], params['be2'].reshape(1, 1))
    return e.reshape(_N)

# --- scband reference (transcript-rebuilt; emitter-appended) ---
"""Pipeline reference for scband-so3krates-block-5265629905690 (READ-ONLY COPY).

The authoritative reference and input builder live on the scoring server;
editing this copy changes nothing except your own understanding.
"""

import jax
import jax.numpy as jnp
import numpy as np

N = 10000
E = 320000
C = 128
H = 4
DH = C // H
NUM_IRREPS = 2
CHI_DIM = 8
DG = 16
GF = NUM_IRREPS * DG
NUM_RBF = 32
NUM_SPECIES = 100
CUTOFF = 5.0
NUM_LAYERS = 2
AVG_NN = 32.0
SPHC_NORM = 32.0
REP = np.array([3, 5])

def _p(key, shape, scale=0.05):
    return jax.random.normal(key, shape, dtype=jnp.float32) * scale

def _sph(vec):
    r = jnp.sqrt(jnp.sum(vec * vec, axis=-1, keepdims=True) + 1e-12)
    u = vec / r
    x, y, z = u[:, 0], u[:, 1], u[:, 2]
    s3 = 3.0 ** 0.5
    s15 = 15.0 ** 0.5
    s5 = 5.0 ** 0.5
    l1 = jnp.stack([s3 * x, s3 * y, s3 * z], axis=-1)
    l2 = jnp.stack([s15 * x * y, s15 * y * z, 0.5 * s5 * (3.0 * z * z - 1.0), s15 * x * z, 0.5 * s15 * (x * x - y * y)], axis=-1)
    return jnp.concatenate([l1, l2], axis=-1)

def _rbf(d):
    mus = jnp.linspace(np.exp(-CUTOFF), 1.0, NUM_RBF)
    beta = (2.0 / NUM_RBF * (1.0 - np.exp(-CUTOFF))) ** -2
    return jnp.exp(-beta * (jnp.exp(-d)[:, None] - mus[None, :]) ** 2)

def _mlp2(x, W1, b1, W2, b2):
    return jax.nn.silu(x @ W1 + b1) @ W2 + b2

def _irrep_norm2(a):
    return jnp.stack([jnp.sum(a[:, :3] ** 2, axis=-1), jnp.sum(a[:, 3:] ** 2, axis=-1)], axis=-1)

def _forward(edge_vectors, distances, cutoffs, node_species, senders, receivers, params):
    edge_feats = _rbf(distances)
    edge_sh = _sph(edge_vectors)
    h = params['embed'][node_species]
    chi = jax.ops.segment_sum(edge_sh * cutoffs[:, None], receivers, num_segments=N) / SPHC_NORM
    for lp in params['layers']:
        chi_ij = chi[senders] - chi[receivers]
        cs = _irrep_norm2(chi_ij)
        w = _mlp2(edge_feats, lp['fbr_W1'], lp['fbr_b1'], lp['fbr_W2'], lp['fbr_b2']) + _mlp2(cs, lp['fbs_W1'], lp['fbs_b1'], lp['fbs_W2'], lp['fbs_b2'])
        q = (h @ lp['Wq']).reshape(N, H, DH)
        k = (h @ lp['Wk']).reshape(N, H, DH)
        alpha = jnp.sum(q[receivers] * w.reshape(E, H, DH) * k[senders], axis=-1) / (DH ** 0.5) * cutoffs[:, None]
        v = h.reshape(N, H, DH)
        dh = jax.ops.segment_sum(alpha[..., None] * v[senders], receivers, num_segments=N).reshape(N, C) / AVG_NN
        wg = _mlp2(edge_feats, lp['gbr_W1'], lp['gbr_b1'], lp['gbr_W2'], lp['gbr_b2']) + _mlp2(cs, lp['gbs_W1'], lp['gbs_b1'], lp['gbs_W2'], lp['gbs_b2'])
        qg = (h @ lp['Wqg']).reshape(N, NUM_IRREPS, DG)
        kg = (h @ lp['Wkg']).reshape(N, NUM_IRREPS, DG)
        ag = jnp.sum(qg[receivers] * wg.reshape(E, NUM_IRREPS, DG) * kg[senders], axis=-1) / (DG ** 0.5) * cutoffs[:, None]
        agf = jnp.repeat(ag, REP, axis=1, total_repeat_length=CHI_DIM)
        dchi = jax.ops.segment_sum(agf * edge_sh, receivers, num_segments=N) / AVG_NN
        h = h + dh
        chi = chi + dchi
        cn = _irrep_norm2(chi)
        y = jnp.concatenate([h, cn], axis=-1) @ lp['Wi'] + lp['bi']
        a = y[:, :C]
        b = y[:, C:]
        h = h + a
        chi = chi + jnp.repeat(b, REP, axis=1, total_repeat_length=CHI_DIM) * chi
    e = jax.nn.silu(h @ params['We0'] + params['be0'])
    e = jax.nn.silu(e @ params['We1'] + params['be1'])
    return (e @ params['We2'] + params['be2']).squeeze(axis=-1)

def setup_inputs(seed: int = 0):
    key = jax.random.key(seed)
    ks = jax.random.split(key, 32)
    edge_vectors = jax.random.normal(ks[0], (E, 3), dtype=jnp.float32)
    distances = jax.random.uniform(ks[1], (E,), dtype=jnp.float32, minval=0.5, maxval=CUTOFF)
    cutoffs = jax.random.uniform(ks[2], (E,), dtype=jnp.float32)
    node_species = jax.random.randint(ks[3], (N,), 0, NUM_SPECIES)
    senders = jax.random.randint(ks[4], (E,), 0, N)
    receivers = jax.random.randint(ks[5], (E,), 0, N)
    def layer_params(k):
        kk = jax.random.split(k, 16)
        return {
            'Wq': _p(kk[0], (C, C)), 'Wk': _p(kk[1], (C, C)),
            'fbr_W1': _p(kk[2], (NUM_RBF, 128)), 'fbr_b1': jnp.zeros((128,), jnp.float32),
            'fbr_W2': _p(kk[3], (128, C)), 'fbr_b2': jnp.zeros((C,), jnp.float32),
            'fbs_W1': _p(kk[4], (NUM_IRREPS, 128)), 'fbs_b1': jnp.zeros((128,), jnp.float32),
            'fbs_W2': _p(kk[5], (128, C)), 'fbs_b2': jnp.zeros((C,), jnp.float32),
            'Wqg': _p(kk[6], (C, GF)), 'Wkg': _p(kk[7], (C, GF)),
            'gbr_W1': _p(kk[8], (NUM_RBF, 64)), 'gbr_b1': jnp.zeros((64,), jnp.float32),
            'gbr_W2': _p(kk[9], (64, GF)), 'gbr_b2': jnp.zeros((GF,), jnp.float32),
            'gbs_W1': _p(kk[10], (NUM_IRREPS, 64)), 'gbs_b1': jnp.zeros((64,), jnp.float32),
            'gbs_W2': _p(kk[11], (64, GF)), 'gbs_b2': jnp.zeros((GF,), jnp.float32),
            'Wi': _p(kk[12], (C + NUM_IRREPS, C + NUM_IRREPS)), 'bi': jnp.zeros((C + NUM_IRREPS,), jnp.float32),
        }
    params = {
        'embed': _p(ks[6], (NUM_SPECIES, C), 1.0),
        'layers': [layer_params(ks[7 + i]) for i in range(NUM_LAYERS)],
        'We0': _p(ks[20], (C, C)), 'be0': jnp.zeros((C,), jnp.float32),
        'We1': _p(ks[21], (C, C)), 'be1': jnp.zeros((C,), jnp.float32),
        'We2': _p(ks[22], (C, 1)), 'be2': jnp.zeros((1,), jnp.float32),
    }
    return {'edge_vectors': edge_vectors, 'distances': distances, 'cutoffs': cutoffs, 'node_species': node_species, 'senders': senders, 'receivers': receivers, 'params': params}

def reference(edge_vectors, distances, cutoffs, node_species, senders, receivers, params):
    return _forward(edge_vectors, distances, cutoffs, node_species, senders, receivers, params)

if __name__ == "__main__":
    import jax
    _d = setup_inputs()
    print(jax.jit(kernel)(*tuple(_d.values())))

</pallas_src>

<mosaic_0001>
#map = affine_map<(d0, d1) -> (0, 0)>
#map1 = affine_map<(d0, d1) -> (0)>
module attributes {stable_mosaic.version = 14 : i64} {
  func.func @_gather_body(%arg0: i32, %arg1: i32, %arg2: memref<10000x256xf32, #tpu.memory_space<hbm>>, %arg3: memref<10000x384xf32, #tpu.memory_space<hbm>>, %arg4: memref<320000xi32, #tpu.memory_space<hbm>>, %arg5: memref<320000xi32, #tpu.memory_space<hbm>>, %arg6: memref<320000x256xf32, #tpu.memory_space<hbm>>, %arg7: memref<320000x384xf32, #tpu.memory_space<hbm>>, %arg8: memref<128xi32, #tpu.memory_space<vmem>>, %arg9: memref<128xi32, #tpu.memory_space<vmem>>, %arg10: memref<128x256xf32, #tpu.memory_space<vmem>>, %arg11: memref<128x384xf32, #tpu.memory_space<vmem>>, %arg12: memref<!tpu.dma_semaphore, #tpu.memory_space<semaphore_mem>>, %arg13: memref<!tpu.dma_semaphore, #tpu.memory_space<semaphore_mem>>) attributes {dimension_semantics = [#tpu.dimension_semantics<core_parallel>, #tpu.dimension_semantics<subcore_parallel>], iteration_bounds = array<i64: 2, 16>, scalar_prefetch = 0 : i64, scratch_operands = 6 : i64, tpu.core_type = #tpu.core_type<sc_vector_subcore>, window_params = [{transform_indices = #map}, {transform_indices = #map}, {transform_indices = #map1}, {transform_indices = #map1}, {transform_indices = #map}, {transform_indices = #map}]} {
    %mul3A = arith.constant 2 : i32
    %mul3A_0 = arith.muli %arg1, %mul3A : i32
    %add3A = arith.addi %mul3A_0, %arg0 : i32
    %scan3A = arith.constant 0 : i32
    %scan3A_1 = arith.constant 0 : i32
    %scan3A_2 = arith.constant 79 : i32
    %scan3A_3 = arith.addi %scan3A_1, %scan3A_2 : i32
    %scan3A_4 = arith.constant 1 : i32
    scf.for %scan3A_6 = %scan3A_1 to %scan3A_3 step %scan3A_4  : i32 {
      %mul3A_7 = arith.constant 32 : i32
      %mul3A_8 = arith.muli %scan3A_6, %mul3A_7 : i32
      %add3A_9 = arith.addi %add3A, %mul3A_8 : i32
      %lt3A = arith.constant 2500 : i32
      %lt3A_10 = arith.cmpi slt, %add3A_9, %lt3A : i32
      %convert_element_type3A = arith.extui %lt3A_10 : i1 to i32
      %cond3A = arith.constant 0 : i32
      %cond3A_11 = arith.cmpi ne, %convert_element_type3A, %cond3A : i32
      scf.if %cond3A_11 {
        %mul3A_12 = arith.constant 128 : i32
        %mul3A_13 = arith.muli %add3A_9, %mul3A_12 : i32
        "tpu.region"() ({
          %run_scoped3A = tpu.sem_alloc : memref<!tpu.dma_semaphore, #tpu.memory_space<semaphore_mem>>
          %dma_start3A_24 = tpu.memref_slice %arg5[%mul3A_13] : memref<320000xi32, #tpu.memory_space<hbm>> -> memref<128xi32, #tpu.memory_space<hbm>>
          %dma_start3A_25 = tpu.memref_slice %arg5[%mul3A_13] : memref<320000xi32, #tpu.memory_space<hbm>> -> memref<128xi32, #tpu.memory_space<hbm>>
          tpu.enqueue_dma source(%dma_start3A_25 : memref<128xi32, #tpu.memory_space<hbm>>) target(%arg8 : memref<128xi32, #tpu.memory_space<vmem>>) target_semaphore(%run_scoped3A : memref<!tpu.dma_semaphore, #tpu.memory_space<semaphore_mem>>)
          %dma_wait3A_26 = tpu.memref_slice %arg5[%mul3A_13] : memref<320000xi32, #tpu.memory_space<hbm>> -> memref<128xi32, #tpu.memory_space<hbm>>
          %dma_wait3A_27 = tpu.memref_slice %arg5[%mul3A_13] : memref<320000xi32, #tpu.memory_space<hbm>> -> memref<128xi32, #tpu.memory_space<hbm>>
          tpu.wait_dma2 semaphore(%run_scoped3A : memref<!tpu.dma_semaphore, #tpu.memory_space<semaphore_mem>>) src(%dma_wait3A_27 : memref<128xi32, #tpu.memory_space<hbm>>) dst(%arg8 : memref<128xi32, #tpu.memory_space<vmem>>)
          tpu.yield
        }) : () -> ()
        "tpu.region"() ({
          %run_scoped3A = tpu.sem_alloc : memref<!tpu.dma_semaphore, #tpu.memory_space<semaphore_mem>>
          %dma_start3A_24 = tpu.memref_slice %arg4[%mul3A_13] : memref<320000xi32, #tpu.memory_space<hbm>> -> memref<128xi32, #tpu.memory_space<hbm>>
          %dma_start3A_25 = tpu.memref_slice %arg4[%mul3A_13] : memref<320000xi32, #tpu.memory_space<hbm>> -> memref<128xi32, #tpu.memory_space<hbm>>
          tpu.enqueue_dma source(%dma_start3A_25 : memref<128xi32, #tpu.memory_space<hbm>>) target(%arg9 : memref<128xi32, #tpu.memory_space<vmem>>) target_semaphore(%run_scoped3A : memref<!tpu.dma_semaphore, #tpu.memory_space<semaphore_mem>>)
          %dma_wait3A_26 = tpu.memref_slice %arg4[%mul3A_13] : memref<320000xi32, #tpu.memory_space<hbm>> -> memref<128xi32, #tpu.memory_space<hbm>>
          %dma_wait3A_27 = tpu.memref_slice %arg4[%mul3A_13] : memref<320000xi32, #tpu.memory_space<hbm>> -> memref<128xi32, #tpu.memory_space<hbm>>
          tpu.wait_dma2 semaphore(%run_scoped3A : memref<!tpu.dma_semaphore, #tpu.memory_space<semaphore_mem>>) src(%dma_wait3A_27 : memref<128xi32, #tpu.memory_space<hbm>>) dst(%arg9 : memref<128xi32, #tpu.memory_space<vmem>>)
          tpu.yield
        }) : () -> ()
        %dma_start3A = arith.constant 0 : i32
        %dma_start3A_14 = arith.constant 0 : i32
        %dma_start3A_15 = tpu.memref_slice %arg2[%dma_start3A, %dma_start3A_14] : memref<10000x256xf32, #tpu.memory_space<hbm>> -> memref<10000x256xf32, #tpu.memory_space<hbm>>
        tpu.enqueue_indirect_dma source(%dma_start3A_15 : memref<10000x256xf32, #tpu.memory_space<hbm>>) target(%arg10 : memref<128x256xf32, #tpu.memory_space<vmem>>) offsets(%arg8 : memref<128xi32, #tpu.memory_space<vmem>>) semaphore(%arg12 : memref<!tpu.dma_semaphore, #tpu.memory_space<semaphore_mem>>)
        %dma_start3A_16 = arith.constant 0 : i32
        %dma_start3A_17 = arith.constant 0 : i32
        %dma_start3A_18 = tpu.memref_slice %arg3[%dma_start3A_16, %dma_start3A_17] : memref<10000x384xf32, #tpu.memory_space<hbm>> -> memref<10000x384xf32, #tpu.memory_space<hbm>>
        tpu.enqueue_indirect_dma source(%dma_start3A_18 : memref<10000x384xf32, #tpu.memory_space<hbm>>) target(%arg11 : memref<128x384xf32, #tpu.memory_space<vmem>>) offsets(%arg9 : memref<128xi32, #tpu.memory_space<vmem>>) semaphore(%arg13 : memref<!tpu.dma_semaphore, #tpu.memory_space<semaphore_mem>>)
        %dma_wait3A = arith.constant 0 : i32
        %dma_wait3A_19 = arith.constant 0 : i32
        %dma_wait3A_20 = tpu.memref_slice %arg2[%dma_wait3A, %dma_wait3A_19] : memref<10000x256xf32, #tpu.memory_space<hbm>> -> memref<10000x256xf32, #tpu.memory_space<hbm>>
        tpu.wait_indirect_dma semaphore(%arg12 : memref<!tpu.dma_semaphore, #tpu.memory_space<semaphore_mem>>) src(%dma_wait3A_20 : memref<10000x256xf32, #tpu.memory_space<hbm>>) dst(%arg10 : memref<128x256xf32, #tpu.memory_space<vmem>>)
        %dma_wait3A_21 = arith.constant 0 : i32
        %dma_wait3A_22 = arith.constant 0 : i32
        %dma_wait3A_23 = tpu.memref_slice %arg3[%dma_wait3A_21, %dma_wait3A_22] : memref<10000x384xf32, #tpu.memory_space<hbm>> -> memref<10000x384xf32, #tpu.memory_space<hbm>>
        tpu.wait_indirect_dma semaphore(%arg13 : memref<!tpu.dma_semaphore, #tpu.memory_space<semaphore_mem>>) src(%dma_wait3A_23 : memref<10000x384xf32, #tpu.memory_space<hbm>>) dst(%arg11 : memref<128x384xf32, #tpu.memory_space<vmem>>)
        "tpu.region"() ({
          %run_scoped3A = tpu.sem_alloc : memref<!tpu.dma_semaphore, #tpu.memory_space<semaphore_mem>>
          %dma_start3A_24 = arith.constant 0 : i32
          %dma_start3A_25 = tpu.memref_slice %arg6[%mul3A_13, %dma_start3A_24] : memref<320000x256xf32, #tpu.memory_space<hbm>> -> memref<128x256xf32, #tpu.memory_space<hbm>>
          %dma_start3A_26 = arith.constant 0 : i32
          %dma_start3A_27 = tpu.memref_slice %arg6[%mul3A_13, %dma_start3A_26] : memref<320000x256xf32, #tpu.memory_space<hbm>> -> memref<128x256xf32, #tpu.memory_space<hbm>>
          tpu.enqueue_dma source(%arg10 : memref<128x256xf32, #tpu.memory_space<vmem>>) target(%dma_start3A_27 : memref<128x256xf32, #tpu.memory_space<hbm>>) target_semaphore(%run_scoped3A : memref<!tpu.dma_semaphore, #tpu.memory_space<semaphore_mem>>)
          %dma_wait3A_28 = arith.constant 0 : i32
          %dma_wait3A_29 = tpu.memref_slice %arg6[%mul3A_13, %dma_wait3A_28] : memref<320000x256xf32, #tpu.memory_space<hbm>> -> memref<128x256xf32, #tpu.memory_space<hbm>>
          %dma_wait3A_30 = arith.constant 0 : i32
          %dma_wait3A_31 = tpu.memref_slice %arg6[%mul3A_13, %dma_wait3A_30] : memref<320000x256xf32, #tpu.memory_space<hbm>> -> memref<128x256xf32, #tpu.memory_space<hbm>>
          tpu.wait_dma2 semaphore(%run_scoped3A : memref<!tpu.dma_semaphore, #tpu.memory_space<semaphore_mem>>) src(%arg10 : memref<128x256xf32, #tpu.memory_space<vmem>>) dst(%dma_wait3A_31 : memref<128x256xf32, #tpu.memory_space<hbm>>)
          tpu.yield
        }) : () -> ()
        "tpu.region"() ({
          %run_scoped3A = tpu.sem_alloc : memref<!tpu.dma_semaphore, #tpu.memory_space<semaphore_mem>>
          %dma_start3A_24 = arith.constant 0 : i32
          %dma_start3A_25 = tpu.memref_slice %arg7[%mul3A_13, %dma_start3A_24] : memref<320000x384xf32, #tpu.memory_space<hbm>> -> memref<128x384xf32, #tpu.memory_space<hbm>>
          %dma_start3A_26 = arith.constant 0 : i32
          %dma_start3A_27 = tpu.memref_slice %arg7[%mul3A_13, %dma_start3A_26] : memref<320000x384xf32, #tpu.memory_space<hbm>> -> memref<128x384xf32, #tpu.memory_space<hbm>>
          tpu.enqueue_dma source(%arg11 : memref<128x384xf32, #tpu.memory_space<vmem>>) target(%dma_start3A_27 : memref<128x384xf32, #tpu.memory_space<hbm>>) target_semaphore(%run_scoped3A : memref<!tpu.dma_semaphore, #tpu.memory_space<semaphore_mem>>)
          %dma_wait3A_28 = arith.constant 0 : i32
          %dma_wait3A_29 = tpu.memref_slice %arg7[%mul3A_13, %dma_wait3A_28] : memref<320000x384xf32, #tpu.memory_space<hbm>> -> memref<128x384xf32, #tpu.memory_space<hbm>>
          %dma_wait3A_30 = arith.constant 0 : i32
          %dma_wait3A_31 = tpu.memref_slice %arg7[%mul3A_13, %dma_wait3A_30] : memref<320000x384xf32, #tpu.memory_space<hbm>> -> memref<128x384xf32, #tpu.memory_space<hbm>>
          tpu.wait_dma2 semaphore(%run_scoped3A : memref<!tpu.dma_semaphore, #tpu.memory_space<semaphore_mem>>) src(%arg11 : memref<128x384xf32, #tpu.memory_space<vmem>>) dst(%dma_wait3A_31 : memref<128x384xf32, #tpu.memory_space<hbm>>)
          tpu.yield
        }) : () -> ()
      } else {
      }
    }
    %scan3A_5 = arith.constant 79 : i32
    return
  }
}

#map = affine_map<(d0, d1) -> (0, 0)>
#map1 = affine_map<(d0, d1) -> (0)>
#map2 = affine_map<(d0, d1) -> (0, 0, 0)>
module attributes {stable_mosaic.version = 14 : i64} {
  func.func @_scatter(%arg0: i32, %arg1: i32, %arg2: memref<320000x8xf32, #tpu.memory_space<hbm>>, %arg3: memref<320000xi32, #tpu.memory_space<hbm>>, %arg4: memref<10000x8xf32, #tpu.memory_space<hbm>>, %arg5: memref<2x10000x8xf32, #tpu.memory_space<hbm>>, %arg6: memref<128xi32, #tpu.memory_space<vmem>>, %arg7: memref<128x8xf32, #tpu.memory_space<vmem>>, %arg8: memref<10000x8xf32, #tpu.memory_space<vmem_shared>>) attributes {dimension_semantics = [#tpu.dimension_semantics<core_parallel>, #tpu.dimension_semantics<subcore_parallel>], iteration_bounds = array<i64: 2, 16>, scalar_prefetch = 0 : i64, scratch_operands = 3 : i64, tpu.core_type = #tpu.core_type<sc_vector_subcore>, window_params = [{transform_indices = #map}, {transform_indices = #map1}, {transform_indices = #map}, {transform_indices = #map2}]} {
    %mul3A = arith.constant 624 : i32
    %mul3A_0 = arith.muli %arg1, %mul3A : i32
    "tpu.region"() ({
      %run_scoped3A = tpu.sem_alloc : memref<!tpu.dma_semaphore, #tpu.memory_space<semaphore_mem>>
      %dma_start3A = arith.constant 0 : i32
      %dma_start3A_14 = tpu.memref_slice %arg8[%mul3A_0, %dma_start3A] : memref<10000x8xf32, #tpu.memory_space<vmem_shared>> -> memref<624x8xf32, #tpu.memory_space<vmem_shared>>
      %dma_start3A_15 = arith.constant 0 : i32
      %dma_start3A_16 = tpu.memref_slice %arg4[%mul3A_0, %dma_start3A_15] : memref<10000x8xf32, #tpu.memory_space<hbm>> -> memref<624x8xf32, #tpu.memory_space<hbm>>
      tpu.enqueue_dma source(%dma_start3A_16 : memref<624x8xf32, #tpu.memory_space<hbm>>) target(%dma_start3A_14 : memref<624x8xf32, #tpu.memory_space<vmem_shared>>) target_semaphore(%run_scoped3A : memref<!tpu.dma_semaphore, #tpu.memory_space<semaphore_mem>>)
      %dma_wait3A = arith.constant 0 : i32
      %dma_wait3A_17 = tpu.memref_slice %arg8[%mul3A_0, %dma_wait3A] : memref<10000x8xf32, #tpu.memory_space<vmem_shared>> -> memref<624x8xf32, #tpu.memory_space<vmem_shared>>
      %dma_wait3A_18 = arith.constant 0 : i32
      %dma_wait3A_19 = tpu.memref_slice %arg4[%mul3A_0, %dma_wait3A_18] : memref<10000x8xf32, #tpu.memory_space<hbm>> -> memref<624x8xf32, #tpu.memory_space<hbm>>
      tpu.wait_dma2 semaphore(%run_scoped3A : memref<!tpu.dma_semaphore, #tpu.memory_space<semaphore_mem>>) src(%dma_wait3A_19 : memref<624x8xf32, #tpu.memory_space<hbm>>) dst(%dma_wait3A_17 : memref<624x8xf32, #tpu.memory_space<vmem_shared>>)
      tpu.yield
    }) : () -> ()
    %eq3A = arith.constant 15 : i32
    %eq3A_1 = arith.cmpi eq, %arg1, %eq3A : i32
    %convert_element_type3A = arith.extui %eq3A_1 : i1 to i32
    %cond3A = arith.constant 0 : i32
    %cond3A_2 = arith.cmpi ne, %convert_element_type3A, %cond3A : i32
    scf.if %cond3A_2 {
      "tpu.region"() ({
        %run_scoped3A = tpu.sem_alloc : memref<!tpu.dma_semaphore, #tpu.memory_space<semaphore_mem>>
        %dma_start3A = arith.constant 9984 : i32
        %dma_start3A_14 = arith.constant 0 : i32
        %dma_start3A_15 = tpu.memref_slice %arg8[%dma_start3A, %dma_start3A_14] : memref<10000x8xf32, #tpu.memory_space<vmem_shared>> -> memref<16x8xf32, #tpu.memory_space<vmem_shared>>
        %dma_start3A_16 = arith.constant 9984 : i32
        %dma_start3A_17 = arith.constant 0 : i32
        %dma_start3A_18 = tpu.memref_slice %arg4[%dma_start3A_16, %dma_start3A_17] : memref<10000x8xf32, #tpu.memory_space<hbm>> -> memref<16x8xf32, #tpu.memory_space<hbm>>
        tpu.enqueue_dma source(%dma_start3A_18 : memref<16x8xf32, #tpu.memory_space<hbm>>) target(%dma_start3A_15 : memref<16x8xf32, #tpu.memory_space<vmem_shared>>) target_semaphore(%run_scoped3A : memref<!tpu.dma_semaphore, #tpu.memory_space<semaphore_mem>>)
        %dma_wait3A = arith.constant 9984 : i32
        %dma_wait3A_19 = arith.constant 0 : i32
        %dma_wait3A_20 = tpu.memref_slice %arg8[%dma_wait3A, %dma_wait3A_19] : memref<10000x8xf32, #tpu.memory_space<vmem_shared>> -> memref<16x8xf32, #tpu.memory_space<vmem_shared>>
        %dma_wait3A_21 = arith.constant 9984 : i32
        %dma_wait3A_22 = arith.constant 0 : i32
        %dma_wait3A_23 = tpu.memref_slice %arg4[%dma_wait3A_21, %dma_wait3A_22] : memref<10000x8xf32, #tpu.memory_space<hbm>> -> memref<16x8xf32, #tpu.memory_space<hbm>>
        tpu.wait_dma2 semaphore(%run_scoped3A : memref<!tpu.dma_semaphore, #tpu.memory_space<semaphore_mem>>) src(%dma_wait3A_23 : memref<16x8xf32, #tpu.memory_space<hbm>>) dst(%dma_wait3A_20 : memref<16x8xf32, #tpu.memory_space<vmem_shared>>)
        tpu.yield
      }) : () -> ()
    } else {
    }
    %barrier3A = arith.constant 0 : index
    tpu.barrier barrier_id(%barrier3A)
    %scan3A = arith.constant 0 : i32
    %scan3A_3 = arith.constant 0 : i32
    %scan3A_4 = arith.constant 79 : i32
    %scan3A_5 = arith.addi %scan3A_3, %scan3A_4 : i32
    %scan3A_6 = arith.constant 1 : i32
    scf.for %scan3A_14 = %scan3A_3 to %scan3A_5 step %scan3A_6  : i32 {
      %mul3A_15 = arith.constant 16 : i32
      %mul3A_16 = arith.muli %scan3A_14, %mul3A_15 : i32
      %add3A = arith.addi %arg1, %mul3A_16 : i32
      %lt3A = arith.constant 1250 : i32
      %lt3A_17 = arith.cmpi slt, %add3A, %lt3A : i32
      %convert_element_type3A_18 = arith.extui %lt3A_17 : i1 to i32
      %cond3A_19 = arith.constant 0 : i32
      %cond3A_20 = arith.cmpi ne, %convert_element_type3A_18, %cond3A_19 : i32
      scf.if %cond3A_20 {
        %mul3A_21 = arith.constant 1250 : i32
        %mul3A_22 = arith.muli %arg0, %mul3A_21 : i32
        %add3A_23 = arith.addi %mul3A_22, %add3A : i32
        %mul3A_24 = arith.constant 128 : i32
        %mul3A_25 = arith.muli %add3A_23, %mul3A_24 : i32
        "tpu.region"() ({
          %run_scoped3A = tpu.sem_alloc : memref<!tpu.dma_semaphore, #tpu.memory_space<semaphore_mem>>
          %dma_start3A = tpu.memref_slice %arg3[%mul3A_25] : memref<320000xi32, #tpu.memory_space<hbm>> -> memref<128xi32, #tpu.memory_space<hbm>>
          %dma_start3A_26 = tpu.memref_slice %arg3[%mul3A_25] : memref<320000xi32, #tpu.memory_space<hbm>> -> memref<128xi32, #tpu.memory_space<hbm>>
          tpu.enqueue_dma source(%dma_start3A_26 : memref<128xi32, #tpu.memory_space<hbm>>) target(%arg6 : memref<128xi32, #tpu.memory_space<vmem>>) target_semaphore(%run_scoped3A : memref<!tpu.dma_semaphore, #tpu.memory_space<semaphore_mem>>)
          %dma_wait3A = tpu.memref_slice %arg3[%mul3A_25] : memref<320000xi32, #tpu.memory_space<hbm>> -> memref<128xi32, #tpu.memory_space<hbm>>
          %dma_wait3A_27 = tpu.memref_slice %arg3[%mul3A_25] : memref<320000xi32, #tpu.memory_space<hbm>> -> memref<128xi32, #tpu.memory_space<hbm>>
          tpu.wait_dma2 semaphore(%run_scoped3A : memref<!tpu.dma_semaphore, #tpu.memory_space<semaphore_mem>>) src(%dma_wait3A_27 : memref<128xi32, #tpu.memory_space<hbm>>) dst(%arg6 : memref<128xi32, #tpu.memory_space<vmem>>)
          tpu.yield
        }) : () -> ()
        "tpu.region"() ({
          %run_scoped3A = tpu.sem_alloc : memref<!tpu.dma_semaphore, #tpu.memory_space<semaphore_mem>>
          %dma_start3A = arith.constant 0 : i32
          %dma_start3A_26 = tpu.memref_slice %arg2[%mul3A_25, %dma_start3A] : memref<320000x8xf32, #tpu.memory_space<hbm>> -> memref<128x8xf32, #tpu.memory_space<hbm>>
          %dma_start3A_27 = arith.constant 0 : i32
          %dma_start3A_28 = tpu.memref_slice %arg2[%mul3A_25, %dma_start3A_27] : memref<320000x8xf32, #tpu.memory_space<hbm>> -> memref<128x8xf32, #tpu.memory_space<hbm>>
          tpu.enqueue_dma source(%dma_start3A_28 : memref<128x8xf32, #tpu.memory_space<hbm>>) target(%arg7 : memref<128x8xf32, #tpu.memory_space<vmem>>) target_semaphore(%run_scoped3A : memref<!tpu.dma_semaphore, #tpu.memory_space<semaphore_mem>>)
          %dma_wait3A = arith.constant 0 : i32
          %dma_wait3A_29 = tpu.memref_slice %arg2[%mul3A_25, %dma_wait3A] : memref<320000x8xf32, #tpu.memory_space<hbm>> -> memref<128x8xf32, #tpu.memory_space<hbm>>
          %dma_wait3A_30 = arith.constant 0 : i32
          %dma_wait3A_31 = tpu.memref_slice %arg2[%mul3A_25, %dma_wait3A_30] : memref<320000x8xf32, #tpu.memory_space<hbm>> -> memref<128x8xf32, #tpu.memory_space<hbm>>
          tpu.wait_dma2 semaphore(%run_scoped3A : memref<!tpu.dma_semaphore, #tpu.memory_space<semaphore_mem>>) src(%dma_wait3A_31 : memref<128x8xf32, #tpu.memory_space<hbm>>) dst(%arg7 : memref<128x8xf32, #tpu.memory_space<vmem>>)
          tpu.yield
        }) : () -> ()
        "tpu.region"() ({
          %run_scoped3A = tpu.sem_alloc : memref<!tpu.dma_semaphore, #tpu.memory_space<semaphore_mem>>
          %dma_start3A = arith.constant 0 : i32
          %dma_start3A_26 = arith.constant 0 : i32
          %dma_start3A_27 = tpu.memref_slice %arg8[%dma_start3A, %dma_start3A_26] : memref<10000x8xf32, #tpu.memory_space<vmem_shared>> -> memref<10000x8xf32, #tpu.memory_space<vmem_shared>>
          tpu.enqueue_indirect_dma source(%arg7 : memref<128x8xf32, #tpu.memory_space<vmem>>) target(%dma_start3A_27 : memref<10000x8xf32, #tpu.memory_space<vmem_shared>>) offsets(%arg6 : memref<128xi32, #tpu.memory_space<vmem>>) semaphore(%run_scoped3A : memref<!tpu.dma_semaphore, #tpu.memory_space<semaphore_mem>>) {add = true}
          %dma_wait3A = arith.constant 0 : i32
          %dma_wait3A_28 = arith.constant 0 : i32
          %dma_wait3A_29 = tpu.memref_slice %arg8[%dma_wait3A, %dma_wait3A_28] : memref<10000x8xf32, #tpu.memory_space<vmem_shared>> -> memref<10000x8xf32, #tpu.memory_space<vmem_shared>>
          tpu.wait_indirect_dma semaphore(%run_scoped3A : memref<!tpu.dma_semaphore, #tpu.memory_space<semaphore_mem>>) src(%arg7 : memref<128x8xf32, #tpu.memory_space<vmem>>) dst(%dma_wait3A_29 : memref<10000x8xf32, #tpu.memory_space<vmem_shared>>)
          tpu.yield
        }) : () -> ()
      } else {
      }
    }
    %scan3A_7 = arith.constant 79 : i32
    %barrier3A_8 = arith.constant 0 : index
    tpu.barrier barrier_id(%barrier3A_8)
    "tpu.region"() ({
      %run_scoped3A = tpu.sem_alloc : memref<!tpu.dma_semaphore, #tpu.memory_space<semaphore_mem>>
      %dma_start3A = arith.constant 0 : i32
      %dma_start3A_14 = tpu.memref_slice %arg5[%arg0, %mul3A_0, %dma_start3A] : memref<2x10000x8xf32, #tpu.memory_space<hbm>> -> memref<1x624x8xf32, #tpu.memory_space<hbm>>
      %dma_start3A_15 = tpu.memref_squeeze %dma_start3A_14 : memref<1x624x8xf32, #tpu.memory_space<hbm>> -> memref<624x8xf32, #tpu.memory_space<hbm>>
      %dma_start3A_16 = arith.constant 0 : i32
      %dma_start3A_17 = tpu.memref_slice %arg8[%mul3A_0, %dma_start3A_16] : memref<10000x8xf32, #tpu.memory_space<vmem_shared>> -> memref<624x8xf32, #tpu.memory_space<vmem_shared>>
      tpu.enqueue_dma source(%dma_start3A_17 : memref<624x8xf32, #tpu.memory_space<vmem_shared>>) target(%dma_start3A_15 : memref<624x8xf32, #tpu.memory_space<hbm>>) target_semaphore(%run_scoped3A : memref<!tpu.dma_semaphore, #tpu.memory_space<semaphore_mem>>)
      %dma_wait3A = arith.constant 0 : i32
      %dma_wait3A_18 = tpu.memref_slice %arg5[%arg0, %mul3A_0, %dma_wait3A] : memref<2x10000x8xf32, #tpu.memory_space<hbm>> -> memref<1x624x8xf32, #tpu.memory_space<hbm>>
      %dma_wait3A_19 = tpu.memref_squeeze %dma_wait3A_18 : memref<1x624x8xf32, #tpu.memory_space<hbm>> -> memref<624x8xf32, #tpu.memory_space<hbm>>
      %dma_wait3A_20 = arith.constant 0 : i32
      %dma_wait3A_21 = tpu.memref_slice %arg8[%mul3A_0, %dma_wait3A_20] : memref<10000x8xf32, #tpu.memory_space<vmem_shared>> -> memref<624x8xf32, #tpu.memory_space<vmem_shared>>
      tpu.wait_dma2 semaphore(%run_scoped3A : memref<!tpu.dma_semaphore, #tpu.memory_space<semaphore_mem>>) src(%dma_wait3A_21 : memref<624x8xf32, #tpu.memory_space<vmem_shared>>) dst(%dma_wait3A_19 : memref<624x8xf32, #tpu.memory_space<hbm>>)
      tpu.yield
    }) : () -> ()
    %eq3A_9 = arith.constant 15 : i32
    %eq3A_10 = arith.cmpi eq, %arg1, %eq3A_9 : i32
    %convert_element_type3A_11 = arith.extui %eq3A_10 : i1 to i32
    %cond3A_12 = arith.constant 0 : i32
    %cond3A_13 = arith.cmpi ne, %convert_element_type3A_11, %cond3A_12 : i32
    scf.if %cond3A_13 {
      "tpu.region"() ({
        %run_scoped3A = tpu.sem_alloc : memref<!tpu.dma_semaphore, #tpu.memory_space<semaphore_mem>>
        %dma_start3A = arith.constant 9984 : i32
        %dma_start3A_14 = arith.constant 0 : i32
        %dma_start3A_15 = tpu.memref_slice %arg5[%arg0, %dma_start3A, %dma_start3A_14] : memref<2x10000x8xf32, #tpu.memory_space<hbm>> -> memref<1x16x8xf32, #tpu.memory_space<hbm>>
        %dma_start3A_16 = tpu.memref_squeeze %dma_start3A_15 : memref<1x16x8xf32, #tpu.memory_space<hbm>> -> memref<16x8xf32, #tpu.memory_space<hbm>>
        %dma_start3A_17 = arith.constant 9984 : i32
        %dma_start3A_18 = arith.constant 0 : i32
        %dma_start3A_19 = tpu.memref_slice %arg8[%dma_start3A_17, %dma_start3A_18] : memref<10000x8xf32, #tpu.memory_space<vmem_shared>> -> memref<16x8xf32, #tpu.memory_space<vmem_shared>>
        tpu.enqueue_dma source(%dma_start3A_19 : memref<16x8xf32, #tpu.memory_space<vmem_shared>>) target(%dma_start3A_16 : memref<16x8xf32, #tpu.memory_space<hbm>>) target_semaphore(%run_scoped3A : memref<!tpu.dma_semaphore, #tpu.memory_space<semaphore_mem>>)
        %dma_wait3A = arith.constant 9984 : i32
        %dma_wait3A_20 = arith.constant 0 : i32
        %dma_wait3A_21 = tpu.memref_slice %arg5[%arg0, %dma_wait3A, %dma_wait3A_20] : memref<2x10000x8xf32, #tpu.memory_space<hbm>> -> memref<1x16x8xf32, #tpu.memory_space<hbm>>
        %dma_wait3A_22 = tpu.memref_squeeze %dma_wait3A_21 : memref<1x16x8xf32, #tpu.memory_space<hbm>> -> memref<16x8xf32, #tpu.memory_space<hbm>>
        %dma_wait3A_23 = arith.constant 9984 : i32
        %dma_wait3A_24 = arith.constant 0 : i32
        %dma_wait3A_25 = tpu.memref_slice %arg8[%dma_wait3A_23, %dma_wait3A_24] : memref<10000x8xf32, #tpu.memory_space<vmem_shared>> -> memref<16x8xf32, #tpu.memory_space<vmem_shared>>
        tpu.wait_dma2 semaphore(%run_scoped3A : memref<!tpu.dma_semaphore, #tpu.memory_space<semaphore_mem>>) src(%dma_wait3A_25 : memref<16x8xf32, #tpu.memory_space<vmem_shared>>) dst(%dma_wait3A_22 : memref<16x8xf32, #tpu.memory_space<hbm>>)
        tpu.yield
      }) : () -> ()
    } else {
    }
    return
  }
}

#map = affine_map<(d0, d1) -> (0, 0)>
#map1 = affine_map<(d0, d1) -> (0)>
#map2 = affine_map<(d0, d1) -> (0, 0, 0)>
module attributes {stable_mosaic.version = 14 : i64} {
  func.func @_scatter(%arg0: i32, %arg1: i32, %arg2: memref<320000x128xf32, #tpu.memory_space<hbm>>, %arg3: memref<320000x8xf32, #tpu.memory_space<hbm>>, %arg4: memref<320000xi32, #tpu.memory_space<hbm>>, %arg5: memref<10000x128xf32, #tpu.memory_space<hbm>>, %arg6: memref<10000x8xf32, #tpu.memory_space<hbm>>, %arg7: memref<2x10000x128xf32, #tpu.memory_space<hbm>>, %arg8: memref<2x10000x8xf32, #tpu.memory_space<hbm>>, %arg9: memref<128xi32, #tpu.memory_space<vmem>>, %arg10: memref<128x128xf32, #tpu.memory_space<vmem>>, %arg11: memref<128x8xf32, #tpu.memory_space<vmem>>, %arg12: memref<10000x128xf32, #tpu.memory_space<vmem_shared>>, %arg13: memref<10000x8xf32, #tpu.memory_space<vmem_shared>>) attributes {dimension_semantics = [#tpu.dimension_semantics<core_parallel>, #tpu.dimension_semantics<subcore_parallel>], iteration_bounds = array<i64: 2, 16>, scalar_prefetch = 0 : i64, scratch_operands = 5 : i64, tpu.core_type = #tpu.core_type<sc_vector_subcore>, window_params = [{transform_indices = #map}, {transform_indices = #map}, {transform_indices = #map1}, {transform_indices = #map}, {transform_indices = #map}, {transform_indices = #map2}, {transform_indices = #map2}]} {
    %mul3A = arith.constant 624 : i32
    %mul3A_0 = arith.muli %arg1, %mul3A : i32
    "tpu.region"() ({
      %run_scoped3A = tpu.sem_alloc : memref<!tpu.dma_semaphore, #tpu.memory_space<semaphore_mem>>
      %dma_start3A = arith.constant 0 : i32
      %dma_start3A_14 = tpu.memref_slice %arg12[%mul3A_0, %dma_start3A] : memref<10000x128xf32, #tpu.memory_space<vmem_shared>> -> memref<624x128xf32, #tpu.memory_space<vmem_shared>>
      %dma_start3A_15 = arith.constant 0 : i32
      %dma_start3A_16 = tpu.memref_slice %arg5[%mul3A_0, %dma_start3A_15] : memref<10000x128xf32, #tpu.memory_space<hbm>> -> memref<624x128xf32, #tpu.memory_space<hbm>>
      tpu.enqueue_dma source(%dma_start3A_16 : memref<624x128xf32, #tpu.memory_space<hbm>>) target(%dma_start3A_14 : memref<624x128xf32, #tpu.memory_space<vmem_shared>>) target_semaphore(%run_scoped3A : memref<!tpu.dma_semaphore, #tpu.memory_space<semaphore_mem>>)
      %dma_wait3A = arith.constant 0 : i32
      %dma_wait3A_17 = tpu.memref_slice %arg12[%mul3A_0, %dma_wait3A] : memref<10000x128xf32, #tpu.memory_space<vmem_shared>> -> memref<624x128xf32, #tpu.memory_space<vmem_shared>>
      %dma_wait3A_18 = arith.constant 0 : i32
      %dma_wait3A_19 = tpu.memref_slice %arg5[%mul3A_0, %dma_wait3A_18] : memref<10000x128xf32, #tpu.memory_space<hbm>> -> memref<624x128xf32, #tpu.memory_space<hbm>>
      tpu.wait_dma2 semaphore(%run_scoped3A : memref<!tpu.dma_semaphore, #tpu.memory_space<semaphore_mem>>) src(%dma_wait3A_19 : memref<624x128xf32, #tpu.memory_space<hbm>>) dst(%dma_wait3A_17 : memref<624x128xf32, #tpu.memory_space<vmem_shared>>)
      tpu.yield
    }) : () -> ()
    "tpu.region"() ({
      %run_scoped3A = tpu.sem_alloc : memref<!tpu.dma_semaphore, #tpu.memory_space<semaphore_mem>>
      %dma_start3A = arith.constant 0 : i32
      %dma_start3A_14 = tpu.memref_slice %arg13[%mul3A_0, %dma_start3A] : memref<10000x8xf32, #tpu.memory_space<vmem_shared>> -> memref<624x8xf32, #tpu.memory_space<vmem_shared>>
      %dma_start3A_15 = arith.constant 0 : i32
      %dma_start3A_16 = tpu.memref_slice %arg6[%mul3A_0, %dma_start3A_15] : memref<10000x8xf32, #tpu.memory_space<hbm>> -> memref<624x8xf32, #tpu.memory_space<hbm>>
      tpu.enqueue_dma source(%dma_start3A_16 : memref<624x8xf32, #tpu.memory_space<hbm>>) target(%dma_start3A_14 : memref<624x8xf32, #tpu.memory_space<vmem_shared>>) target_semaphore(%run_scoped3A : memref<!tpu.dma_semaphore, #tpu.memory_space<semaphore_mem>>)
      %dma_wait3A = arith.constant 0 : i32
      %dma_wait3A_17 = tpu.memref_slice %arg13[%mul3A_0, %dma_wait3A] : memref<10000x8xf32, #tpu.memory_space<vmem_shared>> -> memref<624x8xf32, #tpu.memory_space<vmem_shared>>
      %dma_wait3A_18 = arith.constant 0 : i32
      %dma_wait3A_19 = tpu.memref_slice %arg6[%mul3A_0, %dma_wait3A_18] : memref<10000x8xf32, #tpu.memory_space<hbm>> -> memref<624x8xf32, #tpu.memory_space<hbm>>
      tpu.wait_dma2 semaphore(%run_scoped3A : memref<!tpu.dma_semaphore, #tpu.memory_space<semaphore_mem>>) src(%dma_wait3A_19 : memref<624x8xf32, #tpu.memory_space<hbm>>) dst(%dma_wait3A_17 : memref<624x8xf32, #tpu.memory_space<vmem_shared>>)
      tpu.yield
    }) : () -> ()
    %eq3A = arith.constant 15 : i32
    %eq3A_1 = arith.cmpi eq, %arg1, %eq3A : i32
    %convert_element_type3A = arith.extui %eq3A_1 : i1 to i32
    %cond3A = arith.constant 0 : i32
    %cond3A_2 = arith.cmpi ne, %convert_element_type3A, %cond3A : i32
    scf.if %cond3A_2 {
      "tpu.region"() ({
        %run_scoped3A = tpu.sem_alloc : memref<!tpu.dma_semaphore, #tpu.memory_space<semaphore_mem>>
        %dma_start3A = arith.constant 9984 : i32
        %dma_start3A_14 = arith.constant 0 : i32
        %dma_start3A_15 = tpu.memref_slice %arg12[%dma_start3A, %dma_start3A_14] : memref<10000x128xf32, #tpu.memory_space<vmem_shared>> -> memref<16x128xf32, #tpu.memory_space<vmem_shared>>
        %dma_start3A_16 = arith.constant 9984 : i32
        %dma_start3A_17 = arith.constant 0 : i32
        %dma_start3A_18 = tpu.memref_slice %arg5[%dma_start3A_16, %dma_start3A_17] : memref<10000x128xf32, #tpu.memory_space<hbm>> -> memref<16x128xf32, #tpu.memory_space<hbm>>
        tpu.enqueue_dma source(%dma_start3A_18 : memref<16x128xf32, #tpu.memory_space<hbm>>) target(%dma_start3A_15 : memref<16x128xf32, #tpu.memory_space<vmem_shared>>) target_semaphore(%run_scoped3A : memref<!tpu.dma_semaphore, #tpu.memory_space<semaphore_mem>>)
        %dma_wait3A = arith.constant 9984 : i32
        %dma_wait3A_19 = arith.constant 0 : i32
        %dma_wait3A_20 = tpu.memref_slice %arg12[%dma_wait3A, %dma_wait3A_19] : memref<10000x128xf32, #tpu.memory_space<vmem_shared>> -> memref<16x128xf32, #tpu.memory_space<vmem_shared>>
        %dma_wait3A_21 = arith.constant 9984 : i32
        %dma_wait3A_22 = arith.constant 0 : i32
        %dma_wait3A_23 = tpu.memref_slice %arg5[%dma_wait3A_21, %dma_wait3A_22] : memref<10000x128xf32, #tpu.memory_space<hbm>> -> memref<16x128xf32, #tpu.memory_space<hbm>>
        tpu.wait_dma2 semaphore(%run_scoped3A : memref<!tpu.dma_semaphore, #tpu.memory_space<semaphore_mem>>) src(%dma_wait3A_23 : memref<16x128xf32, #tpu.memory_space<hbm>>) dst(%dma_wait3A_20 : memref<16x128xf32, #tpu.memory_space<vmem_shared>>)
        tpu.yield
      }) : () -> ()
      "tpu.region"() ({
        %run_scoped3A = tpu.sem_alloc : memref<!tpu.dma_semaphore, #tpu.memory_space<semaphore_mem>>
        %dma_start3A = arith.constant 9984 : i32
        %dma_start3A_14 = arith.constant 0 : i32
        %dma_start3A_15 = tpu.memref_slice %arg13[%dma_start3A, %dma_start3A_14] : memref<10000x8xf32, #tpu.memory_space<vmem_shared>> -> memref<16x8xf32, #tpu.memory_space<vmem_shared>>
        %dma_start3A_16 = arith.constant 9984 : i32
        %dma_start3A_17 = arith.constant 0 : i32
        %dma_start3A_18 = tpu.memref_slice %arg6[%dma_start3A_16, %dma_start3A_17] : memref<10000x8xf32, #tpu.memory_space<hbm>> -> memref<16x8xf32, #tpu.memory_space<hbm>>
        tpu.enqueue_dma source(%dma_start3A_18 : memref<16x8xf32, #tpu.memory_space<hbm>>) target(%dma_start3A_15 : memref<16x8xf32, #tpu.memory_space<vmem_shared>>) target_semaphore(%run_scoped3A : memref<!tpu.dma_semaphore, #tpu.memory_space<semaphore_mem>>)
        %dma_wait3A = arith.constant 9984 : i32
        %dma_wait3A_19 = arith.constant 0 : i32
        %dma_wait3A_20 = tpu.memref_slice %arg13[%dma_wait3A, %dma_wait3A_19] : memref<10000x8xf32, #tpu.memory_space<vmem_shared>> -> memref<16x8xf32, #tpu.memory_space<vmem_shared>>
        %dma_wait3A_21 = arith.constant 9984 : i32
        %dma_wait3A_22 = arith.constant 0 : i32
        %dma_wait3A_23 = tpu.memref_slice %arg6[%dma_wait3A_21, %dma_wait3A_22] : memref<10000x8xf32, #tpu.memory_space<hbm>> -> memref<16x8xf32, #tpu.memory_space<hbm>>
        tpu.wait_dma2 semaphore(%run_scoped3A : memref<!tpu.dma_semaphore, #tpu.memory_space<semaphore_mem>>) src(%dma_wait3A_23 : memref<16x8xf32, #tpu.memory_space<hbm>>) dst(%dma_wait3A_20 : memref<16x8xf32, #tpu.memory_space<vmem_shared>>)
        tpu.yield
      }) : () -> ()
    } else {
    }
    %barrier3A = arith.constant 0 : index
    tpu.barrier barrier_id(%barrier3A)
    %scan3A = arith.constant 0 : i32
    %scan3A_3 = arith.constant 0 : i32
    %scan3A_4 = arith.constant 79 : i32
    %scan3A_5 = arith.addi %scan3A_3, %scan3A_4 : i32
    %scan3A_6 = arith.constant 1 : i32
    scf.for %scan3A_14 = %scan3A_3 to %scan3A_5 step %scan3A_6  : i32 {
      %mul3A_15 = arith.constant 16 : i32
      %mul3A_16 = arith.muli %scan3A_14, %mul3A_15 : i32
      %add3A = arith.addi %arg1, %mul3A_16 : i32
      %lt3A = arith.constant 1250 : i32
      %lt3A_17 = arith.cmpi slt, %add3A, %lt3A : i32
      %convert_element_type3A_18 = arith.extui %lt3A_17 : i1 to i32
      %cond3A_19 = arith.constant 0 : i32
      %cond3A_20 = arith.cmpi ne, %convert_element_type3A_18, %cond3A_19 : i32
      scf.if %cond3A_20 {
        %mul3A_21 = arith.constant 1250 : i32
        %mul3A_22 = arith.muli %arg0, %mul3A_21 : i32
        %add3A_23 = arith.addi %mul3A_22, %add3A : i32
        %mul3A_24 = arith.constant 128 : i32
        %mul3A_25 = arith.muli %add3A_23, %mul3A_24 : i32
        "tpu.region"() ({
          %run_scoped3A = tpu.sem_alloc : memref<!tpu.dma_semaphore, #tpu.memory_space<semaphore_mem>>
          %dma_start3A = tpu.memref_slice %arg4[%mul3A_25] : memref<320000xi32, #tpu.memory_space<hbm>> -> memref<128xi32, #tpu.memory_space<hbm>>
          %dma_start3A_26 = tpu.memref_slice %arg4[%mul3A_25] : memref<320000xi32, #tpu.memory_space<hbm>> -> memref<128xi32, #tpu.memory_space<hbm>>
          tpu.enqueue_dma source(%dma_start3A_26 : memref<128xi32, #tpu.memory_space<hbm>>) target(%arg9 : memref<128xi32, #tpu.memory_space<vmem>>) target_semaphore(%run_scoped3A : memref<!tpu.dma_semaphore, #tpu.memory_space<semaphore_mem>>)
          %dma_wait3A = tpu.memref_slice %arg4[%mul3A_25] : memref<320000xi32, #tpu.memory_space<hbm>> -> memref<128xi32, #tpu.memory_space<hbm>>
          %dma_wait3A_27 = tpu.memref_slice %arg4[%mul3A_25] : memref<320000xi32, #tpu.memory_space<hbm>> -> memref<128xi32, #tpu.memory_space<hbm>>
          tpu.wait_dma2 semaphore(%run_scoped3A : memref<!tpu.dma_semaphore, #tpu.memory_space<semaphore_mem>>) src(%dma_wait3A_27 : memref<128xi32, #tpu.memory_space<hbm>>) dst(%arg9 : memref<128xi32, #tpu.memory_space<vmem>>)
          tpu.yield
        }) : () -> ()
        "tpu.region"() ({
          %run_scoped3A = tpu.sem_alloc : memref<!tpu.dma_semaphore, #tpu.memory_space<semaphore_mem>>
          %dma_start3A = arith.constant 0 : i32
          %dma_start3A_26 = tpu.memref_slice %arg2[%mul3A_25, %dma_start3A] : memref<320000x128xf32, #tpu.memory_space<hbm>> -> memref<128x128xf32, #tpu.memory_space<hbm>>
          %dma_start3A_27 = arith.constant 0 : i32
          %dma_start3A_28 = tpu.memref_slice %arg2[%mul3A_25, %dma_start3A_27] : memref<320000x128xf32, #tpu.memory_space<hbm>> -> memref<128x128xf32, #tpu.memory_space<hbm>>
          tpu.enqueue_dma source(%dma_start3A_28 : memref<128x128xf32, #tpu.memory_space<hbm>>) target(%arg10 : memref<128x128xf32, #tpu.memory_space<vmem>>) target_semaphore(%run_scoped3A : memref<!tpu.dma_semaphore, #tpu.memory_space<semaphore_mem>>)
          %dma_wait3A = arith.constant 0 : i32
          %dma_wait3A_29 = tpu.memref_slice %arg2[%mul3A_25, %dma_wait3A] : memref<320000x128xf32, #tpu.memory_space<hbm>> -> memref<128x128xf32, #tpu.memory_space<hbm>>
          %dma_wait3A_30 = arith.constant 0 : i32
          %dma_wait3A_31 = tpu.memref_slice %arg2[%mul3A_25, %dma_wait3A_30] : memref<320000x128xf32, #tpu.memory_space<hbm>> -> memref<128x128xf32, #tpu.memory_space<hbm>>
          tpu.wait_dma2 semaphore(%run_scoped3A : memref<!tpu.dma_semaphore, #tpu.memory_space<semaphore_mem>>) src(%dma_wait3A_31 : memref<128x128xf32, #tpu.memory_space<hbm>>) dst(%arg10 : memref<128x128xf32, #tpu.memory_space<vmem>>)
          tpu.yield
        }) : () -> ()
        "tpu.region"() ({
          %run_scoped3A = tpu.sem_alloc : memref<!tpu.dma_semaphore, #tpu.memory_space<semaphore_mem>>
          %dma_start3A = arith.constant 0 : i32
          %dma_start3A_26 = arith.constant 0 : i32
          %dma_start3A_27 = tpu.memref_slice %arg12[%dma_start3A, %dma_start3A_26] : memref<10000x128xf32, #tpu.memory_space<vmem_shared>> -> memref<10000x128xf32, #tpu.memory_space<vmem_shared>>
          tpu.enqueue_indirect_dma source(%arg10 : memref<128x128xf32, #tpu.memory_space<vmem>>) target(%dma_start3A_27 : memref<10000x128xf32, #tpu.memory_space<vmem_shared>>) offsets(%arg9 : memref<128xi32, #tpu.memory_space<vmem>>) semaphore(%run_scoped3A : memref<!tpu.dma_semaphore, #tpu.memory_space<semaphore_mem>>) {add = true}
          %dma_wait3A = arith.constant 0 : i32
          %dma_wait3A_28 = arith.constant 0 : i32
          %dma_wait3A_29 = tpu.memref_slice %arg12[%dma_wait3A, %dma_wait3A_28] : memref<10000x128xf32, #tpu.memory_space<vmem_shared>> -> memref<10000x128xf32, #tpu.memory_space<vmem_shared>>
          tpu.wait_indirect_dma semaphore(%run_scoped3A : memref<!tpu.dma_semaphore, #tpu.memory_space<semaphore_mem>>) src(%arg10 : memref<128x128xf32, #tpu.memory_space<vmem>>) dst(%dma_wait3A_29 : memref<10000x128xf32, #tpu.memory_space<vmem_shared>>)
          tpu.yield
        }) : () -> ()
        "tpu.region"() ({
          %run_scoped3A = tpu.sem_alloc : memref<!tpu.dma_semaphore, #tpu.memory_space<semaphore_mem>>
          %dma_start3A = arith.constant 0 : i32
          %dma_start3A_26 = tpu.memref_slice %arg3[%mul3A_25, %dma_start3A] : memref<320000x8xf32, #tpu.memory_space<hbm>> -> memref<128x8xf32, #tpu.memory_space<hbm>>
          %dma_start3A_27 = arith.constant 0 : i32
          %dma_start3A_28 = tpu.memref_slice %arg3[%mul3A_25, %dma_start3A_27] : memref<320000x8xf32, #tpu.memory_space<hbm>> -> memref<128x8xf32, #tpu.memory_space<hbm>>
          tpu.enqueue_dma source(%dma_start3A_28 : memref<128x8xf32, #tpu.memory_space<hbm>>) target(%arg11 : memref<128x8xf32, #tpu.memory_space<vmem>>) target_semaphore(%run_scoped3A : memref<!tpu.dma_semaphore, #tpu.memory_space<semaphore_mem>>)
          %dma_wait3A = arith.constant 0 : i32
          %dma_wait3A_29 = tpu.memref_slice %arg3[%mul3A_25, %dma_wait3A] : memref<320000x8xf32, #tpu.memory_space<hbm>> -> memref<128x8xf32, #tpu.memory_space<hbm>>
          %dma_wait3A_30 = arith.constant 0 : i32
          %dma_wait3A_31 = tpu.memref_slice %arg3[%mul3A_25, %dma_wait3A_30] : memref<320000x8xf32, #tpu.memory_space<hbm>> -> memref<128x8xf32, #tpu.memory_space<hbm>>
          tpu.wait_dma2 semaphore(%run_scoped3A : memref<!tpu.dma_semaphore, #tpu.memory_space<semaphore_mem>>) src(%dma_wait3A_31 : memref<128x8xf32, #tpu.memory_space<hbm>>) dst(%arg11 : memref<128x8xf32, #tpu.memory_space<vmem>>)
          tpu.yield
        }) : () -> ()
        "tpu.region"() ({
          %run_scoped3A = tpu.sem_alloc : memref<!tpu.dma_semaphore, #tpu.memory_space<semaphore_mem>>
          %dma_start3A = arith.constant 0 : i32
          %dma_start3A_26 = arith.constant 0 : i32
          %dma_start3A_27 = tpu.memref_slice %arg13[%dma_start3A, %dma_start3A_26] : memref<10000x8xf32, #tpu.memory_space<vmem_shared>> -> memref<10000x8xf32, #tpu.memory_space<vmem_shared>>
          tpu.enqueue_indirect_dma source(%arg11 : memref<128x8xf32, #tpu.memory_space<vmem>>) target(%dma_start3A_27 : memref<10000x8xf32, #tpu.memory_space<vmem_shared>>) offsets(%arg9 : memref<128xi32, #tpu.memory_space<vmem>>) semaphore(%run_scoped3A : memref<!tpu.dma_semaphore, #tpu.memory_space<semaphore_mem>>) {add = true}
          %dma_wait3A = arith.constant 0 : i32
          %dma_wait3A_28 = arith.constant 0 : i32
          %dma_wait3A_29 = tpu.memref_slice %arg13[%dma_wait3A, %dma_wait3A_28] : memref<10000x8xf32, #tpu.memory_space<vmem_shared>> -> memref<10000x8xf32, #tpu.memory_space<vmem_shared>>
          tpu.wait_indirect_dma semaphore(%run_scoped3A : memref<!tpu.dma_semaphore, #tpu.memory_space<semaphore_mem>>) src(%arg11 : memref<128x8xf32, #tpu.memory_space<vmem>>) dst(%dma_wait3A_29 : memref<10000x8xf32, #tpu.memory_space<vmem_shared>>)
          tpu.yield
        }) : () -> ()
      } else {
      }
    }
    %scan3A_7 = arith.constant 79 : i32
    %barrier3A_8 = arith.constant 0 : index
    tpu.barrier barrier_id(%barrier3A_8)
    "tpu.region"() ({
      %run_scoped3A = tpu.sem_alloc : memref<!tpu.dma_semaphore, #tpu.memory_space<semaphore_mem>>
      %dma_start3A = arith.constant 0 : i32
      %dma_start3A_14 = tpu.memref_slice %arg7[%arg0, %mul3A_0, %dma_start3A] : memref<2x10000x128xf32, #tpu.memory_space<hbm>> -> memref<1x624x128xf32, #tpu.memory_space<hbm>>
      %dma_start3A_15 = tpu.memref_squeeze %dma_start3A_14 : memref<1x624x128xf32, #tpu.memory_space<hbm>> -> memref<624x128xf32, #tpu.memory_space<hbm>>
      %dma_start3A_16 = arith.constant 0 : i32
      %dma_start3A_17 = tpu.memref_slice %arg12[%mul3A_0, %dma_start3A_16] : memref<10000x128xf32, #tpu.memory_space<vmem_shared>> -> memref<624x128xf32, #tpu.memory_space<vmem_shared>>
      tpu.enqueue_dma source(%dma_start3A_17 : memref<624x128xf32, #tpu.memory_space<vmem_shared>>) target(%dma_start3A_15 : memref<624x128xf32, #tpu.memory_space<hbm>>) target_semaphore(%run_scoped3A : memref<!tpu.dma_semaphore, #tpu.memory_space<semaphore_mem>>)
      %dma_wait3A = arith.constant 0 : i32
      %dma_wait3A_18 = tpu.memref_slice %arg7[%arg0, %mul3A_0, %dma_wait3A] : memref<2x10000x128xf32, #tpu.memory_space<hbm>> -> memref<1x624x128xf32, #tpu.memory_space<hbm>>
      %dma_wait3A_19 = tpu.memref_squeeze %dma_wait3A_18 : memref<1x624x128xf32, #tpu.memory_space<hbm>> -> memref<624x128xf32, #tpu.memory_space<hbm>>
      %dma_wait3A_20 = arith.constant 0 : i32
      %dma_wait3A_21 = tpu.memref_slice %arg12[%mul3A_0, %dma_wait3A_20] : memref<10000x128xf32, #tpu.memory_space<vmem_shared>> -> memref<624x128xf32, #tpu.memory_space<vmem_shared>>
      tpu.wait_dma2 semaphore(%run_scoped3A : memref<!tpu.dma_semaphore, #tpu.memory_space<semaphore_mem>>) src(%dma_wait3A_21 : memref<624x128xf32, #tpu.memory_space<vmem_shared>>) dst(%dma_wait3A_19 : memref<624x128xf32, #tpu.memory_space<hbm>>)
      tpu.yield
    }) : () -> ()
    "tpu.region"() ({
      %run_scoped3A = tpu.sem_alloc : memref<!tpu.dma_semaphore, #tpu.memory_space<semaphore_mem>>
      %dma_start3A = arith.constant 0 : i32
      %dma_start3A_14 = tpu.memref_slice %arg8[%arg0, %mul3A_0, %dma_start3A] : memref<2x10000x8xf32, #tpu.memory_space<hbm>> -> memref<1x624x8xf32, #tpu.memory_space<hbm>>
      %dma_start3A_15 = tpu.memref_squeeze %dma_start3A_14 : memref<1x624x8xf32, #tpu.memory_space<hbm>> -> memref<624x8xf32, #tpu.memory_space<hbm>>
      %dma_start3A_16 = arith.constant 0 : i32
      %dma_start3A_17 = tpu.memref_slice %arg13[%mul3A_0, %dma_start3A_16] : memref<10000x8xf32, #tpu.memory_space<vmem_shared>> -> memref<624x8xf32, #tpu.memory_space<vmem_shared>>
      tpu.enqueue_dma source(%dma_start3A_17 : memref<624x8xf32, #tpu.memory_space<vmem_shared>>) target(%dma_start3A_15 : memref<624x8xf32, #tpu.memory_space<hbm>>) target_semaphore(%run_scoped3A : memref<!tpu.dma_semaphore, #tpu.memory_space<semaphore_mem>>)
      %dma_wait3A = arith.constant 0 : i32
      %dma_wait3A_18 = tpu.memref_slice %arg8[%arg0, %mul3A_0, %dma_wait3A] : memref<2x10000x8xf32, #tpu.memory_space<hbm>> -> memref<1x624x8xf32, #tpu.memory_space<hbm>>
      %dma_wait3A_19 = tpu.memref_squeeze %dma_wait3A_18 : memref<1x624x8xf32, #tpu.memory_space<hbm>> -> memref<624x8xf32, #tpu.memory_space<hbm>>
      %dma_wait3A_20 = arith.constant 0 : i32
      %dma_wait3A_21 = tpu.memref_slice %arg13[%mul3A_0, %dma_wait3A_20] : memref<10000x8xf32, #tpu.memory_space<vmem_shared>> -> memref<624x8xf32, #tpu.memory_space<vmem_shared>>
      tpu.wait_dma2 semaphore(%run_scoped3A : memref<!tpu.dma_semaphore, #tpu.memory_space<semaphore_mem>>) src(%dma_wait3A_21 : memref<624x8xf32, #tpu.memory_space<vmem_shared>>) dst(%dma_wait3A_19 : memref<624x8xf32, #tpu.memory_space<hbm>>)
      tpu.yield
    }) : () -> ()
    %eq3A_9 = arith.constant 15 : i32
    %eq3A_10 = arith.cmpi eq, %arg1, %eq3A_9 : i32
    %convert_element_type3A_11 = arith.extui %eq3A_10 : i1 to i32
    %cond3A_12 = arith.constant 0 : i32
    %cond3A_13 = arith.cmpi ne, %convert_element_type3A_11, %cond3A_12 : i32
    scf.if %cond3A_13 {
      "tpu.region"() ({
        %run_scoped3A = tpu.sem_alloc : memref<!tpu.dma_semaphore, #tpu.memory_space<semaphore_mem>>
        %dma_start3A = arith.constant 9984 : i32
        %dma_start3A_14 = arith.constant 0 : i32
        %dma_start3A_15 = tpu.memref_slice %arg7[%arg0, %dma_start3A, %dma_start3A_14] : memref<2x10000x128xf32, #tpu.memory_space<hbm>> -> memref<1x16x128xf32, #tpu.memory_space<hbm>>
        %dma_start3A_16 = tpu.memref_squeeze %dma_start3A_15 : memref<1x16x128xf32, #tpu.memory_space<hbm>> -> memref<16x128xf32, #tpu.memory_space<hbm>>
        %dma_start3A_17 = arith.constant 9984 : i32
        %dma_start3A_18 = arith.constant 0 : i32
        %dma_start3A_19 = tpu.memref_slice %arg12[%dma_start3A_17, %dma_start3A_18] : memref<10000x128xf32, #tpu.memory_space<vmem_shared>> -> memref<16x128xf32, #tpu.memory_space<vmem_shared>>
        tpu.enqueue_dma source(%dma_start3A_19 : memref<16x128xf32, #tpu.memory_space<vmem_shared>>) target(%dma_start3A_16 : memref<16x128xf32, #tpu.memory_space<hbm>>) target_semaphore(%run_scoped3A : memref<!tpu.dma_semaphore, #tpu.memory_space<semaphore_mem>>)
        %dma_wait3A = arith.constant 9984 : i32
        %dma_wait3A_20 = arith.constant 0 : i32
        %dma_wait3A_21 = tpu.memref_slice %arg7[%arg0, %dma_wait3A, %dma_wait3A_20] : memref<2x10000x128xf32, #tpu.memory_space<hbm>> -> memref<1x16x128xf32, #tpu.memory_space<hbm>>
        %dma_wait3A_22 = tpu.memref_squeeze %dma_wait3A_21 : memref<1x16x128xf32, #tpu.memory_space<hbm>> -> memref<16x128xf32, #tpu.memory_space<hbm>>
        %dma_wait3A_23 = arith.constant 9984 : i32
        %dma_wait3A_24 = arith.constant 0 : i32
        %dma_wait3A_25 = tpu.memref_slice %arg12[%dma_wait3A_23, %dma_wait3A_24] : memref<10000x128xf32, #tpu.memory_space<vmem_shared>> -> memref<16x128xf32, #tpu.memory_space<vmem_shared>>
        tpu.wait_dma2 semaphore(%run_scoped3A : memref<!tpu.dma_semaphore, #tpu.memory_space<semaphore_mem>>) src(%dma_wait3A_25 : memref<16x128xf32, #tpu.memory_space<vmem_shared>>) dst(%dma_wait3A_22 : memref<16x128xf32, #tpu.memory_space<hbm>>)
        tpu.yield
      }) : () -> ()
      "tpu.region"() ({
        %run_scoped3A = tpu.sem_alloc : memref<!tpu.dma_semaphore, #tpu.memory_space<semaphore_mem>>
        %dma_start3A = arith.constant 9984 : i32
        %dma_start3A_14 = arith.constant 0 : i32
        %dma_start3A_15 = tpu.memref_slice %arg8[%arg0, %dma_start3A, %dma_start3A_14] : memref<2x10000x8xf32, #tpu.memory_space<hbm>> -> memref<1x16x8xf32, #tpu.memory_space<hbm>>
        %dma_start3A_16 = tpu.memref_squeeze %dma_start3A_15 : memref<1x16x8xf32, #tpu.memory_space<hbm>> -> memref<16x8xf32, #tpu.memory_space<hbm>>
        %dma_start3A_17 = arith.constant 9984 : i32
        %dma_start3A_18 = arith.constant 0 : i32
        %dma_start3A_19 = tpu.memref_slice %arg13[%dma_start3A_17, %dma_start3A_18] : memref<10000x8xf32, #tpu.memory_space<vmem_shared>> -> memref<16x8xf32, #tpu.memory_space<vmem_shared>>
        tpu.enqueue_dma source(%dma_start3A_19 : memref<16x8xf32, #tpu.memory_space<vmem_shared>>) target(%dma_start3A_16 : memref<16x8xf32, #tpu.memory_space<hbm>>) target_semaphore(%run_scoped3A : memref<!tpu.dma_semaphore, #tpu.memory_space<semaphore_mem>>)
        %dma_wait3A = arith.constant 9984 : i32
        %dma_wait3A_20 = arith.constant 0 : i32
        %dma_wait3A_21 = tpu.memref_slice %arg8[%arg0, %dma_wait3A, %dma_wait3A_20] : memref<2x10000x8xf32, #tpu.memory_space<hbm>> -> memref<1x16x8xf32, #tpu.memory_space<hbm>>
        %dma_wait3A_22 = tpu.memref_squeeze %dma_wait3A_21 : memref<1x16x8xf32, #tpu.memory_space<hbm>> -> memref<16x8xf32, #tpu.memory_space<hbm>>
        %dma_wait3A_23 = arith.constant 9984 : i32
        %dma_wait3A_24 = arith.constant 0 : i32
        %dma_wait3A_25 = tpu.memref_slice %arg13[%dma_wait3A_23, %dma_wait3A_24] : memref<10000x8xf32, #tpu.memory_space<vmem_shared>> -> memref<16x8xf32, #tpu.memory_space<vmem_shared>>
        tpu.wait_dma2 semaphore(%run_scoped3A : memref<!tpu.dma_semaphore, #tpu.memory_space<semaphore_mem>>) src(%dma_wait3A_25 : memref<16x8xf32, #tpu.memory_space<vmem_shared>>) dst(%dma_wait3A_22 : memref<16x8xf32, #tpu.memory_space<hbm>>)
        tpu.yield
      }) : () -> ()
    } else {
    }
    return
  }
}

#map = affine_map<(d0, d1) -> (0, 0)>
#map1 = affine_map<(d0, d1) -> (0)>
module attributes {stable_mosaic.version = 14 : i64} {
  func.func @_gather_body(%arg0: i32, %arg1: i32, %arg2: memref<10000x256xf32, #tpu.memory_space<hbm>>, %arg3: memref<10000x384xf32, #tpu.memory_space<hbm>>, %arg4: memref<320000xi32, #tpu.memory_space<hbm>>, %arg5: memref<320000xi32, #tpu.memory_space<hbm>>, %arg6: memref<320000x256xf32, #tpu.memory_space<hbm>>, %arg7: memref<320000x384xf32, #tpu.memory_space<hbm>>, %arg8: memref<128xi32, #tpu.memory_space<vmem>>, %arg9: memref<128xi32, #tpu.memory_space<vmem>>, %arg10: memref<128x256xf32, #tpu.memory_space<vmem>>, %arg11: memref<128x384xf32, #tpu.memory_space<vmem>>, %arg12: memref<!tpu.dma_semaphore, #tpu.memory_space<semaphore_mem>>, %arg13: memref<!tpu.dma_semaphore, #tpu.memory_space<semaphore_mem>>) attributes {dimension_semantics = [#tpu.dimension_semantics<core_parallel>, #tpu.dimension_semantics<subcore_parallel>], iteration_bounds = array<i64: 2, 16>, scalar_prefetch = 0 : i64, scratch_operands = 6 : i64, tpu.core_type = #tpu.core_type<sc_vector_subcore>, window_params = [{transform_indices = #map}, {transform_indices = #map}, {transform_indices = #map1}, {transform_indices = #map1}, {transform_indices = #map}, {transform_indices = #map}]} {
    %mul3A = arith.constant 2 : i32
    %mul3A_0 = arith.muli %arg1, %mul3A : i32
    %add3A = arith.addi %mul3A_0, %arg0 : i32
    %scan3A = arith.constant 0 : i32
    %scan3A_1 = arith.constant 0 : i32
    %scan3A_2 = arith.constant 79 : i32
    %scan3A_3 = arith.addi %scan3A_1, %scan3A_2 : i32
    %scan3A_4 = arith.constant 1 : i32
    scf.for %scan3A_6 = %scan3A_1 to %scan3A_3 step %scan3A_4  : i32 {
      %mul3A_7 = arith.constant 32 : i32
      %mul3A_8 = arith.muli %scan3A_6, %mul3A_7 : i32
      %add3A_9 = arith.addi %add3A, %mul3A_8 : i32
      %lt3A = arith.constant 2500 : i32
      %lt3A_10 = arith.cmpi slt, %add3A_9, %lt3A : i32
      %convert_element_type3A = arith.extui %lt3A_10 : i1 to i32
      %cond3A = arith.constant 0 : i32
      %cond3A_11 = arith.cmpi ne, %convert_element_type3A, %cond3A : i32
      scf.if %cond3A_11 {
        %mul3A_12 = arith.constant 128 : i32
        %mul3A_13 = arith.muli %add3A_9, %mul3A_12 : i32
        "tpu.region"() ({
          %run_scoped3A = tpu.sem_alloc : memref<!tpu.dma_semaphore, #tpu.memory_space<semaphore_mem>>
          %dma_start3A_24 = tpu.memref_slice %arg5[%mul3A_13] : memref<320000xi32, #tpu.memory_space<hbm>> -> memref<128xi32, #tpu.memory_space<hbm>>
          %dma_start3A_25 = tpu.memref_slice %arg5[%mul3A_13] : memref<320000xi32, #tpu.memory_space<hbm>> -> memref<128xi32, #tpu.memory_space<hbm>>
          tpu.enqueue_dma source(%dma_start3A_25 : memref<128xi32, #tpu.memory_space<hbm>>) target(%arg8 : memref<128xi32, #tpu.memory_space<vmem>>) target_semaphore(%run_scoped3A : memref<!tpu.dma_semaphore, #tpu.memory_space<semaphore_mem>>)
          %dma_wait3A_26 = tpu.memref_slice %arg5[%mul3A_13] : memref<320000xi32, #tpu.memory_space<hbm>> -> memref<128xi32, #tpu.memory_space<hbm>>
          %dma_wait3A_27 = tpu.memref_slice %arg5[%mul3A_13] : memref<320000xi32, #tpu.memory_space<hbm>> -> memref<128xi32, #tpu.memory_space<hbm>>
          tpu.wait_dma2 semaphore(%run_scoped3A : memref<!tpu.dma_semaphore, #tpu.memory_space<semaphore_mem>>) src(%dma_wait3A_27 : memref<128xi32, #tpu.memory_space<hbm>>) dst(%arg8 : memref<128xi32, #tpu.memory_space<vmem>>)
          tpu.yield
        }) : () -> ()
        "tpu.region"() ({
          %run_scoped3A = tpu.sem_alloc : memref<!tpu.dma_semaphore, #tpu.memory_space<semaphore_mem>>
          %dma_start3A_24 = tpu.memref_slice %arg4[%mul3A_13] : memref<320000xi32, #tpu.memory_space<hbm>> -> memref<128xi32, #tpu.memory_space<hbm>>
          %dma_start3A_25 = tpu.memref_slice %arg4[%mul3A_13] : memref<320000xi32, #tpu.memory_space<hbm>> -> memref<128xi32, #tpu.memory_space<hbm>>
          tpu.enqueue_dma source(%dma_start3A_25 : memref<128xi32, #tpu.memory_space<hbm>>) target(%arg9 : memref<128xi32, #tpu.memory_space<vmem>>) target_semaphore(%run_scoped3A : memref<!tpu.dma_semaphore, #tpu.memory_space<semaphore_mem>>)
          %dma_wait3A_26 = tpu.memref_slice %arg4[%mul3A_13] : memref<320000xi32, #tpu.memory_space<hbm>> -> memref<128xi32, #tpu.memory_space<hbm>>
          %dma_wait3A_27 = tpu.memref_slice %arg4[%mul3A_13] : memref<320000xi32, #tpu.memory_space<hbm>> -> memref<128xi32, #tpu.memory_space<hbm>>
          tpu.wait_dma2 semaphore(%run_scoped3A : memref<!tpu.dma_semaphore, #tpu.memory_space<semaphore_mem>>) src(%dma_wait3A_27 : memref<128xi32, #tpu.memory_space<hbm>>) dst(%arg9 : memref<128xi32, #tpu.memory_space<vmem>>)
          tpu.yield
        }) : () -> ()
        %dma_start3A = arith.constant 0 : i32
        %dma_start3A_14 = arith.constant 0 : i32
        %dma_start3A_15 = tpu.memref_slice %arg2[%dma_start3A, %dma_start3A_14] : memref<10000x256xf32, #tpu.memory_space<hbm>> -> memref<10000x256xf32, #tpu.memory_space<hbm>>
        tpu.enqueue_indirect_dma source(%dma_start3A_15 : memref<10000x256xf32, #tpu.memory_space<hbm>>) target(%arg10 : memref<128x256xf32, #tpu.memory_space<vmem>>) offsets(%arg8 : memref<128xi32, #tpu.memory_space<vmem>>) semaphore(%arg12 : memref<!tpu.dma_semaphore, #tpu.memory_space<semaphore_mem>>)
        %dma_start3A_16 = arith.constant 0 : i32
        %dma_start3A_17 = arith.constant 0 : i32
        %dma_start3A_18 = tpu.memref_slice %arg3[%dma_start3A_16, %dma_start3A_17] : memref<10000x384xf32, #tpu.memory_space<hbm>> -> memref<10000x384xf32, #tpu.memory_space<hbm>>
        tpu.enqueue_indirect_dma source(%dma_start3A_18 : memref<10000x384xf32, #tpu.memory_space<hbm>>) target(%arg11 : memref<128x384xf32, #tpu.memory_space<vmem>>) offsets(%arg9 : memref<128xi32, #tpu.memory_space<vmem>>) semaphore(%arg13 : memref<!tpu.dma_semaphore, #tpu.memory_space<semaphore_mem>>)
        %dma_wait3A = arith.constant 0 : i32
        %dma_wait3A_19 = arith.constant 0 : i32
        %dma_wait3A_20 = tpu.memref_slice %arg2[%dma_wait3A, %dma_wait3A_19] : memref<10000x256xf32, #tpu.memory_space<hbm>> -> memref<10000x256xf32, #tpu.memory_space<hbm>>
        tpu.wait_indirect_dma semaphore(%arg12 : memref<!tpu.dma_semaphore, #tpu.memory_space<semaphore_mem>>) src(%dma_wait3A_20 : memref<10000x256xf32, #tpu.memory_space<hbm>>) dst(%arg10 : memref<128x256xf32, #tpu.memory_space<vmem>>)
        %dma_wait3A_21 = arith.constant 0 : i32
        %dma_wait3A_22 = arith.constant 0 : i32
        %dma_wait3A_23 = tpu.memref_slice %arg3[%dma_wait3A_21, %dma_wait3A_22] : memref<10000x384xf32, #tpu.memory_space<hbm>> -> memref<10000x384xf32, #tpu.memory_space<hbm>>
        tpu.wait_indirect_dma semaphore(%arg13 : memref<!tpu.dma_semaphore, #tpu.memory_space<semaphore_mem>>) src(%dma_wait3A_23 : memref<10000x384xf32, #tpu.memory_space<hbm>>) dst(%arg11 : memref<128x384xf32, #tpu.memory_space<vmem>>)
        "tpu.region"() ({
          %run_scoped3A = tpu.sem_alloc : memref<!tpu.dma_semaphore, #tpu.memory_space<semaphore_mem>>
          %dma_start3A_24 = arith.constant 0 : i32
          %dma_start3A_25 = tpu.memref_slice %arg6[%mul3A_13, %dma_start3A_24] : memref<320000x256xf32, #tpu.memory_space<hbm>> -> memref<128x256xf32, #tpu.memory_space<hbm>>
          %dma_start3A_26 = arith.constant 0 : i32
          %dma_start3A_27 = tpu.memref_slice %arg6[%mul3A_13, %dma_start3A_26] : memref<320000x256xf32, #tpu.memory_space<hbm>> -> memref<128x256xf32, #tpu.memory_space<hbm>>
          tpu.enqueue_dma source(%arg10 : memref<128x256xf32, #tpu.memory_space<vmem>>) target(%dma_start3A_27 : memref<128x256xf32, #tpu.memory_space<hbm>>) target_semaphore(%run_scoped3A : memref<!tpu.dma_semaphore, #tpu.memory_space<semaphore_mem>>)
          %dma_wait3A_28 = arith.constant 0 : i32
          %dma_wait3A_29 = tpu.memref_slice %arg6[%mul3A_13, %dma_wait3A_28] : memref<320000x256xf32, #tpu.memory_space<hbm>> -> memref<128x256xf32, #tpu.memory_space<hbm>>
          %dma_wait3A_30 = arith.constant 0 : i32
          %dma_wait3A_31 = tpu.memref_slice %arg6[%mul3A_13, %dma_wait3A_30] : memref<320000x256xf32, #tpu.memory_space<hbm>> -> memref<128x256xf32, #tpu.memory_space<hbm>>
          tpu.wait_dma2 semaphore(%run_scoped3A : memref<!tpu.dma_semaphore, #tpu.memory_space<semaphore_mem>>) src(%arg10 : memref<128x256xf32, #tpu.memory_space<vmem>>) dst(%dma_wait3A_31 : memref<128x256xf32, #tpu.memory_space<hbm>>)
          tpu.yield
        }) : () -> ()
        "tpu.region"() ({
          %run_scoped3A = tpu.sem_alloc : memref<!tpu.dma_semaphore, #tpu.memory_space<semaphore_mem>>
          %dma_start3A_24 = arith.constant 0 : i32
          %dma_start3A_25 = tpu.memref_slice %arg7[%mul3A_13, %dma_start3A_24] : memref<320000x384xf32, #tpu.memory_space<hbm>> -> memref<128x384xf32, #tpu.memory_space<hbm>>
          %dma_start3A_26 = arith.constant 0 : i32
          %dma_start3A_27 = tpu.memref_slice %arg7[%mul3A_13, %dma_start3A_26] : memref<320000x384xf32, #tpu.memory_space<hbm>> -> memref<128x384xf32, #tpu.memory_space<hbm>>
          tpu.enqueue_dma source(%arg11 : memref<128x384xf32, #tpu.memory_space<vmem>>) target(%dma_start3A_27 : memref<128x384xf32, #tpu.memory_space<hbm>>) target_semaphore(%run_scoped3A : memref<!tpu.dma_semaphore, #tpu.memory_space<semaphore_mem>>)
          %dma_wait3A_28 = arith.constant 0 : i32
          %dma_wait3A_29 = tpu.memref_slice %arg7[%mul3A_13, %dma_wait3A_28] : memref<320000x384xf32, #tpu.memory_space<hbm>> -> memref<128x384xf32, #tpu.memory_space<hbm>>
          %dma_wait3A_30 = arith.constant 0 : i32
          %dma_wait3A_31 = tpu.memref_slice %arg7[%mul3A_13, %dma_wait3A_30] : memref<320000x384xf32, #tpu.memory_space<hbm>> -> memref<128x384xf32, #tpu.memory_space<hbm>>
          tpu.wait_dma2 semaphore(%run_scoped3A : memref<!tpu.dma_semaphore, #tpu.memory_space<semaphore_mem>>) src(%arg11 : memref<128x384xf32, #tpu.memory_space<vmem>>) dst(%dma_wait3A_31 : memref<128x384xf32, #tpu.memory_space<hbm>>)
          tpu.yield
        }) : () -> ()
      } else {
      }
    }
    %scan3A_5 = arith.constant 79 : i32
    return
  }
}

#map = affine_map<(d0, d1) -> (0, 0)>
#map1 = affine_map<(d0, d1) -> (0)>
#map2 = affine_map<(d0, d1) -> (0, 0, 0)>
module attributes {stable_mosaic.version = 14 : i64} {
  func.func @_scatter(%arg0: i32, %arg1: i32, %arg2: memref<320000x128xf32, #tpu.memory_space<hbm>>, %arg3: memref<320000x8xf32, #tpu.memory_space<hbm>>, %arg4: memref<320000xi32, #tpu.memory_space<hbm>>, %arg5: memref<10000x128xf32, #tpu.memory_space<hbm>>, %arg6: memref<10000x8xf32, #tpu.memory_space<hbm>>, %arg7: memref<2x10000x128xf32, #tpu.memory_space<hbm>>, %arg8: memref<2x10000x8xf32, #tpu.memory_space<hbm>>, %arg9: memref<128xi32, #tpu.memory_space<vmem>>, %arg10: memref<128x128xf32, #tpu.memory_space<vmem>>, %arg11: memref<128x8xf32, #tpu.memory_space<vmem>>, %arg12: memref<10000x128xf32, #tpu.memory_space<vmem_shared>>, %arg13: memref<10000x8xf32, #tpu.memory_space<vmem_shared>>) attributes {dimension_semantics = [#tpu.dimension_semantics<core_parallel>, #tpu.dimension_semantics<subcore_parallel>], iteration_bounds = array<i64: 2, 16>, scalar_prefetch = 0 : i64, scratch_operands = 5 : i64, tpu.core_type = #tpu.core_type<sc_vector_subcore>, window_params = [{transform_indices = #map}, {transform_indices = #map}, {transform_indices = #map1}, {transform_indices = #map}, {transform_indices = #map}, {transform_indices = #map2}, {transform_indices = #map2}]} {
    %mul3A = arith.constant 624 : i32
    %mul3A_0 = arith.muli %arg1, %mul3A : i32
    "tpu.region"() ({
      %run_scoped3A = tpu.sem_alloc : memref<!tpu.dma_semaphore, #tpu.memory_space<semaphore_mem>>
      %dma_start3A = arith.constant 0 : i32
      %dma_start3A_14 = tpu.memref_slice %arg12[%mul3A_0, %dma_start3A] : memref<10000x128xf32, #tpu.memory_space<vmem_shared>> -> memref<624x128xf32, #tpu.memory_space<vmem_shared>>
      %dma_start3A_15 = arith.constant 0 : i32
      %dma_start3A_16 = tpu.memref_slice %arg5[%mul3A_0, %dma_start3A_15] : memref<10000x128xf32, #tpu.memory_space<hbm>> -> memref<624x128xf32, #tpu.memory_space<hbm>>
      tpu.enqueue_dma source(%dma_start3A_16 : memref<624x128xf32, #tpu.memory_space<hbm>>) target(%dma_start3A_14 : memref<624x128xf32, #tpu.memory_space<vmem_shared>>) target_semaphore(%run_scoped3A : memref<!tpu.dma_semaphore, #tpu.memory_space<semaphore_mem>>)
      %dma_wait3A = arith.constant 0 : i32
      %dma_wait3A_17 = tpu.memref_slice %arg12[%mul3A_0, %dma_wait3A] : memref<10000x128xf32, #tpu.memory_space<vmem_shared>> -> memref<624x128xf32, #tpu.memory_space<vmem_shared>>
      %dma_wait3A_18 = arith.constant 0 : i32
      %dma_wait3A_19 = tpu.memref_slice %arg5[%mul3A_0, %dma_wait3A_18] : memref<10000x128xf32, #tpu.memory_space<hbm>> -> memref<624x128xf32, #tpu.memory_space<hbm>>
      tpu.wait_dma2 semaphore(%run_scoped3A : memref<!tpu.dma_semaphore, #tpu.memory_space<semaphore_mem>>) src(%dma_wait3A_19 : memref<624x128xf32, #tpu.memory_space<hbm>>) dst(%dma_wait3A_17 : memref<624x128xf32, #tpu.memory_space<vmem_shared>>)
      tpu.yield
    }) : () -> ()
    "tpu.region"() ({
      %run_scoped3A = tpu.sem_alloc : memref<!tpu.dma_semaphore, #tpu.memory_space<semaphore_mem>>
      %dma_start3A = arith.constant 0 : i32
      %dma_start3A_14 = tpu.memref_slice %arg13[%mul3A_0, %dma_start3A] : memref<10000x8xf32, #tpu.memory_space<vmem_shared>> -> memref<624x8xf32, #tpu.memory_space<vmem_shared>>
      %dma_start3A_15 = arith.constant 0 : i32
      %dma_start3A_16 = tpu.memref_slice %arg6[%mul3A_0, %dma_start3A_15] : memref<10000x8xf32, #tpu.memory_space<hbm>> -> memref<624x8xf32, #tpu.memory_space<hbm>>
      tpu.enqueue_dma source(%dma_start3A_16 : memref<624x8xf32, #tpu.memory_space<hbm>>) target(%dma_start3A_14 : memref<624x8xf32, #tpu.memory_space<vmem_shared>>) target_semaphore(%run_scoped3A : memref<!tpu.dma_semaphore, #tpu.memory_space<semaphore_mem>>)
      %dma_wait3A = arith.constant 0 : i32
      %dma_wait3A_17 = tpu.memref_slice %arg13[%mul3A_0, %dma_wait3A] : memref<10000x8xf32, #tpu.memory_space<vmem_shared>> -> memref<624x8xf32, #tpu.memory_space<vmem_shared>>
      %dma_wait3A_18 = arith.constant 0 : i32
      %dma_wait3A_19 = tpu.memref_slice %arg6[%mul3A_0, %dma_wait3A_18] : memref<10000x8xf32, #tpu.memory_space<hbm>> -> memref<624x8xf32, #tpu.memory_space<hbm>>
      tpu.wait_dma2 semaphore(%run_scoped3A : memref<!tpu.dma_semaphore, #tpu.memory_space<semaphore_mem>>) src(%dma_wait3A_19 : memref<624x8xf32, #tpu.memory_space<hbm>>) dst(%dma_wait3A_17 : memref<624x8xf32, #tpu.memory_space<vmem_shared>>)
      tpu.yield
    }) : () -> ()
    %eq3A = arith.constant 15 : i32
    %eq3A_1 = arith.cmpi eq, %arg1, %eq3A : i32
    %convert_element_type3A = arith.extui %eq3A_1 : i1 to i32
    %cond3A = arith.constant 0 : i32
    %cond3A_2 = arith.cmpi ne, %convert_element_type3A, %cond3A : i32
    scf.if %cond3A_2 {
      "tpu.region"() ({
        %run_scoped3A = tpu.sem_alloc : memref<!tpu.dma_semaphore, #tpu.memory_space<semaphore_mem>>
        %dma_start3A = arith.constant 9984 : i32
        %dma_start3A_14 = arith.constant 0 : i32
        %dma_start3A_15 = tpu.memref_slice %arg12[%dma_start3A, %dma_start3A_14] : memref<10000x128xf32, #tpu.memory_space<vmem_shared>> -> memref<16x128xf32, #tpu.memory_space<vmem_shared>>
        %dma_start3A_16 = arith.constant 9984 : i32
        %dma_start3A_17 = arith.constant 0 : i32
        %dma_start3A_18 = tpu.memref_slice %arg5[%dma_start3A_16, %dma_start3A_17] : memref<10000x128xf32, #tpu.memory_space<hbm>> -> memref<16x128xf32, #tpu.memory_space<hbm>>
        tpu.enqueue_dma source(%dma_start3A_18 : memref<16x128xf32, #tpu.memory_space<hbm>>) target(%dma_start3A_15 : memref<16x128xf32, #tpu.memory_space<vmem_shared>>) target_semaphore(%run_scoped3A : memref<!tpu.dma_semaphore, #tpu.memory_space<semaphore_mem>>)
        %dma_wait3A = arith.constant 9984 : i32
        %dma_wait3A_19 = arith.constant 0 : i32
        %dma_wait3A_20 = tpu.memref_slice %arg12[%dma_wait3A, %dma_wait3A_19] : memref<10000x128xf32, #tpu.memory_space<vmem_shared>> -> memref<16x128xf32, #tpu.memory_space<vmem_shared>>
        %dma_wait3A_21 = arith.constant 9984 : i32
        %dma_wait3A_22 = arith.constant 0 : i32
        %dma_wait3A_23 = tpu.memref_slice %arg5[%dma_wait3A_21, %dma_wait3A_22] : memref<10000x128xf32, #tpu.memory_space<hbm>> -> memref<16x128xf32, #tpu.memory_space<hbm>>
        tpu.wait_dma2 semaphore(%run_scoped3A : memref<!tpu.dma_semaphore, #tpu.memory_space<semaphore_mem>>) src(%dma_wait3A_23 : memref<16x128xf32, #tpu.memory_space<hbm>>) dst(%dma_wait3A_20 : memref<16x128xf32, #tpu.memory_space<vmem_shared>>)
        tpu.yield
      }) : () -> ()
      "tpu.region"() ({
        %run_scoped3A = tpu.sem_alloc : memref<!tpu.dma_semaphore, #tpu.memory_space<semaphore_mem>>
        %dma_start3A = arith.constant 9984 : i32
        %dma_start3A_14 = arith.constant 0 : i32
        %dma_start3A_15 = tpu.memref_slice %arg13[%dma_start3A, %dma_start3A_14] : memref<10000x8xf32, #tpu.memory_space<vmem_shared>> -> memref<16x8xf32, #tpu.memory_space<vmem_shared>>
        %dma_start3A_16 = arith.constant 9984 : i32
        %dma_start3A_17 = arith.constant 0 : i32
        %dma_start3A_18 = tpu.memref_slice %arg6[%dma_start3A_16, %dma_start3A_17] : memref<10000x8xf32, #tpu.memory_space<hbm>> -> memref<16x8xf32, #tpu.memory_space<hbm>>
        tpu.enqueue_dma source(%dma_start3A_18 : memref<16x8xf32, #tpu.memory_space<hbm>>) target(%dma_start3A_15 : memref<16x8xf32, #tpu.memory_space<vmem_shared>>) target_semaphore(%run_scoped3A : memref<!tpu.dma_semaphore, #tpu.memory_space<semaphore_mem>>)
        %dma_wait3A = arith.constant 9984 : i32
        %dma_wait3A_19 = arith.constant 0 : i32
        %dma_wait3A_20 = tpu.memref_slice %arg13[%dma_wait3A, %dma_wait3A_19] : memref<10000x8xf32, #tpu.memory_space<vmem_shared>> -> memref<16x8xf32, #tpu.memory_space<vmem_shared>>
        %dma_wait3A_21 = arith.constant 9984 : i32
        %dma_wait3A_22 = arith.constant 0 : i32
        %dma_wait3A_23 = tpu.memref_slice %arg6[%dma_wait3A_21, %dma_wait3A_22] : memref<10000x8xf32, #tpu.memory_space<hbm>> -> memref<16x8xf32, #tpu.memory_space<hbm>>
        tpu.wait_dma2 semaphore(%run_scoped3A : memref<!tpu.dma_semaphore, #tpu.memory_space<semaphore_mem>>) src(%dma_wait3A_23 : memref<16x8xf32, #tpu.memory_space<hbm>>) dst(%dma_wait3A_20 : memref<16x8xf32, #tpu.memory_space<vmem_shared>>)
        tpu.yield
      }) : () -> ()
    } else {
    }
    %barrier3A = arith.constant 0 : index
    tpu.barrier barrier_id(%barrier3A)
    %scan3A = arith.constant 0 : i32
    %scan3A_3 = arith.constant 0 : i32
    %scan3A_4 = arith.constant 79 : i32
    %scan3A_5 = arith.addi %scan3A_3, %scan3A_4 : i32
    %scan3A_6 = arith.constant 1 : i32
    scf.for %scan3A_14 = %scan3A_3 to %scan3A_5 step %scan3A_6  : i32 {
      %mul3A_15 = arith.constant 16 : i32
      %mul3A_16 = arith.muli %scan3A_14, %mul3A_15 : i32
      %add3A = arith.addi %arg1, %mul3A_16 : i32
      %lt3A = arith.constant 1250 : i32
      %lt3A_17 = arith.cmpi slt, %add3A, %lt3A : i32
      %convert_element_type3A_18 = arith.extui %lt3A_17 : i1 to i32
      %cond3A_19 = arith.constant 0 : i32
      %cond3A_20 = arith.cmpi ne, %convert_element_type3A_18, %cond3A_19 : i32
      scf.if %cond3A_20 {
        %mul3A_21 = arith.constant 1250 : i32
        %mul3A_22 = arith.muli %arg0, %mul3A_21 : i32
        %add3A_23 = arith.addi %mul3A_22, %add3A : i32
        %mul3A_24 = arith.constant 128 : i32
        %mul3A_25 = arith.muli %add3A_23, %mul3A_24 : i32
        "tpu.region"() ({
          %run_scoped3A = tpu.sem_alloc : memref<!tpu.dma_semaphore, #tpu.memory_space<semaphore_mem>>
          %dma_start3A = tpu.memref_slice %arg4[%mul3A_25] : memref<320000xi32, #tpu.memory_space<hbm>> -> memref<128xi32, #tpu.memory_space<hbm>>
          %dma_start3A_26 = tpu.memref_slice %arg4[%mul3A_25] : memref<320000xi32, #tpu.memory_space<hbm>> -> memref<128xi32, #tpu.memory_space<hbm>>
          tpu.enqueue_dma source(%dma_start3A_26 : memref<128xi32, #tpu.memory_space<hbm>>) target(%arg9 : memref<128xi32, #tpu.memory_space<vmem>>) target_semaphore(%run_scoped3A : memref<!tpu.dma_semaphore, #tpu.memory_space<semaphore_mem>>)
          %dma_wait3A = tpu.memref_slice %arg4[%mul3A_25] : memref<320000xi32, #tpu.memory_space<hbm>> -> memref<128xi32, #tpu.memory_space<hbm>>
          %dma_wait3A_27 = tpu.memref_slice %arg4[%mul3A_25] : memref<320000xi32, #tpu.memory_space<hbm>> -> memref<128xi32, #tpu.memory_space<hbm>>
          tpu.wait_dma2 semaphore(%run_scoped3A : memref<!tpu.dma_semaphore, #tpu.memory_space<semaphore_mem>>) src(%dma_wait3A_27 : memref<128xi32, #tpu.memory_space<hbm>>) dst(%arg9 : memref<128xi32, #tpu.memory_space<vmem>>)
          tpu.yield
        }) : () -> ()
        "tpu.region"() ({
          %run_scoped3A = tpu.sem_alloc : memref<!tpu.dma_semaphore, #tpu.memory_space<semaphore_mem>>
          %dma_start3A = arith.constant 0 : i32
          %dma_start3A_26 = tpu.memref_slice %arg2[%mul3A_25, %dma_start3A] : memref<320000x128xf32, #tpu.memory_space<hbm>> -> memref<128x128xf32, #tpu.memory_space<hbm>>
          %dma_start3A_27 = arith.constant 0 : i32
          %dma_start3A_28 = tpu.memref_slice %arg2[%mul3A_25, %dma_start3A_27] : memref<320000x128xf32, #tpu.memory_space<hbm>> -> memref<128x128xf32, #tpu.memory_space<hbm>>
          tpu.enqueue_dma source(%dma_start3A_28 : memref<128x128xf32, #tpu.memory_space<hbm>>) target(%arg10 : memref<128x128xf32, #tpu.memory_space<vmem>>) target_semaphore(%run_scoped3A : memref<!tpu.dma_semaphore, #tpu.memory_space<semaphore_mem>>)
          %dma_wait3A = arith.constant 0 : i32
          %dma_wait3A_29 = tpu.memref_slice %arg2[%mul3A_25, %dma_wait3A] : memref<320000x128xf32, #tpu.memory_space<hbm>> -> memref<128x128xf32, #tpu.memory_space<hbm>>
          %dma_wait3A_30 = arith.constant 0 : i32
          %dma_wait3A_31 = tpu.memref_slice %arg2[%mul3A_25, %dma_wait3A_30] : memref<320000x128xf32, #tpu.memory_space<hbm>> -> memref<128x128xf32, #tpu.memory_space<hbm>>
          tpu.wait_dma2 semaphore(%run_scoped3A : memref<!tpu.dma_semaphore, #tpu.memory_space<semaphore_mem>>) src(%dma_wait3A_31 : memref<128x128xf32, #tpu.memory_space<hbm>>) dst(%arg10 : memref<128x128xf32, #tpu.memory_space<vmem>>)
          tpu.yield
        }) : () -> ()
        "tpu.region"() ({
          %run_scoped3A = tpu.sem_alloc : memref<!tpu.dma_semaphore, #tpu.memory_space<semaphore_mem>>
          %dma_start3A = arith.constant 0 : i32
          %dma_start3A_26 = arith.constant 0 : i32
          %dma_start3A_27 = tpu.memref_slice %arg12[%dma_start3A, %dma_start3A_26] : memref<10000x128xf32, #tpu.memory_space<vmem_shared>> -> memref<10000x128xf32, #tpu.memory_space<vmem_shared>>
          tpu.enqueue_indirect_dma source(%arg10 : memref<128x128xf32, #tpu.memory_space<vmem>>) target(%dma_start3A_27 : memref<10000x128xf32, #tpu.memory_space<vmem_shared>>) offsets(%arg9 : memref<128xi32, #tpu.memory_space<vmem>>) semaphore(%run_scoped3A : memref<!tpu.dma_semaphore, #tpu.memory_space<semaphore_mem>>) {add = true}
          %dma_wait3A = arith.constant 0 : i32
          %dma_wait3A_28 = arith.constant 0 : i32
          %dma_wait3A_29 = tpu.memref_slice %arg12[%dma_wait3A, %dma_wait3A_28] : memref<10000x128xf32, #tpu.memory_space<vmem_shared>> -> memref<10000x128xf32, #tpu.memory_space<vmem_shared>>
          tpu.wait_indirect_dma semaphore(%run_scoped3A : memref<!tpu.dma_semaphore, #tpu.memory_space<semaphore_mem>>) src(%arg10 : memref<128x128xf32, #tpu.memory_space<vmem>>) dst(%dma_wait3A_29 : memref<10000x128xf32, #tpu.memory_space<vmem_shared>>)
          tpu.yield
        }) : () -> ()
        "tpu.region"() ({
          %run_scoped3A = tpu.sem_alloc : memref<!tpu.dma_semaphore, #tpu.memory_space<semaphore_mem>>
          %dma_start3A = arith.constant 0 : i32
          %dma_start3A_26 = tpu.memref_slice %arg3[%mul3A_25, %dma_start3A] : memref<320000x8xf32, #tpu.memory_space<hbm>> -> memref<128x8xf32, #tpu.memory_space<hbm>>
          %dma_start3A_27 = arith.constant 0 : i32
          %dma_start3A_28 = tpu.memref_slice %arg3[%mul3A_25, %dma_start3A_27] : memref<320000x8xf32, #tpu.memory_space<hbm>> -> memref<128x8xf32, #tpu.memory_space<hbm>>
          tpu.enqueue_dma source(%dma_start3A_28 : memref<128x8xf32, #tpu.memory_space<hbm>>) target(%arg11 : memref<128x8xf32, #tpu.memory_space<vmem>>) target_semaphore(%run_scoped3A : memref<!tpu.dma_semaphore, #tpu.memory_space<semaphore_mem>>)
          %dma_wait3A = arith.constant 0 : i32
          %dma_wait3A_29 = tpu.memref_slice %arg3[%mul3A_25, %dma_wait3A] : memref<320000x8xf32, #tpu.memory_space<hbm>> -> memref<128x8xf32, #tpu.memory_space<hbm>>
          %dma_wait3A_30 = arith.constant 0 : i32
          %dma_wait3A_31 = tpu.memref_slice %arg3[%mul3A_25, %dma_wait3A_30] : memref<320000x8xf32, #tpu.memory_space<hbm>> -> memref<128x8xf32, #tpu.memory_space<hbm>>
          tpu.wait_dma2 semaphore(%run_scoped3A : memref<!tpu.dma_semaphore, #tpu.memory_space<semaphore_mem>>) src(%dma_wait3A_31 : memref<128x8xf32, #tpu.memory_space<hbm>>) dst(%arg11 : memref<128x8xf32, #tpu.memory_space<vmem>>)
          tpu.yield
        }) : () -> ()
        "tpu.region"() ({
          %run_scoped3A = tpu.sem_alloc : memref<!tpu.dma_semaphore, #tpu.memory_space<semaphore_mem>>
          %dma_start3A = arith.constant 0 : i32
          %dma_start3A_26 = arith.constant 0 : i32
          %dma_start3A_27 = tpu.memref_slice %arg13[%dma_start3A, %dma_start3A_26] : memref<10000x8xf32, #tpu.memory_space<vmem_shared>> -> memref<10000x8xf32, #tpu.memory_space<vmem_shared>>
          tpu.enqueue_indirect_dma source(%arg11 : memref<128x8xf32, #tpu.memory_space<vmem>>) target(%dma_start3A_27 : memref<10000x8xf32, #tpu.memory_space<vmem_shared>>) offsets(%arg9 : memref<128xi32, #tpu.memory_space<vmem>>) semaphore(%run_scoped3A : memref<!tpu.dma_semaphore, #tpu.memory_space<semaphore_mem>>) {add = true}
          %dma_wait3A = arith.constant 0 : i32
          %dma_wait3A_28 = arith.constant 0 : i32
          %dma_wait3A_29 = tpu.memref_slice %arg13[%dma_wait3A, %dma_wait3A_28] : memref<10000x8xf32, #tpu.memory_space<vmem_shared>> -> memref<10000x8xf32, #tpu.memory_space<vmem_shared>>
          tpu.wait_indirect_dma semaphore(%run_scoped3A : memref<!tpu.dma_semaphore, #tpu.memory_space<semaphore_mem>>) src(%arg11 : memref<128x8xf32, #tpu.memory_space<vmem>>) dst(%dma_wait3A_29 : memref<10000x8xf32, #tpu.memory_space<vmem_shared>>)
          tpu.yield
        }) : () -> ()
      } else {
      }
    }
    %scan3A_7 = arith.constant 79 : i32
    %barrier3A_8 = arith.constant 0 : index
    tpu.barrier barrier_id(%barrier3A_8)
    "tpu.region"() ({
      %run_scoped3A = tpu.sem_alloc : memref<!tpu.dma_semaphore, #tpu.memory_space<semaphore_mem>>
      %dma_start3A = arith.constant 0 : i32
      %dma_start3A_14 = tpu.memref_slice %arg7[%arg0, %mul3A_0, %dma_start3A] : memref<2x10000x128xf32, #tpu.memory_space<hbm>> -> memref<1x624x128xf32, #tpu.memory_space<hbm>>
      %dma_start3A_15 = tpu.memref_squeeze %dma_start3A_14 : memref<1x624x128xf32, #tpu.memory_space<hbm>> -> memref<624x128xf32, #tpu.memory_space<hbm>>
      %dma_start3A_16 = arith.constant 0 : i32
      %dma_start3A_17 = tpu.memref_slice %arg12[%mul3A_0, %dma_start3A_16] : memref<10000x128xf32, #tpu.memory_space<vmem_shared>> -> memref<624x128xf32, #tpu.memory_space<vmem_shared>>
      tpu.enqueue_dma source(%dma_start3A_17 : memref<624x128xf32, #tpu.memory_space<vmem_shared>>) target(%dma_start3A_15 : memref<624x128xf32, #tpu.memory_space<hbm>>) target_semaphore(%run_scoped3A : memref<!tpu.dma_semaphore, #tpu.memory_space<semaphore_mem>>)
      %dma_wait3A = arith.constant 0 : i32
      %dma_wait3A_18 = tpu.memref_slice %arg7[%arg0, %mul3A_0, %dma_wait3A] : memref<2x10000x128xf32, #tpu.memory_space<hbm>> -> memref<1x624x128xf32, #tpu.memory_space<hbm>>
      %dma_wait3A_19 = tpu.memref_squeeze %dma_wait3A_18 : memref<1x624x128xf32, #tpu.memory_space<hbm>> -> memref<624x128xf32, #tpu.memory_space<hbm>>
      %dma_wait3A_20 = arith.constant 0 : i32
      %dma_wait3A_21 = tpu.memref_slice %arg12[%mul3A_0, %dma_wait3A_20] : memref<10000x128xf32, #tpu.memory_space<vmem_shared>> -> memref<624x128xf32, #tpu.memory_space<vmem_shared>>
      tpu.wait_dma2 semaphore(%run_scoped3A : memref<!tpu.dma_semaphore, #tpu.memory_space<semaphore_mem>>) src(%dma_wait3A_21 : memref<624x128xf32, #tpu.memory_space<vmem_shared>>) dst(%dma_wait3A_19 : memref<624x128xf32, #tpu.memory_space<hbm>>)
      tpu.yield
    }) : () -> ()
    "tpu.region"() ({
      %run_scoped3A = tpu.sem_alloc : memref<!tpu.dma_semaphore, #tpu.memory_space<semaphore_mem>>
      %dma_start3A = arith.constant 0 : i32
      %dma_start3A_14 = tpu.memref_slice %arg8[%arg0, %mul3A_0, %dma_start3A] : memref<2x10000x8xf32, #tpu.memory_space<hbm>> -> memref<1x624x8xf32, #tpu.memory_space<hbm>>
      %dma_start3A_15 = tpu.memref_squeeze %dma_start3A_14 : memref<1x624x8xf32, #tpu.memory_space<hbm>> -> memref<624x8xf32, #tpu.memory_space<hbm>>
      %dma_start3A_16 = arith.constant 0 : i32
      %dma_start3A_17 = tpu.memref_slice %arg13[%mul3A_0, %dma_start3A_16] : memref<10000x8xf32, #tpu.memory_space<vmem_shared>> -> memref<624x8xf32, #tpu.memory_space<vmem_shared>>
      tpu.enqueue_dma source(%dma_start3A_17 : memref<624x8xf32, #tpu.memory_space<vmem_shared>>) target(%dma_start3A_15 : memref<624x8xf32, #tpu.memory_space<hbm>>) target_semaphore(%run_scoped3A : memref<!tpu.dma_semaphore, #tpu.memory_space<semaphore_mem>>)
      %dma_wait3A = arith.constant 0 : i32
      %dma_wait3A_18 = tpu.memref_slice %arg8[%arg0, %mul3A_0, %dma_wait3A] : memref<2x10000x8xf32, #tpu.memory_space<hbm>> -> memref<1x624x8xf32, #tpu.memory_space<hbm>>
      %dma_wait3A_19 = tpu.memref_squeeze %dma_wait3A_18 : memref<1x624x8xf32, #tpu.memory_space<hbm>> -> memref<624x8xf32, #tpu.memory_space<hbm>>
      %dma_wait3A_20 = arith.constant 0 : i32
      %dma_wait3A_21 = tpu.memref_slice %arg13[%mul3A_0, %dma_wait3A_20] : memref<10000x8xf32, #tpu.memory_space<vmem_shared>> -> memref<624x8xf32, #tpu.memory_space<vmem_shared>>
      tpu.wait_dma2 semaphore(%run_scoped3A : memref<!tpu.dma_semaphore, #tpu.memory_space<semaphore_mem>>) src(%dma_wait3A_21 : memref<624x8xf32, #tpu.memory_space<vmem_shared>>) dst(%dma_wait3A_19 : memref<624x8xf32, #tpu.memory_space<hbm>>)
      tpu.yield
    }) : () -> ()
    %eq3A_9 = arith.constant 15 : i32
    %eq3A_10 = arith.cmpi eq, %arg1, %eq3A_9 : i32
    %convert_element_type3A_11 = arith.extui %eq3A_10 : i1 to i32
    %cond3A_12 = arith.constant 0 : i32
    %cond3A_13 = arith.cmpi ne, %convert_element_type3A_11, %cond3A_12 : i32
    scf.if %cond3A_13 {
      "tpu.region"() ({
        %run_scoped3A = tpu.sem_alloc : memref<!tpu.dma_semaphore, #tpu.memory_space<semaphore_mem>>
        %dma_start3A = arith.constant 9984 : i32
        %dma_start3A_14 = arith.constant 0 : i32
        %dma_start3A_15 = tpu.memref_slice %arg7[%arg0, %dma_start3A, %dma_start3A_14] : memref<2x10000x128xf32, #tpu.memory_space<hbm>> -> memref<1x16x128xf32, #tpu.memory_space<hbm>>
        %dma_start3A_16 = tpu.memref_squeeze %dma_start3A_15 : memref<1x16x128xf32, #tpu.memory_space<hbm>> -> memref<16x128xf32, #tpu.memory_space<hbm>>
        %dma_start3A_17 = arith.constant 9984 : i32
        %dma_start3A_18 = arith.constant 0 : i32
        %dma_start3A_19 = tpu.memref_slice %arg12[%dma_start3A_17, %dma_start3A_18] : memref<10000x128xf32, #tpu.memory_space<vmem_shared>> -> memref<16x128xf32, #tpu.memory_space<vmem_shared>>
        tpu.enqueue_dma source(%dma_start3A_19 : memref<16x128xf32, #tpu.memory_space<vmem_shared>>) target(%dma_start3A_16 : memref<16x128xf32, #tpu.memory_space<hbm>>) target_semaphore(%run_scoped3A : memref<!tpu.dma_semaphore, #tpu.memory_space<semaphore_mem>>)
        %dma_wait3A = arith.constant 9984 : i32
        %dma_wait3A_20 = arith.constant 0 : i32
        %dma_wait3A_21 = tpu.memref_slice %arg7[%arg0, %dma_wait3A, %dma_wait3A_20] : memref<2x10000x128xf32, #tpu.memory_space<hbm>> -> memref<1x16x128xf32, #tpu.memory_space<hbm>>
        %dma_wait3A_22 = tpu.memref_squeeze %dma_wait3A_21 : memref<1x16x128xf32, #tpu.memory_space<hbm>> -> memref<16x128xf32, #tpu.memory_space<hbm>>
        %dma_wait3A_23 = arith.constant 9984 : i32
        %dma_wait3A_24 = arith.constant 0 : i32
        %dma_wait3A_25 = tpu.memref_slice %arg12[%dma_wait3A_23, %dma_wait3A_24] : memref<10000x128xf32, #tpu.memory_space<vmem_shared>> -> memref<16x128xf32, #tpu.memory_space<vmem_shared>>
        tpu.wait_dma2 semaphore(%run_scoped3A : memref<!tpu.dma_semaphore, #tpu.memory_space<semaphore_mem>>) src(%dma_wait3A_25 : memref<16x128xf32, #tpu.memory_space<vmem_shared>>) dst(%dma_wait3A_22 : memref<16x128xf32, #tpu.memory_space<hbm>>)
        tpu.yield
      }) : () -> ()
      "tpu.region"() ({
        %run_scoped3A = tpu.sem_alloc : memref<!tpu.dma_semaphore, #tpu.memory_space<semaphore_mem>>
        %dma_start3A = arith.constant 9984 : i32
        %dma_start3A_14 = arith.constant 0 : i32
        %dma_start3A_15 = tpu.memref_slice %arg8[%arg0, %dma_start3A, %dma_start3A_14] : memref<2x10000x8xf32, #tpu.memory_space<hbm>> -> memref<1x16x8xf32, #tpu.memory_space<hbm>>
        %dma_start3A_16 = tpu.memref_squeeze %dma_start3A_15 : memref<1x16x8xf32, #tpu.memory_space<hbm>> -> memref<16x8xf32, #tpu.memory_space<hbm>>
        %dma_start3A_17 = arith.constant 9984 : i32
        %dma_start3A_18 = arith.constant 0 : i32
        %dma_start3A_19 = tpu.memref_slice %arg13[%dma_start3A_17, %dma_start3A_18] : memref<10000x8xf32, #tpu.memory_space<vmem_shared>> -> memref<16x8xf32, #tpu.memory_space<vmem_shared>>
        tpu.enqueue_dma source(%dma_start3A_19 : memref<16x8xf32, #tpu.memory_space<vmem_shared>>) target(%dma_start3A_16 : memref<16x8xf32, #tpu.memory_space<hbm>>) target_semaphore(%run_scoped3A : memref<!tpu.dma_semaphore, #tpu.memory_space<semaphore_mem>>)
        %dma_wait3A = arith.constant 9984 : i32
        %dma_wait3A_20 = arith.constant 0 : i32
        %dma_wait3A_21 = tpu.memref_slice %arg8[%arg0, %dma_wait3A, %dma_wait3A_20] : memref<2x10000x8xf32, #tpu.memory_space<hbm>> -> memref<1x16x8xf32, #tpu.memory_space<hbm>>
        %dma_wait3A_22 = tpu.memref_squeeze %dma_wait3A_21 : memref<1x16x8xf32, #tpu.memory_space<hbm>> -> memref<16x8xf32, #tpu.memory_space<hbm>>
        %dma_wait3A_23 = arith.constant 9984 : i32
        %dma_wait3A_24 = arith.constant 0 : i32
        %dma_wait3A_25 = tpu.memref_slice %arg13[%dma_wait3A_23, %dma_wait3A_24] : memref<10000x8xf32, #tpu.memory_space<vmem_shared>> -> memref<16x8xf32, #tpu.memory_space<vmem_shared>>
        tpu.wait_dma2 semaphore(%run_scoped3A : memref<!tpu.dma_semaphore, #tpu.memory_space<semaphore_mem>>) src(%dma_wait3A_25 : memref<16x8xf32, #tpu.memory_space<vmem_shared>>) dst(%dma_wait3A_22 : memref<16x8xf32, #tpu.memory_space<hbm>>)
        tpu.yield
      }) : () -> ()
    } else {
    }
    return
  }
}

module attributes {stable_mosaic.version = 14 : i64} {
  func.func @_edge_pre_body(%arg0: i32, %arg1: memref<2560x3xf32, #tpu.memory_space<vmem>>, %arg2: memref<2560x1xf32, #tpu.memory_space<vmem>>, %arg3: memref<2560x1xf32, #tpu.memory_space<vmem>>, %arg4: memref<2560x128xf32, #tpu.memory_space<vmem>>) attributes {dimension_semantics = [#tpu.dimension_semantics<arbitrary>], iteration_bounds = array<i64: 125>, scalar_prefetch = 0 : i64, scratch_operands = 0 : i64, tpu.core_type = #tpu.core_type<tc>, window_params = [{transform_indices = @transform_0, window_bounds = array<i64: 2560, 3>}, {transform_indices = @transform_1, window_bounds = array<i64: 2560, 1>}, {transform_indices = @transform_2, window_bounds = array<i64: 2560, 1>}, {transform_indices = @transform_3, window_bounds = array<i64: 2560, 128>}]} {
    %get3A = arith.constant 0 : index
    %get3A_0 = arith.constant 0 : index
    %get3A_1 = vector.load %arg2[%get3A, %get3A_0] : memref<2560x1xf32, #tpu.memory_space<vmem>>, vector<2560x1xf32>
    %get3A_2 = arith.constant 0 : index
    %get3A_3 = arith.constant 0 : index
    %get3A_4 = vector.load %arg3[%get3A_2, %get3A_3] : memref<2560x1xf32, #tpu.memory_space<vmem>>, vector<2560x1xf32>
    %iota3A = tpu.iota {dimensions = array<i32: 1>} : vector<1x32xi32>
    %convert_element_type3A = arith.sitofp %iota3A : vector<1x32xi32> to vector<1x32xf32>
    %mul3A = arith.constant 0.0320407115 : f32
    %mul3A_5 = vector.broadcast %mul3A : f32 to vector<1x32xf32>
    %mul3A_6 = arith.mulf %mul3A_5, %convert_element_type3A : vector<1x32xf32>
    %add3A = arith.constant 0.006737947 : f32
    %add3A_7 = vector.broadcast %add3A : f32 to vector<1x32xf32>
    %add3A_8 = arith.addf %add3A_7, %mul3A_6 : vector<1x32xf32>
    %neg3A = arith.constant 0.000000e+00 : f32
    %neg3A_9 = vector.broadcast %neg3A : f32 to vector<2560x1xf32>
    %neg3A_10 = arith.subf %neg3A_9, %get3A_1 : vector<2560x1xf32>
    %exp3A = math.exp %neg3A_10 : vector<2560x1xf32>
    %sub3A = vector.broadcast %exp3A : vector<2560x1xf32> to vector<2560x32xf32>
    %sub3A_11 = vector.broadcast %add3A_8 : vector<1x32xf32> to vector<2560x32xf32>
    %sub3A_12 = arith.subf %sub3A, %sub3A_11 : vector<2560x32xf32>
    %integer_pow3A = arith.mulf %sub3A_12, %sub3A_12 : vector<2560x32xf32>
    %mul3A_13 = arith.constant -259.485016 : f32
    %mul3A_14 = vector.broadcast %mul3A_13 : f32 to vector<2560x32xf32>
    %mul3A_15 = arith.mulf %mul3A_14, %integer_pow3A : vector<2560x32xf32>
    %exp3A_16 = math.exp %mul3A_15 : vector<2560x32xf32>
    %get3A_17 = arith.constant 0 : index
    %get3A_18 = arith.constant 0 : index
    %get3A_19 = vector.load %arg1[%get3A_17, %get3A_18] : memref<2560x3xf32, #tpu.memory_space<vmem>>, vector<2560x3xf32>
    %mul3A_20 = arith.mulf %get3A_19, %get3A_19 : vector<2560x3xf32>
    %reduce_sum3A = arith.constant dense<0.000000e+00> : vector<2560xf32>
    %reduce_sum3A_21 = vector.multi_reduction <add>, %mul3A_20, %reduce_sum3A [1] : vector<2560x3xf32> to vector<2560xf32>
    %broadcast_in_dim3A = vector.shape_cast %reduce_sum3A_21 : vector<2560xf32> to vector<2560x1xf32>
    %add3A_22 = arith.constant 9.99999996E-13 : f32
    %add3A_23 = vector.broadcast %add3A_22 : f32 to vector<2560x1xf32>
    %add3A_24 = arith.addf %broadcast_in_dim3A, %add3A_23 : vector<2560x1xf32>
    %sqrt3A = math.sqrt %add3A_24 : vector<2560x1xf32>
    %div3A = vector.broadcast %sqrt3A : vector<2560x1xf32> to vector<2560x3xf32>
    %div3A_25 = arith.divf %get3A_19, %div3A : vector<2560x3xf32>
    %slice3A = vector.extract_strided_slice %div3A_25 {offsets = [0, 0], sizes = [2560, 1], strides = [1, 1]} : vector<2560x3xf32> to vector<2560x1xf32>
    %slice3A_26 = vector.extract_strided_slice %div3A_25 {offsets = [0, 1], sizes = [2560, 1], strides = [1, 1]} : vector<2560x3xf32> to vector<2560x1xf32>
    %slice3A_27 = vector.extract_strided_slice %div3A_25 {offsets = [0, 2], sizes = [2560, 1], strides = [1, 1]} : vector<2560x3xf32> to vector<2560x1xf32>
    %mul3A_28 = arith.constant 1.73205078 : f32
    %mul3A_29 = vector.broadcast %mul3A_28 : f32 to vector<2560x1xf32>
    %mul3A_30 = arith.mulf %mul3A_29, %slice3A : vector<2560x1xf32>
    %mul3A_31 = arith.constant 1.73205078 : f32
    %mul3A_32 = vector.broadcast %mul3A_31 : f32 to vector<2560x1xf32>
    %mul3A_33 = arith.mulf %mul3A_32, %slice3A_26 : vector<2560x1xf32>
    %mul3A_34 = arith.constant 1.73205078 : f32
    %mul3A_35 = vector.broadcast %mul3A_34 : f32 to vector<2560x1xf32>
    %mul3A_36 = arith.mulf %mul3A_35, %slice3A_27 : vector<2560x1xf32>
    %mul3A_37 = arith.constant 3.87298346 : f32
    %mul3A_38 = vector.broadcast %mul3A_37 : f32 to vector<2560x1xf32>
    %mul3A_39 = arith.mulf %mul3A_38, %slice3A : vector<2560x1xf32>
    %mul3A_40 = arith.mulf %mul3A_39, %slice3A_26 : vector<2560x1xf32>
    %mul3A_41 = arith.constant 3.87298346 : f32
    %mul3A_42 = vector.broadcast %mul3A_41 : f32 to vector<2560x1xf32>
    %mul3A_43 = arith.mulf %mul3A_42, %slice3A_26 : vector<2560x1xf32>
    %mul3A_44 = arith.mulf %mul3A_43, %slice3A_27 : vector<2560x1xf32>
    %mul3A_45 = arith.constant 3.000000e+00 : f32
    %mul3A_46 = vector.broadcast %mul3A_45 : f32 to vector<2560x1xf32>
    %mul3A_47 = arith.mulf %mul3A_46, %slice3A_27 : vector<2560x1xf32>
    %mul3A_48 = arith.mulf %mul3A_47, %slice3A_27 : vector<2560x1xf32>
    %sub3A_49 = arith.constant 1.000000e+00 : f32
    %sub3A_50 = vector.broadcast %sub3A_49 : f32 to vector<2560x1xf32>
    %sub3A_51 = arith.subf %mul3A_48, %sub3A_50 : vector<2560x1xf32>
    %mul3A_52 = arith.constant 1.11803401 : f32
    %mul3A_53 = vector.broadcast %mul3A_52 : f32 to vector<2560x1xf32>
    %mul3A_54 = arith.mulf %mul3A_53, %sub3A_51 : vector<2560x1xf32>
    %mul3A_55 = arith.constant 3.87298346 : f32
    %mul3A_56 = vector.broadcast %mul3A_55 : f32 to vector<2560x1xf32>
    %mul3A_57 = arith.mulf %mul3A_56, %slice3A : vector<2560x1xf32>
    %mul3A_58 = arith.mulf %mul3A_57, %slice3A_27 : vector<2560x1xf32>
    %mul3A_59 = arith.mulf %slice3A, %slice3A : vector<2560x1xf32>
    %mul3A_60 = arith.mulf %slice3A_26, %slice3A_26 : vector<2560x1xf32>
    %sub3A_61 = arith.subf %mul3A_59, %mul3A_60 : vector<2560x1xf32>
    %mul3A_62 = arith.constant 1.93649173 : f32
    %mul3A_63 = vector.broadcast %mul3A_62 : f32 to vector<2560x1xf32>
    %mul3A_64 = arith.mulf %mul3A_63, %sub3A_61 : vector<2560x1xf32>
    %concatenate3A = tpu.concatenate %mul3A_30, %mul3A_33, %mul3A_36, %mul3A_40, %mul3A_44, %mul3A_54, %mul3A_58, %mul3A_64 in 1 : vector<2560x1xf32>, vector<2560x1xf32>, vector<2560x1xf32>, vector<2560x1xf32>, vector<2560x1xf32>, vector<2560x1xf32>, vector<2560x1xf32>, vector<2560x1xf32> -> vector<2560x8xf32>
    %mul3A_65 = vector.broadcast %get3A_4 : vector<2560x1xf32> to vector<2560x8xf32>
    %mul3A_66 = arith.mulf %concatenate3A, %mul3A_65 : vector<2560x8xf32>
    %broadcast_in_dim3A_67 = arith.constant 0.000000e+00 : f32
    %broadcast_in_dim3A_68 = vector.broadcast %broadcast_in_dim3A_67 : f32 to vector<2560x79xf32>
    %concatenate3A_69 = tpu.concatenate %exp3A_16, %concatenate3A, %mul3A_66, %get3A_4, %broadcast_in_dim3A_68 in 1 : vector<2560x32xf32>, vector<2560x8xf32>, vector<2560x8xf32>, vector<2560x1xf32>, vector<2560x79xf32> -> vector<2560x128xf32>
    %swap3A = arith.constant 0 : index
    %swap3A_70 = arith.constant 0 : index
    %swap3A_71 = vector.load %arg4[%swap3A, %swap3A_70] : memref<2560x128xf32, #tpu.memory_space<vmem>>, vector<2560x128xf32>
    tpu.vector_store %arg4[%swap3A, %swap3A_70], %concatenate3A_69 {strides = array<i32>} : memref<2560x128xf32, #tpu.memory_space<vmem>>, vector<2560x128xf32>,
    return
  }
  func.func @transform_0(%arg0: i32) -> (i32, i32) {
    %c0_i32 = arith.constant 0 : i32
    %c0_i32_0 = arith.constant 0 : i32
    return %arg0, %c0_i32 : i32, i32
  }
  func.func @transform_1(%arg0: i32) -> (i32, i32) {
    %c0_i32 = arith.constant 0 : i32
    %c0_i32_0 = arith.constant 0 : i32
    return %arg0, %c0_i32 : i32, i32
  }
  func.func @transform_2(%arg0: i32) -> (i32, i32) {
    %c0_i32 = arith.constant 0 : i32
    %c0_i32_0 = arith.constant 0 : i32
    return %arg0, %c0_i32 : i32, i32
  }
  func.func @transform_3(%arg0: i32) -> (i32, i32) {
    %c0_i32 = arith.constant 0 : i32
    %c0_i32_0 = arith.constant 0 : i32
    return %arg0, %c0_i32 : i32, i32
  }
}

module attributes {stable_mosaic.version = 14 : i64} {
  func.func @_node_init_body(%arg0: i32, %arg1: memref<2000x1xi32, #tpu.memory_space<vmem>>, %arg2: memref<1x2000x8xf32, #tpu.memory_space<vmem>>, %arg3: memref<1x2000x8xf32, #tpu.memory_space<vmem>>, %arg4: memref<100x128xf32, #tpu.memory_space<vmem>>, %arg5: memref<2000x128xf32, #tpu.memory_space<vmem>>, %arg6: memref<2000x8xf32, #tpu.memory_space<vmem>>) attributes {dimension_semantics = [#tpu.dimension_semantics<arbitrary>], iteration_bounds = array<i64: 5>, scalar_prefetch = 0 : i64, scratch_operands = 0 : i64, tpu.core_type = #tpu.core_type<tc>, window_params = [{transform_indices = @transform_0, window_bounds = array<i64: 2000, 1>}, {transform_indices = @transform_1, window_bounds = array<i64: 1, 2000, 8>}, {transform_indices = @transform_2, window_bounds = array<i64: 1, 2000, 8>}, {pipeline_mode = #tpu.pipeline_mode<synchronous>, transform_indices = @transform_3, window_bounds = array<i64: 100, 128>}, {transform_indices = @transform_4, window_bounds = array<i64: 2000, 128>}, {transform_indices = @transform_5, window_bounds = array<i64: 2000, 8>}]} {
    %get3A = arith.constant 0 : index
    %get3A_0 = arith.constant 0 : index
    %get3A_1 = vector.load %arg1[%get3A, %get3A_0] : memref<2000x1xi32, #tpu.memory_space<vmem>>, vector<2000x1xi32>
    %iota3A = tpu.iota {dimensions = array<i32: 1>} : vector<1x100xi32>
    %eq3A = vector.broadcast %get3A_1 : vector<2000x1xi32> to vector<2000x100xi32>
    %eq3A_2 = vector.broadcast %iota3A : vector<1x100xi32> to vector<2000x100xi32>
    %eq3A_3 = arith.cmpi eq, %eq3A, %eq3A_2 : vector<2000x100xi32>
    %convert_element_type3A = arith.extui %eq3A_3 : vector<2000x100xi1> to vector<2000x100xi32>
    %convert_element_type3A_4 = arith.sitofp %convert_element_type3A : vector<2000x100xi32> to vector<2000x100xf32>
    %get3A_5 = arith.constant 0 : index
    %get3A_6 = arith.constant 0 : index
    %get3A_7 = vector.load %arg4[%get3A_5, %get3A_6] : memref<100x128xf32, #tpu.memory_space<vmem>>, vector<100x128xf32>
    %dot_general3A = arith.constant dense<0.000000e+00> : vector<2000x128xf32>
    %dot_general3A_8 = tpu.matmul %convert_element_type3A_4, %get3A_7, %dot_general3A {dimension_numbers = #tpu.dot_dimension_numbers<[1], [0], [0], [1], [0, 0, 1, 1], [], []>, transpose_lhs_hint = false} : vector<2000x100xf32>, vector<100x128xf32>, vector<2000x128xf32> -> vector<2000x128xf32>
    %swap3A = arith.constant 0 : index
    %swap3A_9 = arith.constant 0 : index
    %swap3A_10 = vector.load %arg5[%swap3A, %swap3A_9] : memref<2000x128xf32, #tpu.memory_space<vmem>>, vector<2000x128xf32>
    tpu.vector_store %arg5[%swap3A, %swap3A_9], %dot_general3A_8 {strides = array<i32>} : memref<2000x128xf32, #tpu.memory_space<vmem>>, vector<2000x128xf32>,
    %get3A_11 = arith.constant 0 : index
    %get3A_12 = arith.constant 0 : index
    %get3A_13 = arith.constant 0 : index
    %get3A_14 = vector.load %arg2[%get3A_11, %get3A_12, %get3A_13] : memref<1x2000x8xf32, #tpu.memory_space<vmem>>, vector<1x2000x8xf32>
    %get3A_15 = vector.shape_cast %get3A_14 : vector<1x2000x8xf32> to vector<2000x8xf32>
    %get3A_16 = arith.constant 0 : index
    %get3A_17 = arith.constant 0 : index
    %get3A_18 = arith.constant 0 : index
    %get3A_19 = vector.load %arg3[%get3A_16, %get3A_17, %get3A_18] : memref<1x2000x8xf32, #tpu.memory_space<vmem>>, vector<1x2000x8xf32>
    %get3A_20 = vector.shape_cast %get3A_19 : vector<1x2000x8xf32> to vector<2000x8xf32>
    %add3A = arith.addf %get3A_15, %get3A_20 : vector<2000x8xf32>
    %mul3A = arith.constant 3.125000e-02 : f32
    %mul3A_21 = vector.broadcast %mul3A : f32 to vector<2000x8xf32>
    %mul3A_22 = arith.mulf %add3A, %mul3A_21 : vector<2000x8xf32>
    %swap3A_23 = arith.constant 0 : index
    %swap3A_24 = arith.constant 0 : index
    %swap3A_25 = vector.load %arg6[%swap3A_23, %swap3A_24] : memref<2000x8xf32, #tpu.memory_space<vmem>>, vector<2000x8xf32>
    tpu.vector_store %arg6[%swap3A_23, %swap3A_24], %mul3A_22 {strides = array<i32>} : memref<2000x8xf32, #tpu.memory_space<vmem>>, vector<2000x8xf32>,
    return
  }
  func.func @transform_0(%arg0: i32) -> (i32, i32) {
    %c0_i32 = arith.constant 0 : i32
    %c0_i32_0 = arith.constant 0 : i32
    return %arg0, %c0_i32 : i32, i32
  }
  func.func @transform_1(%arg0: i32) -> (i32, i32, i32) {
    %c0_i32 = arith.constant 0 : i32
    %c0_i32_0 = arith.constant 0 : i32
    %c0_i32_1 = arith.constant 0 : i32
    return %c0_i32, %arg0, %c0_i32_0 : i32, i32, i32
  }
  func.func @transform_2(%arg0: i32) -> (i32, i32, i32) {
    %c1_i32 = arith.constant 1 : i32
    %c0_i32 = arith.constant 0 : i32
    %c0_i32_0 = arith.constant 0 : i32
    return %c1_i32, %arg0, %c0_i32 : i32, i32, i32
  }
  func.func @transform_3(%arg0: i32) -> (i32, i32) {
    %c0_i32 = arith.constant 0 : i32
    %c0_i32_0 = arith.constant 0 : i32
    %c0_i32_1 = arith.constant 0 : i32
    return %c0_i32, %c0_i32_0 : i32, i32
  }
  func.func @transform_4(%arg0: i32) -> (i32, i32) {
    %c0_i32 = arith.constant 0 : i32
    %c0_i32_0 = arith.constant 0 : i32
    return %arg0, %c0_i32 : i32, i32
  }
  func.func @transform_5(%arg0: i32) -> (i32, i32) {
    %c0_i32 = arith.constant 0 : i32
    %c0_i32_0 = arith.constant 0 : i32
    return %arg0, %c0_i32 : i32, i32
  }
}

module attributes {stable_mosaic.version = 14 : i64} {
  func.func @_pack_qk_body(%arg0: i32, %arg1: memref<2000x128xf32, #tpu.memory_space<vmem>>, %arg2: memref<2000x8xf32, #tpu.memory_space<vmem>>, %arg3: memref<128x128xf32, #tpu.memory_space<vmem>>, %arg4: memref<128x128xf32, #tpu.memory_space<vmem>>, %arg5: memref<128x32xf32, #tpu.memory_space<vmem>>, %arg6: memref<128x32xf32, #tpu.memory_space<vmem>>, %arg7: memref<2000x256xf32, #tpu.memory_space<vmem>>, %arg8: memref<2000x384xf32, #tpu.memory_space<vmem>>) attributes {dimension_semantics = [#tpu.dimension_semantics<arbitrary>], iteration_bounds = array<i64: 5>, scalar_prefetch = 0 : i64, scratch_operands = 0 : i64, tpu.core_type = #tpu.core_type<tc>, window_params = [{transform_indices = @transform_0, window_bounds = array<i64: 2000, 128>}, {transform_indices = @transform_1, window_bounds = array<i64: 2000, 8>}, {pipeline_mode = #tpu.pipeline_mode<synchronous>, transform_indices = @transform_2, window_bounds = array<i64: 128, 128>}, {pipeline_mode = #tpu.pipeline_mode<synchronous>, transform_indices = @transform_3, window_bounds = array<i64: 128, 128>}, {pipeline_mode = #tpu.pipeline_mode<synchronous>, transform_indices = @transform_4, window_bounds = array<i64: 128, 32>}, {pipeline_mode = #tpu.pipeline_mode<synchronous>, transform_indices = @transform_5, window_bounds = array<i64: 128, 32>}, {transform_indices = @transform_6, window_bounds = array<i64: 2000, 256>}, {transform_indices = @transform_7, window_bounds = array<i64: 2000, 384>}]} {
    %get3A = arith.constant 0 : index
    %get3A_0 = arith.constant 0 : index
    %get3A_1 = vector.load %arg1[%get3A, %get3A_0] : memref<2000x128xf32, #tpu.memory_space<vmem>>, vector<2000x128xf32>
    %get3A_2 = arith.constant 0 : index
    %get3A_3 = arith.constant 0 : index
    %get3A_4 = vector.load %arg2[%get3A_2, %get3A_3] : memref<2000x8xf32, #tpu.memory_space<vmem>>, vector<2000x8xf32>
    %broadcast_in_dim3A = arith.constant 0.000000e+00 : f32
    %broadcast_in_dim3A_5 = vector.broadcast %broadcast_in_dim3A : f32 to vector<2000x88xf32>
    %get3A_6 = arith.constant 0 : index
    %get3A_7 = arith.constant 0 : index
    %get3A_8 = vector.load %arg3[%get3A_6, %get3A_7] : memref<128x128xf32, #tpu.memory_space<vmem>>, vector<128x128xf32>
    %dot_general3A = arith.constant dense<0.000000e+00> : vector<2000x128xf32>
    %dot_general3A_9 = tpu.matmul %get3A_1, %get3A_8, %dot_general3A {dimension_numbers = #tpu.dot_dimension_numbers<[1], [0], [0], [1], [0, 0, 1, 1], [], []>, transpose_lhs_hint = false} : vector<2000x128xf32>, vector<128x128xf32>, vector<2000x128xf32> -> vector<2000x128xf32>
    %get3A_10 = arith.constant 0 : index
    %get3A_11 = arith.constant 0 : index
    %get3A_12 = vector.load %arg5[%get3A_10, %get3A_11] : memref<128x32xf32, #tpu.memory_space<vmem>>, vector<128x32xf32>
    %dot_general3A_13 = arith.constant dense<0.000000e+00> : vector<2000x32xf32>
    %dot_general3A_14 = tpu.matmul %get3A_1, %get3A_12, %dot_general3A_13 {dimension_numbers = #tpu.dot_dimension_numbers<[1], [0], [0], [1], [0, 0, 1, 1], [], []>, transpose_lhs_hint = false} : vector<2000x128xf32>, vector<128x32xf32>, vector<2000x32xf32> -> vector<2000x32xf32>
    %concatenate3A = tpu.concatenate %dot_general3A_9, %dot_general3A_14, %get3A_4, %broadcast_in_dim3A_5 in 1 : vector<2000x128xf32>, vector<2000x32xf32>, vector<2000x8xf32>, vector<2000x88xf32> -> vector<2000x256xf32>
    %swap3A = arith.constant 0 : index
    %swap3A_15 = arith.constant 0 : index
    %swap3A_16 = vector.load %arg7[%swap3A, %swap3A_15] : memref<2000x256xf32, #tpu.memory_space<vmem>>, vector<2000x256xf32>
    tpu.vector_store %arg7[%swap3A, %swap3A_15], %concatenate3A {strides = array<i32>} : memref<2000x256xf32, #tpu.memory_space<vmem>>, vector<2000x256xf32>,
    %get3A_17 = arith.constant 0 : index
    %get3A_18 = arith.constant 0 : index
    %get3A_19 = vector.load %arg4[%get3A_17, %get3A_18] : memref<128x128xf32, #tpu.memory_space<vmem>>, vector<128x128xf32>
    %dot_general3A_20 = arith.constant dense<0.000000e+00> : vector<2000x128xf32>
    %dot_general3A_21 = tpu.matmul %get3A_1, %get3A_19, %dot_general3A_20 {dimension_numbers = #tpu.dot_dimension_numbers<[1], [0], [0], [1], [0, 0, 1, 1], [], []>, transpose_lhs_hint = false} : vector<2000x128xf32>, vector<128x128xf32>, vector<2000x128xf32> -> vector<2000x128xf32>
    %get3A_22 = arith.constant 0 : index
    %get3A_23 = arith.constant 0 : index
    %get3A_24 = vector.load %arg6[%get3A_22, %get3A_23] : memref<128x32xf32, #tpu.memory_space<vmem>>, vector<128x32xf32>
    %dot_general3A_25 = arith.constant dense<0.000000e+00> : vector<2000x32xf32>
    %dot_general3A_26 = tpu.matmul %get3A_1, %get3A_24, %dot_general3A_25 {dimension_numbers = #tpu.dot_dimension_numbers<[1], [0], [0], [1], [0, 0, 1, 1], [], []>, transpose_lhs_hint = false} : vector<2000x128xf32>, vector<128x32xf32>, vector<2000x32xf32> -> vector<2000x32xf32>
    %concatenate3A_27 = tpu.concatenate %dot_general3A_21, %get3A_1, %dot_general3A_26, %get3A_4, %broadcast_in_dim3A_5 in 1 : vector<2000x128xf32>, vector<2000x128xf32>, vector<2000x32xf32>, vector<2000x8xf32>, vector<2000x88xf32> -> vector<2000x384xf32>
    %swap3A_28 = arith.constant 0 : index
    %swap3A_29 = arith.constant 0 : index
    %swap3A_30 = vector.load %arg8[%swap3A_28, %swap3A_29] : memref<2000x384xf32, #tpu.memory_space<vmem>>, vector<2000x384xf32>
    tpu.vector_store %arg8[%swap3A_28, %swap3A_29], %concatenate3A_27 {strides = array<i32>} : memref<2000x384xf32, #tpu.memory_space<vmem>>, vector<2000x384xf32>,
    return
  }
  func.func @transform_0(%arg0: i32) -> (i32, i32) {
    %c0_i32 = arith.constant 0 : i32
    %c0_i32_0 = arith.constant 0 : i32
    return %arg0, %c0_i32 : i32, i32
  }
  func.func @transform_1(%arg0: i32) -> (i32, i32) {
    %c0_i32 = arith.constant 0 : i32
    %c0_i32_0 = arith.constant 0 : i32
    return %arg0, %c0_i32 : i32, i32
  }
  func.func @transform_2(%arg0: i32) -> (i32, i32) {
    %c0_i32 = arith.constant 0 : i32
    %c0_i32_0 = arith.constant 0 : i32
    %c0_i32_1 = arith.constant 0 : i32
    return %c0_i32, %c0_i32_0 : i32, i32
  }
  func.func @transform_3(%arg0: i32) -> (i32, i32) {
    %c0_i32 = arith.constant 0 : i32
    %c0_i32_0 = arith.constant 0 : i32
    %c0_i32_1 = arith.constant 0 : i32
    return %c0_i32, %c0_i32_0 : i32, i32
  }
  func.func @transform_4(%arg0: i32) -> (i32, i32) {
    %c0_i32 = arith.constant 0 : i32
    %c0_i32_0 = arith.constant 0 : i32
    %c0_i32_1 = arith.constant 0 : i32
    return %c0_i32, %c0_i32_0 : i32, i32
  }
  func.func @transform_5(%arg0: i32) -> (i32, i32) {
    %c0_i32 = arith.constant 0 : i32
    %c0_i32_0 = arith.constant 0 : i32
    %c0_i32_1 = arith.constant 0 : i32
    return %c0_i32, %c0_i32_0 : i32, i32
  }
  func.func @transform_6(%arg0: i32) -> (i32, i32) {
    %c0_i32 = arith.constant 0 : i32
    %c0_i32_0 = arith.constant 0 : i32
    return %arg0, %c0_i32 : i32, i32
  }
  func.func @transform_7(%arg0: i32) -> (i32, i32) {
    %c0_i32 = arith.constant 0 : i32
    %c0_i32_0 = arith.constant 0 : i32
    return %arg0, %c0_i32 : i32, i32
  }
}

module attributes {stable_mosaic.version = 14 : i64} {
  func.func @_edge_compute_body(%arg0: i32, %arg1: memref<2560x128xf32, #tpu.memory_space<vmem>>, %arg2: memref<2560x256xf32, #tpu.memory_space<vmem>>, %arg3: memref<2560x384xf32, #tpu.memory_space<vmem>>, %arg4: memref<32x128xf32, #tpu.memory_space<vmem>>, %arg5: memref<1x128xf32, #tpu.memory_space<vmem>>, %arg6: memref<128x128xf32, #tpu.memory_space<vmem>>, %arg7: memref<1x128xf32, #tpu.memory_space<vmem>>, %arg8: memref<2x128xf32, #tpu.memory_space<vmem>>, %arg9: memref<1x128xf32, #tpu.memory_space<vmem>>, %arg10: memref<128x128xf32, #tpu.memory_space<vmem>>, %arg11: memref<1x128xf32, #tpu.memory_space<vmem>>, %arg12: memref<32x64xf32, #tpu.memory_space<vmem>>, %arg13: memref<1x64xf32, #tpu.memory_space<vmem>>, %arg14: memref<64x32xf32, #tpu.memory_space<vmem>>, %arg15: memref<1x32xf32, #tpu.memory_space<vmem>>, %arg16: memref<2x64xf32, #tpu.memory_space<vmem>>, %arg17: memref<1x64xf32, #tpu.memory_space<vmem>>, %arg18: memref<64x32xf32, #tpu.memory_space<vmem>>, %arg19: memref<1x32xf32, #tpu.memory_space<vmem>>, %arg20: memref<2560x128xf32, #tpu.memory_space<vmem>>, %arg21: memref<2560x8xf32, #tpu.memory_space<vmem>>) attributes {dimension_semantics = [#tpu.dimension_semantics<arbitrary>], iteration_bounds = array<i64: 125>, scalar_prefetch = 0 : i64, scratch_operands = 0 : i64, tpu.core_type = #tpu.core_type<tc>, window_params = [{transform_indices = @transform_0, window_bounds = array<i64: 2560, 128>}, {transform_indices = @transform_1, window_bounds = array<i64: 2560, 256>}, {transform_indices = @transform_2, window_bounds = array<i64: 2560, 384>}, {pipeline_mode = #tpu.pipeline_mode<synchronous>, transform_indices = @transform_3, window_bounds = array<i64: 32, 128>}, {pipeline_mode = #tpu.pipeline_mode<synchronous>, transform_indices = @transform_4, window_bounds = array<i64: 1, 128>}, {pipeline_mode = #tpu.pipeline_mode<synchronous>, transform_indices = @transform_5, window_bounds = array<i64: 128, 128>}, {pipeline_mode = #tpu.pipeline_mode<synchronous>, transform_indices = @transform_6, window_bounds = array<i64: 1, 128>}, {pipeline_mode = #tpu.pipeline_mode<synchronous>, transform_indices = @transform_7, window_bounds = array<i64: 2, 128>}, {pipeline_mode = #tpu.pipeline_mode<synchronous>, transform_indices = @transform_8, window_bounds = array<i64: 1, 128>}, {pipeline_mode = #tpu.pipeline_mode<synchronous>, transform_indices = @transform_9, window_bounds = array<i64: 128, 128>}, {pipeline_mode = #tpu.pipeline_mode<synchronous>, transform_indices = @transform_10, window_bounds = array<i64: 1, 128>}, {pipeline_mode = #tpu.pipeline_mode<synchronous>, transform_indices = @transform_11, window_bounds = array<i64: 32, 64>}, {pipeline_mode = #tpu.pipeline_mode<synchronous>, transform_indices = @transform_12, window_bounds = array<i64: 1, 64>}, {pipeline_mode = #tpu.pipeline_mode<synchronous>, transform_indices = @transform_13, window_bounds = array<i64: 64, 32>}, {pipeline_mode = #tpu.pipeline_mode<synchronous>, transform_indices = @transform_14, window_bounds = array<i64: 1, 32>}, {pipeline_mode = #tpu.pipeline_mode<synchronous>, transform_indices = @transform_15, window_bounds = array<i64: 2, 64>}, {pipeline_mode = #tpu.pipeline_mode<synchronous>, transform_indices = @transform_16, window_bounds = array<i64: 1, 64>}, {pipeline_mode = #tpu.pipeline_mode<synchronous>, transform_indices = @transform_17, window_bounds = array<i64: 64, 32>}, {pipeline_mode = #tpu.pipeline_mode<synchronous>, transform_indices = @transform_18, window_bounds = array<i64: 1, 32>}, {transform_indices = @transform_19, window_bounds = array<i64: 2560, 128>}, {transform_indices = @transform_20, window_bounds = array<i64: 2560, 8>}]} {
    %get3A = arith.constant 0 : index
    %get3A_0 = arith.constant 0 : index
    %get3A_1 = vector.load %arg1[%get3A, %get3A_0] : memref<2560x128xf32, #tpu.memory_space<vmem>>, vector<2560x128xf32>
    %get3A_2 = arith.constant 0 : index
    %get3A_3 = arith.constant 0 : index
    %get3A_4 = vector.load %arg2[%get3A_2, %get3A_3] : memref<2560x256xf32, #tpu.memory_space<vmem>>, vector<2560x256xf32>
    %get3A_5 = arith.constant 0 : index
    %get3A_6 = arith.constant 0 : index
    %get3A_7 = vector.load %arg3[%get3A_5, %get3A_6] : memref<2560x384xf32, #tpu.memory_space<vmem>>, vector<2560x384xf32>
    %slice3A = vector.extract_strided_slice %get3A_4 {offsets = [0, 0], sizes = [2560, 128], strides = [1, 1]} : vector<2560x256xf32> to vector<2560x128xf32>
    %slice3A_8 = vector.extract_strided_slice %get3A_4 {offsets = [0, 128], sizes = [2560, 32], strides = [1, 1]} : vector<2560x256xf32> to vector<2560x32xf32>
    %slice3A_9 = vector.extract_strided_slice %get3A_4 {offsets = [0, 160], sizes = [2560, 8], strides = [1, 1]} : vector<2560x256xf32> to vector<2560x8xf32>
    %slice3A_10 = vector.extract_strided_slice %get3A_7 {offsets = [0, 0], sizes = [2560, 128], strides = [1, 1]} : vector<2560x384xf32> to vector<2560x128xf32>
    %slice3A_11 = vector.extract_strided_slice %get3A_7 {offsets = [0, 128], sizes = [2560, 128], strides = [1, 1]} : vector<2560x384xf32> to vector<2560x128xf32>
    %slice3A_12 = vector.extract_strided_slice %get3A_7 {offsets = [0, 256], sizes = [2560, 32], strides = [1, 1]} : vector<2560x384xf32> to vector<2560x32xf32>
    %slice3A_13 = vector.extract_strided_slice %get3A_7 {offsets = [0, 288], sizes = [2560, 8], strides = [1, 1]} : vector<2560x384xf32> to vector<2560x8xf32>
    %sub3A = arith.subf %slice3A_13, %slice3A_9 : vector<2560x8xf32>
    %slice3A_14 = vector.extract_strided_slice %sub3A {offsets = [0, 0], sizes = [2560, 3], strides = [1, 1]} : vector<2560x8xf32> to vector<2560x3xf32>
    %integer_pow3A = arith.mulf %slice3A_14, %slice3A_14 : vector<2560x3xf32>
    %reduce_sum3A = arith.constant dense<0.000000e+00> : vector<2560xf32>
    %reduce_sum3A_15 = vector.multi_reduction <add>, %integer_pow3A, %reduce_sum3A [1] : vector<2560x3xf32> to vector<2560xf32>
    %slice3A_16 = vector.extract_strided_slice %sub3A {offsets = [0, 3], sizes = [2560, 5], strides = [1, 1]} : vector<2560x8xf32> to vector<2560x5xf32>
    %integer_pow3A_17 = arith.mulf %slice3A_16, %slice3A_16 : vector<2560x5xf32>
    %reduce_sum3A_18 = arith.constant dense<0.000000e+00> : vector<2560xf32>
    %reduce_sum3A_19 = vector.multi_reduction <add>, %integer_pow3A_17, %reduce_sum3A_18 [1] : vector<2560x5xf32> to vector<2560xf32>
    %stack3A = vector.shape_cast %reduce_sum3A_15 : vector<2560xf32> to vector<2560x1xf32>
    %stack3A_20 = vector.shape_cast %reduce_sum3A_19 : vector<2560xf32> to vector<2560x1xf32>
    %stack3A_21 = tpu.concatenate %stack3A, %stack3A_20 in 1 : vector<2560x1xf32>, vector<2560x1xf32> -> vector<2560x2xf32>
    %slice3A_22 = vector.extract_strided_slice %get3A_1 {offsets = [0, 0], sizes = [2560, 32], strides = [1, 1]} : vector<2560x128xf32> to vector<2560x32xf32>
    %slice3A_23 = vector.extract_strided_slice %get3A_1 {offsets = [0, 32], sizes = [2560, 8], strides = [1, 1]} : vector<2560x128xf32> to vector<2560x8xf32>
    %slice3A_24 = vector.extract_strided_slice %get3A_1 {offsets = [0, 48], sizes = [2560, 1], strides = [1, 1]} : vector<2560x128xf32> to vector<2560x1xf32>
    %get3A_25 = arith.constant 0 : index
    %get3A_26 = arith.constant 0 : index
    %get3A_27 = vector.load %arg4[%get3A_25, %get3A_26] : memref<32x128xf32, #tpu.memory_space<vmem>>, vector<32x128xf32>
    %dot_general3A = arith.constant dense<0.000000e+00> : vector<2560x128xf32>
    %dot_general3A_28 = tpu.matmul %slice3A_22, %get3A_27, %dot_general3A {dimension_numbers = #tpu.dot_dimension_numbers<[1], [0], [0], [1], [0, 0, 1, 1], [], []>, transpose_lhs_hint = false} : vector<2560x32xf32>, vector<32x128xf32>, vector<2560x128xf32> -> vector<2560x128xf32>
    %get3A_29 = arith.constant 0 : index
    %get3A_30 = arith.constant 0 : index
    %get3A_31 = vector.load %arg5[%get3A_29, %get3A_30] : memref<1x128xf32, #tpu.memory_space<vmem>>, vector<1x128xf32>
    %add3A = vector.broadcast %get3A_31 : vector<1x128xf32> to vector<2560x128xf32>
    %add3A_32 = arith.addf %dot_general3A_28, %add3A : vector<2560x128xf32>
    %logistic3A = arith.negf %add3A_32 : vector<2560x128xf32>
    %logistic3A_33 = math.exp %logistic3A : vector<2560x128xf32>
    %logistic3A_34 = arith.constant 1.000000e+00 : f32
    %logistic3A_35 = vector.broadcast %logistic3A_34 : f32 to vector<2560x128xf32>
    %logistic3A_36 = arith.addf %logistic3A_35, %logistic3A_33 : vector<2560x128xf32>
    %logistic3A_37 = arith.divf %logistic3A_35, %logistic3A_36 : vector<2560x128xf32>
    %mul3A = arith.mulf %add3A_32, %logistic3A_37 : vector<2560x128xf32>
    %get3A_38 = arith.constant 0 : index
    %get3A_39 = arith.constant 0 : index
    %get3A_40 = vector.load %arg6[%get3A_38, %get3A_39] : memref<128x128xf32, #tpu.memory_space<vmem>>, vector<128x128xf32>
    %dot_general3A_41 = arith.constant dense<0.000000e+00> : vector<2560x128xf32>
    %dot_general3A_42 = tpu.matmul %mul3A, %get3A_40, %dot_general3A_41 {dimension_numbers = #tpu.dot_dimension_numbers<[1], [0], [0], [1], [0, 0, 1, 1], [], []>, transpose_lhs_hint = false} : vector<2560x128xf32>, vector<128x128xf32>, vector<2560x128xf32> -> vector<2560x128xf32>
    %get3A_43 = arith.constant 0 : index
    %get3A_44 = arith.constant 0 : index
    %get3A_45 = vector.load %arg7[%get3A_43, %get3A_44] : memref<1x128xf32, #tpu.memory_space<vmem>>, vector<1x128xf32>
    %add3A_46 = vector.broadcast %get3A_45 : vector<1x128xf32> to vector<2560x128xf32>
    %add3A_47 = arith.addf %dot_general3A_42, %add3A_46 : vector<2560x128xf32>
    %get3A_48 = arith.constant 0 : index
    %get3A_49 = arith.constant 0 : index
    %get3A_50 = vector.load %arg8[%get3A_48, %get3A_49] : memref<2x128xf32, #tpu.memory_space<vmem>>, vector<2x128xf32>
    %dot_general3A_51 = arith.constant dense<0.000000e+00> : vector<2560x128xf32>
    %dot_general3A_52 = tpu.matmul %stack3A_21, %get3A_50, %dot_general3A_51 {dimension_numbers = #tpu.dot_dimension_numbers<[1], [0], [0], [1], [0, 0, 1, 1], [], []>, transpose_lhs_hint = false} : vector<2560x2xf32>, vector<2x128xf32>, vector<2560x128xf32> -> vector<2560x128xf32>
    %get3A_53 = arith.constant 0 : index
    %get3A_54 = arith.constant 0 : index
    %get3A_55 = vector.load %arg9[%get3A_53, %get3A_54] : memref<1x128xf32, #tpu.memory_space<vmem>>, vector<1x128xf32>
    %add3A_56 = vector.broadcast %get3A_55 : vector<1x128xf32> to vector<2560x128xf32>
    %add3A_57 = arith.addf %dot_general3A_52, %add3A_56 : vector<2560x128xf32>
    %logistic3A_58 = arith.negf %add3A_57 : vector<2560x128xf32>
    %logistic3A_59 = math.exp %logistic3A_58 : vector<2560x128xf32>
    %logistic3A_60 = arith.constant 1.000000e+00 : f32
    %logistic3A_61 = vector.broadcast %logistic3A_60 : f32 to vector<2560x128xf32>
    %logistic3A_62 = arith.addf %logistic3A_61, %logistic3A_59 : vector<2560x128xf32>
    %logistic3A_63 = arith.divf %logistic3A_61, %logistic3A_62 : vector<2560x128xf32>
    %mul3A_64 = arith.mulf %add3A_57, %logistic3A_63 : vector<2560x128xf32>
    %get3A_65 = arith.constant 0 : index
    %get3A_66 = arith.constant 0 : index
    %get3A_67 = vector.load %arg10[%get3A_65, %get3A_66] : memref<128x128xf32, #tpu.memory_space<vmem>>, vector<128x128xf32>
    %dot_general3A_68 = arith.constant dense<0.000000e+00> : vector<2560x128xf32>
    %dot_general3A_69 = tpu.matmul %mul3A_64, %get3A_67, %dot_general3A_68 {dimension_numbers = #tpu.dot_dimension_numbers<[1], [0], [0], [1], [0, 0, 1, 1], [], []>, transpose_lhs_hint = false} : vector<2560x128xf32>, vector<128x128xf32>, vector<2560x128xf32> -> vector<2560x128xf32>
    %add3A_70 = arith.addf %add3A_47, %dot_general3A_69 : vector<2560x128xf32>
    %get3A_71 = arith.constant 0 : index
    %get3A_72 = arith.constant 0 : index
    %get3A_73 = vector.load %arg11[%get3A_71, %get3A_72] : memref<1x128xf32, #tpu.memory_space<vmem>>, vector<1x128xf32>
    %add3A_74 = vector.broadcast %get3A_73 : vector<1x128xf32> to vector<2560x128xf32>
    %add3A_75 = arith.addf %add3A_70, %add3A_74 : vector<2560x128xf32>
    %mul3A_76 = arith.mulf %slice3A, %add3A_75 : vector<2560x128xf32>
    %mul3A_77 = arith.mulf %mul3A_76, %slice3A_10 : vector<2560x128xf32>
    %iota3A = tpu.iota {dimensions = array<i32: 0>} : vector<128x4xi32>
    %jit3A = arith.constant 32 : i32
    %div3A = vector.broadcast %jit3A : i32 to vector<128x4xi32>
    %div3A_78 = arith.divsi %iota3A, %div3A : vector<128x4xi32>
    %sign3A = arith.constant 0 : i32
    %sign3A_79 = vector.broadcast %sign3A : i32 to vector<128x4xi32>
    %sign3A_80 = arith.cmpi sgt, %iota3A, %sign3A_79 : vector<128x4xi32>
    %sign3A_81 = arith.extui %sign3A_80 : vector<128x4xi1> to vector<128x4xi32>
    %sign3A_82 = arith.constant 0 : i32
    %sign3A_83 = vector.broadcast %sign3A_82 : i32 to vector<128x4xi32>
    %sign3A_84 = arith.cmpi slt, %iota3A, %sign3A_83 : vector<128x4xi32>
    %sign3A_85 = arith.extui %sign3A_84 : vector<128x4xi1> to vector<128x4xi32>
    %sign3A_86 = arith.subi %sign3A_81, %sign3A_85 : vector<128x4xi32>
    %sign3A_87 = arith.constant 0 : i32
    %sign3A_88 = arith.cmpi sgt, %jit3A, %sign3A_87 : i32
    %sign3A_89 = arith.extui %sign3A_88 : i1 to i32
    %sign3A_90 = arith.constant 0 : i32
    %sign3A_91 = arith.cmpi slt, %jit3A, %sign3A_90 : i32
    %sign3A_92 = arith.extui %sign3A_91 : i1 to i32
    %sign3A_93 = arith.subi %sign3A_89, %sign3A_92 : i32
    %ne3A = vector.broadcast %sign3A_93 : i32 to vector<128x4xi32>
    %ne3A_94 = arith.cmpi ne, %sign3A_86, %ne3A : vector<128x4xi32>
    %rem3A = vector.broadcast %jit3A : i32 to vector<128x4xi32>
    %rem3A_95 = arith.remsi %iota3A, %rem3A : vector<128x4xi32>
    %ne3A_96 = arith.constant 0 : i32
    %ne3A_97 = vector.broadcast %ne3A_96 : i32 to vector<128x4xi32>
    %ne3A_98 = arith.cmpi ne, %rem3A_95, %ne3A_97 : vector<128x4xi32>
    %and3A = arith.andi %ne3A_94, %ne3A_98 : vector<128x4xi1>
    %sub3A_99 = arith.constant 1 : i32
    %sub3A_100 = vector.broadcast %sub3A_99 : i32 to vector<128x4xi32>
    %sub3A_101 = arith.subi %div3A_78, %sub3A_100 : vector<128x4xi32>
    %select_n3A = arith.select %and3A, %sub3A_101, %div3A_78 : vector<128x4xi1>, vector<128x4xi32>
    %iota3A_102 = tpu.iota {dimensions = array<i32: 1>} : vector<128x4xi32>
    %eq3A = arith.cmpi eq, %select_n3A, %iota3A_102 : vector<128x4xi32>
    %jit3A_103 = arith.constant 1.000000e+00 : f32
    %jit3A_104 = arith.constant 0.000000e+00 : f32
    %broadcast_in_dim3A = vector.broadcast %jit3A_103 : f32 to vector<128x4xf32>
    %broadcast_in_dim3A_105 = vector.broadcast %jit3A_104 : f32 to vector<128x4xf32>
    %select_n3A_106 = arith.select %eq3A, %broadcast_in_dim3A, %broadcast_in_dim3A_105 : vector<128x4xi1>, vector<128x4xf32>
    %dot_general3A_107 = arith.constant dense<0.000000e+00> : vector<2560x4xf32>
    %dot_general3A_108 = tpu.matmul %mul3A_77, %select_n3A_106, %dot_general3A_107 {dimension_numbers = #tpu.dot_dimension_numbers<[1], [0], [0], [1], [0, 0, 1, 1], [], []>, transpose_lhs_hint = false} : vector<2560x128xf32>, vector<128x4xf32>, vector<2560x4xf32> -> vector<2560x4xf32>
    %mul3A_109 = arith.constant 0.176776692 : f32
    %mul3A_110 = vector.broadcast %mul3A_109 : f32 to vector<2560x4xf32>
    %mul3A_111 = arith.mulf %dot_general3A_108, %mul3A_110 : vector<2560x4xf32>
    %mul3A_112 = vector.broadcast %slice3A_24 : vector<2560x1xf32> to vector<2560x4xf32>
    %mul3A_113 = arith.mulf %mul3A_111, %mul3A_112 : vector<2560x4xf32>
    %iota3A_114 = tpu.iota {dimensions = array<i32: 0>} : vector<4x128xi32>
    %iota3A_115 = tpu.iota {dimensions = array<i32: 1>} : vector<4x128xi32>
    %jit3A_116 = arith.constant 32 : i32
    %div3A_117 = vector.broadcast %jit3A_116 : i32 to vector<4x128xi32>
    %div3A_118 = arith.divsi %iota3A_115, %div3A_117 : vector<4x128xi32>
    %sign3A_119 = arith.constant 0 : i32
    %sign3A_120 = vector.broadcast %sign3A_119 : i32 to vector<4x128xi32>
    %sign3A_121 = arith.cmpi sgt, %iota3A_115, %sign3A_120 : vector<4x128xi32>
    %sign3A_122 = arith.extui %sign3A_121 : vector<4x128xi1> to vector<4x128xi32>
    %sign3A_123 = arith.constant 0 : i32
    %sign3A_124 = vector.broadcast %sign3A_123 : i32 to vector<4x128xi32>
    %sign3A_125 = arith.cmpi slt, %iota3A_115, %sign3A_124 : vector<4x128xi32>
    %sign3A_126 = arith.extui %sign3A_125 : vector<4x128xi1> to vector<4x128xi32>
    %sign3A_127 = arith.subi %sign3A_122, %sign3A_126 : vector<4x128xi32>
    %sign3A_128 = arith.constant 0 : i32
    %sign3A_129 = arith.cmpi sgt, %jit3A_116, %sign3A_128 : i32
    %sign3A_130 = arith.extui %sign3A_129 : i1 to i32
    %sign3A_131 = arith.constant 0 : i32
    %sign3A_132 = arith.cmpi slt, %jit3A_116, %sign3A_131 : i32
    %sign3A_133 = arith.extui %sign3A_132 : i1 to i32
    %sign3A_134 = arith.subi %sign3A_130, %sign3A_133 : i32
    %ne3A_135 = vector.broadcast %sign3A_134 : i32 to vector<4x128xi32>
    %ne3A_136 = arith.cmpi ne, %sign3A_127, %ne3A_135 : vector<4x128xi32>
    %rem3A_137 = vector.broadcast %jit3A_116 : i32 to vector<4x128xi32>
    %rem3A_138 = arith.remsi %iota3A_115, %rem3A_137 : vector<4x128xi32>
    %ne3A_139 = arith.constant 0 : i32
    %ne3A_140 = vector.broadcast %ne3A_139 : i32 to vector<4x128xi32>
    %ne3A_141 = arith.cmpi ne, %rem3A_138, %ne3A_140 : vector<4x128xi32>
    %and3A_142 = arith.andi %ne3A_136, %ne3A_141 : vector<4x128xi1>
    %sub3A_143 = arith.constant 1 : i32
    %sub3A_144 = vector.broadcast %sub3A_143 : i32 to vector<4x128xi32>
    %sub3A_145 = arith.subi %div3A_118, %sub3A_144 : vector<4x128xi32>
    %select_n3A_146 = arith.select %and3A_142, %sub3A_145, %div3A_118 : vector<4x128xi1>, vector<4x128xi32>
    %eq3A_147 = arith.cmpi eq, %select_n3A_146, %iota3A_114 : vector<4x128xi32>
    %jit3A_148 = arith.constant 1.000000e+00 : f32
    %jit3A_149 = arith.constant 0.000000e+00 : f32
    %broadcast_in_dim3A_150 = vector.broadcast %jit3A_148 : f32 to vector<4x128xf32>
    %broadcast_in_dim3A_151 = vector.broadcast %jit3A_149 : f32 to vector<4x128xf32>
    %select_n3A_152 = arith.select %eq3A_147, %broadcast_in_dim3A_150, %broadcast_in_dim3A_151 : vector<4x128xi1>, vector<4x128xf32>
    %dot_general3A_153 = arith.constant dense<0.000000e+00> : vector<2560x128xf32>
    %dot_general3A_154 = tpu.matmul %mul3A_113, %select_n3A_152, %dot_general3A_153 {dimension_numbers = #tpu.dot_dimension_numbers<[1], [0], [0], [1], [0, 0, 1, 1], [], []>, transpose_lhs_hint = false} : vector<2560x4xf32>, vector<4x128xf32>, vector<2560x128xf32> -> vector<2560x128xf32>
    %mul3A_155 = arith.mulf %dot_general3A_154, %slice3A_11 : vector<2560x128xf32>
    %swap3A = arith.constant 0 : index
    %swap3A_156 = arith.constant 0 : index
    %swap3A_157 = vector.load %arg20[%swap3A, %swap3A_156] : memref<2560x128xf32, #tpu.memory_space<vmem>>, vector<2560x128xf32>
    tpu.vector_store %arg20[%swap3A, %swap3A_156], %mul3A_155 {strides = array<i32>} : memref<2560x128xf32, #tpu.memory_space<vmem>>, vector<2560x128xf32>,
    %get3A_158 = arith.constant 0 : index
    %get3A_159 = arith.constant 0 : index
    %get3A_160 = vector.load %arg12[%get3A_158, %get3A_159] : memref<32x64xf32, #tpu.memory_space<vmem>>, vector<32x64xf32>
    %dot_general3A_161 = arith.constant dense<0.000000e+00> : vector<2560x64xf32>
    %dot_general3A_162 = tpu.matmul %slice3A_22, %get3A_160, %dot_general3A_161 {dimension_numbers = #tpu.dot_dimension_numbers<[1], [0], [0], [1], [0, 0, 1, 1], [], []>, transpose_lhs_hint = false} : vector<2560x32xf32>, vector<32x64xf32>, vector<2560x64xf32> -> vector<2560x64xf32>
    %get3A_163 = arith.constant 0 : index
    %get3A_164 = arith.constant 0 : index
    %get3A_165 = vector.load %arg13[%get3A_163, %get3A_164] : memref<1x64xf32, #tpu.memory_space<vmem>>, vector<1x64xf32>
    %add3A_166 = vector.broadcast %get3A_165 : vector<1x64xf32> to vector<2560x64xf32>
    %add3A_167 = arith.addf %dot_general3A_162, %add3A_166 : vector<2560x64xf32>
    %logistic3A_168 = arith.negf %add3A_167 : vector<2560x64xf32>
    %logistic3A_169 = math.exp %logistic3A_168 : vector<2560x64xf32>
    %logistic3A_170 = arith.constant 1.000000e+00 : f32
    %logistic3A_171 = vector.broadcast %logistic3A_170 : f32 to vector<2560x64xf32>
    %logistic3A_172 = arith.addf %logistic3A_171, %logistic3A_169 : vector<2560x64xf32>
    %logistic3A_173 = arith.divf %logistic3A_171, %logistic3A_172 : vector<2560x64xf32>
    %mul3A_174 = arith.mulf %add3A_167, %logistic3A_173 : vector<2560x64xf32>
    %get3A_175 = arith.constant 0 : index
    %get3A_176 = arith.constant 0 : index
    %get3A_177 = vector.load %arg14[%get3A_175, %get3A_176] : memref<64x32xf32, #tpu.memory_space<vmem>>, vector<64x32xf32>
    %dot_general3A_178 = arith.constant dense<0.000000e+00> : vector<2560x32xf32>
    %dot_general3A_179 = tpu.matmul %mul3A_174, %get3A_177, %dot_general3A_178 {dimension_numbers = #tpu.dot_dimension_numbers<[1], [0], [0], [1], [0, 0, 1, 1], [], []>, transpose_lhs_hint = false} : vector<2560x64xf32>, vector<64x32xf32>, vector<2560x32xf32> -> vector<2560x32xf32>
    %get3A_180 = arith.constant 0 : index
    %get3A_181 = arith.constant 0 : index
    %get3A_182 = vector.load %arg15[%get3A_180, %get3A_181] : memref<1x32xf32, #tpu.memory_space<vmem>>, vector<1x32xf32>
    %add3A_183 = vector.broadcast %get3A_182 : vector<1x32xf32> to vector<2560x32xf32>
    %add3A_184 = arith.addf %dot_general3A_179, %add3A_183 : vector<2560x32xf32>
    %get3A_185 = arith.constant 0 : index
    %get3A_186 = arith.constant 0 : index
    %get3A_187 = vector.load %arg16[%get3A_185, %get3A_186] : memref<2x64xf32, #tpu.memory_space<vmem>>, vector<2x64xf32>
    %dot_general3A_188 = arith.constant dense<0.000000e+00> : vector<2560x64xf32>
    %dot_general3A_189 = tpu.matmul %stack3A_21, %get3A_187, %dot_general3A_188 {dimension_numbers = #tpu.dot_dimension_numbers<[1], [0], [0], [1], [0, 0, 1, 1], [], []>, transpose_lhs_hint = false} : vector<2560x2xf32>, vector<2x64xf32>, vector<2560x64xf32> -> vector<2560x64xf32>
    %get3A_190 = arith.constant 0 : index
    %get3A_191 = arith.constant 0 : index
    %get3A_192 = vector.load %arg17[%get3A_190, %get3A_191] : memref<1x64xf32, #tpu.memory_space<vmem>>, vector<1x64xf32>
    %add3A_193 = vector.broadcast %get3A_192 : vector<1x64xf32> to vector<2560x64xf32>
    %add3A_194 = arith.addf %dot_general3A_189, %add3A_193 : vector<2560x64xf32>
    %logistic3A_195 = arith.negf %add3A_194 : vector<2560x64xf32>
    %logistic3A_196 = math.exp %logistic3A_195 : vector<2560x64xf32>
    %logistic3A_197 = arith.constant 1.000000e+00 : f32
    %logistic3A_198 = vector.broadcast %logistic3A_197 : f32 to vector<2560x64xf32>
    %logistic3A_199 = arith.addf %logistic3A_198, %logistic3A_196 : vector<2560x64xf32>
    %logistic3A_200 = arith.divf %logistic3A_198, %logistic3A_199 : vector<2560x64xf32>
    %mul3A_201 = arith.mulf %add3A_194, %logistic3A_200 : vector<2560x64xf32>
    %get3A_202 = arith.constant 0 : index
    %get3A_203 = arith.constant 0 : index
    %get3A_204 = vector.load %arg18[%get3A_202, %get3A_203] : memref<64x32xf32, #tpu.memory_space<vmem>>, vector<64x32xf32>
    %dot_general3A_205 = arith.constant dense<0.000000e+00> : vector<2560x32xf32>
    %dot_general3A_206 = tpu.matmul %mul3A_201, %get3A_204, %dot_general3A_205 {dimension_numbers = #tpu.dot_dimension_numbers<[1], [0], [0], [1], [0, 0, 1, 1], [], []>, transpose_lhs_hint = false} : vector<2560x64xf32>, vector<64x32xf32>, vector<2560x32xf32> -> vector<2560x32xf32>
    %add3A_207 = arith.addf %add3A_184, %dot_general3A_206 : vector<2560x32xf32>
    %get3A_208 = arith.constant 0 : index
    %get3A_209 = arith.constant 0 : index
    %get3A_210 = vector.load %arg19[%get3A_208, %get3A_209] : memref<1x32xf32, #tpu.memory_space<vmem>>, vector<1x32xf32>
    %add3A_211 = vector.broadcast %get3A_210 : vector<1x32xf32> to vector<2560x32xf32>
    %add3A_212 = arith.addf %add3A_207, %add3A_211 : vector<2560x32xf32>
    %mul3A_213 = arith.mulf %slice3A_8, %add3A_212 : vector<2560x32xf32>
    %mul3A_214 = arith.mulf %mul3A_213, %slice3A_12 : vector<2560x32xf32>
    %iota3A_215 = tpu.iota {dimensions = array<i32: 0>} : vector<32x2xi32>
    %jit3A_216 = arith.constant 16 : i32
    %div3A_217 = vector.broadcast %jit3A_216 : i32 to vector<32x2xi32>
    %div3A_218 = arith.divsi %iota3A_215, %div3A_217 : vector<32x2xi32>
    %sign3A_219 = arith.constant 0 : i32
    %sign3A_220 = vector.broadcast %sign3A_219 : i32 to vector<32x2xi32>
    %sign3A_221 = arith.cmpi sgt, %iota3A_215, %sign3A_220 : vector<32x2xi32>
    %sign3A_222 = arith.extui %sign3A_221 : vector<32x2xi1> to vector<32x2xi32>
    %sign3A_223 = arith.constant 0 : i32
    %sign3A_224 = vector.broadcast %sign3A_223 : i32 to vector<32x2xi32>
    %sign3A_225 = arith.cmpi slt, %iota3A_215, %sign3A_224 : vector<32x2xi32>
    %sign3A_226 = arith.extui %sign3A_225 : vector<32x2xi1> to vector<32x2xi32>
    %sign3A_227 = arith.subi %sign3A_222, %sign3A_226 : vector<32x2xi32>
    %sign3A_228 = arith.constant 0 : i32
    %sign3A_229 = arith.cmpi sgt, %jit3A_216, %sign3A_228 : i32
    %sign3A_230 = arith.extui %sign3A_229 : i1 to i32
    %sign3A_231 = arith.constant 0 : i32
    %sign3A_232 = arith.cmpi slt, %jit3A_216, %sign3A_231 : i32
    %sign3A_233 = arith.extui %sign3A_232 : i1 to i32
    %sign3A_234 = arith.subi %sign3A_230, %sign3A_233 : i32
    %ne3A_235 = vector.broadcast %sign3A_234 : i32 to vector<32x2xi32>
    %ne3A_236 = arith.cmpi ne, %sign3A_227, %ne3A_235 : vector<32x2xi32>
    %rem3A_237 = vector.broadcast %jit3A_216 : i32 to vector<32x2xi32>
    %rem3A_238 = arith.remsi %iota3A_215, %rem3A_237 : vector<32x2xi32>
    %ne3A_239 = arith.constant 0 : i32
    %ne3A_240 = vector.broadcast %ne3A_239 : i32 to vector<32x2xi32>
    %ne3A_241 = arith.cmpi ne, %rem3A_238, %ne3A_240 : vector<32x2xi32>
    %and3A_242 = arith.andi %ne3A_236, %ne3A_241 : vector<32x2xi1>
    %sub3A_243 = arith.constant 1 : i32
    %sub3A_244 = vector.broadcast %sub3A_243 : i32 to vector<32x2xi32>
    %sub3A_245 = arith.subi %div3A_218, %sub3A_244 : vector<32x2xi32>
    %select_n3A_246 = arith.select %and3A_242, %sub3A_245, %div3A_218 : vector<32x2xi1>, vector<32x2xi32>
    %iota3A_247 = tpu.iota {dimensions = array<i32: 1>} : vector<32x2xi32>
    %eq3A_248 = arith.cmpi eq, %select_n3A_246, %iota3A_247 : vector<32x2xi32>
    %jit3A_249 = arith.constant 1.000000e+00 : f32
    %jit3A_250 = arith.constant 0.000000e+00 : f32
    %broadcast_in_dim3A_251 = vector.broadcast %jit3A_249 : f32 to vector<32x2xf32>
    %broadcast_in_dim3A_252 = vector.broadcast %jit3A_250 : f32 to vector<32x2xf32>
    %select_n3A_253 = arith.select %eq3A_248, %broadcast_in_dim3A_251, %broadcast_in_dim3A_252 : vector<32x2xi1>, vector<32x2xf32>
    %dot_general3A_254 = arith.constant dense<0.000000e+00> : vector<2560x2xf32>
    %dot_general3A_255 = tpu.matmul %mul3A_214, %select_n3A_253, %dot_general3A_254 {dimension_numbers = #tpu.dot_dimension_numbers<[1], [0], [0], [1], [0, 0, 1, 1], [], []>, transpose_lhs_hint = false} : vector<2560x32xf32>, vector<32x2xf32>, vector<2560x2xf32> -> vector<2560x2xf32>
    %mul3A_256 = arith.constant 2.500000e-01 : f32
    %mul3A_257 = vector.broadcast %mul3A_256 : f32 to vector<2560x2xf32>
    %mul3A_258 = arith.mulf %dot_general3A_255, %mul3A_257 : vector<2560x2xf32>
    %mul3A_259 = vector.broadcast %slice3A_24 : vector<2560x1xf32> to vector<2560x2xf32>
    %mul3A_260 = arith.mulf %mul3A_258, %mul3A_259 : vector<2560x2xf32>
    %iota3A_261 = tpu.iota {dimensions = array<i32: 0>} : vector<2x8xi32>
    %iota3A_262 = tpu.iota {dimensions = array<i32: 1>} : vector<2x8xi32>
    %lt3A = arith.constant 3 : i32
    %lt3A_263 = vector.broadcast %lt3A : i32 to vector<2x8xi32>
    %lt3A_264 = arith.cmpi slt, %iota3A_262, %lt3A_263 : vector<2x8xi32>
    %eq3A_265 = arith.constant 0 : i32
    %eq3A_266 = vector.broadcast %eq3A_265 : i32 to vector<2x8xi32>
    %eq3A_267 = arith.cmpi eq, %iota3A_261, %eq3A_266 : vector<2x8xi32>
    %eq3A_268 = arith.xori %lt3A_264, %eq3A_267 : vector<2x8xi1>
    %eq3A_269 = arith.constant dense<true> : vector<2x8xi1>
    %eq3A_270 = arith.xori %eq3A_268, %eq3A_269 : vector<2x8xi1>
    %jit3A_271 = arith.constant 1.000000e+00 : f32
    %jit3A_272 = arith.constant 0.000000e+00 : f32
    %broadcast_in_dim3A_273 = vector.broadcast %jit3A_271 : f32 to vector<2x8xf32>
    %broadcast_in_dim3A_274 = vector.broadcast %jit3A_272 : f32 to vector<2x8xf32>
    %select_n3A_275 = arith.select %eq3A_270, %broadcast_in_dim3A_273, %broadcast_in_dim3A_274 : vector<2x8xi1>, vector<2x8xf32>
    %dot_general3A_276 = arith.constant dense<0.000000e+00> : vector<2560x8xf32>
    %dot_general3A_277 = tpu.matmul %mul3A_260, %select_n3A_275, %dot_general3A_276 {dimension_numbers = #tpu.dot_dimension_numbers<[1], [0], [0], [1], [0, 0, 1, 1], [], []>, transpose_lhs_hint = false} : vector<2560x2xf32>, vector<2x8xf32>, vector<2560x8xf32> -> vector<2560x8xf32>
    %mul3A_278 = arith.mulf %dot_general3A_277, %slice3A_23 : vector<2560x8xf32>
    %swap3A_279 = arith.constant 0 : index
    %swap3A_280 = arith.constant 0 : index
    %swap3A_281 = vector.load %arg21[%swap3A_279, %swap3A_280] : memref<2560x8xf32, #tpu.memory_space<vmem>>, vector<2560x8xf32>
    tpu.vector_store %arg21[%swap3A_279, %swap3A_280], %mul3A_278 {strides = array<i32>} : memref<2560x8xf32, #tpu.memory_space<vmem>>, vector<2560x8xf32>,
    return
  }
  func.func @transform_0(%arg0: i32) -> (i32, i32) {
    %c0_i32 = arith.constant 0 : i32
    %c0_i32_0 = arith.constant 0 : i32
    return %arg0, %c0_i32 : i32, i32
  }
  func.func @transform_1(%arg0: i32) -> (i32, i32) {
    %c0_i32 = arith.constant 0 : i32
    %c0_i32_0 = arith.constant 0 : i32
    return %arg0, %c0_i32 : i32, i32
  }
  func.func @transform_2(%arg0: i32) -> (i32, i32) {
    %c0_i32 = arith.constant 0 : i32
    %c0_i32_0 = arith.constant 0 : i32
    return %arg0, %c0_i32 : i32, i32
  }
  func.func @transform_3(%arg0: i32) -> (i32, i32) {
    %c0_i32 = arith.constant 0 : i32
    %c0_i32_0 = arith.constant 0 : i32
    %c0_i32_1 = arith.constant 0 : i32
    return %c0_i32, %c0_i32_0 : i32, i32
  }
  func.func @transform_4(%arg0: i32) -> (i32, i32) {
    %c0_i32 = arith.constant 0 : i32
    %c0_i32_0 = arith.constant 0 : i32
    %c0_i32_1 = arith.constant 0 : i32
    return %c0_i32, %c0_i32_0 : i32, i32
  }
  func.func @transform_5(%arg0: i32) -> (i32, i32) {
    %c0_i32 = arith.constant 0 : i32
    %c0_i32_0 = arith.constant 0 : i32
    %c0_i32_1 = arith.constant 0 : i32
    return %c0_i32, %c0_i32_0 : i32, i32
  }
  func.func @transform_6(%arg0: i32) -> (i32, i32) {
    %c0_i32 = arith.constant 0 : i32
    %c0_i32_0 = arith.constant 0 : i32
    %c0_i32_1 = arith.constant 0 : i32
    return %c0_i32, %c0_i32_0 : i32, i32
  }
  func.func @transform_7(%arg0: i32) -> (i32, i32) {
    %c0_i32 = arith.constant 0 : i32
    %c0_i32_0 = arith.constant 0 : i32
    %c0_i32_1 = arith.constant 0 : i32
    return %c0_i32, %c0_i32_0 : i32, i32
  }
  func.func @transform_8(%arg0: i32) -> (i32, i32) {
    %c0_i32 = arith.constant 0 : i32
    %c0_i32_0 = arith.constant 0 : i32
    %c0_i32_1 = arith.constant 0 : i32
    return %c0_i32, %c0_i32_0 : i32, i32
  }
  func.func @transform_9(%arg0: i32) -> (i32, i32) {
    %c0_i32 = arith.constant 0 : i32
    %c0_i32_0 = arith.constant 0 : i32
    %c0_i32_1 = arith.constant 0 : i32
    return %c0_i32, %c0_i32_0 : i32, i32
  }
  func.func @transform_10(%arg0: i32) -> (i32, i32) {
    %c0_i32 = arith.constant 0 : i32
    %c0_i32_0 = arith.constant 0 : i32
    %c0_i32_1 = arith.constant 0 : i32
    return %c0_i32, %c0_i32_0 : i32, i32
  }
  func.func @transform_11(%arg0: i32) -> (i32, i32) {
    %c0_i32 = arith.constant 0 : i32
    %c0_i32_0 = arith.constant 0 : i32
    %c0_i32_1 = arith.constant 0 : i32
    return %c0_i32, %c0_i32_0 : i32, i32
  }
  func.func @transform_12(%arg0: i32) -> (i32, i32) {
    %c0_i32 = arith.constant 0 : i32
    %c0_i32_0 = arith.constant 0 : i32
    %c0_i32_1 = arith.constant 0 : i32
    return %c0_i32, %c0_i32_0 : i32, i32
  }
  func.func @transform_13(%arg0: i32) -> (i32, i32) {
    %c0_i32 = arith.constant 0 : i32
    %c0_i32_0 = arith.constant 0 : i32
    %c0_i32_1 = arith.constant 0 : i32
    return %c0_i32, %c0_i32_0 : i32, i32
  }
  func.func @transform_14(%arg0: i32) -> (i32, i32) {
    %c0_i32 = arith.constant 0 : i32
    %c0_i32_0 = arith.constant 0 : i32
    %c0_i32_1 = arith.constant 0 : i32
    return %c0_i32, %c0_i32_0 : i32, i32
  }
  func.func @transform_15(%arg0: i32) -> (i32, i32) {
    %c0_i32 = arith.constant 0 : i32
    %c0_i32_0 = arith.constant 0 : i32
    %c0_i32_1 = arith.constant 0 : i32
    return %c0_i32, %c0_i32_0 : i32, i32
  }
  func.func @transform_16(%arg0: i32) -> (i32, i32) {
    %c0_i32 = arith.constant 0 : i32
    %c0_i32_0 = arith.constant 0 : i32
    %c0_i32_1 = arith.constant 0 : i32
    return %c0_i32, %c0_i32_0 : i32, i32
  }
  func.func @transform_17(%arg0: i32) -> (i32, i32) {
    %c0_i32 = arith.constant 0 : i32
    %c0_i32_0 = arith.constant 0 : i32
    %c0_i32_1 = arith.constant 0 : i32
    return %c0_i32, %c0_i32_0 : i32, i32
  }
  func.func @transform_18(%arg0: i32) -> (i32, i32) {
    %c0_i32 = arith.constant 0 : i32
    %c0_i32_0 = arith.constant 0 : i32
    %c0_i32_1 = arith.constant 0 : i32
    return %c0_i32, %c0_i32_0 : i32, i32
  }
  func.func @transform_19(%arg0: i32) -> (i32, i32) {
    %c0_i32 = arith.constant 0 : i32
    %c0_i32_0 = arith.constant 0 : i32
    return %arg0, %c0_i32 : i32, i32
  }
  func.func @transform_20(%arg0: i32) -> (i32, i32) {
    %c0_i32 = arith.constant 0 : i32
    %c0_i32_0 = arith.constant 0 : i32
    return %arg0, %c0_i32 : i32, i32
  }
}

module attributes {stable_mosaic.version = 14 : i64} {
  func.func @_node_update_body(%arg0: i32, %arg1: memref<2000x128xf32, #tpu.memory_space<vmem>>, %arg2: memref<2000x8xf32, #tpu.memory_space<vmem>>, %arg3: memref<2x2000x128xf32, #tpu.memory_space<vmem>>, %arg4: memref<2x2000x8xf32, #tpu.memory_space<vmem>>, %arg5: memref<128x128xf32, #tpu.memory_space<vmem>>, %arg6: memref<2x128xf32, #tpu.memory_space<vmem>>, %arg7: memref<128x2xf32, #tpu.memory_space<vmem>>, %arg8: memref<2x2xf32, #tpu.memory_space<vmem>>, %arg9: memref<1x128xf32, #tpu.memory_space<vmem>>, %arg10: memref<1x2xf32, #tpu.memory_space<vmem>>, %arg11: memref<2000x128xf32, #tpu.memory_space<vmem>>, %arg12: memref<2000x8xf32, #tpu.memory_space<vmem>>) attributes {dimension_semantics = [#tpu.dimension_semantics<arbitrary>], iteration_bounds = array<i64: 5>, scalar_prefetch = 0 : i64, scratch_operands = 0 : i64, tpu.core_type = #tpu.core_type<tc>, window_params = [{transform_indices = @transform_0, window_bounds = array<i64: 2000, 128>}, {transform_indices = @transform_1, window_bounds = array<i64: 2000, 8>}, {transform_indices = @transform_2, window_bounds = array<i64: 2, 2000, 128>}, {transform_indices = @transform_3, window_bounds = array<i64: 2, 2000, 8>}, {pipeline_mode = #tpu.pipeline_mode<synchronous>, transform_indices = @transform_4, window_bounds = array<i64: 128, 128>}, {pipeline_mode = #tpu.pipeline_mode<synchronous>, transform_indices = @transform_5, window_bounds = array<i64: 2, 128>}, {pipeline_mode = #tpu.pipeline_mode<synchronous>, transform_indices = @transform_6, window_bounds = array<i64: 128, 2>}, {pipeline_mode = #tpu.pipeline_mode<synchronous>, transform_indices = @transform_7, window_bounds = array<i64: 2, 2>}, {pipeline_mode = #tpu.pipeline_mode<synchronous>, transform_indices = @transform_8, window_bounds = array<i64: 1, 128>}, {pipeline_mode = #tpu.pipeline_mode<synchronous>, transform_indices = @transform_9, window_bounds = array<i64: 1, 2>}, {transform_indices = @transform_10, window_bounds = array<i64: 2000, 128>}, {transform_indices = @transform_11, window_bounds = array<i64: 2000, 8>}]} {
    %get3A = arith.constant 0 : index
    %get3A_0 = arith.constant 0 : index
    %get3A_1 = vector.load %arg1[%get3A, %get3A_0] : memref<2000x128xf32, #tpu.memory_space<vmem>>, vector<2000x128xf32>
    %get3A_2 = arith.constant 0 : index
    %get3A_3 = arith.constant 0 : index
    %get3A_4 = arith.constant 0 : index
    %get3A_5 = vector.load %arg3[%get3A_2, %get3A_3, %get3A_4] : memref<2x2000x128xf32, #tpu.memory_space<vmem>>, vector<1x2000x128xf32>
    %get3A_6 = vector.shape_cast %get3A_5 : vector<1x2000x128xf32> to vector<2000x128xf32>
    %get3A_7 = arith.constant 1 : index
    %get3A_8 = arith.constant 0 : index
    %get3A_9 = arith.constant 0 : index
    %get3A_10 = vector.load %arg3[%get3A_7, %get3A_8, %get3A_9] : memref<2x2000x128xf32, #tpu.memory_space<vmem>>, vector<1x2000x128xf32>
    %get3A_11 = vector.shape_cast %get3A_10 : vector<1x2000x128xf32> to vector<2000x128xf32>
    %add3A = arith.addf %get3A_6, %get3A_11 : vector<2000x128xf32>
    %mul3A = arith.constant 3.125000e-02 : f32
    %mul3A_12 = vector.broadcast %mul3A : f32 to vector<2000x128xf32>
    %mul3A_13 = arith.mulf %add3A, %mul3A_12 : vector<2000x128xf32>
    %add3A_14 = arith.addf %get3A_1, %mul3A_13 : vector<2000x128xf32>
    %get3A_15 = arith.constant 0 : index
    %get3A_16 = arith.constant 0 : index
    %get3A_17 = vector.load %arg2[%get3A_15, %get3A_16] : memref<2000x8xf32, #tpu.memory_space<vmem>>, vector<2000x8xf32>
    %get3A_18 = arith.constant 0 : index
    %get3A_19 = arith.constant 0 : index
    %get3A_20 = arith.constant 0 : index
    %get3A_21 = vector.load %arg4[%get3A_18, %get3A_19, %get3A_20] : memref<2x2000x8xf32, #tpu.memory_space<vmem>>, vector<1x2000x8xf32>
    %get3A_22 = vector.shape_cast %get3A_21 : vector<1x2000x8xf32> to vector<2000x8xf32>
    %get3A_23 = arith.constant 1 : index
    %get3A_24 = arith.constant 0 : index
    %get3A_25 = arith.constant 0 : index
    %get3A_26 = vector.load %arg4[%get3A_23, %get3A_24, %get3A_25] : memref<2x2000x8xf32, #tpu.memory_space<vmem>>, vector<1x2000x8xf32>
    %get3A_27 = vector.shape_cast %get3A_26 : vector<1x2000x8xf32> to vector<2000x8xf32>
    %add3A_28 = arith.addf %get3A_22, %get3A_27 : vector<2000x8xf32>
    %mul3A_29 = arith.constant 3.125000e-02 : f32
    %mul3A_30 = vector.broadcast %mul3A_29 : f32 to vector<2000x8xf32>
    %mul3A_31 = arith.mulf %add3A_28, %mul3A_30 : vector<2000x8xf32>
    %add3A_32 = arith.addf %get3A_17, %mul3A_31 : vector<2000x8xf32>
    %slice3A = vector.extract_strided_slice %add3A_32 {offsets = [0, 0], sizes = [2000, 3], strides = [1, 1]} : vector<2000x8xf32> to vector<2000x3xf32>
    %integer_pow3A = arith.mulf %slice3A, %slice3A : vector<2000x3xf32>
    %reduce_sum3A = arith.constant dense<0.000000e+00> : vector<2000xf32>
    %reduce_sum3A_33 = vector.multi_reduction <add>, %integer_pow3A, %reduce_sum3A [1] : vector<2000x3xf32> to vector<2000xf32>
    %slice3A_34 = vector.extract_strided_slice %add3A_32 {offsets = [0, 3], sizes = [2000, 5], strides = [1, 1]} : vector<2000x8xf32> to vector<2000x5xf32>
    %integer_pow3A_35 = arith.mulf %slice3A_34, %slice3A_34 : vector<2000x5xf32>
    %reduce_sum3A_36 = arith.constant dense<0.000000e+00> : vector<2000xf32>
    %reduce_sum3A_37 = vector.multi_reduction <add>, %integer_pow3A_35, %reduce_sum3A_36 [1] : vector<2000x5xf32> to vector<2000xf32>
    %stack3A = vector.shape_cast %reduce_sum3A_33 : vector<2000xf32> to vector<2000x1xf32>
    %stack3A_38 = vector.shape_cast %reduce_sum3A_37 : vector<2000xf32> to vector<2000x1xf32>
    %stack3A_39 = tpu.concatenate %stack3A, %stack3A_38 in 1 : vector<2000x1xf32>, vector<2000x1xf32> -> vector<2000x2xf32>
    %get3A_40 = arith.constant 0 : index
    %get3A_41 = arith.constant 0 : index
    %get3A_42 = vector.load %arg5[%get3A_40, %get3A_41] : memref<128x128xf32, #tpu.memory_space<vmem>>, vector<128x128xf32>
    %dot_general3A = arith.constant dense<0.000000e+00> : vector<2000x128xf32>
    %dot_general3A_43 = tpu.matmul %add3A_14, %get3A_42, %dot_general3A {dimension_numbers = #tpu.dot_dimension_numbers<[1], [0], [0], [1], [0, 0, 1, 1], [], []>, transpose_lhs_hint = false} : vector<2000x128xf32>, vector<128x128xf32>, vector<2000x128xf32> -> vector<2000x128xf32>
    %get3A_44 = arith.constant 0 : index
    %get3A_45 = arith.constant 0 : index
    %get3A_46 = vector.load %arg6[%get3A_44, %get3A_45] : memref<2x128xf32, #tpu.memory_space<vmem>>, vector<2x128xf32>
    %dot_general3A_47 = arith.constant dense<0.000000e+00> : vector<2000x128xf32>
    %dot_general3A_48 = tpu.matmul %stack3A_39, %get3A_46, %dot_general3A_47 {dimension_numbers = #tpu.dot_dimension_numbers<[1], [0], [0], [1], [0, 0, 1, 1], [], []>, transpose_lhs_hint = false} : vector<2000x2xf32>, vector<2x128xf32>, vector<2000x128xf32> -> vector<2000x128xf32>
    %add3A_49 = arith.addf %dot_general3A_43, %dot_general3A_48 : vector<2000x128xf32>
    %get3A_50 = arith.constant 0 : index
    %get3A_51 = arith.constant 0 : index
    %get3A_52 = vector.load %arg9[%get3A_50, %get3A_51] : memref<1x128xf32, #tpu.memory_space<vmem>>, vector<1x128xf32>
    %add3A_53 = vector.broadcast %get3A_52 : vector<1x128xf32> to vector<2000x128xf32>
    %add3A_54 = arith.addf %add3A_49, %add3A_53 : vector<2000x128xf32>
    %get3A_55 = arith.constant 0 : index
    %get3A_56 = arith.constant 0 : index
    %get3A_57 = vector.load %arg7[%get3A_55, %get3A_56] : memref<128x2xf32, #tpu.memory_space<vmem>>, vector<128x2xf32>
    %dot_general3A_58 = arith.constant dense<0.000000e+00> : vector<2000x2xf32>
    %dot_general3A_59 = tpu.matmul %add3A_14, %get3A_57, %dot_general3A_58 {dimension_numbers = #tpu.dot_dimension_numbers<[1], [0], [0], [1], [0, 0, 1, 1], [], []>, transpose_lhs_hint = false} : vector<2000x128xf32>, vector<128x2xf32>, vector<2000x2xf32> -> vector<2000x2xf32>
    %get3A_60 = arith.constant 0 : index
    %get3A_61 = arith.constant 0 : index
    %get3A_62 = vector.load %arg8[%get3A_60, %get3A_61] : memref<2x2xf32, #tpu.memory_space<vmem>>, vector<2x2xf32>
    %dot_general3A_63 = arith.constant dense<0.000000e+00> : vector<2000x2xf32>
    %dot_general3A_64 = tpu.matmul %stack3A_39, %get3A_62, %dot_general3A_63 {dimension_numbers = #tpu.dot_dimension_numbers<[1], [0], [0], [1], [0, 0, 1, 1], [], []>, transpose_lhs_hint = false} : vector<2000x2xf32>, vector<2x2xf32>, vector<2000x2xf32> -> vector<2000x2xf32>
    %add3A_65 = arith.addf %dot_general3A_59, %dot_general3A_64 : vector<2000x2xf32>
    %get3A_66 = arith.constant 0 : index
    %get3A_67 = arith.constant 0 : index
    %get3A_68 = vector.load %arg10[%get3A_66, %get3A_67] : memref<1x2xf32, #tpu.memory_space<vmem>>, vector<1x2xf32>
    %add3A_69 = vector.broadcast %get3A_68 : vector<1x2xf32> to vector<2000x2xf32>
    %add3A_70 = arith.addf %add3A_65, %add3A_69 : vector<2000x2xf32>
    %add3A_71 = arith.addf %add3A_14, %add3A_54 : vector<2000x128xf32>
    %swap3A = arith.constant 0 : index
    %swap3A_72 = arith.constant 0 : index
    %swap3A_73 = vector.load %arg11[%swap3A, %swap3A_72] : memref<2000x128xf32, #tpu.memory_space<vmem>>, vector<2000x128xf32>
    tpu.vector_store %arg11[%swap3A, %swap3A_72], %add3A_71 {strides = array<i32>} : memref<2000x128xf32, #tpu.memory_space<vmem>>, vector<2000x128xf32>,
    %iota3A = tpu.iota {dimensions = array<i32: 0>} : vector<2x8xi32>
    %iota3A_74 = tpu.iota {dimensions = array<i32: 1>} : vector<2x8xi32>
    %lt3A = arith.constant 3 : i32
    %lt3A_75 = vector.broadcast %lt3A : i32 to vector<2x8xi32>
    %lt3A_76 = arith.cmpi slt, %iota3A_74, %lt3A_75 : vector<2x8xi32>
    %eq3A = arith.constant 0 : i32
    %eq3A_77 = vector.broadcast %eq3A : i32 to vector<2x8xi32>
    %eq3A_78 = arith.cmpi eq, %iota3A, %eq3A_77 : vector<2x8xi32>
    %eq3A_79 = arith.xori %lt3A_76, %eq3A_78 : vector<2x8xi1>
    %eq3A_80 = arith.constant dense<true> : vector<2x8xi1>
    %eq3A_81 = arith.xori %eq3A_79, %eq3A_80 : vector<2x8xi1>
    %jit3A = arith.constant 1.000000e+00 : f32
    %jit3A_82 = arith.constant 0.000000e+00 : f32
    %broadcast_in_dim3A = vector.broadcast %jit3A : f32 to vector<2x8xf32>
    %broadcast_in_dim3A_83 = vector.broadcast %jit3A_82 : f32 to vector<2x8xf32>
    %select_n3A = arith.select %eq3A_81, %broadcast_in_dim3A, %broadcast_in_dim3A_83 : vector<2x8xi1>, vector<2x8xf32>
    %dot_general3A_84 = arith.constant dense<0.000000e+00> : vector<2000x8xf32>
    %dot_general3A_85 = tpu.matmul %add3A_70, %select_n3A, %dot_general3A_84 {dimension_numbers = #tpu.dot_dimension_numbers<[1], [0], [0], [1], [0, 0, 1, 1], [], []>, transpose_lhs_hint = false} : vector<2000x2xf32>, vector<2x8xf32>, vector<2000x8xf32> -> vector<2000x8xf32>
    %add3A_86 = arith.constant 1.000000e+00 : f32
    %add3A_87 = vector.broadcast %add3A_86 : f32 to vector<2000x8xf32>
    %add3A_88 = arith.addf %add3A_87, %dot_general3A_85 : vector<2000x8xf32>
    %mul3A_89 = arith.mulf %add3A_32, %add3A_88 : vector<2000x8xf32>
    %swap3A_90 = arith.constant 0 : index
    %swap3A_91 = arith.constant 0 : index
    %swap3A_92 = vector.load %arg12[%swap3A_90, %swap3A_91] : memref<2000x8xf32, #tpu.memory_space<vmem>>, vector<2000x8xf32>
    tpu.vector_store %arg12[%swap3A_90, %swap3A_91], %mul3A_89 {strides = array<i32>} : memref<2000x8xf32, #tpu.memory_space<vmem>>, vector<2000x8xf32>,
    return
  }
  func.func @transform_0(%arg0: i32) -> (i32, i32) {
    %c0_i32 = arith.constant 0 : i32
    %c0_i32_0 = arith.constant 0 : i32
    return %arg0, %c0_i32 : i32, i32
  }
  func.func @transform_1(%arg0: i32) -> (i32, i32) {
    %c0_i32 = arith.constant 0 : i32
    %c0_i32_0 = arith.constant 0 : i32
    return %arg0, %c0_i32 : i32, i32
  }
  func.func @transform_2(%arg0: i32) -> (i32, i32, i32) {
    %c0_i32 = arith.constant 0 : i32
    %c0_i32_0 = arith.constant 0 : i32
    %c0_i32_1 = arith.constant 0 : i32
    return %c0_i32, %arg0, %c0_i32_0 : i32, i32, i32
  }
  func.func @transform_3(%arg0: i32) -> (i32, i32, i32) {
    %c0_i32 = arith.constant 0 : i32
    %c0_i32_0 = arith.constant 0 : i32
    %c0_i32_1 = arith.constant 0 : i32
    return %c0_i32, %arg0, %c0_i32_0 : i32, i32, i32
  }
  func.func @transform_4(%arg0: i32) -> (i32, i32) {
    %c0_i32 = arith.constant 0 : i32
    %c0_i32_0 = arith.constant 0 : i32
    %c0_i32_1 = arith.constant 0 : i32
    return %c0_i32, %c0_i32_0 : i32, i32
  }
  func.func @transform_5(%arg0: i32) -> (i32, i32) {
    %c0_i32 = arith.constant 0 : i32
    %c0_i32_0 = arith.constant 0 : i32
    %c0_i32_1 = arith.constant 0 : i32
    return %c0_i32, %c0_i32_0 : i32, i32
  }
  func.func @transform_6(%arg0: i32) -> (i32, i32) {
    %c0_i32 = arith.constant 0 : i32
    %c0_i32_0 = arith.constant 0 : i32
    %c0_i32_1 = arith.constant 0 : i32
    return %c0_i32, %c0_i32_0 : i32, i32
  }
  func.func @transform_7(%arg0: i32) -> (i32, i32) {
    %c0_i32 = arith.constant 0 : i32
    %c0_i32_0 = arith.constant 0 : i32
    %c0_i32_1 = arith.constant 0 : i32
    return %c0_i32, %c0_i32_0 : i32, i32
  }
  func.func @transform_8(%arg0: i32) -> (i32, i32) {
    %c0_i32 = arith.constant 0 : i32
    %c0_i32_0 = arith.constant 0 : i32
    %c0_i32_1 = arith.constant 0 : i32
    return %c0_i32, %c0_i32_0 : i32, i32
  }
  func.func @transform_9(%arg0: i32) -> (i32, i32) {
    %c0_i32 = arith.constant 0 : i32
    %c0_i32_0 = arith.constant 0 : i32
    %c0_i32_1 = arith.constant 0 : i32
    return %c0_i32, %c0_i32_0 : i32, i32
  }
  func.func @transform_10(%arg0: i32) -> (i32, i32) {
    %c0_i32 = arith.constant 0 : i32
    %c0_i32_0 = arith.constant 0 : i32
    return %arg0, %c0_i32 : i32, i32
  }
  func.func @transform_11(%arg0: i32) -> (i32, i32) {
    %c0_i32 = arith.constant 0 : i32
    %c0_i32_0 = arith.constant 0 : i32
    return %arg0, %c0_i32 : i32, i32
  }
}

module attributes {stable_mosaic.version = 14 : i64} {
  func.func @_node_update_body(%arg0: i32, %arg1: memref<2000x128xf32, #tpu.memory_space<vmem>>, %arg2: memref<2000x8xf32, #tpu.memory_space<vmem>>, %arg3: memref<2x2000x128xf32, #tpu.memory_space<vmem>>, %arg4: memref<2x2000x8xf32, #tpu.memory_space<vmem>>, %arg5: memref<128x128xf32, #tpu.memory_space<vmem>>, %arg6: memref<2x128xf32, #tpu.memory_space<vmem>>, %arg7: memref<128x2xf32, #tpu.memory_space<vmem>>, %arg8: memref<2x2xf32, #tpu.memory_space<vmem>>, %arg9: memref<1x128xf32, #tpu.memory_space<vmem>>, %arg10: memref<1x2xf32, #tpu.memory_space<vmem>>, %arg11: memref<2000x128xf32, #tpu.memory_space<vmem>>, %arg12: memref<2000x8xf32, #tpu.memory_space<vmem>>) attributes {dimension_semantics = [#tpu.dimension_semantics<arbitrary>], iteration_bounds = array<i64: 5>, scalar_prefetch = 0 : i64, scratch_operands = 0 : i64, tpu.core_type = #tpu.core_type<tc>, window_params = [{transform_indices = @transform_0, window_bounds = array<i64: 2000, 128>}, {transform_indices = @transform_1, window_bounds = array<i64: 2000, 8>}, {transform_indices = @transform_2, window_bounds = array<i64: 2, 2000, 128>}, {transform_indices = @transform_3, window_bounds = array<i64: 2, 2000, 8>}, {pipeline_mode = #tpu.pipeline_mode<synchronous>, transform_indices = @transform_4, window_bounds = array<i64: 128, 128>}, {pipeline_mode = #tpu.pipeline_mode<synchronous>, transform_indices = @transform_5, window_bounds = array<i64: 2, 128>}, {pipeline_mode = #tpu.pipeline_mode<synchronous>, transform_indices = @transform_6, window_bounds = array<i64: 128, 2>}, {pipeline_mode = #tpu.pipeline_mode<synchronous>, transform_indices = @transform_7, window_bounds = array<i64: 2, 2>}, {pipeline_mode = #tpu.pipeline_mode<synchronous>, transform_indices = @transform_8, window_bounds = array<i64: 1, 128>}, {pipeline_mode = #tpu.pipeline_mode<synchronous>, transform_indices = @transform_9, window_bounds = array<i64: 1, 2>}, {transform_indices = @transform_10, window_bounds = array<i64: 2000, 128>}, {transform_indices = @transform_11, window_bounds = array<i64: 2000, 8>}]} {
    %get3A = arith.constant 0 : index
    %get3A_0 = arith.constant 0 : index
    %get3A_1 = vector.load %arg1[%get3A, %get3A_0] : memref<2000x128xf32, #tpu.memory_space<vmem>>, vector<2000x128xf32>
    %get3A_2 = arith.constant 0 : index
    %get3A_3 = arith.constant 0 : index
    %get3A_4 = arith.constant 0 : index
    %get3A_5 = vector.load %arg3[%get3A_2, %get3A_3, %get3A_4] : memref<2x2000x128xf32, #tpu.memory_space<vmem>>, vector<1x2000x128xf32>
    %get3A_6 = vector.shape_cast %get3A_5 : vector<1x2000x128xf32> to vector<2000x128xf32>
    %get3A_7 = arith.constant 1 : index
    %get3A_8 = arith.constant 0 : index
    %get3A_9 = arith.constant 0 : index
    %get3A_10 = vector.load %arg3[%get3A_7, %get3A_8, %get3A_9] : memref<2x2000x128xf32, #tpu.memory_space<vmem>>, vector<1x2000x128xf32>
    %get3A_11 = vector.shape_cast %get3A_10 : vector<1x2000x128xf32> to vector<2000x128xf32>
    %add3A = arith.addf %get3A_6, %get3A_11 : vector<2000x128xf32>
    %mul3A = arith.constant 3.125000e-02 : f32
    %mul3A_12 = vector.broadcast %mul3A : f32 to vector<2000x128xf32>
    %mul3A_13 = arith.mulf %add3A, %mul3A_12 : vector<2000x128xf32>
    %add3A_14 = arith.addf %get3A_1, %mul3A_13 : vector<2000x128xf32>
    %get3A_15 = arith.constant 0 : index
    %get3A_16 = arith.constant 0 : index
    %get3A_17 = vector.load %arg2[%get3A_15, %get3A_16] : memref<2000x8xf32, #tpu.memory_space<vmem>>, vector<2000x8xf32>
    %get3A_18 = arith.constant 0 : index
    %get3A_19 = arith.constant 0 : index
    %get3A_20 = arith.constant 0 : index
    %get3A_21 = vector.load %arg4[%get3A_18, %get3A_19, %get3A_20] : memref<2x2000x8xf32, #tpu.memory_space<vmem>>, vector<1x2000x8xf32>
    %get3A_22 = vector.shape_cast %get3A_21 : vector<1x2000x8xf32> to vector<2000x8xf32>
    %get3A_23 = arith.constant 1 : index
    %get3A_24 = arith.constant 0 : index
    %get3A_25 = arith.constant 0 : index
    %get3A_26 = vector.load %arg4[%get3A_23, %get3A_24, %get3A_25] : memref<2x2000x8xf32, #tpu.memory_space<vmem>>, vector<1x2000x8xf32>
    %get3A_27 = vector.shape_cast %get3A_26 : vector<1x2000x8xf32> to vector<2000x8xf32>
    %add3A_28 = arith.addf %get3A_22, %get3A_27 : vector<2000x8xf32>
    %mul3A_29 = arith.constant 3.125000e-02 : f32
    %mul3A_30 = vector.broadcast %mul3A_29 : f32 to vector<2000x8xf32>
    %mul3A_31 = arith.mulf %add3A_28, %mul3A_30 : vector<2000x8xf32>
    %add3A_32 = arith.addf %get3A_17, %mul3A_31 : vector<2000x8xf32>
    %slice3A = vector.extract_strided_slice %add3A_32 {offsets = [0, 0], sizes = [2000, 3], strides = [1, 1]} : vector<2000x8xf32> to vector<2000x3xf32>
    %integer_pow3A = arith.mulf %slice3A, %slice3A : vector<2000x3xf32>
    %reduce_sum3A = arith.constant dense<0.000000e+00> : vector<2000xf32>
    %reduce_sum3A_33 = vector.multi_reduction <add>, %integer_pow3A, %reduce_sum3A [1] : vector<2000x3xf32> to vector<2000xf32>
    %slice3A_34 = vector.extract_strided_slice %add3A_32 {offsets = [0, 3], sizes = [2000, 5], strides = [1, 1]} : vector<2000x8xf32> to vector<2000x5xf32>
    %integer_pow3A_35 = arith.mulf %slice3A_34, %slice3A_34 : vector<2000x5xf32>
    %reduce_sum3A_36 = arith.constant dense<0.000000e+00> : vector<2000xf32>
    %reduce_sum3A_37 = vector.multi_reduction <add>, %integer_pow3A_35, %reduce_sum3A_36 [1] : vector<2000x5xf32> to vector<2000xf32>
    %stack3A = vector.shape_cast %reduce_sum3A_33 : vector<2000xf32> to vector<2000x1xf32>
    %stack3A_38 = vector.shape_cast %reduce_sum3A_37 : vector<2000xf32> to vector<2000x1xf32>
    %stack3A_39 = tpu.concatenate %stack3A, %stack3A_38 in 1 : vector<2000x1xf32>, vector<2000x1xf32> -> vector<2000x2xf32>
    %get3A_40 = arith.constant 0 : index
    %get3A_41 = arith.constant 0 : index
    %get3A_42 = vector.load %arg5[%get3A_40, %get3A_41] : memref<128x128xf32, #tpu.memory_space<vmem>>, vector<128x128xf32>
    %dot_general3A = arith.constant dense<0.000000e+00> : vector<2000x128xf32>
    %dot_general3A_43 = tpu.matmul %add3A_14, %get3A_42, %dot_general3A {dimension_numbers = #tpu.dot_dimension_numbers<[1], [0], [0], [1], [0, 0, 1, 1], [], []>, transpose_lhs_hint = false} : vector<2000x128xf32>, vector<128x128xf32>, vector<2000x128xf32> -> vector<2000x128xf32>
    %get3A_44 = arith.constant 0 : index
    %get3A_45 = arith.constant 0 : index
    %get3A_46 = vector.load %arg6[%get3A_44, %get3A_45] : memref<2x128xf32, #tpu.memory_space<vmem>>, vector<2x128xf32>
    %dot_general3A_47 = arith.constant dense<0.000000e+00> : vector<2000x128xf32>
    %dot_general3A_48 = tpu.matmul %stack3A_39, %get3A_46, %dot_general3A_47 {dimension_numbers = #tpu.dot_dimension_numbers<[1], [0], [0], [1], [0, 0, 1, 1], [], []>, transpose_lhs_hint = false} : vector<2000x2xf32>, vector<2x128xf32>, vector<2000x128xf32> -> vector<2000x128xf32>
    %add3A_49 = arith.addf %dot_general3A_43, %dot_general3A_48 : vector<2000x128xf32>
    %get3A_50 = arith.constant 0 : index
    %get3A_51 = arith.constant 0 : index
    %get3A_52 = vector.load %arg9[%get3A_50, %get3A_51] : memref<1x128xf32, #tpu.memory_space<vmem>>, vector<1x128xf32>
    %add3A_53 = vector.broadcast %get3A_52 : vector<1x128xf32> to vector<2000x128xf32>
    %add3A_54 = arith.addf %add3A_49, %add3A_53 : vector<2000x128xf32>
    %get3A_55 = arith.constant 0 : index
    %get3A_56 = arith.constant 0 : index
    %get3A_57 = vector.load %arg7[%get3A_55, %get3A_56] : memref<128x2xf32, #tpu.memory_space<vmem>>, vector<128x2xf32>
    %dot_general3A_58 = arith.constant dense<0.000000e+00> : vector<2000x2xf32>
    %dot_general3A_59 = tpu.matmul %add3A_14, %get3A_57, %dot_general3A_58 {dimension_numbers = #tpu.dot_dimension_numbers<[1], [0], [0], [1], [0, 0, 1, 1], [], []>, transpose_lhs_hint = false} : vector<2000x128xf32>, vector<128x2xf32>, vector<2000x2xf32> -> vector<2000x2xf32>
    %get3A_60 = arith.constant 0 : index
    %get3A_61 = arith.constant 0 : index
    %get3A_62 = vector.load %arg8[%get3A_60, %get3A_61] : memref<2x2xf32, #tpu.memory_space<vmem>>, vector<2x2xf32>
    %dot_general3A_63 = arith.constant dense<0.000000e+00> : vector<2000x2xf32>
    %dot_general3A_64 = tpu.matmul %stack3A_39, %get3A_62, %dot_general3A_63 {dimension_numbers = #tpu.dot_dimension_numbers<[1], [0], [0], [1], [0, 0, 1, 1], [], []>, transpose_lhs_hint = false} : vector<2000x2xf32>, vector<2x2xf32>, vector<2000x2xf32> -> vector<2000x2xf32>
    %add3A_65 = arith.addf %dot_general3A_59, %dot_general3A_64 : vector<2000x2xf32>
    %get3A_66 = arith.constant 0 : index
    %get3A_67 = arith.constant 0 : index
    %get3A_68 = vector.load %arg10[%get3A_66, %get3A_67] : memref<1x2xf32, #tpu.memory_space<vmem>>, vector<1x2xf32>
    %add3A_69 = vector.broadcast %get3A_68 : vector<1x2xf32> to vector<2000x2xf32>
    %add3A_70 = arith.addf %add3A_65, %add3A_69 : vector<2000x2xf32>
    %add3A_71 = arith.addf %add3A_14, %add3A_54 : vector<2000x128xf32>
    %swap3A = arith.constant 0 : index
    %swap3A_72 = arith.constant 0 : index
    %swap3A_73 = vector.load %arg11[%swap3A, %swap3A_72] : memref<2000x128xf32, #tpu.memory_space<vmem>>, vector<2000x128xf32>
    tpu.vector_store %arg11[%swap3A, %swap3A_72], %add3A_71 {strides = array<i32>} : memref<2000x128xf32, #tpu.memory_space<vmem>>, vector<2000x128xf32>,
    %iota3A = tpu.iota {dimensions = array<i32: 0>} : vector<2x8xi32>
    %iota3A_74 = tpu.iota {dimensions = array<i32: 1>} : vector<2x8xi32>
    %lt3A = arith.constant 3 : i32
    %lt3A_75 = vector.broadcast %lt3A : i32 to vector<2x8xi32>
    %lt3A_76 = arith.cmpi slt, %iota3A_74, %lt3A_75 : vector<2x8xi32>
    %eq3A = arith.constant 0 : i32
    %eq3A_77 = vector.broadcast %eq3A : i32 to vector<2x8xi32>
    %eq3A_78 = arith.cmpi eq, %iota3A, %eq3A_77 : vector<2x8xi32>
    %eq3A_79 = arith.xori %lt3A_76, %eq3A_78 : vector<2x8xi1>
    %eq3A_80 = arith.constant dense<true> : vector<2x8xi1>
    %eq3A_81 = arith.xori %eq3A_79, %eq3A_80 : vector<2x8xi1>
    %jit3A = arith.constant 1.000000e+00 : f32
    %jit3A_82 = arith.constant 0.000000e+00 : f32
    %broadcast_in_dim3A = vector.broadcast %jit3A : f32 to vector<2x8xf32>
    %broadcast_in_dim3A_83 = vector.broadcast %jit3A_82 : f32 to vector<2x8xf32>
    %select_n3A = arith.select %eq3A_81, %broadcast_in_dim3A, %broadcast_in_dim3A_83 : vector<2x8xi1>, vector<2x8xf32>
    %dot_general3A_84 = arith.constant dense<0.000000e+00> : vector<2000x8xf32>
    %dot_general3A_85 = tpu.matmul %add3A_70, %select_n3A, %dot_general3A_84 {dimension_numbers = #tpu.dot_dimension_numbers<[1], [0], [0], [1], [0, 0, 1, 1], [], []>, transpose_lhs_hint = false} : vector<2000x2xf32>, vector<2x8xf32>, vector<2000x8xf32> -> vector<2000x8xf32>
    %add3A_86 = arith.constant 1.000000e+00 : f32
    %add3A_87 = vector.broadcast %add3A_86 : f32 to vector<2000x8xf32>
    %add3A_88 = arith.addf %add3A_87, %dot_general3A_85 : vector<2000x8xf32>
    %mul3A_89 = arith.mulf %add3A_32, %add3A_88 : vector<2000x8xf32>
    %swap3A_90 = arith.constant 0 : index
    %swap3A_91 = arith.constant 0 : index
    %swap3A_92 = vector.load %arg12[%swap3A_90, %swap3A_91] : memref<2000x8xf32, #tpu.memory_space<vmem>>, vector<2000x8xf32>
    tpu.vector_store %arg12[%swap3A_90, %swap3A_91], %mul3A_89 {strides = array<i32>} : memref<2000x8xf32, #tpu.memory_space<vmem>>, vector<2000x8xf32>,
    return
  }
  func.func @transform_0(%arg0: i32) -> (i32, i32) {
    %c0_i32 = arith.constant 0 : i32
    %c0_i32_0 = arith.constant 0 : i32
    return %arg0, %c0_i32 : i32, i32
  }
  func.func @transform_1(%arg0: i32) -> (i32, i32) {
    %c0_i32 = arith.constant 0 : i32
    %c0_i32_0 = arith.constant 0 : i32
    return %arg0, %c0_i32 : i32, i32
  }
  func.func @transform_2(%arg0: i32) -> (i32, i32, i32) {
    %c0_i32 = arith.constant 0 : i32
    %c0_i32_0 = arith.constant 0 : i32
    %c0_i32_1 = arith.constant 0 : i32
    return %c0_i32, %arg0, %c0_i32_0 : i32, i32, i32
  }
  func.func @transform_3(%arg0: i32) -> (i32, i32, i32) {
    %c0_i32 = arith.constant 0 : i32
    %c0_i32_0 = arith.constant 0 : i32
    %c0_i32_1 = arith.constant 0 : i32
    return %c0_i32, %arg0, %c0_i32_0 : i32, i32, i32
  }
  func.func @transform_4(%arg0: i32) -> (i32, i32) {
    %c0_i32 = arith.constant 0 : i32
    %c0_i32_0 = arith.constant 0 : i32
    %c0_i32_1 = arith.constant 0 : i32
    return %c0_i32, %c0_i32_0 : i32, i32
  }
  func.func @transform_5(%arg0: i32) -> (i32, i32) {
    %c0_i32 = arith.constant 0 : i32
    %c0_i32_0 = arith.constant 0 : i32
    %c0_i32_1 = arith.constant 0 : i32
    return %c0_i32, %c0_i32_0 : i32, i32
  }
  func.func @transform_6(%arg0: i32) -> (i32, i32) {
    %c0_i32 = arith.constant 0 : i32
    %c0_i32_0 = arith.constant 0 : i32
    %c0_i32_1 = arith.constant 0 : i32
    return %c0_i32, %c0_i32_0 : i32, i32
  }
  func.func @transform_7(%arg0: i32) -> (i32, i32) {
    %c0_i32 = arith.constant 0 : i32
    %c0_i32_0 = arith.constant 0 : i32
    %c0_i32_1 = arith.constant 0 : i32
    return %c0_i32, %c0_i32_0 : i32, i32
  }
  func.func @transform_8(%arg0: i32) -> (i32, i32) {
    %c0_i32 = arith.constant 0 : i32
    %c0_i32_0 = arith.constant 0 : i32
    %c0_i32_1 = arith.constant 0 : i32
    return %c0_i32, %c0_i32_0 : i32, i32
  }
  func.func @transform_9(%arg0: i32) -> (i32, i32) {
    %c0_i32 = arith.constant 0 : i32
    %c0_i32_0 = arith.constant 0 : i32
    %c0_i32_1 = arith.constant 0 : i32
    return %c0_i32, %c0_i32_0 : i32, i32
  }
  func.func @transform_10(%arg0: i32) -> (i32, i32) {
    %c0_i32 = arith.constant 0 : i32
    %c0_i32_0 = arith.constant 0 : i32
    return %arg0, %c0_i32 : i32, i32
  }
  func.func @transform_11(%arg0: i32) -> (i32, i32) {
    %c0_i32 = arith.constant 0 : i32
    %c0_i32_0 = arith.constant 0 : i32
    return %arg0, %c0_i32 : i32, i32
  }
}

module attributes {stable_mosaic.version = 14 : i64} {
  func.func @_readout_body(%arg0: i32, %arg1: memref<2000x128xf32, #tpu.memory_space<vmem>>, %arg2: memref<128x128xf32, #tpu.memory_space<vmem>>, %arg3: memref<1x128xf32, #tpu.memory_space<vmem>>, %arg4: memref<128x128xf32, #tpu.memory_space<vmem>>, %arg5: memref<1x128xf32, #tpu.memory_space<vmem>>, %arg6: memref<128x1xf32, #tpu.memory_space<vmem>>, %arg7: memref<1x1xf32, #tpu.memory_space<vmem>>, %arg8: memref<2000x1xf32, #tpu.memory_space<vmem>>) attributes {dimension_semantics = [#tpu.dimension_semantics<arbitrary>], iteration_bounds = array<i64: 5>, scalar_prefetch = 0 : i64, scratch_operands = 0 : i64, tpu.core_type = #tpu.core_type<tc>, window_params = [{transform_indices = @transform_0, window_bounds = array<i64: 2000, 128>}, {pipeline_mode = #tpu.pipeline_mode<synchronous>, transform_indices = @transform_1, window_bounds = array<i64: 128, 128>}, {pipeline_mode = #tpu.pipeline_mode<synchronous>, transform_indices = @transform_2, window_bounds = array<i64: 1, 128>}, {pipeline_mode = #tpu.pipeline_mode<synchronous>, transform_indices = @transform_3, window_bounds = array<i64: 128, 128>}, {pipeline_mode = #tpu.pipeline_mode<synchronous>, transform_indices = @transform_4, window_bounds = array<i64: 1, 128>}, {pipeline_mode = #tpu.pipeline_mode<synchronous>, transform_indices = @transform_5, window_bounds = array<i64: 128, 1>}, {pipeline_mode = #tpu.pipeline_mode<synchronous>, transform_indices = @transform_6, window_bounds = array<i64: 1, 1>}, {transform_indices = @transform_7, window_bounds = array<i64: 2000, 1>}]} {
    %get3A = arith.constant 0 : index
    %get3A_0 = arith.constant 0 : index
    %get3A_1 = vector.load %arg1[%get3A, %get3A_0] : memref<2000x128xf32, #tpu.memory_space<vmem>>, vector<2000x128xf32>
    %get3A_2 = arith.constant 0 : index
    %get3A_3 = arith.constant 0 : index
    %get3A_4 = vector.load %arg2[%get3A_2, %get3A_3] : memref<128x128xf32, #tpu.memory_space<vmem>>, vector<128x128xf32>
    %dot_general3A = arith.constant dense<0.000000e+00> : vector<2000x128xf32>
    %dot_general3A_5 = tpu.matmul %get3A_1, %get3A_4, %dot_general3A {dimension_numbers = #tpu.dot_dimension_numbers<[1], [0], [0], [1], [0, 0, 1, 1], [], []>, transpose_lhs_hint = false} : vector<2000x128xf32>, vector<128x128xf32>, vector<2000x128xf32> -> vector<2000x128xf32>
    %get3A_6 = arith.constant 0 : index
    %get3A_7 = arith.constant 0 : index
    %get3A_8 = vector.load %arg3[%get3A_6, %get3A_7] : memref<1x128xf32, #tpu.memory_space<vmem>>, vector<1x128xf32>
    %add3A = vector.broadcast %get3A_8 : vector<1x128xf32> to vector<2000x128xf32>
    %add3A_9 = arith.addf %dot_general3A_5, %add3A : vector<2000x128xf32>
    %logistic3A = arith.negf %add3A_9 : vector<2000x128xf32>
    %logistic3A_10 = math.exp %logistic3A : vector<2000x128xf32>
    %logistic3A_11 = arith.constant 1.000000e+00 : f32
    %logistic3A_12 = vector.broadcast %logistic3A_11 : f32 to vector<2000x128xf32>
    %logistic3A_13 = arith.addf %logistic3A_12, %logistic3A_10 : vector<2000x128xf32>
    %logistic3A_14 = arith.divf %logistic3A_12, %logistic3A_13 : vector<2000x128xf32>
    %mul3A = arith.mulf %add3A_9, %logistic3A_14 : vector<2000x128xf32>
    %get3A_15 = arith.constant 0 : index
    %get3A_16 = arith.constant 0 : index
    %get3A_17 = vector.load %arg4[%get3A_15, %get3A_16] : memref<128x128xf32, #tpu.memory_space<vmem>>, vector<128x128xf32>
    %dot_general3A_18 = arith.constant dense<0.000000e+00> : vector<2000x128xf32>
    %dot_general3A_19 = tpu.matmul %mul3A, %get3A_17, %dot_general3A_18 {dimension_numbers = #tpu.dot_dimension_numbers<[1], [0], [0], [1], [0, 0, 1, 1], [], []>, transpose_lhs_hint = false} : vector<2000x128xf32>, vector<128x128xf32>, vector<2000x128xf32> -> vector<2000x128xf32>
    %get3A_20 = arith.constant 0 : index
    %get3A_21 = arith.constant 0 : index
    %get3A_22 = vector.load %arg5[%get3A_20, %get3A_21] : memref<1x128xf32, #tpu.memory_space<vmem>>, vector<1x128xf32>
    %add3A_23 = vector.broadcast %get3A_22 : vector<1x128xf32> to vector<2000x128xf32>
    %add3A_24 = arith.addf %dot_general3A_19, %add3A_23 : vector<2000x128xf32>
    %logistic3A_25 = arith.negf %add3A_24 : vector<2000x128xf32>
    %logistic3A_26 = math.exp %logistic3A_25 : vector<2000x128xf32>
    %logistic3A_27 = arith.constant 1.000000e+00 : f32
    %logistic3A_28 = vector.broadcast %logistic3A_27 : f32 to vector<2000x128xf32>
    %logistic3A_29 = arith.addf %logistic3A_28, %logistic3A_26 : vector<2000x128xf32>
    %logistic3A_30 = arith.divf %logistic3A_28, %logistic3A_29 : vector<2000x128xf32>
    %mul3A_31 = arith.mulf %add3A_24, %logistic3A_30 : vector<2000x128xf32>
    %get3A_32 = arith.constant 0 : index
    %get3A_33 = arith.constant 0 : index
    %get3A_34 = vector.load %arg6[%get3A_32, %get3A_33] : memref<128x1xf32, #tpu.memory_space<vmem>>, vector<128x1xf32>
    %dot_general3A_35 = arith.constant dense<0.000000e+00> : vector<2000x1xf32>
    %dot_general3A_36 = tpu.matmul %mul3A_31, %get3A_34, %dot_general3A_35 {dimension_numbers = #tpu.dot_dimension_numbers<[1], [0], [0], [1], [0, 0, 1, 1], [], []>, transpose_lhs_hint = false} : vector<2000x128xf32>, vector<128x1xf32>, vector<2000x1xf32> -> vector<2000x1xf32>
    %get3A_37 = arith.constant 0 : index
    %get3A_38 = arith.constant 0 : index
    %get3A_39 = vector.load %arg7[%get3A_37, %get3A_38] : memref<1x1xf32, #tpu.memory_space<vmem>>, vector<1x1xf32>
    %add3A_40 = vector.broadcast %get3A_39 : vector<1x1xf32> to vector<2000x1xf32>
    %add3A_41 = arith.addf %dot_general3A_36, %add3A_40 : vector<2000x1xf32>
    %swap3A = arith.constant 0 : index
    %swap3A_42 = arith.constant 0 : index
    %swap3A_43 = vector.load %arg8[%swap3A, %swap3A_42] : memref<2000x1xf32, #tpu.memory_space<vmem>>, vector<2000x1xf32>
    tpu.vector_store %arg8[%swap3A, %swap3A_42], %add3A_41 {strides = array<i32>} : memref<2000x1xf32, #tpu.memory_space<vmem>>, vector<2000x1xf32>,
    return
  }
  func.func @transform_0(%arg0: i32) -> (i32, i32) {
    %c0_i32 = arith.constant 0 : i32
    %c0_i32_0 = arith.constant 0 : i32
    return %arg0, %c0_i32 : i32, i32
  }
  func.func @transform_1(%arg0: i32) -> (i32, i32) {
    %c0_i32 = arith.constant 0 : i32
    %c0_i32_0 = arith.constant 0 : i32
    %c0_i32_1 = arith.constant 0 : i32
    return %c0_i32, %c0_i32_0 : i32, i32
  }
  func.func @transform_2(%arg0: i32) -> (i32, i32) {
    %c0_i32 = arith.constant 0 : i32
    %c0_i32_0 = arith.constant 0 : i32
    %c0_i32_1 = arith.constant 0 : i32
    return %c0_i32, %c0_i32_0 : i32, i32
  }
  func.func @transform_3(%arg0: i32) -> (i32, i32) {
    %c0_i32 = arith.constant 0 : i32
    %c0_i32_0 = arith.constant 0 : i32
    %c0_i32_1 = arith.constant 0 : i32
    return %c0_i32, %c0_i32_0 : i32, i32
  }
  func.func @transform_4(%arg0: i32) -> (i32, i32) {
    %c0_i32 = arith.constant 0 : i32
    %c0_i32_0 = arith.constant 0 : i32
    %c0_i32_1 = arith.constant 0 : i32
    return %c0_i32, %c0_i32_0 : i32, i32
  }
  func.func @transform_5(%arg0: i32) -> (i32, i32) {
    %c0_i32 = arith.constant 0 : i32
    %c0_i32_0 = arith.constant 0 : i32
    %c0_i32_1 = arith.constant 0 : i32
    return %c0_i32, %c0_i32_0 : i32, i32
  }
  func.func @transform_6(%arg0: i32) -> (i32, i32) {
    %c0_i32 = arith.constant 0 : i32
    %c0_i32_0 = arith.constant 0 : i32
    %c0_i32_1 = arith.constant 0 : i32
    return %c0_i32, %c0_i32_0 : i32, i32
  }
  func.func @transform_7(%arg0: i32) -> (i32, i32) {
    %c0_i32 = arith.constant 0 : i32
    %c0_i32_0 = arith.constant 0 : i32
    return %arg0, %c0_i32 : i32, i32
  }
}

</mosaic_0001>

<sc_bundles>
// kernel: kernel.16.cloned.1.call-start
scs
__scs_entry_jumppad:
0x0: {  	(pc) =	sbr.rel $0x88, $3  }
0x1: {  	(tag) =	ssettag $0x0;
	lr =	simm.s32 $0x1  }
0x2: {  	[smem:$0x3F68] =	sst lr;
	_ =	strace $0xD0000000  }
0x3: {  	_ = 	snop  }
0x4: {  	_ = 	snop  }
0x5: {  	_ = 	snop  }
0x6: {  	_ = 	snop  }
0x7: {  	_ = 	snop  }
__scs_overlays_trampoline_lowered:
0x8: {  	[smem:$0x3F77] =	sst s0  }
0x9: {  	[smem:$0x3F78] =	sst s1  }
0xa: {  	[smem:$0x3F79] =	sst s2  }
0xb: {  	[smem:$0x3F7A] =	sst s3  }
0xc: {  	[smem:$0x3F7B] =	sst s4  }
0xd: {  	[smem:$0x3F7C] =	sst s5  }
0xe: {  	[smem:$0x3F7D] =	sst s6  }
0xf: {  	[smem:$0x3F7E] =	sst s7  }
0x10: {  	[smem:$0x3F7F] =	sst s8  }
0x11: {  	[smem:$0x3F80] =	sst s9;
	s0 =	simm.s32 @!p0 $0x0  }
0x12: {  	s1 =	sld [smem:$0x3F66];
	s0 =	simm.s32 @p0 $0x1  }
0x13: {  	[smem:$0x3F81] =	sst s0;
	s0 =	simm.s32 @!p1 $0x0  }
0x14: {  	s2 =	sld [smem:$0x3F65];
	s0 =	simm.s32 @p1 $0x1  }
0x15: {  	[smem:$0x3F82] =	sst s0;
	s0 =	simm.s32 @!p2 $0x0  }
0x16: {  	s3 =	sld [smem:$0x3FDB];
	s0 =	simm.s32 @p2 $0x1  }
0x17: {  	s4 =	simm.s32 $0x1BF5;
	[smem:$0x3F84] =	sst s0  }
0x18: {  	s0 =	sld [smem:$0x3F67];
	_ =	swait.ge [sflag:s4], $0x0  }
0x19: {  	s7 =	sld [smem:$0x3F68]  }
0x1a: {  	s8 =	sadd.s32 $0xFFFFE003, lr  }
0x1b: {  	s9 =	sadd.s32 $0xFFFFFEF7, lr;
	s5 =	simm.s32 $0xFFFFFFFF;
	p2 =	slt.u32 s8, $0xFFFFF086  }
0x1c: {  	p1 =	slt.u32 s9, $0xF7A;
	s5 =	simm.s32 @!p2 $0x0  }
0x1d: {  	s5 =	simm.s32 @p1 $0x1;
	p0 =	seq.s32 s7, s2  }
0x1e: {  	s7 =	smul.u32 @!p0 $0xF7A, s2;
	p2 =	seq.s32 @!p0 s5, $0x0  }
0x1f: {  	s9 =	smul.u32 $0xF7A, s1;
	s8 =	simm.s32 @!p0 $0x1BF5;
	p2 =	por !p2, p0  }
0x20: {  	[sflag:s8] =	ssyncset.s32 @!p0 $0xFFFFF086;
	s6 =	sadd.s32 @!p0 s3, s7;
	s7 =	simm.s32 @!p0 $0x108  }
0x21: {  	s3 =	sadd.s32 s3, s9;
	s6 =	sadd.s32 @!p0 $0x88, s6;
	s7 =	simm.s32 @p2 $0x1082  }
0x22: {  	[simem:s7], [sflag:s8] =	dma.local @!p0 [hbm:s6], $0xF7A  }
0x23: {  	s9 =	sor.u32 $0xD0000000, s2;
	s6 =	simm.s32 $0x108;
	_ =	swait.ge @!p0 [sflag:s8], $0x0  }
0x24: {  	s3 =	sadd.s32 $0x88, s3;
	s6 =	simm.s32 @!p1 $0x1082;
	[sflag:s4] =	ssyncset.s32 $0xFFFFF086  }
0x25: {  	[simem:s6], [sflag:s4] =	dma.local [hbm:s3], $0xF7A  }
0x26: {  	[smem:$0x3F68] =	sst s1;
	(tag) =	ssettag s2;
	_ =	strace s9  }
0x27: {  	s1 =	sld [smem:$0x3F78]  }
0x28: {  	s2 =	sld [smem:$0x3F79]  }
0x29: {  	s4 =	sld [smem:$0x3F7B]  }
0x2a: {  	p0 =	seq.s32 s5, $0x0;
	s5 =	sld [smem:$0x3F7C]  }
0x2b: {  	s6 =	sld [smem:$0x3F7D]  }
0x2c: {  	s7 =	sld [smem:$0x3F7E]  }
0x2d: {  	s3 =	simm.s32 $0x108;
	s8 =	sld [smem:$0x3F7F]  }
0x2e: {  	s3 =	simm.s32 @!p0 $0x1082;
	s9 =	sld [smem:$0x3F80]  }
0x2f: {  	lr =	sadd.s32 s0, s3;
	s0 =	sld [smem:$0x3F77]  }
0x30: {  	s3 =	sld [smem:$0x3F7A]  }
0x31: {  	[smem:$0x3F83] =	sst s10  }
0x32: {  	s10 =	sld [smem:$0x3F81];
	_ =	sdelay $0x3  }
0x33: {  	p0 =	seq.s32 s10, $0x1;
	s10 =	sld [smem:$0x3F83];
	_ =	sdelay $0x3  }
0x34: {  	[smem:$0x3F83] =	sst s10  }
0x35: {  	s10 =	sld [smem:$0x3F82];
	_ =	sdelay $0x3  }
0x36: {  	p1 =	seq.s32 s10, $0x1;
	s10 =	sld [smem:$0x3F83];
	_ =	sdelay $0x3  }
0x37: {  	[smem:$0x3F83] =	sst s10  }
0x38: {  	s10 =	sld [smem:$0x3F84]  }
0x39: {  	_ = 	snop;
	(pc) =	sbr.ind lr, $3  }
0x3a: {  	_ = 	snop  }
0x3b: {  	_ = 	snop  }
0x3c: {  	p2 =	seq.s32 s10, $0x1;
	s10 =	sld [smem:$0x3F83]  }
0x3d: {  	_ =	shalt  }
0x3e: {  	_ =	shalt  }
0x3f: {  	_ =	shalt  }
0x40: {  	_ =	shalt  }
0x41: {  	_ =	shalt  }
0x42: {  	_ =	shalt  }
0x43: {  	_ =	shalt  }
0x44: {  	_ =	shalt  }
0x45: {  	_ =	shalt  }
0x46: {  	_ =	shalt  }
0x47: {  	_ =	shalt  }
0x48: {  	_ =	shalt  }
0x49: {  	_ =	shalt  }
0x4a: {  	_ =	shalt  }
0x4b: {  	_ =	shalt  }
0x4c: {  	_ =	shalt  }
0x4d: {  	_ =	shalt  }
0x4e: {  	_ =	shalt  }
0x4f: {  	_ =	shalt  }
0x50: {  	_ =	shalt  }
0x51: {  	_ =	shalt  }
0x52: {  	_ =	shalt  }
0x53: {  	_ =	shalt  }
0x54: {  	_ =	shalt  }
0x55: {  	_ =	shalt  }
0x56: {  	_ =	shalt  }
0x57: {  	_ =	shalt  }
0x58: {  	_ =	shalt  }
0x59: {  	_ =	shalt  }
0x5a: {  	_ =	shalt  }
0x5b: {  	_ =	shalt  }
0x5c: {  	_ =	shalt  }
0x5d: {  	_ =	shalt  }
0x5e: {  	_ =	shalt  }
0x5f: {  	_ =	shalt  }
0x60: {  	_ =	shalt  }
0x61: {  	_ =	shalt  }
0x62: {  	_ =	shalt  }
0x63: {  	_ =	shalt  }
0x64: {  	_ =	shalt  }
0x65: {  	_ =	shalt  }
0x66: {  	_ =	shalt  }
0x67: {  	_ =	shalt  }
0x68: {  	_ =	shalt  }
0x69: {  	_ =	shalt  }
0x6a: {  	_ =	shalt  }
0x6b: {  	_ =	shalt  }
0x6c: {  	_ =	shalt  }
0x6d: {  	_ =	shalt  }
0x6e: {  	_ =	shalt  }
0x6f: {  	_ =	shalt  }
0x70: {  	_ =	shalt  }
0x71: {  	_ =	shalt  }
0x72: {  	_ =	shalt  }
0x73: {  	_ =	shalt  }
0x74: {  	_ =	shalt  }
0x75: {  	_ =	shalt  }
0x76: {  	_ =	shalt  }
0x77: {  	_ =	shalt  }
0x78: {  	_ =	shalt  }
0x79: {  	_ =	shalt  }
0x7a: {  	_ =	shalt  }
0x7b: {  	_ =	shalt  }
0x7c: {  	_ =	shalt  }
0x7d: {  	_ =	shalt  }
0x7e: {  	_ =	shalt  }
0x7f: {  	_ =	shalt  }
0x80: {  	_ =	shalt  }
0x81: {  	_ =	shalt  }
0x82: {  	_ =	shalt  }
0x83: {  	_ =	shalt  }
0x84: {  	_ =	shalt  }
0x85: {  	_ =	shalt  }
0x86: {  	_ =	shalt  }
0x87: {  	_ =	shalt  }
.Lfunc_end0:
.L_simem_size_0:
called_computation_lowered:
.L_overlay_start_0:
0x88: {  	s2 =	sld [smem:$0x3FD9]  }
0x89: {  	s3 =	sld [smem:$0x3FFE];
	_ =	sdelay $0x1  }
0x8a: {  	s1 =	srdreg.scid  }
0x8b: {  	s0 =	sand.u32 $0x1, s1  }
0x8c: {  	s17 =	sshll.u32 s0, $0xA;
	s2 =	sadd.s32 s3, s2  }
0x8d: {  	s2 =	sadd.s32 s2, s17  }
0x8e: {  	[smem:$0x3F8F] =	sst s2  }
0x8f: {  	_ = 	snop  }
0x90: {  	s2 =	sld [smem:$0x3FC4];
	(tm) =	ssettm $0x1  }
0x91: {  	s18 =	sld [smem:$0x3FFB];
	_ =	sdelay $0x3  }
0x92: {  	_ =	strace s18  }
0x93: {  	s3 =	sld [smem:$0x3FFC];
	_ =	sdelay $0x3  }
0x94: {  	_ =	strace s3  }
0x95: {  	s3 =	sld [smem:$0x3FFD];
	_ =	sdelay $0x3  }
0x96: {  	_ =	strace s3  }
0x97: {  	_ =	strace $0x8FFFFFFF  }
0x98: {  	s19 =	sld [smem:$0x3FDB];
	_ =	sdelay $0x1  }
0x99: {  	s4 =	simm.s32 $_scs_section_size  }
0x9a: {  	s5 =	simm.s32 $_size__tile_overlayer_lowered;
	s6 =	simm.s32 $_tile_overlayer_lowered  }
0x9b: {  	s22 =	simm.s32 $0x1BFF;
	s21 =	sshll.u32 s6, $0x1;
	s3 =	sadd.s32 s4, s19  }
0x9c: {  	s7 =	simm.s32 $0x0;
	s20 =	sshll.u32 s5, $0x1;
	s5 =	sadd.s32 s21, s3  }
0x9d: {  	[timem:s7], [sflag:s22] =	dma.local [hbm:s5], s20  }
0x9e: {  	_ =	swait.ge [sflag:s22], s20  }
0x9f: {  	s4 =	ssub.s32 $0x0, s20;
	[sflag:s22] =	ssyncset.done $0x0  }
0xa0: {  	[sflag:s22] =	ssyncadd.s32 s4;
	_ =	sdelay $0x1  }
0xa1: {  	s23 =	simm.s32 $0x1B8B  }
0xa2: {  	_ =	swait.ge [sflag:s23], $0x1  }
0xa3: {  	[sflag:s23] =	ssyncset.done $0x0  }
0xa4: {  	s25 =	simm.s32 $0x1B8E;
	s24 =	sld [smem:$0x3FFE];
	[sflag:s23] =	ssyncadd.s32 $0xFFFFFFFF  }
0xa5: {  	s26 =	simm.s32 $execute0_lowered;
	[smem:$0x3FD2] =	sst s25  }
0xa6: {  	s5 =	sshll.u32 s26, $0x1;
	_ =	strace $0x80000046;
	[dreg:$0x1] =	wrdreg $0xFFFFFFFF  }
0xa7: {  	s28 =	simm.s32 $_size_execute0_lowered;
	s3 =	sadd.s32 s3, s5;
	[dreg:$0x0] =	wrdreg $0x0  }
0xa8: {  	s5 =	sshll.u32 s28, $0x1;
	[dreg:$0x2] =	wrdreg s3  }
0xa9: {  	[dreg:$0x3] =	wrdreg s5  }
0xaa: {  	[dreg:$0x4] =	wrdreg $0xC0  }
0xab: {  	_ =	task [dreg:s7], $0x5FFFF  }
0xac: {  	[dreg:$0x1] =	wrdreg $0xFFFFFFFF  }
0xad: {  	[dreg:$0x0] =	wrdreg $0x60  }
0xae: {  	[dreg:$0x2] =	wrdreg s24  }
0xaf: {  	[dreg:$0x3] =	wrdreg s2  }
0xb0: {  	[dreg:$0x4] =	wrdreg $0x4800  }
0xb1: {  	[dreg:$0x5] =	wrdreg $0x9  }
0xb2: {  	_ =	task.clear_ibuf [dreg:s7], $0x6FFFF;
	_ =	strace $0x90000046  }
0xb3: {  	s29 =	simm.s32 $0x9;
	_ =	strace $0x80000048  }
0xb4: {  	_ =	swait.ge [sflag:s29], $0x1  }
0xb5: {  	[sflag:s29] =	ssyncadd.s32 $0xFFFFFFFF  }
0xb6: {  	_ =	strace $0x90000048  }
0xb7: {  	_ =	sfence  }
0xb8: {  	s30 =	sld [smem:$0x0];
	_ =	sdelay $0x2  }
0xb9: {  	s31 =	sshll.u32 s1, $0xD;
	s1 =	sshrl.u32 s1, $0x2  }
0xba: {  	s3 =	sand.u32 $0x4000, s31;
	s1 =	sadd.s32 s1, s30  }
0xbb: {  	s0 =	sor.u32 s3, s0;
	s1 =	sshll.u32 s1, $0x11  }
0xbc: {  	s0 =	sor.u32 s1, s0  }
0xbd: {  	s0 =	sadd.s32 $0x8F2B, s0  }
0xbe: {  	[sflag:s0] =	ssyncadd.remote.s32 $0x1  }
0xbf: {  	_ =	sfence.sel $0xFFFF  }
0xc0: {  	[dreg:$0x0] =	wrdreg $0xFFFFFFFF;
	(pc) =	sbr.abs _section_cstart, $3  }
0xc1: {  	[dreg:$0x1] =	wrdreg $0xFFFFFFFF  }
0xc2: {  	_ =	task.clear_ibuf [dreg:s7], $0x2FFFF;
	_ =	strace $0x9FFFFFFF  }
0xc3: {  	(tm) =	ssettm $0x7FFFFFFF  }
tec
execute0_lowered:
.L_overlay_start_1:
0x0: {  	(tag) =	ssettag $0x1  }
0x1: {  	s6 =	rddreg [dreg:$0x0]  }
0x2: {  	s10 =	rddreg [dreg:$0x1]  }
0x3: {  	s2 =	rddreg [dreg:$0x2]  }
0x4: {  	s0 =	rddreg [dreg:$0x3];
	s4 =	srdreg.scid  }
0x5: {  	s1 =	stileid.u32;
	s3 =	simm.s32 $0x0;
	s8 =	sand.u32 $0x1, s4  }
0x6: {  	s7 =	smul.u32 $0x1380, s1;
	[smem:$0x7FF] =	sst s3;
	s12 =	sadd.s32 $0xE000, s6  }
0x7: {  	s26 =	sshll.u32 s1, $0x6;
	s15 =	sadd.s32 $0x13800, s2;
	s29 =	sshll.u32 s1, $0x7  }
0x8: {  	s31 =	sshll.u32 s1, $0x4;
	p0 =	sne.s32 s1, $0xF;
	s4 =	smul.u32 $0x27100, s8  }
0x9: {  	_ =	strace $0x80000047;
	s9 =	ssub.s32 $0x2, s8;
	s13 =	smul.u32 $0x13880, s8  }
0xa: {  	s28 =	smul.u32 $0x4E20, s8;
	s5 =	sshrl.u32 s7, $0x3;
	s25 =	sshrl.u32 s9, $0x1  }
0xb: {  	s14 =	sadd.s32 s7, s2;
	s11 =	sadd.s32 s4, s6;
	s24 =	sadd.s32 s5, s6  }
0xc: {  	s9 =	ssub.s32 s9, s25;
	s5 =	sor.u32 $0x1C01, s26;
	s7 =	sadd.s32 s7, s13  }
0xd: {  	s6 =	sadd.s32 $0xDF00, s6;
	s13 =	sshrl.u32 s13, $0x3;
	s30 =	sadd.s32 s28, s10  }
0xe: {  	s4 =	sadd.s32 $0xB800, s24;
	s7 =	sshrl.u32 s7, $0x3;
	s9 =	smax.u32 s9, $0x1  }
0xf: {  	s11 =	sadd.s32 s29, s11;
	s7 =	sadd.s32 s12, s7;
	s12 =	sadd.s32 s12, s13  }
0x10: {  	s10 =	sadd.s32 $0x4ED800, s11;
	s11 =	sadd.s32 s31, s30;
	s13 =	simm.s32 $0x1  }
0x11: {  	s8 =	sadd.s32 $0x2700, s12;
	s12 =	sshrl.u32 s14, $0x3;
	s14 =	sshrl.u32 @!p0 s15, $0x3  }
.LBB2_1:
0x12: {  	[spmem:s12], [sflag:s5] =	dma.local [hbm:s4], $0x270  }
0x13: {  	_ =	swait.ge [sflag:s13], $0x270  }
0x14: {  	[sflag:s13] =	ssyncset.done $0x0  }
0x15: {  	s15 =	simm.s32 @!p0 $0x1;
	[sflag:s13] =	ssyncadd.s32 $0xFFFFFD90  }
0x16: {  	[spmem:s14], [sflag:s5] =	dma.local @!p0 [hbm:s6], $0x10  }
0x17: {  	_ =	swait.ge @!p0 [sflag:s15], $0x10  }
0x18: {  	s16 =	sadd.s32 $0x0, s1;
	[sflag:s15] =	ssyncset.done @!p0 $0x0  }
0x19: {  	p1 =	sgt.u32 s16, $0x4E1;
	[sflag:s15] =	ssyncadd.s32 @!p0 $0xFFFFFFF0  }
0x1a: {  	s17 =	simm.s32 @!p1 $0x2;
	s15 =	simm.s32 @!p1 $0x0;
	[bflag:$0x0] =	sbarrier.arrive $0xFFFF  }
0x1b: {  	[tilespmem:s15], [sflag:$0x2] =	stream.linear.gather @!p1 [hbm4b:s11+s15], $0x80, $0x38;
	[tilespmem:$0x1808] =	vst v63  }
0x1c: {  	_ =	swait.ge @!p1 [sflag:s17], $0x80  }
0x1d: {  	[sflag:s17] =	ssyncset.done @!p1 $0x0;
	p1 =	por p1, p1  }
0x1e: {  	[sflag:s17] =	ssyncadd.s32 @!p1 $0xFFFFFF80;
	s19 =	simm.s32 @!p1 $0x80  }
0x1f: {  	[tilespmem:s19], [sflag:$0x2] =	stream.linear.gather @!p1 [hbm4b:s10+s15], $0x400, $0x38;
	[tilespmem:$0x1808] =	vst v63  }
0x20: {  	_ =	swait.ge @!p1 [sflag:s17], $0x400  }
0x21: {  	[sflag:s17] =	ssyncset.done @!p1 $0x0  }
0x22: {  	s31 =	sadd.s32 $0x10, s1;
	s18 =	simm.s32 @!p1 $0x1;
	[sflag:s17] =	ssyncadd.s32 @!p1 $0xFFFFFC00  }
0x23: {  	[spmem:s2] =	stream.indirect.scatter.add.f32 @!p1 [tilespmem:s19], [sflag:$0x1], $0x8, s15, s19, $0xb8;
	[tilespmem:$0x1808] =	vst v63  }
0x24: {  	s16 =	simm.s32 $0x20;
	p2 =	sgt.u32 s31, $0x4E1;
	_ =	swait.ge @!p1 [sflag:s18], $0x400  }
0x25: {  	s17 =	sadd.s32 $0x100, s11;
	s15 =	sadd.s32 $0x800, s10;
	[sflag:s18] =	ssyncset.done @!p1 $0x0  }
.LBB2_2:
0x26: {  	s19 =	simm.s32 @!p2 $0x0;
	s20 =	simm.s32 @!p2 $0x2;
	[sflag:s18] =	ssyncadd.s32 @!p1 $0xFFFFFC00  }
0x27: {  	[tilespmem:s19], [sflag:$0x2] =	stream.linear.gather @!p2 [hbm4b:s17+s19], $0x80, $0x38;
	[tilespmem:$0x1808] =	vst v63  }
0x28: {  	s21 =	smov.u32 s16;
	s16 =	sadd.s32 $0x10, s16;
	_ =	swait.ge @!p2 [sflag:s20], $0x80  }
0x29: {  	p1 =	por p2, p2;
	p3 =	sne.s32 s16, $0x4F0;
	[sflag:s20] =	ssyncset.done @!p2 $0x0  }
0x2a: {  	s22 =	simm.s32 @!p1 $0x80;
	[sflag:s20] =	ssyncadd.s32 @!p1 $0xFFFFFF80  }
0x2b: {  	[tilespmem:s22], [sflag:$0x2] =	stream.linear.gather @!p1 [hbm4b:s15+s19], $0x400, $0x38;
	[tilespmem:$0x1808] =	vst v63  }
0x2c: {  	_ =	swait.ge @!p1 [sflag:s20], $0x400  }
.Ltmp0:
0x2d: {  	[sflag:s20] =	ssyncset.done @!p1 $0x0;
	(pc) =	sbr.rel @p3 .LBB2_2-.Ltmp0, $4  }
0x2e: {  	s18 =	simm.s32 @!p1 $0x1;
	[sflag:s20] =	ssyncadd.s32 @!p1 $0xFFFFFC00  }
0x2f: {  	[spmem:s2] =	stream.indirect.scatter.add.f32 @!p1 [tilespmem:s22], [sflag:$0x1], $0x8, s19, s22, $0xb8;
	[tilespmem:$0x1808] =	vst v63  }
0x30: {  	s17 =	sadd.s32 $0x100, s17;
	s19 =	sadd.s32 s21, s1;
	_ =	swait.ge @!p1 [sflag:s18], $0x400  }
0x31: {  	s15 =	sadd.s32 $0x800, s15;
	p2 =	sgt.u32 s19, $0x4E1;
	[sflag:s18] =	ssyncset.done @!p1 $0x0  }
0x32: {  	s16 =	simm.s32 @!p2 $0x0;
	s19 =	simm.s32 @!p2 $0x2;
	[sflag:s18] =	ssyncadd.s32 @!p1 $0xFFFFFC00  }
0x33: {  	[tilespmem:s16], [sflag:$0x2] =	stream.linear.gather @!p2 [hbm4b:s17+s16], $0x80, $0x38;
	[tilespmem:$0x1808] =	vst v63  }
0x34: {  	_ =	swait.ge @!p2 [sflag:s19], $0x80  }
0x35: {  	p1 =	por p2, p2;
	[sflag:s19] =	ssyncset.done @!p2 $0x0  }
0x36: {  	s17 =	simm.s32 @!p1 $0x80;
	[sflag:s19] =	ssyncadd.s32 @!p1 $0xFFFFFF80  }
0x37: {  	[tilespmem:s17], [sflag:$0x2] =	stream.linear.gather @!p1 [hbm4b:s15+s16], $0x400, $0x38;
	[tilespmem:$0x1808] =	vst v63  }
0x38: {  	_ =	swait.ge @!p1 [sflag:s19], $0x400  }
0x39: {  	[sflag:s19] =	ssyncset.done @!p1 $0x0  }
0x3a: {  	s15 =	simm.s32 @!p1 $0x1;
	[sflag:s19] =	ssyncadd.s32 @!p1 $0xFFFFFC00  }
0x3b: {  	[spmem:s2] =	stream.indirect.scatter.add.f32 @!p1 [tilespmem:s17], [sflag:$0x1], $0x8, s16, s17, $0xb8;
	[tilespmem:$0x1808] =	vst v63  }
0x3c: {  	_ =	swait.ge @!p1 [sflag:s15], $0x400  }
0x3d: {  	[sflag:s15] =	ssyncset.done @!p1 $0x0  }
0x3e: {  	[sflag:s15] =	ssyncadd.s32 @!p1 $0xFFFFFC00  }
0x3f: {  	[bflag:$0x0] =	sbarrier.arrive $0xFFFF  }
0x40: {  	[hbm:s7], [sflag:s5] =	dma.local [spmem:s12], $0x270  }
0x41: {  	s3 =	sadd.s32 $0x1, s3;
	_ =	swait.ge [sflag:s13], $0x270  }
0x42: {  	p1 =	sne.s32 s3, s9;
	[sflag:s13] =	ssyncset.done $0x0  }
.Ltmp1:
0x43: {  	s15 =	simm.s32 @!p0 $0x1;
	[sflag:s13] =	ssyncadd.s32 $0xFFFFFD90;
	(pc) =	sbr.rel @p1 .LBB2_1-.Ltmp1, $4  }
0x44: {  	[hbm:s8], [sflag:s5] =	dma.local @!p0 [spmem:s14], $0x10  }
0x45: {  	_ =	swait.ge @!p0 [sflag:s15], $0x10  }
0x46: {  	[sflag:s15] =	ssyncset.done @!p0 $0x0  }
0x47: {  	[sflag:s15] =	ssyncadd.s32 @!p0 $0xFFFFFFF0  }
0x48: {  	_ =	sfence.sel $0x180000  }
0x49: {  	[bflag:$0x0] =	sbarrier.arrive $0xFFFF  }
0x4a: {  	p0 =	sne.s32 s1, $0x0;
	_ =	strace $0x90000047  }
0x4b: {  	s0 =	sadd.s32 @!p0 $0x100000, s0;
	[bflag:$0x2] =	sbarrier.arrive $0xFFFF  }
0x4c: {  	[sflag:s0] =	ssyncadd.tile.s32 @!p0 $0x1;
	_ =	shalt  }
.Lfunc_end2:
_tile_overlayer_lowered:
.L_overlay_start_2:
0x4d: {  	(tag) =	ssettag $0x2  }
0x4e: {  	s0 =	rddreg [dreg:$0x0];
	s2 =	stileid.u32  }
0x4f: {  	s1 =	rddreg [dreg:$0x1];
	p0 =	sne.s32 s2, $0x0  }
0x50: {  	s3 =	rddreg [dreg:$0x2];
	[bflag:$0x3] =	sbarrier.arrive $0xFFFF;
	s2 =	simm.s32 @!p0 $0x1C01  }
0x51: {  	[timem:s3], [sflag:s2] =	dma.local @!p0 [hbm:s0], s1  }
0x52: {  	s0 =	simm.s32 @!p0 $0x1  }
0x53: {  	_ =	swait.ge @!p0 [sflag:s0], s1  }
0x54: {  	s1 =	ssub.s32 @!p0 $0x0, s1;
	[sflag:s0] =	ssyncset.done @!p0 $0x0  }
0x55: {  	[sflag:s0] =	ssyncadd.s32 @!p0 s1  }
0x56: {  	[bflag:$0x3] =	sbarrier.arrive $0xFFFF  }
0x57: {  	_ =	shalt  }

// kernel: kernel.19.cloned.1.call-start
scs
__scs_entry_jumppad:
0x0: {  	(pc) =	sbr.rel $0x88, $3  }
0x1: {  	(tag) =	ssettag $0x0;
	lr =	simm.s32 $0x1  }
0x2: {  	[smem:$0x3F68] =	sst lr;
	_ =	strace $0xD0000000  }
0x3: {  	_ = 	snop  }
0x4: {  	_ = 	snop  }
0x5: {  	_ = 	snop  }
0x6: {  	_ = 	snop  }
0x7: {  	_ = 	snop  }
__scs_overlays_trampoline_lowered:
0x8: {  	[smem:$0x3F77] =	sst s0  }
0x9: {  	[smem:$0x3F78] =	sst s1  }
0xa: {  	[smem:$0x3F79] =	sst s2  }
0xb: {  	[smem:$0x3F7A] =	sst s3  }
0xc: {  	[smem:$0x3F7B] =	sst s4  }
0xd: {  	[smem:$0x3F7C] =	sst s5  }
0xe: {  	[smem:$0x3F7D] =	sst s6  }
0xf: {  	[smem:$0x3F7E] =	sst s7  }
0x10: {  	[smem:$0x3F7F] =	sst s8  }
0x11: {  	[smem:$0x3F80] =	sst s9;
	s0 =	simm.s32 @!p0 $0x0  }
0x12: {  	s1 =	sld [smem:$0x3F66];
	s0 =	simm.s32 @p0 $0x1  }
0x13: {  	[smem:$0x3F81] =	sst s0;
	s0 =	simm.s32 @!p1 $0x0  }
0x14: {  	s2 =	sld [smem:$0x3F65];
	s0 =	simm.s32 @p1 $0x1  }
0x15: {  	[smem:$0x3F82] =	sst s0;
	s0 =	simm.s32 @!p2 $0x0  }
0x16: {  	s3 =	sld [smem:$0x3FDB];
	s0 =	simm.s32 @p2 $0x1  }
0x17: {  	s4 =	simm.s32 $0x1BF5;
	[smem:$0x3F84] =	sst s0  }
0x18: {  	s0 =	sld [smem:$0x3F67];
	_ =	swait.ge [sflag:s4], $0x0  }
0x19: {  	s7 =	sld [smem:$0x3F68]  }
0x1a: {  	s8 =	sadd.s32 $0xFFFFE003, lr  }
0x1b: {  	s9 =	sadd.s32 $0xFFFFFEF7, lr;
	s5 =	simm.s32 $0xFFFFFFFF;
	p2 =	slt.u32 s8, $0xFFFFF086  }
0x1c: {  	p1 =	slt.u32 s9, $0xF7A;
	s5 =	simm.s32 @!p2 $0x0  }
0x1d: {  	s5 =	simm.s32 @p1 $0x1;
	p0 =	seq.s32 s7, s2  }
0x1e: {  	s7 =	smul.u32 @!p0 $0xF7A, s2;
	p2 =	seq.s32 @!p0 s5, $0x0  }
0x1f: {  	s9 =	smul.u32 $0xF7A, s1;
	s8 =	simm.s32 @!p0 $0x1BF5;
	p2 =	por !p2, p0  }
0x20: {  	[sflag:s8] =	ssyncset.s32 @!p0 $0xFFFFF086;
	s6 =	sadd.s32 @!p0 s3, s7;
	s7 =	simm.s32 @!p0 $0x108  }
0x21: {  	s3 =	sadd.s32 s3, s9;
	s6 =	sadd.s32 @!p0 $0x88, s6;
	s7 =	simm.s32 @p2 $0x1082  }
0x22: {  	[simem:s7], [sflag:s8] =	dma.local @!p0 [hbm:s6], $0xF7A  }
0x23: {  	s9 =	sor.u32 $0xD0000000, s2;
	s6 =	simm.s32 $0x108;
	_ =	swait.ge @!p0 [sflag:s8], $0x0  }
0x24: {  	s3 =	sadd.s32 $0x88, s3;
	s6 =	simm.s32 @!p1 $0x1082;
	[sflag:s4] =	ssyncset.s32 $0xFFFFF086  }
0x25: {  	[simem:s6], [sflag:s4] =	dma.local [hbm:s3], $0xF7A  }
0x26: {  	[smem:$0x3F68] =	sst s1;
	(tag) =	ssettag s2;
	_ =	strace s9  }
0x27: {  	s1 =	sld [smem:$0x3F78]  }
0x28: {  	s2 =	sld [smem:$0x3F79]  }
0x29: {  	s4 =	sld [smem:$0x3F7B]  }
0x2a: {  	p0 =	seq.s32 s5, $0x0;
	s5 =	sld [smem:$0x3F7C]  }
0x2b: {  	s6 =	sld [smem:$0x3F7D]  }
0x2c: {  	s7 =	sld [smem:$0x3F7E]  }
0x2d: {  	s3 =	simm.s32 $0x108;
	s8 =	sld [smem:$0x3F7F]  }
0x2e: {  	s3 =	simm.s32 @!p0 $0x1082;
	s9 =	sld [smem:$0x3F80]  }
0x2f: {  	lr =	sadd.s32 s0, s3;
	s0 =	sld [smem:$0x3F77]  }
0x30: {  	s3 =	sld [smem:$0x3F7A]  }
0x31: {  	[smem:$0x3F83] =	sst s10  }
0x32: {  	s10 =	sld [smem:$0x3F81];
	_ =	sdelay $0x3  }
0x33: {  	p0 =	seq.s32 s10, $0x1;
	s10 =	sld [smem:$0x3F83];
	_ =	sdelay $0x3  }
0x34: {  	[smem:$0x3F83] =	sst s10  }
0x35: {  	s10 =	sld [smem:$0x3F82];
	_ =	sdelay $0x3  }
0x36: {  	p1 =	seq.s32 s10, $0x1;
	s10 =	sld [smem:$0x3F83];
	_ =	sdelay $0x3  }
0x37: {  	[smem:$0x3F83] =	sst s10  }
0x38: {  	s10 =	sld [smem:$0x3F84]  }
0x39: {  	_ = 	snop;
	(pc) =	sbr.ind lr, $3  }
0x3a: {  	_ = 	snop  }
0x3b: {  	_ = 	snop  }
0x3c: {  	p2 =	seq.s32 s10, $0x1;
	s10 =	sld [smem:$0x3F83]  }
0x3d: {  	_ =	shalt  }
0x3e: {  	_ =	shalt  }
0x3f: {  	_ =	shalt  }
0x40: {  	_ =	shalt  }
0x41: {  	_ =	shalt  }
0x42: {  	_ =	shalt  }
0x43: {  	_ =	shalt  }
0x44: {  	_ =	shalt  }
0x45: {  	_ =	shalt  }
0x46: {  	_ =	shalt  }
0x47: {  	_ =	shalt  }
0x48: {  	_ =	shalt  }
0x49: {  	_ =	shalt  }
0x4a: {  	_ =	shalt  }
0x4b: {  	_ =	shalt  }
0x4c: {  	_ =	shalt  }
0x4d: {  	_ =	shalt  }
0x4e: {  	_ =	shalt  }
0x4f: {  	_ =	shalt  }
0x50: {  	_ =	shalt  }
0x51: {  	_ =	shalt  }
0x52: {  	_ =	shalt  }
0x53: {  	_ =	shalt  }
0x54: {  	_ =	shalt  }
0x55: {  	_ =	shalt  }
0x56: {  	_ =	shalt  }
0x57: {  	_ =	shalt  }
0x58: {  	_ =	shalt  }
0x59: {  	_ =	shalt  }
0x5a: {  	_ =	shalt  }
0x5b: {  	_ =	shalt  }
0x5c: {  	_ =	shalt  }
0x5d: {  	_ =	shalt  }
0x5e: {  	_ =	shalt  }
0x5f: {  	_ =	shalt  }
0x60: {  	_ =	shalt  }
0x61: {  	_ =	shalt  }
0x62: {  	_ =	shalt  }
0x63: {  	_ =	shalt  }
0x64: {  	_ =	shalt  }
0x65: {  	_ =	shalt  }
0x66: {  	_ =	shalt  }
0x67: {  	_ =	shalt  }
0x68: {  	_ =	shalt  }
0x69: {  	_ =	shalt  }
0x6a: {  	_ =	shalt  }
0x6b: {  	_ =	shalt  }
0x6c: {  	_ =	shalt  }
0x6d: {  	_ =	shalt  }
0x6e: {  	_ =	shalt  }
0x6f: {  	_ =	shalt  }
0x70: {  	_ =	shalt  }
0x71: {  	_ =	shalt  }
0x72: {  	_ =	shalt  }
0x73: {  	_ =	shalt  }
0x74: {  	_ =	shalt  }
0x75: {  	_ =	shalt  }
0x76: {  	_ =	shalt  }
0x77: {  	_ =	shalt  }
0x78: {  	_ =	shalt  }
0x79: {  	_ =	shalt  }
0x7a: {  	_ =	shalt  }
0x7b: {  	_ =	shalt  }
0x7c: {  	_ =	shalt  }
0x7d: {  	_ =	shalt  }
0x7e: {  	_ =	shalt  }
0x7f: {  	_ =	shalt  }
0x80: {  	_ =	shalt  }
0x81: {  	_ =	shalt  }
0x82: {  	_ =	shalt  }
0x83: {  	_ =	shalt  }
0x84: {  	_ =	shalt  }
0x85: {  	_ =	shalt  }
0x86: {  	_ =	shalt  }
0x87: {  	_ =	shalt  }
.Lfunc_end0:
.L_simem_size_0:
called_computation.1_lowered:
.L_overlay_start_0:
0x88: {  	s2 =	sld [smem:$0x3FD9]  }
0x89: {  	s3 =	sld [smem:$0x3FFE];
	_ =	sdelay $0x1  }
0x8a: {  	s1 =	srdreg.scid  }
0x8b: {  	s0 =	sand.u32 $0x1, s1  }
0x8c: {  	s17 =	sshll.u32 s0, $0xA;
	s2 =	sadd.s32 s3, s2  }
0x8d: {  	s2 =	sadd.s32 s2, s17  }
0x8e: {  	[smem:$0x3F8F] =	sst s2  }
0x8f: {  	_ = 	snop  }
0x90: {  	s2 =	sld [smem:$0x3FC5]  }
0x91: {  	s18 =	sld [smem:$0x3FC4];
	(tm) =	ssettm $0x1  }
0x92: {  	s4 =	sld [smem:$0x3FFB];
	_ =	sdelay $0x3  }
0x93: {  	_ =	strace s4  }
0x94: {  	s4 =	sld [smem:$0x3FFC];
	_ =	sdelay $0x3  }
0x95: {  	_ =	strace s4  }
0x96: {  	s4 =	sld [smem:$0x3FFD];
	_ =	sdelay $0x3  }
0x97: {  	_ =	strace s4  }
0x98: {  	_ =	strace $0x8FFFFFFF  }
0x99: {  	s19 =	sld [smem:$0x3FDB];
	_ =	sdelay $0x1  }
0x9a: {  	s5 =	simm.s32 $_scs_section_size  }
0x9b: {  	s6 =	simm.s32 $_size__tile_overlayer_lowered;
	s7 =	simm.s32 $_tile_overlayer_lowered  }
0x9c: {  	s22 =	simm.s32 $0x1BFF;
	s21 =	sshll.u32 s7, $0x1;
	s4 =	sadd.s32 s5, s19  }
0x9d: {  	s8 =	simm.s32 $0x0;
	s20 =	sshll.u32 s6, $0x1;
	s6 =	sadd.s32 s21, s4  }
0x9e: {  	[timem:s8], [sflag:s22] =	dma.local [hbm:s6], s20  }
0x9f: {  	_ =	swait.ge [sflag:s22], s20  }
0xa0: {  	s5 =	ssub.s32 $0x0, s20;
	[sflag:s22] =	ssyncset.done $0x0  }
0xa1: {  	[sflag:s22] =	ssyncadd.s32 s5;
	_ =	sdelay $0x1  }
0xa2: {  	s23 =	simm.s32 $0x1B8B  }
0xa3: {  	_ =	swait.ge [sflag:s23], $0x1  }
0xa4: {  	[sflag:s23] =	ssyncset.done $0x0  }
0xa5: {  	s25 =	simm.s32 $0x1B8E;
	s24 =	sld [smem:$0x3FFE];
	[sflag:s23] =	ssyncadd.s32 $0xFFFFFFFF  }
0xa6: {  	s26 =	simm.s32 $execute0_lowered;
	[smem:$0x3FD2] =	sst s25  }
0xa7: {  	s6 =	sshll.u32 s26, $0x1;
	_ =	strace $0x80000049;
	[dreg:$0x1] =	wrdreg $0xFFFFFFFF  }
0xa8: {  	s28 =	simm.s32 $_size_execute0_lowered;
	s4 =	sadd.s32 s4, s6;
	[dreg:$0x0] =	wrdreg $0x0  }
0xa9: {  	s6 =	sshll.u32 s28, $0x1;
	[dreg:$0x2] =	wrdreg s4  }
0xaa: {  	[dreg:$0x3] =	wrdreg s6  }
0xab: {  	[dreg:$0x4] =	wrdreg $0xC0  }
0xac: {  	_ =	task [dreg:s8], $0x5FFFF  }
0xad: {  	[dreg:$0x1] =	wrdreg $0xFFFFFFFF  }
0xae: {  	[dreg:$0x0] =	wrdreg $0x60  }
0xaf: {  	[dreg:$0x2] =	wrdreg s24  }
0xb0: {  	[dreg:$0x3] =	wrdreg s2  }
0xb1: {  	[dreg:$0x4] =	wrdreg s18  }
0xb2: {  	[dreg:$0x5] =	wrdreg $0x9  }
0xb3: {  	_ =	task.clear_ibuf [dreg:s8], $0x6FFFF;
	_ =	strace $0x90000049  }
0xb4: {  	s29 =	simm.s32 $0x9;
	_ =	strace $0x8000004B  }
0xb5: {  	_ =	swait.ge [sflag:s29], $0x1  }
0xb6: {  	[sflag:s29] =	ssyncadd.s32 $0xFFFFFFFF  }
0xb7: {  	_ =	strace $0x9000004B  }
0xb8: {  	_ =	sfence  }
0xb9: {  	s30 =	sld [smem:$0x0];
	_ =	sdelay $0x2  }
0xba: {  	s31 =	sshll.u32 s1, $0xD;
	s1 =	sshrl.u32 s1, $0x2  }
0xbb: {  	s3 =	sand.u32 $0x4000, s31;
	s1 =	sadd.s32 s1, s30  }
0xbc: {  	s0 =	sor.u32 s3, s0;
	s1 =	sshll.u32 s1, $0x11  }
0xbd: {  	s0 =	sor.u32 s1, s0  }
0xbe: {  	s0 =	sadd.s32 $0x8F2B, s0  }
0xbf: {  	[sflag:s0] =	ssyncadd.remote.s32 $0x1  }
0xc0: {  	_ =	sfence.sel $0xFFFF  }
0xc1: {  	[dreg:$0x0] =	wrdreg $0xFFFFFFFF;
	(pc) =	sbr.abs _section_cstart, $3  }
0xc2: {  	[dreg:$0x1] =	wrdreg $0xFFFFFFFF  }
0xc3: {  	_ =	task.clear_ibuf [dreg:s8], $0x2FFFF;
	_ =	strace $0x9FFFFFFF  }
0xc4: {  	(tm) =	ssettm $0x7FFFFFFF  }
0xc5: {  	_ =	shalt  }
tec
execute0_lowered:
.L_overlay_start_1:
0x0: {  	(tag) =	ssettag $0x1  }
0x1: {  	s0 =	rddreg [dreg:$0x0]  }
0x2: {  	s1 =	rddreg [dreg:$0x1]  }
0x3: {  	s5 =	rddreg [dreg:$0x2];
	s2 =	simm.s32 $0x0;
	s3 =	srdreg.scid  }
0x4: {  	s13 =	stileid.u32;
	s14 =	simm.s32 $0x100;
	s31 =	simm.s32 $0x8100  }
0x5: {  	s28 =	simm.s32 $0xF900;
	s29 =	simm.s32 $0x10100;
	s30 =	simm.s32 $0x10500  }
0x6: {  	s15 =	simm.s32 $0x13500;
	s16 =	simm.s32 $0x13D00;
	s17 =	simm.s32 $0x1  }
0x7: {  	s18 =	simm.s32 $0x2;
	s19 =	simm.s32 $0x3;
	[smem:$0x7FF] =	sst s2  }
0x8: {  	s7 =	sand.u32 $0x1, s3;
	s3 =	sadd.s32 $0xD1800, s0;
	s6 =	smul.u32 $0x3000, s13  }
0x9: {  	s4 =	sadd.s32 $0x5C400, s0;
	s9 =	sshll.u32 s13, $0xD;
	s21 =	sshll.u32 s13, $0x1  }
0xa: {  	s26 =	sshll.u32 s13, $0x5;
	s13 =	simm.s32 $0x13100;
	_ =	strace $0x8000004A  }
0xb: {  	s8 =	ssub.s32 $0x2, s7;
	s9 =	sadd.s32 s9, s0;
	[dreg:$0x4] =	wrdreg s21  }
0xc: {  	s22 =	sshll.u32 s7, $0xC;
	s12 =	smul.u32 $0x1800, s7;
	s1 =	sadd.s32 s26, s1  }
0xd: {  	s7 =	sshll.u32 s7, $0x4;
	s5 =	sadd.s32 s26, s5;
	s26 =	simm.s32 $0xF500  }
0xe: {  	s21 =	simm.s32 $0x0;
	s10 =	sshrl.u32 s8, $0x1;
	s11 =	sadd.s32 s6, s0  }
0xf: {  	s6 =	sadd.s32 $0x5C500, s0;
	s24 =	sadd.s32 s22, s9;
	s9 =	simm.s32 $0x12900  }
0x10: {  	s8 =	ssub.s32 s8, s10;
	s0 =	sadd.s32 $0x11FA00, s24;
	s25 =	sadd.s32 s12, s11  }
.Ltmp0:
0x11: {  	s10 =	sadd.s32 s7, s1;
	s11 =	sadd.s32 s7, s5;
	(pc) =	sbr.rel .LBB2_1-.Ltmp0, $4  }
0x12: {  	s12 =	simm.s32 $0x4;
	s1 =	simm.s32 $0x11100;
	s5 =	simm.s32 $0x11900  }
0x13: {  	v2 =	vlaneseq.u32;
	s7 =	simm.s32 $0x11D00;
	s23 =	smax.u32 s8, $0x1;
	[dreg:$0x6] =	wrdreg s0  }
0x14: {  	vm0 =	vmmov $0xffff;
	vm1 =	vmmov $0xff;
	v1 =	vshrl.u32 v2, $0x3;
	s0 =	sadd.s32 $0x1393800, s25;
	s8 =	simm.s32 $0x12500;
	[dreg:$0x5] =	wrdreg s23  }
0x15: {  	v0 =	vand.u32 $0x7, v2;
	v2 =	vor.u32 $0x8, v2;
	v1 =	vmul.u32 $0x8, v1;
	s25 =	simm.s32 $0x80;
	[dreg:$0x7] =	wrdreg s0;
	s0 =	simm.s32 $0x10D00  }
.LBB2_5:
0x16: {  	s21 =	rddreg [dreg:$0x8]  }
0x17: {  	s20 =	rddreg [dreg:$0x5];
	s21 =	sadd.s32 $0x1, s21  }
0x18: {  	p0 =	sne.s32 s21, s20  }
.Ltmp1:
0x19: {  	_ = 	snop;
	(pc) =	sbr.rel @!p0 .LBB2_6-.Ltmp1, $1  }
0x1a: {  	_ =	sdelay $0x3  }
.LBB2_1:
.Ltmp2:
0x1b: {  	(pc) =	sbr.rel .LBB2_2-.Ltmp2, $4  }
0x1c: {  	[dreg:$0x8] =	wrdreg s21  }
0x1d: {  	s20 =	rddreg [dreg:$0x4]  }
0x1e: {  	s21 =	rddreg [dreg:$0x7]  }
0x1f: {  	s22 =	rddreg [dreg:$0x6];
	s23 =	simm.s32 $0x0  }
.LBB2_4:
0x20: {  	s23 =	sadd.s32 $0x200, s23  }
0x21: {  	p0 =	sne.s32 s23, $0x9E00  }
.Ltmp3:
0x22: {  	_ = 	snop;
	(pc) =	sbr.rel @!p0 .LBB2_5-.Ltmp3, $2  }
0x23: {  	_ =	sdelay $0x2  }
0x24: {  	s22 =	sadd.s32 $0x20000, s22;
	s21 =	sadd.s32 $0x30000, s21;
	s20 =	sadd.s32 $0x20, s20  }
.LBB2_2:
0x25: {  	p0 =	sgt.u32 s20, $0x9C3  }
.Ltmp4:
0x26: {  	_ = 	snop;
	(pc) =	sbr.rel @p0 .LBB2_4-.Ltmp4, $1  }
0x27: {  	_ =	sdelay $0x3  }
0x28: {  	s24 =	sadd.s32 s23, s11  }
0x29: {  	[tilespmem:s2], [sflag:$0x4] =	stream.linear.gather [hbm4b:s24+s2], $0x80, $0x38;
	[tilespmem:$0x14100] =	vst v63  }
0x2a: {  	_ =	swait.ge [sflag:s12], $0x80  }
0x2b: {  	[sflag:s12] =	ssyncset.done $0x0  }
0x2c: {  	s24 =	sadd.s32 s23, s10;
	[sflag:s12] =	ssyncadd.s32 $0xFFFFFF80  }
0x2d: {  	[tilespmem:s25], [sflag:$0x4] =	stream.linear.gather [hbm4b:s24+s2], $0x80, $0x38;
	[tilespmem:$0x14100] =	vst v63  }
0x2e: {  	_ =	swait.ge [sflag:s12], $0x80  }
0x2f: {  	[sflag:s12] =	ssyncset.done $0x0  }
0x30: {  	[sflag:s12] =	ssyncadd.s32 $0xFFFFFF80  }
0x31: {  	v3 =	vld [tilespmem:$0x0];
	_ =	sdelay $0x4  }
0x32: {  	v4 =	vshll.u32 v3, $0x1  }
0x33: {  	v3 =	vand.u32 $0x7, v3;
	v4 =	vand.u32 $0xFFFFFFF0, v4  }
0x34: {  	v3 =	vor.u32 v3, v4  }
0x35: {  	v4 =	vperm.xlane v3, v0;
	_ =	sdelay $0x1  }
0x36: {  	v3 =	vperm.xlane v3, v2;
	v4 =	vadd.s32 v1, v4;
	_ =	sdelay $0x1  }
0x37: {  	v3 =	vadd.s32 v1, v3;
	_ =	sdelay $0x2  }
0x38: {  	[tilespmem:s14], [sflag:$0x1] =	stream.indirect_vreg.gather [hbm4b:s3+s2], $0x80, v4, vm0, $0xb8;
	[tilespmem:$0x14100] =	vst v63  }
0x39: {  	s24 =	simm.s32 $0x900  }
0x3a: {  	[tilespmem:s24], [sflag:$0x1] =	stream.indirect_vreg.gather [hbm4b:s3+s2], $0x80, v3, vm0, $0xb8;
	[tilespmem:$0x14100] =	vst v63  }
0x3b: {  	v3 =	vld [tilespmem:$0x10];
	_ =	sdelay $0x4  }
0x3c: {  	v49 =	vshll.u32 v3, $0x1  }
0x3d: {  	v3 =	vand.u32 $0x7, v3;
	v4 =	vand.u32 $0xFFFFFFF0, v49  }
0x3e: {  	v3 =	vor.u32 v3, v4  }
0x3f: {  	v4 =	vperm.xlane v3, v0;
	_ =	sdelay $0x1  }
0x40: {  	v3 =	vperm.xlane v3, v2;
	v4 =	vadd.s32 v1, v4;
	_ =	sdelay $0x1  }
0x41: {  	v3 =	vadd.s32 v1, v3;
	_ =	sdelay $0x1  }
0x42: {  	s24 =	simm.s32 $0x1100  }
0x43: {  	[tilespmem:s24], [sflag:$0x1] =	stream.indirect_vreg.gather [hbm4b:s3+s2], $0x80, v4, vm0, $0xb8;
	[tilespmem:$0x14100] =	vst v63  }
0x44: {  	s24 =	simm.s32 $0x1900  }
0x45: {  	[tilespmem:s24], [sflag:$0x1] =	stream.indirect_vreg.gather [hbm4b:s3+s2], $0x80, v3, vm0, $0xb8;
	[tilespmem:$0x14100] =	vst v63  }
0x46: {  	v3 =	vld [tilespmem:$0x20];
	_ =	sdelay $0x4  }
0x47: {  	v50 =	vshll.u32 v3, $0x1  }
0x48: {  	v3 =	vand.u32 $0x7, v3;
	v4 =	vand.u32 $0xFFFFFFF0, v50  }
0x49: {  	v3 =	vor.u32 v3, v4  }
0x4a: {  	v4 =	vperm.xlane v3, v0;
	_ =	sdelay $0x1  }
0x4b: {  	v3 =	vperm.xlane v3, v2;
	v4 =	vadd.s32 v1, v4;
	_ =	sdelay $0x1  }
0x4c: {  	v3 =	vadd.s32 v1, v3;
	_ =	sdelay $0x1  }
0x4d: {  	s24 =	simm.s32 $0x2100  }
0x4e: {  	[tilespmem:s24], [sflag:$0x1] =	stream.indirect_vreg.gather [hbm4b:s3+s2], $0x80, v4, vm0, $0xb8;
	[tilespmem:$0x14100] =	vst v63  }
0x4f: {  	s24 =	simm.s32 $0x2900  }
0x50: {  	[tilespmem:s24], [sflag:$0x1] =	stream.indirect_vreg.gather [hbm4b:s3+s2], $0x80, v3, vm0, $0xb8;
	[tilespmem:$0x14100] =	vst v63  }
0x51: {  	v3 =	vld [tilespmem:$0x30];
	_ =	sdelay $0x4  }
0x52: {  	v51 =	vshll.u32 v3, $0x1  }
0x53: {  	v3 =	vand.u32 $0x7, v3;
	v4 =	vand.u32 $0xFFFFFFF0, v51  }
0x54: {  	v3 =	vor.u32 v3, v4  }
0x55: {  	v4 =	vperm.xlane v3, v0;
	_ =	sdelay $0x1  }
0x56: {  	v3 =	vperm.xlane v3, v2;
	v4 =	vadd.s32 v1, v4;
	_ =	sdelay $0x1  }
0x57: {  	v3 =	vadd.s32 v1, v3;
	_ =	sdelay $0x1  }
0x58: {  	s24 =	simm.s32 $0x3100  }
0x59: {  	[tilespmem:s24], [sflag:$0x1] =	stream.indirect_vreg.gather [hbm4b:s3+s2], $0x80, v4, vm0, $0xb8;
	[tilespmem:$0x14100] =	vst v63  }
0x5a: {  	s24 =	simm.s32 $0x3900  }
0x5b: {  	[tilespmem:s24], [sflag:$0x1] =	stream.indirect_vreg.gather [hbm4b:s3+s2], $0x80, v3, vm0, $0xb8;
	[tilespmem:$0x14100] =	vst v63  }
0x5c: {  	v3 =	vld [tilespmem:$0x40];
	_ =	sdelay $0x4  }
0x5d: {  	v52 =	vshll.u32 v3, $0x1  }
0x5e: {  	v3 =	vand.u32 $0x7, v3;
	v4 =	vand.u32 $0xFFFFFFF0, v52  }
0x5f: {  	v3 =	vor.u32 v3, v4  }
0x60: {  	v4 =	vperm.xlane v3, v0;
	_ =	sdelay $0x1  }
0x61: {  	v3 =	vperm.xlane v3, v2;
	v4 =	vadd.s32 v1, v4;
	_ =	sdelay $0x1  }
0x62: {  	v3 =	vadd.s32 v1, v3;
	_ =	sdelay $0x1  }
0x63: {  	s24 =	simm.s32 $0x4100  }
0x64: {  	[tilespmem:s24], [sflag:$0x1] =	stream.indirect_vreg.gather [hbm4b:s3+s2], $0x80, v4, vm0, $0xb8;
	[tilespmem:$0x14100] =	vst v63  }
0x65: {  	s24 =	simm.s32 $0x4900  }
0x66: {  	[tilespmem:s24], [sflag:$0x1] =	stream.indirect_vreg.gather [hbm4b:s3+s2], $0x80, v3, vm0, $0xb8;
	[tilespmem:$0x14100] =	vst v63  }
0x67: {  	v3 =	vld [tilespmem:$0x50];
	_ =	sdelay $0x4  }
0x68: {  	v53 =	vshll.u32 v3, $0x1  }
0x69: {  	v3 =	vand.u32 $0x7, v3;
	v4 =	vand.u32 $0xFFFFFFF0, v53  }
0x6a: {  	v3 =	vor.u32 v3, v4  }
0x6b: {  	v4 =	vperm.xlane v3, v0;
	_ =	sdelay $0x1  }
0x6c: {  	v3 =	vperm.xlane v3, v2;
	v4 =	vadd.s32 v1, v4;
	_ =	sdelay $0x1  }
0x6d: {  	v3 =	vadd.s32 v1, v3;
	_ =	sdelay $0x1  }
0x6e: {  	s24 =	simm.s32 $0x5100  }
0x6f: {  	[tilespmem:s24], [sflag:$0x1] =	stream.indirect_vreg.gather [hbm4b:s3+s2], $0x80, v4, vm0, $0xb8;
	[tilespmem:$0x14100] =	vst v63  }
0x70: {  	s24 =	simm.s32 $0x5900  }
0x71: {  	[tilespmem:s24], [sflag:$0x1] =	stream.indirect_vreg.gather [hbm4b:s3+s2], $0x80, v3, vm0, $0xb8;
	[tilespmem:$0x14100] =	vst v63  }
0x72: {  	v3 =	vld [tilespmem:$0x60];
	_ =	sdelay $0x4  }
0x73: {  	v54 =	vshll.u32 v3, $0x1  }
0x74: {  	v3 =	vand.u32 $0x7, v3;
	v4 =	vand.u32 $0xFFFFFFF0, v54  }
0x75: {  	v3 =	vor.u32 v3, v4  }
0x76: {  	v4 =	vperm.xlane v3, v0;
	_ =	sdelay $0x1  }
0x77: {  	v3 =	vperm.xlane v3, v2;
	v4 =	vadd.s32 v1, v4;
	_ =	sdelay $0x1  }
0x78: {  	v3 =	vadd.s32 v1, v3;
	_ =	sdelay $0x1  }
0x79: {  	s24 =	simm.s32 $0x6100  }
0x7a: {  	[tilespmem:s24], [sflag:$0x1] =	stream.indirect_vreg.gather [hbm4b:s3+s2], $0x80, v4, vm0, $0xb8;
	[tilespmem:$0x14100] =	vst v63  }
0x7b: {  	s24 =	simm.s32 $0x6900  }
0x7c: {  	[tilespmem:s24], [sflag:$0x1] =	stream.indirect_vreg.gather [hbm4b:s3+s2], $0x80, v3, vm0, $0xb8;
	[tilespmem:$0x14100] =	vst v63  }
0x7d: {  	v3 =	vld [tilespmem:$0x70];
	_ =	sdelay $0x4  }
0x7e: {  	v55 =	vshll.u32 v3, $0x1  }
0x7f: {  	v3 =	vand.u32 $0x7, v3;
	v4 =	vand.u32 $0xFFFFFFF0, v55  }
0x80: {  	v3 =	vor.u32 v3, v4  }
0x81: {  	v4 =	vperm.xlane v3, v0;
	_ =	sdelay $0x1  }
0x82: {  	v3 =	vperm.xlane v3, v2;
	v4 =	vadd.s32 v1, v4;
	_ =	sdelay $0x1  }
0x83: {  	v3 =	vadd.s32 v1, v3;
	_ =	sdelay $0x1  }
0x84: {  	s24 =	simm.s32 $0x7100  }
0x85: {  	[tilespmem:s24], [sflag:$0x1] =	stream.indirect_vreg.gather [hbm4b:s3+s2], $0x80, v4, vm0, $0xb8;
	[tilespmem:$0x14100] =	vst v63  }
0x86: {  	s24 =	simm.s32 $0x7900  }
0x87: {  	[tilespmem:s24], [sflag:$0x1] =	stream.indirect_vreg.gather [hbm4b:s3+s2], $0x80, v3, vm0, $0xb8;
	[tilespmem:$0x14100] =	vst v63  }
0x88: {  	v3 =	vld [tilespmem:$0x80];
	_ =	sdelay $0x4  }
0x89: {  	v56 =	vshrl.u32 v3, $0x3  }
0x8a: {  	v4 =	vmul.u32 $0x18, v56  }
0x8b: {  	v3 =	vand.u32 $0x7, v3  }
0x8c: {  	v3 =	vor.u32 v3, v4  }
0x8d: {  	v4 =	vperm.xlane v3, v0;
	_ =	sdelay $0x1  }
0x8e: {  	v4 =	vadd.s32 v1, v4;
	_ =	sdelay $0x1  }
0x8f: {  	v3 =	vperm.xlane v3, v2;
	_ =	sdelay $0x1  }
0x90: {  	v3 =	vadd.s32 v1, v3  }
0x91: {  	[tilespmem:s31], [sflag:$0x2] =	stream.indirect_vreg.gather [hbm4b:s4+s2], $0x80, v4, vm0, $0xb8;
	[tilespmem:$0x14100] =	vst v63  }
0x92: {  	s24 =	simm.s32 $0x8900  }
0x93: {  	[tilespmem:s24], [sflag:$0x2] =	stream.indirect_vreg.gather [hbm4b:s6+s2], $0x80, v4, vm1, $0xb8;
	[tilespmem:$0x14100] =	vst v63  }
0x94: {  	s24 =	simm.s32 $0x8D00  }
0x95: {  	[tilespmem:s24], [sflag:$0x2] =	stream.indirect_vreg.gather [hbm4b:s4+s2], $0x80, v3, vm0, $0xb8;
	[tilespmem:$0x14100] =	vst v63  }
0x96: {  	s24 =	simm.s32 $0x9500  }
0x97: {  	[tilespmem:s24], [sflag:$0x2] =	stream.indirect_vreg.gather [hbm4b:s6+s2], $0x80, v3, vm1, $0xb8;
	[tilespmem:$0x14100] =	vst v63  }
0x98: {  	v3 =	vld [tilespmem:$0x90];
	_ =	sdelay $0x4  }
0x99: {  	v57 =	vshrl.u32 v3, $0x3  }
0x9a: {  	v4 =	vmul.u32 $0x18, v57  }
0x9b: {  	v3 =	vand.u32 $0x7, v3  }
0x9c: {  	v3 =	vor.u32 v3, v4  }
0x9d: {  	v4 =	vperm.xlane v3, v0;
	_ =	sdelay $0x1  }
0x9e: {  	v4 =	vadd.s32 v1, v4;
	_ =	sdelay $0x1  }
0x9f: {  	v3 =	vperm.xlane v3, v2;
	_ =	sdelay $0x1  }
0xa0: {  	s24 =	simm.s32 $0x9900;
	v3 =	vadd.s32 v1, v3  }
0xa1: {  	[tilespmem:s24], [sflag:$0x2] =	stream.indirect_vreg.gather [hbm4b:s4+s2], $0x80, v4, vm0, $0xb8;
	[tilespmem:$0x14100] =	vst v63  }
0xa2: {  	s24 =	simm.s32 $0xA100  }
0xa3: {  	[tilespmem:s24], [sflag:$0x2] =	stream.indirect_vreg.gather [hbm4b:s6+s2], $0x80, v4, vm1, $0xb8;
	[tilespmem:$0x14100] =	vst v63  }
0xa4: {  	s24 =	simm.s32 $0xA500  }
0xa5: {  	[tilespmem:s24], [sflag:$0x2] =	stream.indirect_vreg.gather [hbm4b:s4+s2], $0x80, v3, vm0, $0xb8;
	[tilespmem:$0x14100] =	vst v63  }
0xa6: {  	s24 =	simm.s32 $0xAD00  }
0xa7: {  	[tilespmem:s24], [sflag:$0x2] =	stream.indirect_vreg.gather [hbm4b:s6+s2], $0x80, v3, vm1, $0xb8;
	[tilespmem:$0x14100] =	vst v63  }
0xa8: {  	v3 =	vld [tilespmem:$0xA0];
	_ =	sdelay $0x4  }
0xa9: {  	v58 =	vshrl.u32 v3, $0x3  }
0xaa: {  	v4 =	vmul.u32 $0x18, v58  }
0xab: {  	v3 =	vand.u32 $0x7, v3  }
0xac: {  	v3 =	vor.u32 v3, v4  }
0xad: {  	v4 =	vperm.xlane v3, v0;
	_ =	sdelay $0x1  }
0xae: {  	v4 =	vadd.s32 v1, v4;
	_ =	sdelay $0x1  }
0xaf: {  	v3 =	vperm.xlane v3, v2;
	_ =	sdelay $0x1  }
0xb0: {  	s24 =	simm.s32 $0xB100;
	v3 =	vadd.s32 v1, v3  }
0xb1: {  	[tilespmem:s24], [sflag:$0x2] =	stream.indirect_vreg.gather [hbm4b:s4+s2], $0x80, v4, vm0, $0xb8;
	[tilespmem:$0x14100] =	vst v63  }
0xb2: {  	s24 =	simm.s32 $0xB900  }
0xb3: {  	[tilespmem:s24], [sflag:$0x2] =	stream.indirect_vreg.gather [hbm4b:s6+s2], $0x80, v4, vm1, $0xb8;
	[tilespmem:$0x14100] =	vst v63  }
0xb4: {  	s24 =	simm.s32 $0xBD00  }
0xb5: {  	[tilespmem:s24], [sflag:$0x2] =	stream.indirect_vreg.gather [hbm4b:s4+s2], $0x80, v3, vm0, $0xb8;
	[tilespmem:$0x14100] =	vst v63  }
0xb6: {  	s24 =	simm.s32 $0xC500  }
0xb7: {  	[tilespmem:s24], [sflag:$0x2] =	stream.indirect_vreg.gather [hbm4b:s6+s2], $0x80, v3, vm1, $0xb8;
	[tilespmem:$0x14100] =	vst v63  }
0xb8: {  	v3 =	vld [tilespmem:$0xB0];
	_ =	sdelay $0x4  }
0xb9: {  	v59 =	vshrl.u32 v3, $0x3  }
0xba: {  	v4 =	vmul.u32 $0x18, v59  }
0xbb: {  	v3 =	vand.u32 $0x7, v3  }
0xbc: {  	v3 =	vor.u32 v3, v4  }
0xbd: {  	v4 =	vperm.xlane v3, v0;
	_ =	sdelay $0x1  }
0xbe: {  	v4 =	vadd.s32 v1, v4;
	_ =	sdelay $0x1  }
0xbf: {  	v3 =	vperm.xlane v3, v2;
	_ =	sdelay $0x1  }
0xc0: {  	s24 =	simm.s32 $0xC900;
	v3 =	vadd.s32 v1, v3  }
0xc1: {  	[tilespmem:s24], [sflag:$0x2] =	stream.indirect_vreg.gather [hbm4b:s4+s2], $0x80, v4, vm0, $0xb8;
	[tilespmem:$0x14100] =	vst v63  }
0xc2: {  	s24 =	simm.s32 $0xD100  }
0xc3: {  	[tilespmem:s24], [sflag:$0x2] =	stream.indirect_vreg.gather [hbm4b:s6+s2], $0x80, v4, vm1, $0xb8;
	[tilespmem:$0x14100] =	vst v63  }
0xc4: {  	s24 =	simm.s32 $0xD500  }
0xc5: {  	[tilespmem:s24], [sflag:$0x2] =	stream.indirect_vreg.gather [hbm4b:s4+s2], $0x80, v3, vm0, $0xb8;
	[tilespmem:$0x14100] =	vst v63  }
0xc6: {  	s24 =	simm.s32 $0xDD00  }
0xc7: {  	[tilespmem:s24], [sflag:$0x2] =	stream.indirect_vreg.gather [hbm4b:s6+s2], $0x80, v3, vm1, $0xb8;
	[tilespmem:$0x14100] =	vst v63  }
0xc8: {  	v3 =	vld [tilespmem:$0xC0];
	_ =	sdelay $0x4  }
0xc9: {  	v60 =	vshrl.u32 v3, $0x3  }
0xca: {  	v4 =	vmul.u32 $0x18, v60  }
0xcb: {  	v3 =	vand.u32 $0x7, v3  }
0xcc: {  	v3 =	vor.u32 v3, v4  }
0xcd: {  	v4 =	vperm.xlane v3, v0;
	_ =	sdelay $0x1  }
0xce: {  	v4 =	vadd.s32 v1, v4;
	_ =	sdelay $0x1  }
0xcf: {  	v3 =	vperm.xlane v3, v2;
	_ =	sdelay $0x1  }
0xd0: {  	s24 =	simm.s32 $0xE100;
	v3 =	vadd.s32 v1, v3  }
0xd1: {  	[tilespmem:s24], [sflag:$0x2] =	stream.indirect_vreg.gather [hbm4b:s4+s2], $0x80, v4, vm0, $0xb8;
	[tilespmem:$0x14100] =	vst v63  }
0xd2: {  	s24 =	simm.s32 $0xE900  }
0xd3: {  	[tilespmem:s24], [sflag:$0x2] =	stream.indirect_vreg.gather [hbm4b:s6+s2], $0x80, v4, vm1, $0xb8;
	[tilespmem:$0x14100] =	vst v63  }
0xd4: {  	s24 =	simm.s32 $0xED00  }
0xd5: {  	[tilespmem:s24], [sflag:$0x2] =	stream.indirect_vreg.gather [hbm4b:s4+s2], $0x80, v3, vm0, $0xb8;
	[tilespmem:$0x14100] =	vst v63  }
0xd6: {  	_ = 	snop  }
0xd7: {  	[tilespmem:s26], [sflag:$0x2] =	stream.indirect_vreg.gather [hbm4b:s6+s2], $0x80, v3, vm1, $0xb8;
	[tilespmem:$0x14100] =	vst v63  }
0xd8: {  	v3 =	vld [tilespmem:$0xD0];
	_ =	sdelay $0x4  }
0xd9: {  	v61 =	vshrl.u32 v3, $0x3  }
0xda: {  	v4 =	vmul.u32 $0x18, v61  }
0xdb: {  	v3 =	vand.u32 $0x7, v3  }
0xdc: {  	v3 =	vor.u32 v3, v4  }
0xdd: {  	v4 =	vperm.xlane v3, v0;
	_ =	sdelay $0x1  }
0xde: {  	v4 =	vadd.s32 v1, v4;
	_ =	sdelay $0x1  }
0xdf: {  	v3 =	vperm.xlane v3, v2;
	_ =	sdelay $0x1  }
0xe0: {  	v3 =	vadd.s32 v1, v3  }
0xe1: {  	[tilespmem:s28], [sflag:$0x2] =	stream.indirect_vreg.gather [hbm4b:s4+s2], $0x80, v4, vm0, $0xb8;
	[tilespmem:$0x14100] =	vst v63  }
0xe2: {  	_ = 	snop  }
0xe3: {  	[tilespmem:s29], [sflag:$0x2] =	stream.indirect_vreg.gather [hbm4b:s6+s2], $0x80, v4, vm1, $0xb8;
	[tilespmem:$0x14100] =	vst v63  }
0xe4: {  	_ = 	snop  }
0xe5: {  	[tilespmem:s30], [sflag:$0x2] =	stream.indirect_vreg.gather [hbm4b:s4+s2], $0x80, v3, vm0, $0xb8;
	[tilespmem:$0x14100] =	vst v63  }
0xe6: {  	_ = 	snop  }
0xe7: {  	[tilespmem:s0], [sflag:$0x2] =	stream.indirect_vreg.gather [hbm4b:s6+s2], $0x80, v3, vm1, $0xb8;
	[tilespmem:$0x14100] =	vst v63  }
0xe8: {  	v3 =	vld [tilespmem:$0xE0];
	_ =	sdelay $0x4  }
0xe9: {  	v62 =	vshrl.u32 v3, $0x3  }
0xea: {  	v4 =	vmul.u32 $0x18, v62  }
0xeb: {  	v3 =	vand.u32 $0x7, v3  }
0xec: {  	v3 =	vor.u32 v3, v4  }
0xed: {  	v4 =	vperm.xlane v3, v0;
	_ =	sdelay $0x1  }
0xee: {  	v4 =	vadd.s32 v1, v4;
	_ =	sdelay $0x1  }
0xef: {  	v3 =	vperm.xlane v3, v2;
	_ =	sdelay $0x1  }
0xf0: {  	v3 =	vadd.s32 v1, v3  }
0xf1: {  	[tilespmem:s1], [sflag:$0x2] =	stream.indirect_vreg.gather [hbm4b:s4+s2], $0x80, v4, vm0, $0xb8;
	[tilespmem:$0x14100] =	vst v63  }
0xf2: {  	_ = 	snop  }
0xf3: {  	[tilespmem:s5], [sflag:$0x2] =	stream.indirect_vreg.gather [hbm4b:s6+s2], $0x80, v4, vm1, $0xb8;
	[tilespmem:$0x14100] =	vst v63  }
0xf4: {  	_ = 	snop  }
0xf5: {  	[tilespmem:s7], [sflag:$0x2] =	stream.indirect_vreg.gather [hbm4b:s4+s2], $0x80, v3, vm0, $0xb8;
	[tilespmem:$0x14100] =	vst v63  }
0xf6: {  	_ = 	snop  }
0xf7: {  	[tilespmem:s8], [sflag:$0x2] =	stream.indirect_vreg.gather [hbm4b:s6+s2], $0x80, v3, vm1, $0xb8;
	[tilespmem:$0x14100] =	vst v63  }
0xf8: {  	v3 =	vld [tilespmem:$0xF0];
	_ =	sdelay $0x4  }
0xf9: {  	v63 =	vshrl.u32 v3, $0x3  }
0xfa: {  	v4 =	vmul.u32 $0x18, v63  }
0xfb: {  	v3 =	vand.u32 $0x7, v3  }
0xfc: {  	v3 =	vor.u32 v3, v4  }
0xfd: {  	v4 =	vperm.xlane v3, v0;
	_ =	sdelay $0x1  }
0xfe: {  	v4 =	vadd.s32 v1, v4;
	_ =	sdelay $0x1  }
0xff: {  	v3 =	vperm.xlane v3, v2;
	_ =	sdelay $0x1  }
0x100: {  	v3 =	vadd.s32 v1, v3  }
0x101: {  	[tilespmem:s9], [sflag:$0x2] =	stream.indirect_vreg.gather [hbm4b:s4+s2], $0x80, v4, vm0, $0xb8;
	[tilespmem:$0x14100] =	vst v63  }
0x102: {  	_ = 	snop  }
0x103: {  	[tilespmem:s13], [sflag:$0x2] =	stream.indirect_vreg.gather [hbm4b:s6+s2], $0x80, v4, vm1, $0xb8;
	[tilespmem:$0x14100] =	vst v63  }
0x104: {  	_ = 	snop  }
0x105: {  	[tilespmem:s15], [sflag:$0x2] =	stream.indirect_vreg.gather [hbm4b:s4+s2], $0x80, v3, vm0, $0xb8;
	[tilespmem:$0x14100] =	vst v63  }
0x106: {  	_ = 	snop  }
0x107: {  	[tilespmem:s16], [sflag:$0x2] =	stream.indirect_vreg.gather [hbm4b:s6+s2], $0x80, v3, vm1, $0xb8;
	[tilespmem:$0x14100] =	vst v63  }
0x108: {  	_ =	swait.ge [sflag:s17], $0x8000  }
0x109: {  	[sflag:s17] =	ssyncset.done $0x0  }
0x10a: {  	[sflag:s17] =	ssyncadd.s32 $0xFFFF8000  }
0x10b: {  	_ =	swait.ge [sflag:s18], $0xC000  }
0x10c: {  	[sflag:s18] =	ssyncset.done $0x0  }
0x10d: {  	[sflag:s18] =	ssyncadd.s32 $0xFFFF4000  }
0x10e: {  	[hbm4b:s22+s2] =	stream.linear.scatter [tilespmem:s14], [sflag:$0x4], $0x8000, $0x38;
	[tilespmem:$0x14100] =	vst v63  }
0x10f: {  	_ =	swait.ge [sflag:s12], $0x8000  }
0x110: {  	[sflag:s12] =	ssyncset.done $0x0  }
.Ltmp5:
0x111: {  	[sflag:s12] =	ssyncadd.s32 $0xFFFF8000;
	(pc) =	sbr.rel .LBB2_4-.Ltmp5, $4  }
0x112: {  	[hbm4b:s21+s2] =	stream.linear.scatter [tilespmem:s31], [sflag:$0x3], $0xC000, $0x38;
	[tilespmem:$0x14100] =	vst v63  }
0x113: {  	_ =	swait.ge [sflag:s19], $0xC000  }
0x114: {  	[sflag:s19] =	ssyncset.done $0x0  }
0x115: {  	[sflag:s19] =	ssyncadd.s32 $0xFFFF4000  }
.LBB2_6:
0x116: {  	_ =	sfence.sel $0x180000  }
0x117: {  	[bflag:$0x0] =	sbarrier.arrive $0xFFFF  }
0x118: {  	_ =	strace $0x9000004A  }
0x119: {  	s0 =	stileid.u32;
	[bflag:$0x2] =	sbarrier.arrive $0xFFFF  }
0x11a: {  	p0 =	sne.s32 s0, $0x0;
	s0 =	rddreg [dreg:$0x3]  }
0x11b: {  	s0 =	sadd.s32 @!p0 $0x100000, s0  }
0x11c: {  	[sflag:s0] =	ssyncadd.tile.s32 @!p0 $0x1;
	_ =	shalt  }
.Lfunc_end2:
_tile_overlayer_lowered:
.L_overlay_start_2:
0x11d: {  	(tag) =	ssettag $0x2  }
0x11e: {  	s0 =	rddreg [dreg:$0x0];
	s2 =	stileid.u32  }
0x11f: {  	s1 =	rddreg [dreg:$0x1];
	p0 =	sne.s32 s2, $0x0  }
0x120: {  	s3 =	rddreg [dreg:$0x2];
	[bflag:$0x3] =	sbarrier.arrive $0xFFFF;
	s2 =	simm.s32 @!p0 $0x1C03  }
0x121: {  	[timem:s3], [sflag:s2] =	dma.local @!p0 [hbm:s0], s1  }
0x122: {  	s0 =	simm.s32 @!p0 $0x3  }
0x123: {  	_ =	swait.ge @!p0 [sflag:s0], s1  }
0x124: {  	s1 =	ssub.s32 @!p0 $0x0, s1;
	[sflag:s0] =	ssyncset.done @!p0 $0x0  }
0x125: {  	[sflag:s0] =	ssyncadd.s32 @!p0 s1  }
0x126: {  	[bflag:$0x3] =	sbarrier.arrive $0xFFFF  }
0x127: {  	_ =	shalt  }

// kernel: kernel.22.cloned.1.call-start
scs
__scs_entry_jumppad:
0x0: {  	(pc) =	sbr.rel $0x88, $3  }
0x1: {  	(tag) =	ssettag $0x0;
	lr =	simm.s32 $0x1  }
0x2: {  	[smem:$0x3F68] =	sst lr;
	_ =	strace $0xD0000000  }
0x3: {  	_ = 	snop  }
0x4: {  	_ = 	snop  }
0x5: {  	_ = 	snop  }
0x6: {  	_ = 	snop  }
0x7: {  	_ = 	snop  }
__scs_overlays_trampoline_lowered:
0x8: {  	[smem:$0x3F77] =	sst s0  }
0x9: {  	[smem:$0x3F78] =	sst s1  }
0xa: {  	[smem:$0x3F79] =	sst s2  }
0xb: {  	[smem:$0x3F7A] =	sst s3  }
0xc: {  	[smem:$0x3F7B] =	sst s4  }
0xd: {  	[smem:$0x3F7C] =	sst s5  }
0xe: {  	[smem:$0x3F7D] =	sst s6  }
0xf: {  	[smem:$0x3F7E] =	sst s7  }
0x10: {  	[smem:$0x3F7F] =	sst s8  }
0x11: {  	[smem:$0x3F80] =	sst s9;
	s0 =	simm.s32 @!p0 $0x0  }
0x12: {  	s1 =	sld [smem:$0x3F66];
	s0 =	simm.s32 @p0 $0x1  }
0x13: {  	[smem:$0x3F81] =	sst s0;
	s0 =	simm.s32 @!p1 $0x0  }
0x14: {  	s2 =	sld [smem:$0x3F65];
	s0 =	simm.s32 @p1 $0x1  }
0x15: {  	[smem:$0x3F82] =	sst s0;
	s0 =	simm.s32 @!p2 $0x0  }
0x16: {  	s3 =	sld [smem:$0x3FDB];
	s0 =	simm.s32 @p2 $0x1  }
0x17: {  	s4 =	simm.s32 $0x1BF5;
	[smem:$0x3F84] =	sst s0  }
0x18: {  	s0 =	sld [smem:$0x3F67];
	_ =	swait.ge [sflag:s4], $0x0  }
0x19: {  	s7 =	sld [smem:$0x3F68]  }
0x1a: {  	s8 =	sadd.s32 $0xFFFFE003, lr  }
0x1b: {  	s9 =	sadd.s32 $0xFFFFFEF7, lr;
	s5 =	simm.s32 $0xFFFFFFFF;
	p2 =	slt.u32 s8, $0xFFFFF086  }
0x1c: {  	p1 =	slt.u32 s9, $0xF7A;
	s5 =	simm.s32 @!p2 $0x0  }
0x1d: {  	s5 =	simm.s32 @p1 $0x1;
	p0 =	seq.s32 s7, s2  }
0x1e: {  	s7 =	smul.u32 @!p0 $0xF7A, s2;
	p2 =	seq.s32 @!p0 s5, $0x0  }
0x1f: {  	s9 =	smul.u32 $0xF7A, s1;
	s8 =	simm.s32 @!p0 $0x1BF5;
	p2 =	por !p2, p0  }
0x20: {  	[sflag:s8] =	ssyncset.s32 @!p0 $0xFFFFF086;
	s6 =	sadd.s32 @!p0 s3, s7;
	s7 =	simm.s32 @!p0 $0x108  }
0x21: {  	s3 =	sadd.s32 s3, s9;
	s6 =	sadd.s32 @!p0 $0x88, s6;
	s7 =	simm.s32 @p2 $0x1082  }
0x22: {  	[simem:s7], [sflag:s8] =	dma.local @!p0 [hbm:s6], $0xF7A  }
0x23: {  	s9 =	sor.u32 $0xD0000000, s2;
	s6 =	simm.s32 $0x108;
	_ =	swait.ge @!p0 [sflag:s8], $0x0  }
0x24: {  	s3 =	sadd.s32 $0x88, s3;
	s6 =	simm.s32 @!p1 $0x1082;
	[sflag:s4] =	ssyncset.s32 $0xFFFFF086  }
0x25: {  	[simem:s6], [sflag:s4] =	dma.local [hbm:s3], $0xF7A  }
0x26: {  	[smem:$0x3F68] =	sst s1;
	(tag) =	ssettag s2;
	_ =	strace s9  }
0x27: {  	s1 =	sld [smem:$0x3F78]  }
0x28: {  	s2 =	sld [smem:$0x3F79]  }
0x29: {  	s4 =	sld [smem:$0x3F7B]  }
0x2a: {  	p0 =	seq.s32 s5, $0x0;
	s5 =	sld [smem:$0x3F7C]  }
0x2b: {  	s6 =	sld [smem:$0x3F7D]  }
0x2c: {  	s7 =	sld [smem:$0x3F7E]  }
0x2d: {  	s3 =	simm.s32 $0x108;
	s8 =	sld [smem:$0x3F7F]  }
0x2e: {  	s3 =	simm.s32 @!p0 $0x1082;
	s9 =	sld [smem:$0x3F80]  }
0x2f: {  	lr =	sadd.s32 s0, s3;
	s0 =	sld [smem:$0x3F77]  }
0x30: {  	s3 =	sld [smem:$0x3F7A]  }
0x31: {  	[smem:$0x3F83] =	sst s10  }
0x32: {  	s10 =	sld [smem:$0x3F81];
	_ =	sdelay $0x3  }
0x33: {  	p0 =	seq.s32 s10, $0x1;
	s10 =	sld [smem:$0x3F83];
	_ =	sdelay $0x3  }
0x34: {  	[smem:$0x3F83] =	sst s10  }
0x35: {  	s10 =	sld [smem:$0x3F82];
	_ =	sdelay $0x3  }
0x36: {  	p1 =	seq.s32 s10, $0x1;
	s10 =	sld [smem:$0x3F83];
	_ =	sdelay $0x3  }
0x37: {  	[smem:$0x3F83] =	sst s10  }
0x38: {  	s10 =	sld [smem:$0x3F84]  }
0x39: {  	_ = 	snop;
	(pc) =	sbr.ind lr, $3  }
0x3a: {  	_ = 	snop  }
0x3b: {  	_ = 	snop  }
0x3c: {  	p2 =	seq.s32 s10, $0x1;
	s10 =	sld [smem:$0x3F83]  }
0x3d: {  	_ =	shalt  }
0x3e: {  	_ =	shalt  }
0x3f: {  	_ =	shalt  }
0x40: {  	_ =	shalt  }
0x41: {  	_ =	shalt  }
0x42: {  	_ =	shalt  }
0x43: {  	_ =	shalt  }
0x44: {  	_ =	shalt  }
0x45: {  	_ =	shalt  }
0x46: {  	_ =	shalt  }
0x47: {  	_ =	shalt  }
0x48: {  	_ =	shalt  }
0x49: {  	_ =	shalt  }
0x4a: {  	_ =	shalt  }
0x4b: {  	_ =	shalt  }
0x4c: {  	_ =	shalt  }
0x4d: {  	_ =	shalt  }
0x4e: {  	_ =	shalt  }
0x4f: {  	_ =	shalt  }
0x50: {  	_ =	shalt  }
0x51: {  	_ =	shalt  }
0x52: {  	_ =	shalt  }
0x53: {  	_ =	shalt  }
0x54: {  	_ =	shalt  }
0x55: {  	_ =	shalt  }
0x56: {  	_ =	shalt  }
0x57: {  	_ =	shalt  }
0x58: {  	_ =	shalt  }
0x59: {  	_ =	shalt  }
0x5a: {  	_ =	shalt  }
0x5b: {  	_ =	shalt  }
0x5c: {  	_ =	shalt  }
0x5d: {  	_ =	shalt  }
0x5e: {  	_ =	shalt  }
0x5f: {  	_ =	shalt  }
0x60: {  	_ =	shalt  }
0x61: {  	_ =	shalt  }
0x62: {  	_ =	shalt  }
0x63: {  	_ =	shalt  }
0x64: {  	_ =	shalt  }
0x65: {  	_ =	shalt  }
0x66: {  	_ =	shalt  }
0x67: {  	_ =	shalt  }
0x68: {  	_ =	shalt  }
0x69: {  	_ =	shalt  }
0x6a: {  	_ =	shalt  }
0x6b: {  	_ =	shalt  }
0x6c: {  	_ =	shalt  }
0x6d: {  	_ =	shalt  }
0x6e: {  	_ =	shalt  }
0x6f: {  	_ =	shalt  }
0x70: {  	_ =	shalt  }
0x71: {  	_ =	shalt  }
0x72: {  	_ =	shalt  }
0x73: {  	_ =	shalt  }
0x74: {  	_ =	shalt  }
0x75: {  	_ =	shalt  }
0x76: {  	_ =	shalt  }
0x77: {  	_ =	shalt  }
0x78: {  	_ =	shalt  }
0x79: {  	_ =	shalt  }
0x7a: {  	_ =	shalt  }
0x7b: {  	_ =	shalt  }
0x7c: {  	_ =	shalt  }
0x7d: {  	_ =	shalt  }
0x7e: {  	_ =	shalt  }
0x7f: {  	_ =	shalt  }
0x80: {  	_ =	shalt  }
0x81: {  	_ =	shalt  }
0x82: {  	_ =	shalt  }
0x83: {  	_ =	shalt  }
0x84: {  	_ =	shalt  }
0x85: {  	_ =	shalt  }
0x86: {  	_ =	shalt  }
0x87: {  	_ =	shalt  }
.Lfunc_end0:
.L_simem_size_0:
called_computation.2_lowered:
.L_overlay_start_0:
0x88: {  	s2 =	sld [smem:$0x3FD9]  }
0x89: {  	s3 =	sld [smem:$0x3FFE];
	_ =	sdelay $0x1  }
0x8a: {  	s1 =	srdreg.scid  }
0x8b: {  	s0 =	sand.u32 $0x1, s1  }
0x8c: {  	s17 =	sshll.u32 s0, $0xA;
	s2 =	sadd.s32 s3, s2  }
0x8d: {  	s2 =	sadd.s32 s2, s17  }
0x8e: {  	[smem:$0x3F8F] =	sst s2  }
0x8f: {  	_ = 	snop  }
0x90: {  	s2 =	sld [smem:$0x3FC4];
	(tm) =	ssettm $0x1  }
0x91: {  	s18 =	sld [smem:$0x3FFB];
	_ =	sdelay $0x3  }
0x92: {  	_ =	strace s18  }
0x93: {  	s3 =	sld [smem:$0x3FFC];
	_ =	sdelay $0x3  }
0x94: {  	_ =	strace s3  }
0x95: {  	s3 =	sld [smem:$0x3FFD];
	_ =	sdelay $0x3  }
0x96: {  	_ =	strace s3  }
0x97: {  	_ =	strace $0x8FFFFFFF  }
0x98: {  	s19 =	sld [smem:$0x3FDB];
	_ =	sdelay $0x1  }
0x99: {  	s4 =	simm.s32 $_scs_section_size  }
0x9a: {  	s5 =	simm.s32 $_size__tile_overlayer_lowered;
	s6 =	simm.s32 $_tile_overlayer_lowered  }
0x9b: {  	s22 =	simm.s32 $0x1BFF;
	s21 =	sshll.u32 s6, $0x1;
	s3 =	sadd.s32 s4, s19  }
0x9c: {  	s7 =	simm.s32 $0x0;
	s20 =	sshll.u32 s5, $0x1;
	s5 =	sadd.s32 s21, s3  }
0x9d: {  	[timem:s7], [sflag:s22] =	dma.local [hbm:s5], s20  }
0x9e: {  	_ =	swait.ge [sflag:s22], s20  }
0x9f: {  	s4 =	ssub.s32 $0x0, s20;
	[sflag:s22] =	ssyncset.done $0x0  }
0xa0: {  	[sflag:s22] =	ssyncadd.s32 s4;
	_ =	sdelay $0x1  }
0xa1: {  	s23 =	simm.s32 $0x1B8B  }
0xa2: {  	_ =	swait.ge [sflag:s23], $0x1  }
0xa3: {  	[sflag:s23] =	ssyncset.done $0x0  }
0xa4: {  	s25 =	simm.s32 $0x1B8E;
	s24 =	sld [smem:$0x3FFE];
	[sflag:s23] =	ssyncadd.s32 $0xFFFFFFFF  }
0xa5: {  	s26 =	simm.s32 $execute0_lowered;
	[smem:$0x3FD2] =	sst s25  }
0xa6: {  	s5 =	sshll.u32 s26, $0x1;
	_ =	strace $0x8000004C;
	[dreg:$0x1] =	wrdreg $0xFFFFFFFF  }
0xa7: {  	s28 =	simm.s32 $_size_execute0_lowered;
	s3 =	sadd.s32 s3, s5;
	[dreg:$0x0] =	wrdreg $0x0  }
0xa8: {  	s5 =	sshll.u32 s28, $0x1;
	[dreg:$0x2] =	wrdreg s3  }
0xa9: {  	[dreg:$0x3] =	wrdreg s5  }
0xaa: {  	[dreg:$0x4] =	wrdreg $0xC0  }
0xab: {  	_ =	task [dreg:s7], $0x5FFFF  }
0xac: {  	[dreg:$0x1] =	wrdreg $0xFFFFFFFF  }
0xad: {  	[dreg:$0x0] =	wrdreg $0x60  }
0xae: {  	[dreg:$0x2] =	wrdreg s24  }
0xaf: {  	[dreg:$0x3] =	wrdreg s2  }
0xb0: {  	[dreg:$0x4] =	wrdreg $0x44800  }
0xb1: {  	[dreg:$0x5] =	wrdreg $0x17D000  }
0xb2: {  	[dreg:$0x6] =	wrdreg $0x9  }
0xb3: {  	_ =	task.clear_ibuf [dreg:s7], $0x7FFFF;
	_ =	strace $0x9000004C  }
0xb4: {  	s29 =	simm.s32 $0x9;
	_ =	strace $0x8000004E  }
0xb5: {  	_ =	swait.ge [sflag:s29], $0x1  }
0xb6: {  	[sflag:s29] =	ssyncadd.s32 $0xFFFFFFFF  }
0xb7: {  	_ =	strace $0x9000004E  }
0xb8: {  	_ =	sfence  }
0xb9: {  	s30 =	sld [smem:$0x0];
	_ =	sdelay $0x2  }
0xba: {  	s31 =	sshll.u32 s1, $0xD;
	s1 =	sshrl.u32 s1, $0x2  }
0xbb: {  	s3 =	sand.u32 $0x4000, s31;
	s1 =	sadd.s32 s1, s30  }
0xbc: {  	s0 =	sor.u32 s3, s0;
	s1 =	sshll.u32 s1, $0x11  }
0xbd: {  	s0 =	sor.u32 s1, s0  }
0xbe: {  	s0 =	sadd.s32 $0x8F2B, s0  }
0xbf: {  	[sflag:s0] =	ssyncadd.remote.s32 $0x1  }
0xc0: {  	_ =	sfence.sel $0xFFFF  }
0xc1: {  	[dreg:$0x0] =	wrdreg $0xFFFFFFFF;
	(pc) =	sbr.abs _section_cstart, $3  }
0xc2: {  	[dreg:$0x1] =	wrdreg $0xFFFFFFFF  }
0xc3: {  	_ =	task.clear_ibuf [dreg:s7], $0x2FFFF;
	_ =	strace $0x9FFFFFFF  }
0xc4: {  	(tm) =	ssettm $0x7FFFFFFF  }
0xc5: {  	_ =	shalt  }
tec
execute0_lowered:
.L_overlay_start_1:
0x0: {  	(tag) =	ssettag $0x1  }
0x1: {  	s0 =	rddreg [dreg:$0x0]  }
0x2: {  	s21 =	rddreg [dreg:$0x1];
	s3 =	srdreg.scid  }
0x3: {  	s1 =	rddreg [dreg:$0x2];
	s18 =	sand.u32 $0x1, s3  }
0x4: {  	s2 =	rddreg [dreg:$0x3];
	s5 =	smul.u32 $0x271000, s18  }
0x5: {  	s4 =	simm.s32 $0x0;
	s3 =	stileid.u32;
	s6 =	smul.u32 $0x27100, s18  }
0x6: {  	[smem:$0x7FF] =	sst s4;
	s16 =	sadd.s32 $0xD6800, s0;
	s11 =	smul.u32 $0x13800, s3  }
0x7: {  	s17 =	sadd.s32 $0xD1800, s0;
	s14 =	sadd.s32 $0x138000, s1;
	s15 =	smul.u32 $0x1380, s3  }
0x8: {  	_ =	strace $0x8000004D;
	s7 =	ssub.s32 $0x2, s18;
	s23 =	smul.u32 $0x138800, s18  }
0x9: {  	s10 =	sshll.u32 s3, $0x6;
	[dreg:$0x9] =	wrdreg s14;
	s24 =	smul.u32 $0x13880, s18  }
0xa: {  	s25 =	sshll.u32 s3, $0x7;
	s26 =	sshll.u32 s3, $0xB;
	p0 =	sne.s32 s3, $0xF  }
0xb: {  	s31 =	sshrl.u32 s7, $0x1;
	s20 =	sadd.s32 s5, s0;
	s19 =	sadd.s32 s6, s0  }
0xc: {  	s28 =	sshrl.u32 s11, $0x3;
	s30 =	sshrl.u32 s15, $0x3;
	s22 =	ssub.s32 s7, s31  }
0xd: {  	s7 =	sadd.s32 s11, s1;
	s12 =	sadd.s32 s15, s2;
	s15 =	sadd.s32 s15, s24  }
0xe: {  	s24 =	sshrl.u32 s24, $0x3;
	s31 =	sshll.u32 s3, $0x4;
	s29 =	sadd.s32 s28, s0  }
0xf: {  	s9 =	sadd.s32 s30, s0;
	[dreg:$0x5] =	wrdreg s7;
	s7 =	sor.u32 $0x1C01, s10  }
0x10: {  	[dreg:$0x7] =	wrdreg s12;
	s12 =	sadd.s32 $0x13800, s2;
	s28 =	smul.u32 $0x4E20, s18  }
0x11: {  	s18 =	smax.u32 s22, $0x1;
	s22 =	simm.s32 $0x1;
	s8 =	sadd.s32 $0xAA600, s29  }
0x12: {  	s13 =	sadd.s32 $0xB800, s9;
	s29 =	sadd.s32 s26, s20;
	[dreg:$0x6] =	wrdreg s8  }
0x13: {  	[dreg:$0x8] =	wrdreg s13;
	s13 =	sadd.s32 s11, s23;
	s11 =	sadd.s32 $0xD1600, s0  }
0x14: {  	s23 =	sshrl.u32 s23, $0x3;
	s20 =	sadd.s32 $0x271B800, s29;
	s30 =	sadd.s32 s28, s21  }
0x15: {  	s14 =	sshrl.u32 s13, $0x3;
	s13 =	sadd.s32 $0xDF00, s0;
	s0 =	sshrl.u32 s15, $0x3  }
0x16: {  	s23 =	sadd.s32 s16, s23;
	s21 =	sadd.s32 s31, s30;
	s14 =	sadd.s32 s16, s14  }
0x17: {  	s15 =	sadd.s32 s17, s0;
	s17 =	sadd.s32 s17, s24;
	s0 =	sadd.s32 s25, s19  }
0x18: {  	s16 =	sadd.s32 $0x27000, s23;
	s17 =	sadd.s32 $0x2700, s17;
	s19 =	sadd.s32 $0x5C400, s0  }
.LBB2_1:
0x19: {  	s0 =	rddreg [dreg:$0x5]  }
0x1a: {  	s6 =	rddreg [dreg:$0x6];
	s23 =	sshrl.u32 s0, $0x3  }
0x1b: {  	[spmem:s23], [sflag:s7] =	dma.local [hbm:s6], $0x2700  }
0x1c: {  	_ =	swait.ge [sflag:s22], $0x2700  }
0x1d: {  	[sflag:s22] =	ssyncset.done $0x0;
	s8 =	rddreg [dreg:$0x7]  }
0x1e: {  	s9 =	rddreg [dreg:$0x8];
	[sflag:s22] =	ssyncadd.s32 $0xFFFFD900;
	s24 =	sshrl.u32 s8, $0x3  }
0x1f: {  	[spmem:s24], [sflag:s7] =	dma.local [hbm:s9], $0x270  }
0x20: {  	_ =	swait.ge [sflag:s22], $0x270  }
0x21: {  	[sflag:s22] =	ssyncset.done $0x0;
	s0 =	rddreg [dreg:$0x9]  }
0x22: {  	[sflag:s22] =	ssyncadd.s32 $0xFFFFFD90;
	s25 =	sshrl.u32 @!p0 s0, $0x3;
	s0 =	simm.s32 @!p0 $0x1  }
0x23: {  	[spmem:s25], [sflag:s7] =	dma.local @!p0 [hbm:s11], $0x100  }
0x24: {  	_ =	swait.ge @!p0 [sflag:s0], $0x100  }
0x25: {  	[sflag:s0] =	ssyncset.done @!p0 $0x0  }
0x26: {  	s26 =	sshrl.u32 @!p0 s12, $0x3;
	[sflag:s0] =	ssyncadd.s32 @!p0 $0xFFFFFF00  }
0x27: {  	[spmem:s26], [sflag:s7] =	dma.local @!p0 [hbm:s13], $0x10  }
0x28: {  	_ =	swait.ge @!p0 [sflag:s0], $0x10  }
0x29: {  	s28 =	sadd.s32 $0x0, s3;
	[sflag:s0] =	ssyncset.done @!p0 $0x0  }
0x2a: {  	p1 =	sgt.u32 s28, $0x4E1;
	[sflag:s0] =	ssyncadd.s32 @!p0 $0xFFFFFFF0  }
0x2b: {  	s28 =	simm.s32 @!p1 $0x0;
	s0 =	simm.s32 @!p1 $0x2;
	[bflag:$0x0] =	sbarrier.arrive $0xFFFF  }
0x2c: {  	[tilespmem:s28], [sflag:$0x2] =	stream.linear.gather @!p1 [hbm4b:s21+s28], $0x80, $0x38;
	[tilespmem:$0x19088] =	vst v63  }
0x2d: {  	_ =	swait.ge @!p1 [sflag:s0], $0x80  }
0x2e: {  	[sflag:s0] =	ssyncset.done @!p1 $0x0;
	p1 =	por p1, p1  }
0x2f: {  	[sflag:s0] =	ssyncadd.s32 @!p1 $0xFFFFFF80;
	s29 =	simm.s32 @!p1 $0x80  }
0x30: {  	[tilespmem:s29], [sflag:$0x2] =	stream.linear.gather @!p1 [hbm4b:s20+s28], $0x4000, $0x38;
	[tilespmem:$0x19088] =	vst v63  }
0x31: {  	_ =	swait.ge @!p1 [sflag:s0], $0x4000  }
0x32: {  	[sflag:s0] =	ssyncset.done @!p1 $0x0  }
0x33: {  	[sflag:s0] =	ssyncadd.s32 @!p1 $0xFFFFC000  }
0x34: {  	[spmem:s1] =	stream.indirect.scatter.add.f32 @!p1 [tilespmem:s29], [sflag:$0x2], $0x80, s28, s29, $0xb8;
	[tilespmem:$0x19088] =	vst v63  }
0x35: {  	_ =	swait.ge @!p1 [sflag:s0], $0x4000  }
0x36: {  	[sflag:s0] =	ssyncset.done @!p1 $0x0  }
0x37: {  	s5 =	simm.s32 @!p1 $0x4080;
	[sflag:s0] =	ssyncadd.s32 @!p1 $0xFFFFC000  }
0x38: {  	[tilespmem:s5], [sflag:$0x2] =	stream.linear.gather @!p1 [hbm4b:s19+s28], $0x400, $0x38;
	[tilespmem:$0x19088] =	vst v63  }
0x39: {  	_ =	swait.ge @!p1 [sflag:s0], $0x400  }
0x3a: {  	s31 =	simm.s32 $0x20;
	[sflag:s0] =	ssyncset.done @!p1 $0x0  }
0x3b: {  	s10 =	sadd.s32 $0x10, s3;
	[sflag:s0] =	ssyncadd.s32 @!p1 $0xFFFFFC00;
	s0 =	simm.s32 @!p1 $0x1  }
0x3c: {  	[spmem:s2] =	stream.indirect.scatter.add.f32 @!p1 [tilespmem:s5], [sflag:$0x1], $0x8, s28, s29, $0xb8;
	[tilespmem:$0x19088] =	vst v63  }
0x3d: {  	s30 =	sadd.s32 $0x100, s21;
	p3 =	sgt.u32 s10, $0x4E1;
	_ =	swait.ge @!p1 [sflag:s0], $0x400  }
0x3e: {  	s29 =	sadd.s32 $0x8000, s20;
	s28 =	sadd.s32 $0x800, s19;
	[sflag:s0] =	ssyncset.done @!p1 $0x0  }
.LBB2_2:
0x3f: {  	s5 =	simm.s32 @!p3 $0x0;
	s6 =	simm.s32 @!p3 $0x2;
	[sflag:s0] =	ssyncadd.s32 @!p1 $0xFFFFFC00  }
0x40: {  	[tilespmem:s5], [sflag:$0x2] =	stream.linear.gather @!p3 [hbm4b:s30+s5], $0x80, $0x38;
	[tilespmem:$0x19088] =	vst v63  }
0x41: {  	s8 =	smov.u32 s31;
	s31 =	sadd.s32 $0x10, s31;
	_ =	swait.ge @!p3 [sflag:s6], $0x80  }
0x42: {  	p1 =	por p3, p3;
	p2 =	sne.s32 s31, $0x4F0;
	[sflag:s6] =	ssyncset.done @!p3 $0x0  }
0x43: {  	s9 =	simm.s32 @!p1 $0x80;
	[sflag:s6] =	ssyncadd.s32 @!p1 $0xFFFFFF80  }
0x44: {  	[tilespmem:s9], [sflag:$0x2] =	stream.linear.gather @!p1 [hbm4b:s29+s5], $0x4000, $0x38;
	[tilespmem:$0x19088] =	vst v63  }
0x45: {  	_ =	swait.ge @!p1 [sflag:s6], $0x4000  }
0x46: {  	[sflag:s6] =	ssyncset.done @!p1 $0x0  }
0x47: {  	[sflag:s6] =	ssyncadd.s32 @!p1 $0xFFFFC000  }
0x48: {  	[spmem:s1] =	stream.indirect.scatter.add.f32 @!p1 [tilespmem:s9], [sflag:$0x2], $0x80, s5, s9, $0xb8;
	[tilespmem:$0x19088] =	vst v63  }
0x49: {  	_ =	swait.ge @!p1 [sflag:s6], $0x4000  }
0x4a: {  	[sflag:s6] =	ssyncset.done @!p1 $0x0  }
0x4b: {  	s10 =	simm.s32 @!p1 $0x4080;
	[sflag:s6] =	ssyncadd.s32 @!p1 $0xFFFFC000  }
0x4c: {  	[tilespmem:s10], [sflag:$0x2] =	stream.linear.gather @!p1 [hbm4b:s28+s5], $0x400, $0x38;
	[tilespmem:$0x19088] =	vst v63  }
0x4d: {  	_ =	swait.ge @!p1 [sflag:s6], $0x400  }
.Ltmp0:
0x4e: {  	[sflag:s6] =	ssyncset.done @!p1 $0x0;
	(pc) =	sbr.rel @p2 .LBB2_2-.Ltmp0, $4  }
0x4f: {  	s0 =	simm.s32 @!p1 $0x1;
	s30 =	sadd.s32 $0x100, s30;
	[sflag:s6] =	ssyncadd.s32 @!p1 $0xFFFFFC00  }
0x50: {  	[spmem:s2] =	stream.indirect.scatter.add.f32 @!p1 [tilespmem:s10], [sflag:$0x1], $0x8, s5, s9, $0xb8;
	[tilespmem:$0x19088] =	vst v63  }
0x51: {  	s29 =	sadd.s32 $0x8000, s29;
	s5 =	sadd.s32 s8, s3;
	_ =	swait.ge @!p1 [sflag:s0], $0x400  }
0x52: {  	s28 =	sadd.s32 $0x800, s28;
	p3 =	sgt.u32 s5, $0x4E1;
	[sflag:s0] =	ssyncset.done @!p1 $0x0  }
0x53: {  	s5 =	simm.s32 @!p3 $0x0;
	s6 =	simm.s32 @!p3 $0x2;
	[sflag:s0] =	ssyncadd.s32 @!p1 $0xFFFFFC00  }
0x54: {  	[tilespmem:s5], [sflag:$0x2] =	stream.linear.gather @!p3 [hbm4b:s30+s5], $0x80, $0x38;
	[tilespmem:$0x19088] =	vst v63  }
0x55: {  	_ =	swait.ge @!p3 [sflag:s6], $0x80  }
0x56: {  	p1 =	por p3, p3;
	[sflag:s6] =	ssyncset.done @!p3 $0x0  }
0x57: {  	s0 =	simm.s32 @!p1 $0x80;
	[sflag:s6] =	ssyncadd.s32 @!p1 $0xFFFFFF80  }
0x58: {  	[tilespmem:s0], [sflag:$0x2] =	stream.linear.gather @!p1 [hbm4b:s29+s5], $0x4000, $0x38;
	[tilespmem:$0x19088] =	vst v63  }
0x59: {  	_ =	swait.ge @!p1 [sflag:s6], $0x4000  }
0x5a: {  	[sflag:s6] =	ssyncset.done @!p1 $0x0  }
0x5b: {  	[sflag:s6] =	ssyncadd.s32 @!p1 $0xFFFFC000  }
0x5c: {  	[spmem:s1] =	stream.indirect.scatter.add.f32 @!p1 [tilespmem:s0], [sflag:$0x2], $0x80, s5, s0, $0xb8;
	[tilespmem:$0x19088] =	vst v63  }
0x5d: {  	_ =	swait.ge @!p1 [sflag:s6], $0x4000  }
0x5e: {  	[sflag:s6] =	ssyncset.done @!p1 $0x0  }
0x5f: {  	s8 =	simm.s32 @!p1 $0x4080;
	[sflag:s6] =	ssyncadd.s32 @!p1 $0xFFFFC000  }
0x60: {  	[tilespmem:s8], [sflag:$0x2] =	stream.linear.gather @!p1 [hbm4b:s28+s5], $0x400, $0x38;
	[tilespmem:$0x19088] =	vst v63  }
0x61: {  	_ =	swait.ge @!p1 [sflag:s6], $0x400  }
0x62: {  	[sflag:s6] =	ssyncset.done @!p1 $0x0  }
0x63: {  	[sflag:s6] =	ssyncadd.s32 @!p1 $0xFFFFFC00;
	s6 =	simm.s32 @!p1 $0x1  }
0x64: {  	[spmem:s2] =	stream.indirect.scatter.add.f32 @!p1 [tilespmem:s8], [sflag:$0x1], $0x8, s5, s0, $0xb8;
	[tilespmem:$0x19088] =	vst v63  }
0x65: {  	_ =	swait.ge @!p1 [sflag:s6], $0x400  }
0x66: {  	[sflag:s6] =	ssyncset.done @!p1 $0x0  }
0x67: {  	[sflag:s6] =	ssyncadd.s32 @!p1 $0xFFFFFC00  }
0x68: {  	[bflag:$0x0] =	sbarrier.arrive $0xFFFF  }
0x69: {  	[hbm:s14], [sflag:s7] =	dma.local [spmem:s23], $0x2700  }
0x6a: {  	_ =	swait.ge [sflag:s22], $0x2700  }
0x6b: {  	[sflag:s22] =	ssyncset.done $0x0  }
0x6c: {  	[sflag:s22] =	ssyncadd.s32 $0xFFFFD900  }
0x6d: {  	[hbm:s15], [sflag:s7] =	dma.local [spmem:s24], $0x270  }
0x6e: {  	_ =	swait.ge [sflag:s22], $0x270  }
0x6f: {  	[sflag:s22] =	ssyncset.done $0x0  }
0x70: {  	s0 =	simm.s32 @!p0 $0x1;
	[sflag:s22] =	ssyncadd.s32 $0xFFFFFD90  }
0x71: {  	[hbm:s16], [sflag:s7] =	dma.local @!p0 [spmem:s25], $0x100  }
0x72: {  	s4 =	sadd.s32 $0x1, s4;
	_ =	swait.ge @!p0 [sflag:s0], $0x100  }
0x73: {  	p1 =	sne.s32 s4, s18;
	[sflag:s0] =	ssyncset.done @!p0 $0x0  }
.Ltmp1:
0x74: {  	[sflag:s0] =	ssyncadd.s32 @!p0 $0xFFFFFF00;
	(pc) =	sbr.rel @p1 .LBB2_1-.Ltmp1, $4  }
0x75: {  	[hbm:s17], [sflag:s7] =	dma.local @!p0 [spmem:s26], $0x10  }
0x76: {  	_ =	swait.ge @!p0 [sflag:s0], $0x10  }
0x77: {  	[sflag:s0] =	ssyncset.done @!p0 $0x0  }
0x78: {  	[sflag:s0] =	ssyncadd.s32 @!p0 $0xFFFFFFF0  }
0x79: {  	_ =	sfence.sel $0x180000  }
0x7a: {  	[bflag:$0x0] =	sbarrier.arrive $0xFFFF  }
0x7b: {  	_ =	strace $0x9000004D  }
0x7c: {  	[bflag:$0x2] =	sbarrier.arrive $0xFFFF  }
0x7d: {  	p0 =	sne.s32 s3, $0x0;
	s0 =	rddreg [dreg:$0x4]  }
0x7e: {  	s0 =	sadd.s32 @!p0 $0x100000, s0  }
0x7f: {  	[sflag:s0] =	ssyncadd.tile.s32 @!p0 $0x1;
	_ =	shalt  }
.Lfunc_end2:
_tile_overlayer_lowered:
.L_overlay_start_2:
0x80: {  	(tag) =	ssettag $0x2  }
0x81: {  	s0 =	rddreg [dreg:$0x0];
	s2 =	stileid.u32  }
0x82: {  	s1 =	rddreg [dreg:$0x1];
	p0 =	sne.s32 s2, $0x0  }
0x83: {  	s3 =	rddreg [dreg:$0x2];
	[bflag:$0x3] =	sbarrier.arrive $0xFFFF;
	s2 =	simm.s32 @!p0 $0x1C01  }
0x84: {  	[timem:s3], [sflag:s2] =	dma.local @!p0 [hbm:s0], s1  }
0x85: {  	s0 =	simm.s32 @!p0 $0x1  }
0x86: {  	_ =	swait.ge @!p0 [sflag:s0], s1  }
0x87: {  	s1 =	ssub.s32 @!p0 $0x0, s1;
	[sflag:s0] =	ssyncset.done @!p0 $0x0  }
0x88: {  	[sflag:s0] =	ssyncadd.s32 @!p0 s1  }
0x89: {  	[bflag:$0x3] =	sbarrier.arrive $0xFFFF  }
0x8a: {  	_ =	shalt  }

// kernel: kernel.25.cloned.1.call-start
scs
__scs_entry_jumppad:
0x0: {  	(pc) =	sbr.rel $0x88, $3  }
0x1: {  	(tag) =	ssettag $0x0;
	lr =	simm.s32 $0x1  }
0x2: {  	[smem:$0x3F68] =	sst lr;
	_ =	strace $0xD0000000  }
0x3: {  	_ = 	snop  }
0x4: {  	_ = 	snop  }
0x5: {  	_ = 	snop  }
0x6: {  	_ = 	snop  }
0x7: {  	_ = 	snop  }
__scs_overlays_trampoline_lowered:
0x8: {  	[smem:$0x3F77] =	sst s0  }
0x9: {  	[smem:$0x3F78] =	sst s1  }
0xa: {  	[smem:$0x3F79] =	sst s2  }
0xb: {  	[smem:$0x3F7A] =	sst s3  }
0xc: {  	[smem:$0x3F7B] =	sst s4  }
0xd: {  	[smem:$0x3F7C] =	sst s5  }
0xe: {  	[smem:$0x3F7D] =	sst s6  }
0xf: {  	[smem:$0x3F7E] =	sst s7  }
0x10: {  	[smem:$0x3F7F] =	sst s8  }
0x11: {  	[smem:$0x3F80] =	sst s9;
	s0 =	simm.s32 @!p0 $0x0  }
0x12: {  	s1 =	sld [smem:$0x3F66];
	s0 =	simm.s32 @p0 $0x1  }
0x13: {  	[smem:$0x3F81] =	sst s0;
	s0 =	simm.s32 @!p1 $0x0  }
0x14: {  	s2 =	sld [smem:$0x3F65];
	s0 =	simm.s32 @p1 $0x1  }
0x15: {  	[smem:$0x3F82] =	sst s0;
	s0 =	simm.s32 @!p2 $0x0  }
0x16: {  	s3 =	sld [smem:$0x3FDB];
	s0 =	simm.s32 @p2 $0x1  }
0x17: {  	s4 =	simm.s32 $0x1BF5;
	[smem:$0x3F84] =	sst s0  }
0x18: {  	s0 =	sld [smem:$0x3F67];
	_ =	swait.ge [sflag:s4], $0x0  }
0x19: {  	s7 =	sld [smem:$0x3F68]  }
0x1a: {  	s8 =	sadd.s32 $0xFFFFE003, lr  }
0x1b: {  	s9 =	sadd.s32 $0xFFFFFEF7, lr;
	s5 =	simm.s32 $0xFFFFFFFF;
	p2 =	slt.u32 s8, $0xFFFFF086  }
0x1c: {  	p1 =	slt.u32 s9, $0xF7A;
	s5 =	simm.s32 @!p2 $0x0  }
0x1d: {  	s5 =	simm.s32 @p1 $0x1;
	p0 =	seq.s32 s7, s2  }
0x1e: {  	s7 =	smul.u32 @!p0 $0xF7A, s2;
	p2 =	seq.s32 @!p0 s5, $0x0  }
0x1f: {  	s9 =	smul.u32 $0xF7A, s1;
	s8 =	simm.s32 @!p0 $0x1BF5;
	p2 =	por !p2, p0  }
0x20: {  	[sflag:s8] =	ssyncset.s32 @!p0 $0xFFFFF086;
	s6 =	sadd.s32 @!p0 s3, s7;
	s7 =	simm.s32 @!p0 $0x108  }
0x21: {  	s3 =	sadd.s32 s3, s9;
	s6 =	sadd.s32 @!p0 $0x88, s6;
	s7 =	simm.s32 @p2 $0x1082  }
0x22: {  	[simem:s7], [sflag:s8] =	dma.local @!p0 [hbm:s6], $0xF7A  }
0x23: {  	s9 =	sor.u32 $0xD0000000, s2;
	s6 =	simm.s32 $0x108;
	_ =	swait.ge @!p0 [sflag:s8], $0x0  }
0x24: {  	s3 =	sadd.s32 $0x88, s3;
	s6 =	simm.s32 @!p1 $0x1082;
	[sflag:s4] =	ssyncset.s32 $0xFFFFF086  }
0x25: {  	[simem:s6], [sflag:s4] =	dma.local [hbm:s3], $0xF7A  }
0x26: {  	[smem:$0x3F68] =	sst s1;
	(tag) =	ssettag s2;
	_ =	strace s9  }
0x27: {  	s1 =	sld [smem:$0x3F78]  }
0x28: {  	s2 =	sld [smem:$0x3F79]  }
0x29: {  	s4 =	sld [smem:$0x3F7B]  }
0x2a: {  	p0 =	seq.s32 s5, $0x0;
	s5 =	sld [smem:$0x3F7C]  }
0x2b: {  	s6 =	sld [smem:$0x3F7D]  }
0x2c: {  	s7 =	sld [smem:$0x3F7E]  }
0x2d: {  	s3 =	simm.s32 $0x108;
	s8 =	sld [smem:$0x3F7F]  }
0x2e: {  	s3 =	simm.s32 @!p0 $0x1082;
	s9 =	sld [smem:$0x3F80]  }
0x2f: {  	lr =	sadd.s32 s0, s3;
	s0 =	sld [smem:$0x3F77]  }
0x30: {  	s3 =	sld [smem:$0x3F7A]  }
0x31: {  	[smem:$0x3F83] =	sst s10  }
0x32: {  	s10 =	sld [smem:$0x3F81];
	_ =	sdelay $0x3  }
0x33: {  	p0 =	seq.s32 s10, $0x1;
	s10 =	sld [smem:$0x3F83];
	_ =	sdelay $0x3  }
0x34: {  	[smem:$0x3F83] =	sst s10  }
0x35: {  	s10 =	sld [smem:$0x3F82];
	_ =	sdelay $0x3  }
0x36: {  	p1 =	seq.s32 s10, $0x1;
	s10 =	sld [smem:$0x3F83];
	_ =	sdelay $0x3  }
0x37: {  	[smem:$0x3F83] =	sst s10  }
0x38: {  	s10 =	sld [smem:$0x3F84]  }
0x39: {  	_ = 	snop;
	(pc) =	sbr.ind lr, $3  }
0x3a: {  	_ = 	snop  }
0x3b: {  	_ = 	snop  }
0x3c: {  	p2 =	seq.s32 s10, $0x1;
	s10 =	sld [smem:$0x3F83]  }
0x3d: {  	_ =	shalt  }
0x3e: {  	_ =	shalt  }
0x3f: {  	_ =	shalt  }
0x40: {  	_ =	shalt  }
0x41: {  	_ =	shalt  }
0x42: {  	_ =	shalt  }
0x43: {  	_ =	shalt  }
0x44: {  	_ =	shalt  }
0x45: {  	_ =	shalt  }
0x46: {  	_ =	shalt  }
0x47: {  	_ =	shalt  }
0x48: {  	_ =	shalt  }
0x49: {  	_ =	shalt  }
0x4a: {  	_ =	shalt  }
0x4b: {  	_ =	shalt  }
0x4c: {  	_ =	shalt  }
0x4d: {  	_ =	shalt  }
0x4e: {  	_ =	shalt  }
0x4f: {  	_ =	shalt  }
0x50: {  	_ =	shalt  }
0x51: {  	_ =	shalt  }
0x52: {  	_ =	shalt  }
0x53: {  	_ =	shalt  }
0x54: {  	_ =	shalt  }
0x55: {  	_ =	shalt  }
0x56: {  	_ =	shalt  }
0x57: {  	_ =	shalt  }
0x58: {  	_ =	shalt  }
0x59: {  	_ =	shalt  }
0x5a: {  	_ =	shalt  }
0x5b: {  	_ =	shalt  }
0x5c: {  	_ =	shalt  }
0x5d: {  	_ =	shalt  }
0x5e: {  	_ =	shalt  }
0x5f: {  	_ =	shalt  }
0x60: {  	_ =	shalt  }
0x61: {  	_ =	shalt  }
0x62: {  	_ =	shalt  }
0x63: {  	_ =	shalt  }
0x64: {  	_ =	shalt  }
0x65: {  	_ =	shalt  }
0x66: {  	_ =	shalt  }
0x67: {  	_ =	shalt  }
0x68: {  	_ =	shalt  }
0x69: {  	_ =	shalt  }
0x6a: {  	_ =	shalt  }
0x6b: {  	_ =	shalt  }
0x6c: {  	_ =	shalt  }
0x6d: {  	_ =	shalt  }
0x6e: {  	_ =	shalt  }
0x6f: {  	_ =	shalt  }
0x70: {  	_ =	shalt  }
0x71: {  	_ =	shalt  }
0x72: {  	_ =	shalt  }
0x73: {  	_ =	shalt  }
0x74: {  	_ =	shalt  }
0x75: {  	_ =	shalt  }
0x76: {  	_ =	shalt  }
0x77: {  	_ =	shalt  }
0x78: {  	_ =	shalt  }
0x79: {  	_ =	shalt  }
0x7a: {  	_ =	shalt  }
0x7b: {  	_ =	shalt  }
0x7c: {  	_ =	shalt  }
0x7d: {  	_ =	shalt  }
0x7e: {  	_ =	shalt  }
0x7f: {  	_ =	shalt  }
0x80: {  	_ =	shalt  }
0x81: {  	_ =	shalt  }
0x82: {  	_ =	shalt  }
0x83: {  	_ =	shalt  }
0x84: {  	_ =	shalt  }
0x85: {  	_ =	shalt  }
0x86: {  	_ =	shalt  }
0x87: {  	_ =	shalt  }
.Lfunc_end0:
.L_simem_size_0:
called_computation.3_lowered:
.L_overlay_start_0:
0x88: {  	s2 =	sld [smem:$0x3FD9]  }
0x89: {  	s3 =	sld [smem:$0x3FFE];
	_ =	sdelay $0x1  }
0x8a: {  	s1 =	srdreg.scid  }
0x8b: {  	s0 =	sand.u32 $0x1, s1  }
0x8c: {  	s17 =	sshll.u32 s0, $0xA;
	s2 =	sadd.s32 s3, s2  }
0x8d: {  	s2 =	sadd.s32 s2, s17  }
0x8e: {  	[smem:$0x3F8F] =	sst s2  }
0x8f: {  	_ = 	snop  }
0x90: {  	s2 =	sld [smem:$0x3FC5]  }
0x91: {  	s18 =	sld [smem:$0x3FC4];
	(tm) =	ssettm $0x1  }
0x92: {  	s4 =	sld [smem:$0x3FFB];
	_ =	sdelay $0x3  }
0x93: {  	_ =	strace s4  }
0x94: {  	s4 =	sld [smem:$0x3FFC];
	_ =	sdelay $0x3  }
0x95: {  	_ =	strace s4  }
0x96: {  	s4 =	sld [smem:$0x3FFD];
	_ =	sdelay $0x3  }
0x97: {  	_ =	strace s4  }
0x98: {  	_ =	strace $0x8FFFFFFF  }
0x99: {  	s19 =	sld [smem:$0x3FDB];
	_ =	sdelay $0x1  }
0x9a: {  	s5 =	simm.s32 $_scs_section_size  }
0x9b: {  	s6 =	simm.s32 $_size__tile_overlayer_lowered;
	s7 =	simm.s32 $_tile_overlayer_lowered  }
0x9c: {  	s22 =	simm.s32 $0x1BFF;
	s21 =	sshll.u32 s7, $0x1;
	s4 =	sadd.s32 s5, s19  }
0x9d: {  	s8 =	simm.s32 $0x0;
	s20 =	sshll.u32 s6, $0x1;
	s6 =	sadd.s32 s21, s4  }
0x9e: {  	[timem:s8], [sflag:s22] =	dma.local [hbm:s6], s20  }
0x9f: {  	_ =	swait.ge [sflag:s22], s20  }
0xa0: {  	s5 =	ssub.s32 $0x0, s20;
	[sflag:s22] =	ssyncset.done $0x0  }
0xa1: {  	[sflag:s22] =	ssyncadd.s32 s5;
	_ =	sdelay $0x1  }
0xa2: {  	s23 =	simm.s32 $0x1B8B  }
0xa3: {  	_ =	swait.ge [sflag:s23], $0x1  }
0xa4: {  	[sflag:s23] =	ssyncset.done $0x0  }
0xa5: {  	s25 =	simm.s32 $0x1B8E;
	s24 =	sld [smem:$0x3FFE];
	[sflag:s23] =	ssyncadd.s32 $0xFFFFFFFF  }
0xa6: {  	s26 =	simm.s32 $execute0_lowered;
	[smem:$0x3FD2] =	sst s25  }
0xa7: {  	s6 =	sshll.u32 s26, $0x1;
	_ =	strace $0x8000004F;
	[dreg:$0x1] =	wrdreg $0xFFFFFFFF  }
0xa8: {  	s28 =	simm.s32 $_size_execute0_lowered;
	s4 =	sadd.s32 s4, s6;
	[dreg:$0x0] =	wrdreg $0x0  }
0xa9: {  	s6 =	sshll.u32 s28, $0x1;
	[dreg:$0x2] =	wrdreg s4  }
0xaa: {  	[dreg:$0x3] =	wrdreg s6  }
0xab: {  	[dreg:$0x4] =	wrdreg $0xC0  }
0xac: {  	_ =	task [dreg:s8], $0x5FFFF  }
0xad: {  	[dreg:$0x1] =	wrdreg $0xFFFFFFFF  }
0xae: {  	[dreg:$0x0] =	wrdreg $0x60  }
0xaf: {  	[dreg:$0x2] =	wrdreg s24  }
0xb0: {  	[dreg:$0x3] =	wrdreg s2  }
0xb1: {  	[dreg:$0x4] =	wrdreg s18  }
0xb2: {  	[dreg:$0x5] =	wrdreg $0x9  }
0xb3: {  	_ =	task.clear_ibuf [dreg:s8], $0x6FFFF;
	_ =	strace $0x9000004F  }
0xb4: {  	s29 =	simm.s32 $0x9;
	_ =	strace $0x80000051  }
0xb5: {  	_ =	swait.ge [sflag:s29], $0x1  }
0xb6: {  	[sflag:s29] =	ssyncadd.s32 $0xFFFFFFFF  }
0xb7: {  	_ =	strace $0x90000051  }
0xb8: {  	_ =	sfence  }
0xb9: {  	s30 =	sld [smem:$0x0];
	_ =	sdelay $0x2  }
0xba: {  	s31 =	sshll.u32 s1, $0xD;
	s1 =	sshrl.u32 s1, $0x2  }
0xbb: {  	s3 =	sand.u32 $0x4000, s31;
	s1 =	sadd.s32 s1, s30  }
0xbc: {  	s0 =	sor.u32 s3, s0;
	s1 =	sshll.u32 s1, $0x11  }
0xbd: {  	s0 =	sor.u32 s1, s0  }
0xbe: {  	s0 =	sadd.s32 $0x8F2B, s0  }
0xbf: {  	[sflag:s0] =	ssyncadd.remote.s32 $0x1  }
0xc0: {  	_ =	sfence.sel $0xFFFF  }
0xc1: {  	[dreg:$0x0] =	wrdreg $0xFFFFFFFF;
	(pc) =	sbr.abs _section_cstart, $3  }
0xc2: {  	[dreg:$0x1] =	wrdreg $0xFFFFFFFF  }
0xc3: {  	_ =	task.clear_ibuf [dreg:s8], $0x2FFFF;
	_ =	strace $0x9FFFFFFF  }
0xc4: {  	(tm) =	ssettm $0x7FFFFFFF  }
0xc5: {  	_ =	shalt  }
tec
execute0_lowered:
.L_overlay_start_1:
0x0: {  	(tag) =	ssettag $0x1  }
0x1: {  	s0 =	rddreg [dreg:$0x0]  }
0x2: {  	s1 =	rddreg [dreg:$0x1]  }
0x3: {  	s5 =	rddreg [dreg:$0x2];
	s2 =	simm.s32 $0x0;
	s3 =	srdreg.scid  }
0x4: {  	s13 =	stileid.u32;
	s14 =	simm.s32 $0x100;
	s31 =	simm.s32 $0x8100  }
0x5: {  	s28 =	simm.s32 $0xF900;
	s29 =	simm.s32 $0x10100;
	s30 =	simm.s32 $0x10500  }
0x6: {  	s15 =	simm.s32 $0x13500;
	s16 =	simm.s32 $0x13D00;
	s17 =	simm.s32 $0x1  }
0x7: {  	s18 =	simm.s32 $0x2;
	s19 =	simm.s32 $0x3;
	[smem:$0x7FF] =	sst s2  }
0x8: {  	s7 =	sand.u32 $0x1, s3;
	s3 =	sadd.s32 $0x5C400, s0;
	s6 =	smul.u32 $0x3000, s13  }
0x9: {  	s4 =	sadd.s32 $0xD1800, s0;
	s9 =	sshll.u32 s13, $0xD;
	s21 =	sshll.u32 s13, $0x1  }
0xa: {  	s26 =	sshll.u32 s13, $0x5;
	s13 =	simm.s32 $0x13100;
	_ =	strace $0x80000050  }
0xb: {  	s8 =	ssub.s32 $0x2, s7;
	s9 =	sadd.s32 s9, s0;
	[dreg:$0x4] =	wrdreg s21  }
0xc: {  	s22 =	sshll.u32 s7, $0xC;
	s12 =	smul.u32 $0x1800, s7;
	s1 =	sadd.s32 s26, s1  }
0xd: {  	s7 =	sshll.u32 s7, $0x4;
	s5 =	sadd.s32 s26, s5;
	s26 =	simm.s32 $0xF500  }
0xe: {  	s21 =	simm.s32 $0x0;
	s10 =	sshrl.u32 s8, $0x1;
	s11 =	sadd.s32 s6, s0  }
0xf: {  	s6 =	sadd.s32 $0xD1900, s0;
	s24 =	sadd.s32 s22, s9;
	s9 =	simm.s32 $0x12900  }
0x10: {  	s8 =	ssub.s32 s8, s10;
	s0 =	sadd.s32 $0x146C00, s24;
	s25 =	sadd.s32 s12, s11  }
.Ltmp0:
0x11: {  	s10 =	sadd.s32 s7, s1;
	s11 =	sadd.s32 s7, s5;
	(pc) =	sbr.rel .LBB2_1-.Ltmp0, $4  }
0x12: {  	s12 =	simm.s32 $0x4;
	s1 =	simm.s32 $0x11100;
	s5 =	simm.s32 $0x11900  }
0x13: {  	v2 =	vlaneseq.u32;
	s7 =	simm.s32 $0x11D00;
	s23 =	smax.u32 s8, $0x1;
	[dreg:$0x6] =	wrdreg s0  }
0x14: {  	vm0 =	vmmov $0xffff;
	vm1 =	vmmov $0xff;
	v1 =	vshrl.u32 v2, $0x3;
	s0 =	sadd.s32 $0x1393800, s25;
	s8 =	simm.s32 $0x12500;
	[dreg:$0x5] =	wrdreg s23  }
0x15: {  	v0 =	vand.u32 $0x7, v2;
	v2 =	vor.u32 $0x8, v2;
	v1 =	vmul.u32 $0x8, v1;
	s25 =	simm.s32 $0x80;
	[dreg:$0x7] =	wrdreg s0;
	s0 =	simm.s32 $0x10D00  }
.LBB2_5:
0x16: {  	s21 =	rddreg [dreg:$0x8]  }
0x17: {  	s20 =	rddreg [dreg:$0x5];
	s21 =	sadd.s32 $0x1, s21  }
0x18: {  	p0 =	sne.s32 s21, s20  }
.Ltmp1:
0x19: {  	_ = 	snop;
	(pc) =	sbr.rel @!p0 .LBB2_6-.Ltmp1, $1  }
0x1a: {  	_ =	sdelay $0x3  }
.LBB2_1:
.Ltmp2:
0x1b: {  	(pc) =	sbr.rel .LBB2_2-.Ltmp2, $4  }
0x1c: {  	[dreg:$0x8] =	wrdreg s21  }
0x1d: {  	s20 =	rddreg [dreg:$0x4]  }
0x1e: {  	s21 =	rddreg [dreg:$0x7]  }
0x1f: {  	s22 =	rddreg [dreg:$0x6];
	s23 =	simm.s32 $0x0  }
.LBB2_4:
0x20: {  	s23 =	sadd.s32 $0x200, s23  }
0x21: {  	p0 =	sne.s32 s23, $0x9E00  }
.Ltmp3:
0x22: {  	_ = 	snop;
	(pc) =	sbr.rel @!p0 .LBB2_5-.Ltmp3, $2  }
0x23: {  	_ =	sdelay $0x2  }
0x24: {  	s22 =	sadd.s32 $0x20000, s22;
	s21 =	sadd.s32 $0x30000, s21;
	s20 =	sadd.s32 $0x20, s20  }
.LBB2_2:
0x25: {  	p0 =	sgt.u32 s20, $0x9C3  }
.Ltmp4:
0x26: {  	_ = 	snop;
	(pc) =	sbr.rel @p0 .LBB2_4-.Ltmp4, $1  }
0x27: {  	_ =	sdelay $0x3  }
0x28: {  	s24 =	sadd.s32 s23, s11  }
0x29: {  	[tilespmem:s2], [sflag:$0x4] =	stream.linear.gather [hbm4b:s24+s2], $0x80, $0x38;
	[tilespmem:$0x14100] =	vst v63  }
0x2a: {  	_ =	swait.ge [sflag:s12], $0x80  }
0x2b: {  	[sflag:s12] =	ssyncset.done $0x0  }
0x2c: {  	s24 =	sadd.s32 s23, s10;
	[sflag:s12] =	ssyncadd.s32 $0xFFFFFF80  }
0x2d: {  	[tilespmem:s25], [sflag:$0x4] =	stream.linear.gather [hbm4b:s24+s2], $0x80, $0x38;
	[tilespmem:$0x14100] =	vst v63  }
0x2e: {  	_ =	swait.ge [sflag:s12], $0x80  }
0x2f: {  	[sflag:s12] =	ssyncset.done $0x0  }
0x30: {  	[sflag:s12] =	ssyncadd.s32 $0xFFFFFF80  }
0x31: {  	v3 =	vld [tilespmem:$0x0];
	_ =	sdelay $0x4  }
0x32: {  	v4 =	vshll.u32 v3, $0x1  }
0x33: {  	v3 =	vand.u32 $0x7, v3;
	v4 =	vand.u32 $0xFFFFFFF0, v4  }
0x34: {  	v3 =	vor.u32 v3, v4  }
0x35: {  	v4 =	vperm.xlane v3, v0;
	_ =	sdelay $0x1  }
0x36: {  	v3 =	vperm.xlane v3, v2;
	v4 =	vadd.s32 v1, v4;
	_ =	sdelay $0x1  }
0x37: {  	v3 =	vadd.s32 v1, v3;
	_ =	sdelay $0x2  }
0x38: {  	[tilespmem:s14], [sflag:$0x1] =	stream.indirect_vreg.gather [hbm4b:s3+s2], $0x80, v4, vm0, $0xb8;
	[tilespmem:$0x14100] =	vst v63  }
0x39: {  	s24 =	simm.s32 $0x900  }
0x3a: {  	[tilespmem:s24], [sflag:$0x1] =	stream.indirect_vreg.gather [hbm4b:s3+s2], $0x80, v3, vm0, $0xb8;
	[tilespmem:$0x14100] =	vst v63  }
0x3b: {  	v3 =	vld [tilespmem:$0x10];
	_ =	sdelay $0x4  }
0x3c: {  	v49 =	vshll.u32 v3, $0x1  }
0x3d: {  	v3 =	vand.u32 $0x7, v3;
	v4 =	vand.u32 $0xFFFFFFF0, v49  }
0x3e: {  	v3 =	vor.u32 v3, v4  }
0x3f: {  	v4 =	vperm.xlane v3, v0;
	_ =	sdelay $0x1  }
0x40: {  	v3 =	vperm.xlane v3, v2;
	v4 =	vadd.s32 v1, v4;
	_ =	sdelay $0x1  }
0x41: {  	v3 =	vadd.s32 v1, v3;
	_ =	sdelay $0x1  }
0x42: {  	s24 =	simm.s32 $0x1100  }
0x43: {  	[tilespmem:s24], [sflag:$0x1] =	stream.indirect_vreg.gather [hbm4b:s3+s2], $0x80, v4, vm0, $0xb8;
	[tilespmem:$0x14100] =	vst v63  }
0x44: {  	s24 =	simm.s32 $0x1900  }
0x45: {  	[tilespmem:s24], [sflag:$0x1] =	stream.indirect_vreg.gather [hbm4b:s3+s2], $0x80, v3, vm0, $0xb8;
	[tilespmem:$0x14100] =	vst v63  }
0x46: {  	v3 =	vld [tilespmem:$0x20];
	_ =	sdelay $0x4  }
0x47: {  	v50 =	vshll.u32 v3, $0x1  }
0x48: {  	v3 =	vand.u32 $0x7, v3;
	v4 =	vand.u32 $0xFFFFFFF0, v50  }
0x49: {  	v3 =	vor.u32 v3, v4  }
0x4a: {  	v4 =	vperm.xlane v3, v0;
	_ =	sdelay $0x1  }
0x4b: {  	v3 =	vperm.xlane v3, v2;
	v4 =	vadd.s32 v1, v4;
	_ =	sdelay $0x1  }
0x4c: {  	v3 =	vadd.s32 v1, v3;
	_ =	sdelay $0x1  }
0x4d: {  	s24 =	simm.s32 $0x2100  }
0x4e: {  	[tilespmem:s24], [sflag:$0x1] =	stream.indirect_vreg.gather [hbm4b:s3+s2], $0x80, v4, vm0, $0xb8;
	[tilespmem:$0x14100] =	vst v63  }
0x4f: {  	s24 =	simm.s32 $0x2900  }
0x50: {  	[tilespmem:s24], [sflag:$0x1] =	stream.indirect_vreg.gather [hbm4b:s3+s2], $0x80, v3, vm0, $0xb8;
	[tilespmem:$0x14100] =	vst v63  }
0x51: {  	v3 =	vld [tilespmem:$0x30];
	_ =	sdelay $0x4  }
0x52: {  	v51 =	vshll.u32 v3, $0x1  }
0x53: {  	v3 =	vand.u32 $0x7, v3;
	v4 =	vand.u32 $0xFFFFFFF0, v51  }
0x54: {  	v3 =	vor.u32 v3, v4  }
0x55: {  	v4 =	vperm.xlane v3, v0;
	_ =	sdelay $0x1  }
0x56: {  	v3 =	vperm.xlane v3, v2;
	v4 =	vadd.s32 v1, v4;
	_ =	sdelay $0x1  }
0x57: {  	v3 =	vadd.s32 v1, v3;
	_ =	sdelay $0x1  }
0x58: {  	s24 =	simm.s32 $0x3100  }
0x59: {  	[tilespmem:s24], [sflag:$0x1] =	stream.indirect_vreg.gather [hbm4b:s3+s2], $0x80, v4, vm0, $0xb8;
	[tilespmem:$0x14100] =	vst v63  }
0x5a: {  	s24 =	simm.s32 $0x3900  }
0x5b: {  	[tilespmem:s24], [sflag:$0x1] =	stream.indirect_vreg.gather [hbm4b:s3+s2], $0x80, v3, vm0, $0xb8;
	[tilespmem:$0x14100] =	vst v63  }
0x5c: {  	v3 =	vld [tilespmem:$0x40];
	_ =	sdelay $0x4  }
0x5d: {  	v52 =	vshll.u32 v3, $0x1  }
0x5e: {  	v3 =	vand.u32 $0x7, v3;
	v4 =	vand.u32 $0xFFFFFFF0, v52  }
0x5f: {  	v3 =	vor.u32 v3, v4  }
0x60: {  	v4 =	vperm.xlane v3, v0;
	_ =	sdelay $0x1  }
0x61: {  	v3 =	vperm.xlane v3, v2;
	v4 =	vadd.s32 v1, v4;
	_ =	sdelay $0x1  }
0x62: {  	v3 =	vadd.s32 v1, v3;
	_ =	sdelay $0x1  }
0x63: {  	s24 =	simm.s32 $0x4100  }
0x64: {  	[tilespmem:s24], [sflag:$0x1] =	stream.indirect_vreg.gather [hbm4b:s3+s2], $0x80, v4, vm0, $0xb8;
	[tilespmem:$0x14100] =	vst v63  }
0x65: {  	s24 =	simm.s32 $0x4900  }
0x66: {  	[tilespmem:s24], [sflag:$0x1] =	stream.indirect_vreg.gather [hbm4b:s3+s2], $0x80, v3, vm0, $0xb8;
	[tilespmem:$0x14100] =	vst v63  }
0x67: {  	v3 =	vld [tilespmem:$0x50];
	_ =	sdelay $0x4  }
0x68: {  	v53 =	vshll.u32 v3, $0x1  }
0x69: {  	v3 =	vand.u32 $0x7, v3;
	v4 =	vand.u32 $0xFFFFFFF0, v53  }
0x6a: {  	v3 =	vor.u32 v3, v4  }
0x6b: {  	v4 =	vperm.xlane v3, v0;
	_ =	sdelay $0x1  }
0x6c: {  	v3 =	vperm.xlane v3, v2;
	v4 =	vadd.s32 v1, v4;
	_ =	sdelay $0x1  }
0x6d: {  	v3 =	vadd.s32 v1, v3;
	_ =	sdelay $0x1  }
0x6e: {  	s24 =	simm.s32 $0x5100  }
0x6f: {  	[tilespmem:s24], [sflag:$0x1] =	stream.indirect_vreg.gather [hbm4b:s3+s2], $0x80, v4, vm0, $0xb8;
	[tilespmem:$0x14100] =	vst v63  }
0x70: {  	s24 =	simm.s32 $0x5900  }
0x71: {  	[tilespmem:s24], [sflag:$0x1] =	stream.indirect_vreg.gather [hbm4b:s3+s2], $0x80, v3, vm0, $0xb8;
	[tilespmem:$0x14100] =	vst v63  }
0x72: {  	v3 =	vld [tilespmem:$0x60];
	_ =	sdelay $0x4  }
0x73: {  	v54 =	vshll.u32 v3, $0x1  }
0x74: {  	v3 =	vand.u32 $0x7, v3;
	v4 =	vand.u32 $0xFFFFFFF0, v54  }
0x75: {  	v3 =	vor.u32 v3, v4  }
0x76: {  	v4 =	vperm.xlane v3, v0;
	_ =	sdelay $0x1  }
0x77: {  	v3 =	vperm.xlane v3, v2;
	v4 =	vadd.s32 v1, v4;
	_ =	sdelay $0x1  }
0x78: {  	v3 =	vadd.s32 v1, v3;
	_ =	sdelay $0x1  }
0x79: {  	s24 =	simm.s32 $0x6100  }
0x7a: {  	[tilespmem:s24], [sflag:$0x1] =	stream.indirect_vreg.gather [hbm4b:s3+s2], $0x80, v4, vm0, $0xb8;
	[tilespmem:$0x14100] =	vst v63  }
0x7b: {  	s24 =	simm.s32 $0x6900  }
0x7c: {  	[tilespmem:s24], [sflag:$0x1] =	stream.indirect_vreg.gather [hbm4b:s3+s2], $0x80, v3, vm0, $0xb8;
	[tilespmem:$0x14100] =	vst v63  }
0x7d: {  	v3 =	vld [tilespmem:$0x70];
	_ =	sdelay $0x4  }
0x7e: {  	v55 =	vshll.u32 v3, $0x1  }
0x7f: {  	v3 =	vand.u32 $0x7, v3;
	v4 =	vand.u32 $0xFFFFFFF0, v55  }
0x80: {  	v3 =	vor.u32 v3, v4  }
0x81: {  	v4 =	vperm.xlane v3, v0;
	_ =	sdelay $0x1  }
0x82: {  	v3 =	vperm.xlane v3, v2;
	v4 =	vadd.s32 v1, v4;
	_ =	sdelay $0x1  }
0x83: {  	v3 =	vadd.s32 v1, v3;
	_ =	sdelay $0x1  }
0x84: {  	s24 =	simm.s32 $0x7100  }
0x85: {  	[tilespmem:s24], [sflag:$0x1] =	stream.indirect_vreg.gather [hbm4b:s3+s2], $0x80, v4, vm0, $0xb8;
	[tilespmem:$0x14100] =	vst v63  }
0x86: {  	s24 =	simm.s32 $0x7900  }
0x87: {  	[tilespmem:s24], [sflag:$0x1] =	stream.indirect_vreg.gather [hbm4b:s3+s2], $0x80, v3, vm0, $0xb8;
	[tilespmem:$0x14100] =	vst v63  }
0x88: {  	v3 =	vld [tilespmem:$0x80];
	_ =	sdelay $0x4  }
0x89: {  	v56 =	vshrl.u32 v3, $0x3  }
0x8a: {  	v4 =	vmul.u32 $0x18, v56  }
0x8b: {  	v3 =	vand.u32 $0x7, v3  }
0x8c: {  	v3 =	vor.u32 v3, v4  }
0x8d: {  	v4 =	vperm.xlane v3, v0;
	_ =	sdelay $0x1  }
0x8e: {  	v4 =	vadd.s32 v1, v4;
	_ =	sdelay $0x1  }
0x8f: {  	v3 =	vperm.xlane v3, v2;
	_ =	sdelay $0x1  }
0x90: {  	v3 =	vadd.s32 v1, v3  }
0x91: {  	[tilespmem:s31], [sflag:$0x2] =	stream.indirect_vreg.gather [hbm4b:s4+s2], $0x80, v4, vm0, $0xb8;
	[tilespmem:$0x14100] =	vst v63  }
0x92: {  	s24 =	simm.s32 $0x8900  }
0x93: {  	[tilespmem:s24], [sflag:$0x2] =	stream.indirect_vreg.gather [hbm4b:s6+s2], $0x80, v4, vm1, $0xb8;
	[tilespmem:$0x14100] =	vst v63  }
0x94: {  	s24 =	simm.s32 $0x8D00  }
0x95: {  	[tilespmem:s24], [sflag:$0x2] =	stream.indirect_vreg.gather [hbm4b:s4+s2], $0x80, v3, vm0, $0xb8;
	[tilespmem:$0x14100] =	vst v63  }
0x96: {  	s24 =	simm.s32 $0x9500  }
0x97: {  	[tilespmem:s24], [sflag:$0x2] =	stream.indirect_vreg.gather [hbm4b:s6+s2], $0x80, v3, vm1, $0xb8;
	[tilespmem:$0x14100] =	vst v63  }
0x98: {  	v3 =	vld [tilespmem:$0x90];
	_ =	sdelay $0x4  }
0x99: {  	v57 =	vshrl.u32 v3, $0x3  }
0x9a: {  	v4 =	vmul.u32 $0x18, v57  }
0x9b: {  	v3 =	vand.u32 $0x7, v3  }
0x9c: {  	v3 =	vor.u32 v3, v4  }
0x9d: {  	v4 =	vperm.xlane v3, v0;
	_ =	sdelay $0x1  }
0x9e: {  	v4 =	vadd.s32 v1, v4;
	_ =	sdelay $0x1  }
0x9f: {  	v3 =	vperm.xlane v3, v2;
	_ =	sdelay $0x1  }
0xa0: {  	s24 =	simm.s32 $0x9900;
	v3 =	vadd.s32 v1, v3  }
0xa1: {  	[tilespmem:s24], [sflag:$0x2] =	stream.indirect_vreg.gather [hbm4b:s4+s2], $0x80, v4, vm0, $0xb8;
	[tilespmem:$0x14100] =	vst v63  }
0xa2: {  	s24 =	simm.s32 $0xA100  }
0xa3: {  	[tilespmem:s24], [sflag:$0x2] =	stream.indirect_vreg.gather [hbm4b:s6+s2], $0x80, v4, vm1, $0xb8;
	[tilespmem:$0x14100] =	vst v63  }
0xa4: {  	s24 =	simm.s32 $0xA500  }
0xa5: {  	[tilespmem:s24], [sflag:$0x2] =	stream.indirect_vreg.gather [hbm4b:s4+s2], $0x80, v3, vm0, $0xb8;
	[tilespmem:$0x14100] =	vst v63  }
0xa6: {  	s24 =	simm.s32 $0xAD00  }
0xa7: {  	[tilespmem:s24], [sflag:$0x2] =	stream.indirect_vreg.gather [hbm4b:s6+s2], $0x80, v3, vm1, $0xb8;
	[tilespmem:$0x14100] =	vst v63  }
0xa8: {  	v3 =	vld [tilespmem:$0xA0];
	_ =	sdelay $0x4  }
0xa9: {  	v58 =	vshrl.u32 v3, $0x3  }
0xaa: {  	v4 =	vmul.u32 $0x18, v58  }
0xab: {  	v3 =	vand.u32 $0x7, v3  }
0xac: {  	v3 =	vor.u32 v3, v4  }
0xad: {  	v4 =	vperm.xlane v3, v0;
	_ =	sdelay $0x1  }
0xae: {  	v4 =	vadd.s32 v1, v4;
	_ =	sdelay $0x1  }
0xaf: {  	v3 =	vperm.xlane v3, v2;
	_ =	sdelay $0x1  }
0xb0: {  	s24 =	simm.s32 $0xB100;
	v3 =	vadd.s32 v1, v3  }
0xb1: {  	[tilespmem:s24], [sflag:$0x2] =	stream.indirect_vreg.gather [hbm4b:s4+s2], $0x80, v4, vm0, $0xb8;
	[tilespmem:$0x14100] =	vst v63  }
0xb2: {  	s24 =	simm.s32 $0xB900  }
0xb3: {  	[tilespmem:s24], [sflag:$0x2] =	stream.indirect_vreg.gather [hbm4b:s6+s2], $0x80, v4, vm1, $0xb8;
	[tilespmem:$0x14100] =	vst v63  }
0xb4: {  	s24 =	simm.s32 $0xBD00  }
0xb5: {  	[tilespmem:s24], [sflag:$0x2] =	stream.indirect_vreg.gather [hbm4b:s4+s2], $0x80, v3, vm0, $0xb8;
	[tilespmem:$0x14100] =	vst v63  }
0xb6: {  	s24 =	simm.s32 $0xC500  }
0xb7: {  	[tilespmem:s24], [sflag:$0x2] =	stream.indirect_vreg.gather [hbm4b:s6+s2], $0x80, v3, vm1, $0xb8;
	[tilespmem:$0x14100] =	vst v63  }
0xb8: {  	v3 =	vld [tilespmem:$0xB0];
	_ =	sdelay $0x4  }
0xb9: {  	v59 =	vshrl.u32 v3, $0x3  }
0xba: {  	v4 =	vmul.u32 $0x18, v59  }
0xbb: {  	v3 =	vand.u32 $0x7, v3  }
0xbc: {  	v3 =	vor.u32 v3, v4  }
0xbd: {  	v4 =	vperm.xlane v3, v0;
	_ =	sdelay $0x1  }
0xbe: {  	v4 =	vadd.s32 v1, v4;
	_ =	sdelay $0x1  }
0xbf: {  	v3 =	vperm.xlane v3, v2;
	_ =	sdelay $0x1  }
0xc0: {  	s24 =	simm.s32 $0xC900;
	v3 =	vadd.s32 v1, v3  }
0xc1: {  	[tilespmem:s24], [sflag:$0x2] =	stream.indirect_vreg.gather [hbm4b:s4+s2], $0x80, v4, vm0, $0xb8;
	[tilespmem:$0x14100] =	vst v63  }
0xc2: {  	s24 =	simm.s32 $0xD100  }
0xc3: {  	[tilespmem:s24], [sflag:$0x2] =	stream.indirect_vreg.gather [hbm4b:s6+s2], $0x80, v4, vm1, $0xb8;
	[tilespmem:$0x14100] =	vst v63  }
0xc4: {  	s24 =	simm.s32 $0xD500  }
0xc5: {  	[tilespmem:s24], [sflag:$0x2] =	stream.indirect_vreg.gather [hbm4b:s4+s2], $0x80, v3, vm0, $0xb8;
	[tilespmem:$0x14100] =	vst v63  }
0xc6: {  	s24 =	simm.s32 $0xDD00  }
0xc7: {  	[tilespmem:s24], [sflag:$0x2] =	stream.indirect_vreg.gather [hbm4b:s6+s2], $0x80, v3, vm1, $0xb8;
	[tilespmem:$0x14100] =	vst v63  }
0xc8: {  	v3 =	vld [tilespmem:$0xC0];
	_ =	sdelay $0x4  }
0xc9: {  	v60 =	vshrl.u32 v3, $0x3  }
0xca: {  	v4 =	vmul.u32 $0x18, v60  }
0xcb: {  	v3 =	vand.u32 $0x7, v3  }
0xcc: {  	v3 =	vor.u32 v3, v4  }
0xcd: {  	v4 =	vperm.xlane v3, v0;
	_ =	sdelay $0x1  }
0xce: {  	v4 =	vadd.s32 v1, v4;
	_ =	sdelay $0x1  }
0xcf: {  	v3 =	vperm.xlane v3, v2;
	_ =	sdelay $0x1  }
0xd0: {  	s24 =	simm.s32 $0xE100;
	v3 =	vadd.s32 v1, v3  }
0xd1: {  	[tilespmem:s24], [sflag:$0x2] =	stream.indirect_vreg.gather [hbm4b:s4+s2], $0x80, v4, vm0, $0xb8;
	[tilespmem:$0x14100] =	vst v63  }
0xd2: {  	s24 =	simm.s32 $0xE900  }
0xd3: {  	[tilespmem:s24], [sflag:$0x2] =	stream.indirect_vreg.gather [hbm4b:s6+s2], $0x80, v4, vm1, $0xb8;
	[tilespmem:$0x14100] =	vst v63  }
0xd4: {  	s24 =	simm.s32 $0xED00  }
0xd5: {  	[tilespmem:s24], [sflag:$0x2] =	stream.indirect_vreg.gather [hbm4b:s4+s2], $0x80, v3, vm0, $0xb8;
	[tilespmem:$0x14100] =	vst v63  }
0xd6: {  	_ = 	snop  }
0xd7: {  	[tilespmem:s26], [sflag:$0x2] =	stream.indirect_vreg.gather [hbm4b:s6+s2], $0x80, v3, vm1, $0xb8;
	[tilespmem:$0x14100] =	vst v63  }
0xd8: {  	v3 =	vld [tilespmem:$0xD0];
	_ =	sdelay $0x4  }
0xd9: {  	v61 =	vshrl.u32 v3, $0x3  }
0xda: {  	v4 =	vmul.u32 $0x18, v61  }
0xdb: {  	v3 =	vand.u32 $0x7, v3  }
0xdc: {  	v3 =	vor.u32 v3, v4  }
0xdd: {  	v4 =	vperm.xlane v3, v0;
	_ =	sdelay $0x1  }
0xde: {  	v4 =	vadd.s32 v1, v4;
	_ =	sdelay $0x1  }
0xdf: {  	v3 =	vperm.xlane v3, v2;
	_ =	sdelay $0x1  }
0xe0: {  	v3 =	vadd.s32 v1, v3  }
0xe1: {  	[tilespmem:s28], [sflag:$0x2] =	stream.indirect_vreg.gather [hbm4b:s4+s2], $0x80, v4, vm0, $0xb8;
	[tilespmem:$0x14100] =	vst v63  }
0xe2: {  	_ = 	snop  }
0xe3: {  	[tilespmem:s29], [sflag:$0x2] =	stream.indirect_vreg.gather [hbm4b:s6+s2], $0x80, v4, vm1, $0xb8;
	[tilespmem:$0x14100] =	vst v63  }
0xe4: {  	_ = 	snop  }
0xe5: {  	[tilespmem:s30], [sflag:$0x2] =	stream.indirect_vreg.gather [hbm4b:s4+s2], $0x80, v3, vm0, $0xb8;
	[tilespmem:$0x14100] =	vst v63  }
0xe6: {  	_ = 	snop  }
0xe7: {  	[tilespmem:s0], [sflag:$0x2] =	stream.indirect_vreg.gather [hbm4b:s6+s2], $0x80, v3, vm1, $0xb8;
	[tilespmem:$0x14100] =	vst v63  }
0xe8: {  	v3 =	vld [tilespmem:$0xE0];
	_ =	sdelay $0x4  }
0xe9: {  	v62 =	vshrl.u32 v3, $0x3  }
0xea: {  	v4 =	vmul.u32 $0x18, v62  }
0xeb: {  	v3 =	vand.u32 $0x7, v3  }
0xec: {  	v3 =	vor.u32 v3, v4  }
0xed: {  	v4 =	vperm.xlane v3, v0;
	_ =	sdelay $0x1  }
0xee: {  	v4 =	vadd.s32 v1, v4;
	_ =	sdelay $0x1  }
0xef: {  	v3 =	vperm.xlane v3, v2;
	_ =	sdelay $0x1  }
0xf0: {  	v3 =	vadd.s32 v1, v3  }
0xf1: {  	[tilespmem:s1], [sflag:$0x2] =	stream.indirect_vreg.gather [hbm4b:s4+s2], $0x80, v4, vm0, $0xb8;
	[tilespmem:$0x14100] =	vst v63  }
0xf2: {  	_ = 	snop  }
0xf3: {  	[tilespmem:s5], [sflag:$0x2] =	stream.indirect_vreg.gather [hbm4b:s6+s2], $0x80, v4, vm1, $0xb8;
	[tilespmem:$0x14100] =	vst v63  }
0xf4: {  	_ = 	snop  }
0xf5: {  	[tilespmem:s7], [sflag:$0x2] =	stream.indirect_vreg.gather [hbm4b:s4+s2], $0x80, v3, vm0, $0xb8;
	[tilespmem:$0x14100] =	vst v63  }
0xf6: {  	_ = 	snop  }
0xf7: {  	[tilespmem:s8], [sflag:$0x2] =	stream.indirect_vreg.gather [hbm4b:s6+s2], $0x80, v3, vm1, $0xb8;
	[tilespmem:$0x14100] =	vst v63  }
0xf8: {  	v3 =	vld [tilespmem:$0xF0];
	_ =	sdelay $0x4  }
0xf9: {  	v63 =	vshrl.u32 v3, $0x3  }
0xfa: {  	v4 =	vmul.u32 $0x18, v63  }
0xfb: {  	v3 =	vand.u32 $0x7, v3  }
0xfc: {  	v3 =	vor.u32 v3, v4  }
0xfd: {  	v4 =	vperm.xlane v3, v0;
	_ =	sdelay $0x1  }
0xfe: {  	v4 =	vadd.s32 v1, v4;
	_ =	sdelay $0x1  }
0xff: {  	v3 =	vperm.xlane v3, v2;
	_ =	sdelay $0x1  }
0x100: {  	v3 =	vadd.s32 v1, v3  }
0x101: {  	[tilespmem:s9], [sflag:$0x2] =	stream.indirect_vreg.gather [hbm4b:s4+s2], $0x80, v4, vm0, $0xb8;
	[tilespmem:$0x14100] =	vst v63  }
0x102: {  	_ = 	snop  }
0x103: {  	[tilespmem:s13], [sflag:$0x2] =	stream.indirect_vreg.gather [hbm4b:s6+s2], $0x80, v4, vm1, $0xb8;
	[tilespmem:$0x14100] =	vst v63  }
0x104: {  	_ = 	snop  }
0x105: {  	[tilespmem:s15], [sflag:$0x2] =	stream.indirect_vreg.gather [hbm4b:s4+s2], $0x80, v3, vm0, $0xb8;
	[tilespmem:$0x14100] =	vst v63  }
0x106: {  	_ = 	snop  }
0x107: {  	[tilespmem:s16], [sflag:$0x2] =	stream.indirect_vreg.gather [hbm4b:s6+s2], $0x80, v3, vm1, $0xb8;
	[tilespmem:$0x14100] =	vst v63  }
0x108: {  	_ =	swait.ge [sflag:s17], $0x8000  }
0x109: {  	[sflag:s17] =	ssyncset.done $0x0  }
0x10a: {  	[sflag:s17] =	ssyncadd.s32 $0xFFFF8000  }
0x10b: {  	_ =	swait.ge [sflag:s18], $0xC000  }
0x10c: {  	[sflag:s18] =	ssyncset.done $0x0  }
0x10d: {  	[sflag:s18] =	ssyncadd.s32 $0xFFFF4000  }
0x10e: {  	[hbm4b:s22+s2] =	stream.linear.scatter [tilespmem:s14], [sflag:$0x4], $0x8000, $0x38;
	[tilespmem:$0x14100] =	vst v63  }
0x10f: {  	_ =	swait.ge [sflag:s12], $0x8000  }
0x110: {  	[sflag:s12] =	ssyncset.done $0x0  }
.Ltmp5:
0x111: {  	[sflag:s12] =	ssyncadd.s32 $0xFFFF8000;
	(pc) =	sbr.rel .LBB2_4-.Ltmp5, $4  }
0x112: {  	[hbm4b:s21+s2] =	stream.linear.scatter [tilespmem:s31], [sflag:$0x3], $0xC000, $0x38;
	[tilespmem:$0x14100] =	vst v63  }
0x113: {  	_ =	swait.ge [sflag:s19], $0xC000  }
0x114: {  	[sflag:s19] =	ssyncset.done $0x0  }
0x115: {  	[sflag:s19] =	ssyncadd.s32 $0xFFFF4000  }
.LBB2_6:
0x116: {  	_ =	sfence.sel $0x180000  }
0x117: {  	[bflag:$0x0] =	sbarrier.arrive $0xFFFF  }
0x118: {  	_ =	strace $0x90000050  }
0x119: {  	s0 =	stileid.u32;
	[bflag:$0x2] =	sbarrier.arrive $0xFFFF  }
0x11a: {  	p0 =	sne.s32 s0, $0x0;
	s0 =	rddreg [dreg:$0x3]  }
0x11b: {  	s0 =	sadd.s32 @!p0 $0x100000, s0  }
0x11c: {  	[sflag:s0] =	ssyncadd.tile.s32 @!p0 $0x1;
	_ =	shalt  }
.Lfunc_end2:
_tile_overlayer_lowered:
.L_overlay_start_2:
0x11d: {  	(tag) =	ssettag $0x2  }
0x11e: {  	s0 =	rddreg [dreg:$0x0];
	s2 =	stileid.u32  }
0x11f: {  	s1 =	rddreg [dreg:$0x1];
	p0 =	sne.s32 s2, $0x0  }
0x120: {  	s3 =	rddreg [dreg:$0x2];
	[bflag:$0x3] =	sbarrier.arrive $0xFFFF;
	s2 =	simm.s32 @!p0 $0x1C03  }
0x121: {  	[timem:s3], [sflag:s2] =	dma.local @!p0 [hbm:s0], s1  }
0x122: {  	s0 =	simm.s32 @!p0 $0x3  }
0x123: {  	_ =	swait.ge @!p0 [sflag:s0], s1  }
0x124: {  	s1 =	ssub.s32 @!p0 $0x0, s1;
	[sflag:s0] =	ssyncset.done @!p0 $0x0  }
0x125: {  	[sflag:s0] =	ssyncadd.s32 @!p0 s1  }
0x126: {  	[bflag:$0x3] =	sbarrier.arrive $0xFFFF  }
0x127: {  	_ =	shalt  }

// kernel: kernel.28.cloned.1.call-start
scs
__scs_entry_jumppad:
0x0: {  	(pc) =	sbr.rel $0x88, $3  }
0x1: {  	(tag) =	ssettag $0x0;
	lr =	simm.s32 $0x1  }
0x2: {  	[smem:$0x3F68] =	sst lr;
	_ =	strace $0xD0000000  }
0x3: {  	_ = 	snop  }
0x4: {  	_ = 	snop  }
0x5: {  	_ = 	snop  }
0x6: {  	_ = 	snop  }
0x7: {  	_ = 	snop  }
__scs_overlays_trampoline_lowered:
0x8: {  	[smem:$0x3F77] =	sst s0  }
0x9: {  	[smem:$0x3F78] =	sst s1  }
0xa: {  	[smem:$0x3F79] =	sst s2  }
0xb: {  	[smem:$0x3F7A] =	sst s3  }
0xc: {  	[smem:$0x3F7B] =	sst s4  }
0xd: {  	[smem:$0x3F7C] =	sst s5  }
0xe: {  	[smem:$0x3F7D] =	sst s6  }
0xf: {  	[smem:$0x3F7E] =	sst s7  }
0x10: {  	[smem:$0x3F7F] =	sst s8  }
0x11: {  	[smem:$0x3F80] =	sst s9;
	s0 =	simm.s32 @!p0 $0x0  }
0x12: {  	s1 =	sld [smem:$0x3F66];
	s0 =	simm.s32 @p0 $0x1  }
0x13: {  	[smem:$0x3F81] =	sst s0;
	s0 =	simm.s32 @!p1 $0x0  }
0x14: {  	s2 =	sld [smem:$0x3F65];
	s0 =	simm.s32 @p1 $0x1  }
0x15: {  	[smem:$0x3F82] =	sst s0;
	s0 =	simm.s32 @!p2 $0x0  }
0x16: {  	s3 =	sld [smem:$0x3FDB];
	s0 =	simm.s32 @p2 $0x1  }
0x17: {  	s4 =	simm.s32 $0x1BF5;
	[smem:$0x3F84] =	sst s0  }
0x18: {  	s0 =	sld [smem:$0x3F67];
	_ =	swait.ge [sflag:s4], $0x0  }
0x19: {  	s7 =	sld [smem:$0x3F68]  }
0x1a: {  	s8 =	sadd.s32 $0xFFFFE003, lr  }
0x1b: {  	s9 =	sadd.s32 $0xFFFFFEF7, lr;
	s5 =	simm.s32 $0xFFFFFFFF;
	p2 =	slt.u32 s8, $0xFFFFF086  }
0x1c: {  	p1 =	slt.u32 s9, $0xF7A;
	s5 =	simm.s32 @!p2 $0x0  }
0x1d: {  	s5 =	simm.s32 @p1 $0x1;
	p0 =	seq.s32 s7, s2  }
0x1e: {  	s7 =	smul.u32 @!p0 $0xF7A, s2;
	p2 =	seq.s32 @!p0 s5, $0x0  }
0x1f: {  	s9 =	smul.u32 $0xF7A, s1;
	s8 =	simm.s32 @!p0 $0x1BF5;
	p2 =	por !p2, p0  }
0x20: {  	[sflag:s8] =	ssyncset.s32 @!p0 $0xFFFFF086;
	s6 =	sadd.s32 @!p0 s3, s7;
	s7 =	simm.s32 @!p0 $0x108  }
0x21: {  	s3 =	sadd.s32 s3, s9;
	s6 =	sadd.s32 @!p0 $0x88, s6;
	s7 =	simm.s32 @p2 $0x1082  }
0x22: {  	[simem:s7], [sflag:s8] =	dma.local @!p0 [hbm:s6], $0xF7A  }
0x23: {  	s9 =	sor.u32 $0xD0000000, s2;
	s6 =	simm.s32 $0x108;
	_ =	swait.ge @!p0 [sflag:s8], $0x0  }
0x24: {  	s3 =	sadd.s32 $0x88, s3;
	s6 =	simm.s32 @!p1 $0x1082;
	[sflag:s4] =	ssyncset.s32 $0xFFFFF086  }
0x25: {  	[simem:s6], [sflag:s4] =	dma.local [hbm:s3], $0xF7A  }
0x26: {  	[smem:$0x3F68] =	sst s1;
	(tag) =	ssettag s2;
	_ =	strace s9  }
0x27: {  	s1 =	sld [smem:$0x3F78]  }
0x28: {  	s2 =	sld [smem:$0x3F79]  }
0x29: {  	s4 =	sld [smem:$0x3F7B]  }
0x2a: {  	p0 =	seq.s32 s5, $0x0;
	s5 =	sld [smem:$0x3F7C]  }
0x2b: {  	s6 =	sld [smem:$0x3F7D]  }
0x2c: {  	s7 =	sld [smem:$0x3F7E]  }
0x2d: {  	s3 =	simm.s32 $0x108;
	s8 =	sld [smem:$0x3F7F]  }
0x2e: {  	s3 =	simm.s32 @!p0 $0x1082;
	s9 =	sld [smem:$0x3F80]  }
0x2f: {  	lr =	sadd.s32 s0, s3;
	s0 =	sld [smem:$0x3F77]  }
0x30: {  	s3 =	sld [smem:$0x3F7A]  }
0x31: {  	[smem:$0x3F83] =	sst s10  }
0x32: {  	s10 =	sld [smem:$0x3F81];
	_ =	sdelay $0x3  }
0x33: {  	p0 =	seq.s32 s10, $0x1;
	s10 =	sld [smem:$0x3F83];
	_ =	sdelay $0x3  }
0x34: {  	[smem:$0x3F83] =	sst s10  }
0x35: {  	s10 =	sld [smem:$0x3F82];
	_ =	sdelay $0x3  }
0x36: {  	p1 =	seq.s32 s10, $0x1;
	s10 =	sld [smem:$0x3F83];
	_ =	sdelay $0x3  }
0x37: {  	[smem:$0x3F83] =	sst s10  }
0x38: {  	s10 =	sld [smem:$0x3F84]  }
0x39: {  	_ = 	snop;
	(pc) =	sbr.ind lr, $3  }
0x3a: {  	_ = 	snop  }
0x3b: {  	_ = 	snop  }
0x3c: {  	p2 =	seq.s32 s10, $0x1;
	s10 =	sld [smem:$0x3F83]  }
0x3d: {  	_ =	shalt  }
0x3e: {  	_ =	shalt  }
0x3f: {  	_ =	shalt  }
0x40: {  	_ =	shalt  }
0x41: {  	_ =	shalt  }
0x42: {  	_ =	shalt  }
0x43: {  	_ =	shalt  }
0x44: {  	_ =	shalt  }
0x45: {  	_ =	shalt  }
0x46: {  	_ =	shalt  }
0x47: {  	_ =	shalt  }
0x48: {  	_ =	shalt  }
0x49: {  	_ =	shalt  }
0x4a: {  	_ =	shalt  }
0x4b: {  	_ =	shalt  }
0x4c: {  	_ =	shalt  }
0x4d: {  	_ =	shalt  }
0x4e: {  	_ =	shalt  }
0x4f: {  	_ =	shalt  }
0x50: {  	_ =	shalt  }
0x51: {  	_ =	shalt  }
0x52: {  	_ =	shalt  }
0x53: {  	_ =	shalt  }
0x54: {  	_ =	shalt  }
0x55: {  	_ =	shalt  }
0x56: {  	_ =	shalt  }
0x57: {  	_ =	shalt  }
0x58: {  	_ =	shalt  }
0x59: {  	_ =	shalt  }
0x5a: {  	_ =	shalt  }
0x5b: {  	_ =	shalt  }
0x5c: {  	_ =	shalt  }
0x5d: {  	_ =	shalt  }
0x5e: {  	_ =	shalt  }
0x5f: {  	_ =	shalt  }
0x60: {  	_ =	shalt  }
0x61: {  	_ =	shalt  }
0x62: {  	_ =	shalt  }
0x63: {  	_ =	shalt  }
0x64: {  	_ =	shalt  }
0x65: {  	_ =	shalt  }
0x66: {  	_ =	shalt  }
0x67: {  	_ =	shalt  }
0x68: {  	_ =	shalt  }
0x69: {  	_ =	shalt  }
0x6a: {  	_ =	shalt  }
0x6b: {  	_ =	shalt  }
0x6c: {  	_ =	shalt  }
0x6d: {  	_ =	shalt  }
0x6e: {  	_ =	shalt  }
0x6f: {  	_ =	shalt  }
0x70: {  	_ =	shalt  }
0x71: {  	_ =	shalt  }
0x72: {  	_ =	shalt  }
0x73: {  	_ =	shalt  }
0x74: {  	_ =	shalt  }
0x75: {  	_ =	shalt  }
0x76: {  	_ =	shalt  }
0x77: {  	_ =	shalt  }
0x78: {  	_ =	shalt  }
0x79: {  	_ =	shalt  }
0x7a: {  	_ =	shalt  }
0x7b: {  	_ =	shalt  }
0x7c: {  	_ =	shalt  }
0x7d: {  	_ =	shalt  }
0x7e: {  	_ =	shalt  }
0x7f: {  	_ =	shalt  }
0x80: {  	_ =	shalt  }
0x81: {  	_ =	shalt  }
0x82: {  	_ =	shalt  }
0x83: {  	_ =	shalt  }
0x84: {  	_ =	shalt  }
0x85: {  	_ =	shalt  }
0x86: {  	_ =	shalt  }
0x87: {  	_ =	shalt  }
.Lfunc_end0:
.L_simem_size_0:
called_computation.4_lowered:
.L_overlay_start_0:
0x88: {  	s2 =	sld [smem:$0x3FD9]  }
0x89: {  	s3 =	sld [smem:$0x3FFE];
	_ =	sdelay $0x1  }
0x8a: {  	s1 =	srdreg.scid  }
0x8b: {  	s0 =	sand.u32 $0x1, s1  }
0x8c: {  	s17 =	sshll.u32 s0, $0xA;
	s2 =	sadd.s32 s3, s2  }
0x8d: {  	s2 =	sadd.s32 s2, s17  }
0x8e: {  	[smem:$0x3F8F] =	sst s2  }
0x8f: {  	_ = 	snop  }
0x90: {  	s2 =	sld [smem:$0x3FC4];
	(tm) =	ssettm $0x1  }
0x91: {  	s18 =	sld [smem:$0x3FFB];
	_ =	sdelay $0x3  }
0x92: {  	_ =	strace s18  }
0x93: {  	s3 =	sld [smem:$0x3FFC];
	_ =	sdelay $0x3  }
0x94: {  	_ =	strace s3  }
0x95: {  	s3 =	sld [smem:$0x3FFD];
	_ =	sdelay $0x3  }
0x96: {  	_ =	strace s3  }
0x97: {  	_ =	strace $0x8FFFFFFF  }
0x98: {  	s19 =	sld [smem:$0x3FDB];
	_ =	sdelay $0x1  }
0x99: {  	s4 =	simm.s32 $_scs_section_size  }
0x9a: {  	s5 =	simm.s32 $_size__tile_overlayer_lowered;
	s6 =	simm.s32 $_tile_overlayer_lowered  }
0x9b: {  	s22 =	simm.s32 $0x1BFF;
	s21 =	sshll.u32 s6, $0x1;
	s3 =	sadd.s32 s4, s19  }
0x9c: {  	s7 =	simm.s32 $0x0;
	s20 =	sshll.u32 s5, $0x1;
	s5 =	sadd.s32 s21, s3  }
0x9d: {  	[timem:s7], [sflag:s22] =	dma.local [hbm:s5], s20  }
0x9e: {  	_ =	swait.ge [sflag:s22], s20  }
0x9f: {  	s4 =	ssub.s32 $0x0, s20;
	[sflag:s22] =	ssyncset.done $0x0  }
0xa0: {  	[sflag:s22] =	ssyncadd.s32 s4;
	_ =	sdelay $0x1  }
0xa1: {  	s23 =	simm.s32 $0x1B8B  }
0xa2: {  	_ =	swait.ge [sflag:s23], $0x1  }
0xa3: {  	[sflag:s23] =	ssyncset.done $0x0  }
0xa4: {  	s25 =	simm.s32 $0x1B8E;
	s24 =	sld [smem:$0x3FFE];
	[sflag:s23] =	ssyncadd.s32 $0xFFFFFFFF  }
0xa5: {  	s26 =	simm.s32 $execute0_lowered;
	[smem:$0x3FD2] =	sst s25  }
0xa6: {  	s5 =	sshll.u32 s26, $0x1;
	_ =	strace $0x80000052;
	[dreg:$0x1] =	wrdreg $0xFFFFFFFF  }
0xa7: {  	s28 =	simm.s32 $_size_execute0_lowered;
	s3 =	sadd.s32 s3, s5;
	[dreg:$0x0] =	wrdreg $0x0  }
0xa8: {  	s5 =	sshll.u32 s28, $0x1;
	[dreg:$0x2] =	wrdreg s3  }
0xa9: {  	[dreg:$0x3] =	wrdreg s5  }
0xaa: {  	[dreg:$0x4] =	wrdreg $0xC0  }
0xab: {  	_ =	task [dreg:s7], $0x5FFFF  }
0xac: {  	[dreg:$0x1] =	wrdreg $0xFFFFFFFF  }
0xad: {  	[dreg:$0x0] =	wrdreg $0x60  }
0xae: {  	[dreg:$0x2] =	wrdreg s24  }
0xaf: {  	[dreg:$0x3] =	wrdreg s2  }
0xb0: {  	[dreg:$0x4] =	wrdreg $0x44800  }
0xb1: {  	[dreg:$0x5] =	wrdreg $0x17D000  }
0xb2: {  	[dreg:$0x6] =	wrdreg $0x9  }
0xb3: {  	_ =	task.clear_ibuf [dreg:s7], $0x7FFFF;
	_ =	strace $0x90000052  }
0xb4: {  	s29 =	simm.s32 $0x9;
	_ =	strace $0x80000054  }
0xb5: {  	_ =	swait.ge [sflag:s29], $0x1  }
0xb6: {  	[sflag:s29] =	ssyncadd.s32 $0xFFFFFFFF  }
0xb7: {  	_ =	strace $0x90000054  }
0xb8: {  	_ =	sfence  }
0xb9: {  	s30 =	sld [smem:$0x0];
	_ =	sdelay $0x2  }
0xba: {  	s31 =	sshll.u32 s1, $0xD;
	s1 =	sshrl.u32 s1, $0x2  }
0xbb: {  	s3 =	sand.u32 $0x4000, s31;
	s1 =	sadd.s32 s1, s30  }
0xbc: {  	s0 =	sor.u32 s3, s0;
	s1 =	sshll.u32 s1, $0x11  }
0xbd: {  	s0 =	sor.u32 s1, s0  }
0xbe: {  	s0 =	sadd.s32 $0x8F2B, s0  }
0xbf: {  	[sflag:s0] =	ssyncadd.remote.s32 $0x1  }
0xc0: {  	_ =	sfence.sel $0xFFFF  }
0xc1: {  	[dreg:$0x0] =	wrdreg $0xFFFFFFFF;
	(pc) =	sbr.abs _section_cstart, $3  }
0xc2: {  	[dreg:$0x1] =	wrdreg $0xFFFFFFFF  }
0xc3: {  	_ =	task.clear_ibuf [dreg:s7], $0x2FFFF;
	_ =	strace $0x9FFFFFFF  }
0xc4: {  	(tm) =	ssettm $0x7FFFFFFF  }
0xc5: {  	_ =	shalt  }
tec
execute0_lowered:
.L_overlay_start_1:
0x0: {  	(tag) =	ssettag $0x1  }
0x1: {  	s0 =	rddreg [dreg:$0x0]  }
0x2: {  	s21 =	rddreg [dreg:$0x1];
	s3 =	srdreg.scid  }
0x3: {  	s1 =	rddreg [dreg:$0x2];
	s18 =	sand.u32 $0x1, s3  }
0x4: {  	s2 =	rddreg [dreg:$0x3];
	s5 =	smul.u32 $0x271000, s18  }
0x5: {  	s4 =	simm.s32 $0x0;
	s3 =	stileid.u32;
	s6 =	smul.u32 $0x27100, s18  }
0x6: {  	[smem:$0x7FF] =	sst s4;
	s16 =	sadd.s32 $0xD6800, s0;
	s11 =	smul.u32 $0x13800, s3  }
0x7: {  	s17 =	sadd.s32 $0xD1800, s0;
	s14 =	sadd.s32 $0x138000, s1;
	s15 =	smul.u32 $0x1380, s3  }
0x8: {  	_ =	strace $0x80000053;
	s7 =	ssub.s32 $0x2, s18;
	s23 =	smul.u32 $0x138800, s18  }
0x9: {  	s10 =	sshll.u32 s3, $0x6;
	[dreg:$0x9] =	wrdreg s14;
	s24 =	smul.u32 $0x13880, s18  }
0xa: {  	s25 =	sshll.u32 s3, $0x7;
	s26 =	sshll.u32 s3, $0xB;
	p0 =	sne.s32 s3, $0xF  }
0xb: {  	s31 =	sshrl.u32 s7, $0x1;
	s20 =	sadd.s32 s5, s0;
	s19 =	sadd.s32 s6, s0  }
0xc: {  	s28 =	sshrl.u32 s11, $0x3;
	s30 =	sshrl.u32 s15, $0x3;
	s22 =	ssub.s32 s7, s31  }
0xd: {  	s7 =	sadd.s32 s11, s1;
	s12 =	sadd.s32 s15, s2;
	s15 =	sadd.s32 s15, s24  }
0xe: {  	s24 =	sshrl.u32 s24, $0x3;
	s31 =	sshll.u32 s3, $0x4;
	s29 =	sadd.s32 s28, s0  }
0xf: {  	s9 =	sadd.s32 s30, s0;
	[dreg:$0x5] =	wrdreg s7;
	s7 =	sor.u32 $0x1C01, s10  }
0x10: {  	[dreg:$0x7] =	wrdreg s12;
	s12 =	sadd.s32 $0x13800, s2;
	s28 =	smul.u32 $0x4E20, s18  }
0x11: {  	s18 =	smax.u32 s22, $0x1;
	s22 =	simm.s32 $0x1;
	s8 =	sadd.s32 $0xAA600, s29  }
0x12: {  	s13 =	sadd.s32 $0xB800, s9;
	s29 =	sadd.s32 s26, s20;
	[dreg:$0x6] =	wrdreg s8  }
0x13: {  	[dreg:$0x8] =	wrdreg s13;
	s13 =	sadd.s32 s11, s23;
	s11 =	sadd.s32 $0xD1600, s0  }
0x14: {  	s23 =	sshrl.u32 s23, $0x3;
	s20 =	sadd.s32 $0x271B800, s29;
	s30 =	sadd.s32 s28, s21  }
0x15: {  	s14 =	sshrl.u32 s13, $0x3;
	s13 =	sadd.s32 $0xDF00, s0;
	s0 =	sshrl.u32 s15, $0x3  }
0x16: {  	s23 =	sadd.s32 s16, s23;
	s21 =	sadd.s32 s31, s30;
	s14 =	sadd.s32 s16, s14  }
0x17: {  	s15 =	sadd.s32 s17, s0;
	s17 =	sadd.s32 s17, s24;
	s0 =	sadd.s32 s25, s19  }
0x18: {  	s16 =	sadd.s32 $0x27000, s23;
	s17 =	sadd.s32 $0x2700, s17;
	s19 =	sadd.s32 $0x5C400, s0  }
.LBB2_1:
0x19: {  	s0 =	rddreg [dreg:$0x5]  }
0x1a: {  	s6 =	rddreg [dreg:$0x6];
	s23 =	sshrl.u32 s0, $0x3  }
0x1b: {  	[spmem:s23], [sflag:s7] =	dma.local [hbm:s6], $0x2700  }
0x1c: {  	_ =	swait.ge [sflag:s22], $0x2700  }
0x1d: {  	[sflag:s22] =	ssyncset.done $0x0;
	s8 =	rddreg [dreg:$0x7]  }
0x1e: {  	s9 =	rddreg [dreg:$0x8];
	[sflag:s22] =	ssyncadd.s32 $0xFFFFD900;
	s24 =	sshrl.u32 s8, $0x3  }
0x1f: {  	[spmem:s24], [sflag:s7] =	dma.local [hbm:s9], $0x270  }
0x20: {  	_ =	swait.ge [sflag:s22], $0x270  }
0x21: {  	[sflag:s22] =	ssyncset.done $0x0;
	s0 =	rddreg [dreg:$0x9]  }
0x22: {  	[sflag:s22] =	ssyncadd.s32 $0xFFFFFD90;
	s25 =	sshrl.u32 @!p0 s0, $0x3;
	s0 =	simm.s32 @!p0 $0x1  }
0x23: {  	[spmem:s25], [sflag:s7] =	dma.local @!p0 [hbm:s11], $0x100  }
0x24: {  	_ =	swait.ge @!p0 [sflag:s0], $0x100  }
0x25: {  	[sflag:s0] =	ssyncset.done @!p0 $0x0  }
0x26: {  	s26 =	sshrl.u32 @!p0 s12, $0x3;
	[sflag:s0] =	ssyncadd.s32 @!p0 $0xFFFFFF00  }
0x27: {  	[spmem:s26], [sflag:s7] =	dma.local @!p0 [hbm:s13], $0x10  }
0x28: {  	_ =	swait.ge @!p0 [sflag:s0], $0x10  }
0x29: {  	s28 =	sadd.s32 $0x0, s3;
	[sflag:s0] =	ssyncset.done @!p0 $0x0  }
0x2a: {  	p1 =	sgt.u32 s28, $0x4E1;
	[sflag:s0] =	ssyncadd.s32 @!p0 $0xFFFFFFF0  }
0x2b: {  	s28 =	simm.s32 @!p1 $0x0;
	s0 =	simm.s32 @!p1 $0x2;
	[bflag:$0x0] =	sbarrier.arrive $0xFFFF  }
0x2c: {  	[tilespmem:s28], [sflag:$0x2] =	stream.linear.gather @!p1 [hbm4b:s21+s28], $0x80, $0x38;
	[tilespmem:$0x19088] =	vst v63  }
0x2d: {  	_ =	swait.ge @!p1 [sflag:s0], $0x80  }
0x2e: {  	[sflag:s0] =	ssyncset.done @!p1 $0x0;
	p1 =	por p1, p1  }
0x2f: {  	[sflag:s0] =	ssyncadd.s32 @!p1 $0xFFFFFF80;
	s29 =	simm.s32 @!p1 $0x80  }
0x30: {  	[tilespmem:s29], [sflag:$0x2] =	stream.linear.gather @!p1 [hbm4b:s20+s28], $0x4000, $0x38;
	[tilespmem:$0x19088] =	vst v63  }
0x31: {  	_ =	swait.ge @!p1 [sflag:s0], $0x4000  }
0x32: {  	[sflag:s0] =	ssyncset.done @!p1 $0x0  }
0x33: {  	[sflag:s0] =	ssyncadd.s32 @!p1 $0xFFFFC000  }
0x34: {  	[spmem:s1] =	stream.indirect.scatter.add.f32 @!p1 [tilespmem:s29], [sflag:$0x2], $0x80, s28, s29, $0xb8;
	[tilespmem:$0x19088] =	vst v63  }
0x35: {  	_ =	swait.ge @!p1 [sflag:s0], $0x4000  }
0x36: {  	[sflag:s0] =	ssyncset.done @!p1 $0x0  }
0x37: {  	s5 =	simm.s32 @!p1 $0x4080;
	[sflag:s0] =	ssyncadd.s32 @!p1 $0xFFFFC000  }
0x38: {  	[tilespmem:s5], [sflag:$0x2] =	stream.linear.gather @!p1 [hbm4b:s19+s28], $0x400, $0x38;
	[tilespmem:$0x19088] =	vst v63  }
0x39: {  	_ =	swait.ge @!p1 [sflag:s0], $0x400  }
0x3a: {  	s31 =	simm.s32 $0x20;
	[sflag:s0] =	ssyncset.done @!p1 $0x0  }
0x3b: {  	s10 =	sadd.s32 $0x10, s3;
	[sflag:s0] =	ssyncadd.s32 @!p1 $0xFFFFFC00;
	s0 =	simm.s32 @!p1 $0x1  }
0x3c: {  	[spmem:s2] =	stream.indirect.scatter.add.f32 @!p1 [tilespmem:s5], [sflag:$0x1], $0x8, s28, s29, $0xb8;
	[tilespmem:$0x19088] =	vst v63  }
0x3d: {  	s30 =	sadd.s32 $0x100, s21;
	p3 =	sgt.u32 s10, $0x4E1;
	_ =	swait.ge @!p1 [sflag:s0], $0x400  }
0x3e: {  	s29 =	sadd.s32 $0x8000, s20;
	s28 =	sadd.s32 $0x800, s19;
	[sflag:s0] =	ssyncset.done @!p1 $0x0  }
.LBB2_2:
0x3f: {  	s5 =	simm.s32 @!p3 $0x0;
	s6 =	simm.s32 @!p3 $0x2;
	[sflag:s0] =	ssyncadd.s32 @!p1 $0xFFFFFC00  }
0x40: {  	[tilespmem:s5], [sflag:$0x2] =	stream.linear.gather @!p3 [hbm4b:s30+s5], $0x80, $0x38;
	[tilespmem:$0x19088] =	vst v63  }
0x41: {  	s8 =	smov.u32 s31;
	s31 =	sadd.s32 $0x10, s31;
	_ =	swait.ge @!p3 [sflag:s6], $0x80  }
0x42: {  	p1 =	por p3, p3;
	p2 =	sne.s32 s31, $0x4F0;
	[sflag:s6] =	ssyncset.done @!p3 $0x0  }
0x43: {  	s9 =	simm.s32 @!p1 $0x80;
	[sflag:s6] =	ssyncadd.s32 @!p1 $0xFFFFFF80  }
0x44: {  	[tilespmem:s9], [sflag:$0x2] =	stream.linear.gather @!p1 [hbm4b:s29+s5], $0x4000, $0x38;
	[tilespmem:$0x19088] =	vst v63  }
0x45: {  	_ =	swait.ge @!p1 [sflag:s6], $0x4000  }
0x46: {  	[sflag:s6] =	ssyncset.done @!p1 $0x0  }
0x47: {  	[sflag:s6] =	ssyncadd.s32 @!p1 $0xFFFFC000  }
0x48: {  	[spmem:s1] =	stream.indirect.scatter.add.f32 @!p1 [tilespmem:s9], [sflag:$0x2], $0x80, s5, s9, $0xb8;
	[tilespmem:$0x19088] =	vst v63  }
0x49: {  	_ =	swait.ge @!p1 [sflag:s6], $0x4000  }
0x4a: {  	[sflag:s6] =	ssyncset.done @!p1 $0x0  }
0x4b: {  	s10 =	simm.s32 @!p1 $0x4080;
	[sflag:s6] =	ssyncadd.s32 @!p1 $0xFFFFC000  }
0x4c: {  	[tilespmem:s10], [sflag:$0x2] =	stream.linear.gather @!p1 [hbm4b:s28+s5], $0x400, $0x38;
	[tilespmem:$0x19088] =	vst v63  }
0x4d: {  	_ =	swait.ge @!p1 [sflag:s6], $0x400  }
.Ltmp0:
0x4e: {  	[sflag:s6] =	ssyncset.done @!p1 $0x0;
	(pc) =	sbr.rel @p2 .LBB2_2-.Ltmp0, $4  }
0x4f: {  	s0 =	simm.s32 @!p1 $0x1;
	s30 =	sadd.s32 $0x100, s30;
	[sflag:s6] =	ssyncadd.s32 @!p1 $0xFFFFFC00  }
0x50: {  	[spmem:s2] =	stream.indirect.scatter.add.f32 @!p1 [tilespmem:s10], [sflag:$0x1], $0x8, s5, s9, $0xb8;
	[tilespmem:$0x19088] =	vst v63  }
0x51: {  	s29 =	sadd.s32 $0x8000, s29;
	s5 =	sadd.s32 s8, s3;
	_ =	swait.ge @!p1 [sflag:s0], $0x400  }
0x52: {  	s28 =	sadd.s32 $0x800, s28;
	p3 =	sgt.u32 s5, $0x4E1;
	[sflag:s0] =	ssyncset.done @!p1 $0x0  }
0x53: {  	s5 =	simm.s32 @!p3 $0x0;
	s6 =	simm.s32 @!p3 $0x2;
	[sflag:s0] =	ssyncadd.s32 @!p1 $0xFFFFFC00  }
0x54: {  	[tilespmem:s5], [sflag:$0x2] =	stream.linear.gather @!p3 [hbm4b:s30+s5], $0x80, $0x38;
	[tilespmem:$0x19088] =	vst v63  }
0x55: {  	_ =	swait.ge @!p3 [sflag:s6], $0x80  }
0x56: {  	p1 =	por p3, p3;
	[sflag:s6] =	ssyncset.done @!p3 $0x0  }
0x57: {  	s0 =	simm.s32 @!p1 $0x80;
	[sflag:s6] =	ssyncadd.s32 @!p1 $0xFFFFFF80  }
0x58: {  	[tilespmem:s0], [sflag:$0x2] =	stream.linear.gather @!p1 [hbm4b:s29+s5], $0x4000, $0x38;
	[tilespmem:$0x19088] =	vst v63  }
0x59: {  	_ =	swait.ge @!p1 [sflag:s6], $0x4000  }
0x5a: {  	[sflag:s6] =	ssyncset.done @!p1 $0x0  }
0x5b: {  	[sflag:s6] =	ssyncadd.s32 @!p1 $0xFFFFC000  }
0x5c: {  	[spmem:s1] =	stream.indirect.scatter.add.f32 @!p1 [tilespmem:s0], [sflag:$0x2], $0x80, s5, s0, $0xb8;
	[tilespmem:$0x19088] =	vst v63  }
0x5d: {  	_ =	swait.ge @!p1 [sflag:s6], $0x4000  }
0x5e: {  	[sflag:s6] =	ssyncset.done @!p1 $0x0  }
0x5f: {  	s8 =	simm.s32 @!p1 $0x4080;
	[sflag:s6] =	ssyncadd.s32 @!p1 $0xFFFFC000  }
0x60: {  	[tilespmem:s8], [sflag:$0x2] =	stream.linear.gather @!p1 [hbm4b:s28+s5], $0x400, $0x38;
	[tilespmem:$0x19088] =	vst v63  }
0x61: {  	_ =	swait.ge @!p1 [sflag:s6], $0x400  }
0x62: {  	[sflag:s6] =	ssyncset.done @!p1 $0x0  }
0x63: {  	[sflag:s6] =	ssyncadd.s32 @!p1 $0xFFFFFC00;
	s6 =	simm.s32 @!p1 $0x1  }
0x64: {  	[spmem:s2] =	stream.indirect.scatter.add.f32 @!p1 [tilespmem:s8], [sflag:$0x1], $0x8, s5, s0, $0xb8;
	[tilespmem:$0x19088] =	vst v63  }
0x65: {  	_ =	swait.ge @!p1 [sflag:s6], $0x400  }
0x66: {  	[sflag:s6] =	ssyncset.done @!p1 $0x0  }
0x67: {  	[sflag:s6] =	ssyncadd.s32 @!p1 $0xFFFFFC00  }
0x68: {  	[bflag:$0x0] =	sbarrier.arrive $0xFFFF  }
0x69: {  	[hbm:s14], [sflag:s7] =	dma.local [spmem:s23], $0x2700  }
0x6a: {  	_ =	swait.ge [sflag:s22], $0x2700  }
0x6b: {  	[sflag:s22] =	ssyncset.done $0x0  }
0x6c: {  	[sflag:s22] =	ssyncadd.s32 $0xFFFFD900  }
0x6d: {  	[hbm:s15], [sflag:s7] =	dma.local [spmem:s24], $0x270  }
0x6e: {  	_ =	swait.ge [sflag:s22], $0x270  }
0x6f: {  	[sflag:s22] =	ssyncset.done $0x0  }
0x70: {  	s0 =	simm.s32 @!p0 $0x1;
	[sflag:s22] =	ssyncadd.s32 $0xFFFFFD90  }
0x71: {  	[hbm:s16], [sflag:s7] =	dma.local @!p0 [spmem:s25], $0x100  }
0x72: {  	s4 =	sadd.s32 $0x1, s4;
	_ =	swait.ge @!p0 [sflag:s0], $0x100  }
0x73: {  	p1 =	sne.s32 s4, s18;
	[sflag:s0] =	ssyncset.done @!p0 $0x0  }
.Ltmp1:
0x74: {  	[sflag:s0] =	ssyncadd.s32 @!p0 $0xFFFFFF00;
	(pc) =	sbr.rel @p1 .LBB2_1-.Ltmp1, $4  }
0x75: {  	[hbm:s17], [sflag:s7] =	dma.local @!p0 [spmem:s26], $0x10  }
0x76: {  	_ =	swait.ge @!p0 [sflag:s0], $0x10  }
0x77: {  	[sflag:s0] =	ssyncset.done @!p0 $0x0  }
0x78: {  	[sflag:s0] =	ssyncadd.s32 @!p0 $0xFFFFFFF0  }
0x79: {  	_ =	sfence.sel $0x180000  }
0x7a: {  	[bflag:$0x0] =	sbarrier.arrive $0xFFFF  }
0x7b: {  	_ =	strace $0x90000053  }
0x7c: {  	[bflag:$0x2] =	sbarrier.arrive $0xFFFF  }
0x7d: {  	p0 =	sne.s32 s3, $0x0;
	s0 =	rddreg [dreg:$0x4]  }
0x7e: {  	s0 =	sadd.s32 @!p0 $0x100000, s0  }
0x7f: {  	[sflag:s0] =	ssyncadd.tile.s32 @!p0 $0x1;
	_ =	shalt  }
.Lfunc_end2:
_tile_overlayer_lowered:
.L_overlay_start_2:
0x80: {  	(tag) =	ssettag $0x2  }
0x81: {  	s0 =	rddreg [dreg:$0x0];
	s2 =	stileid.u32  }
0x82: {  	s1 =	rddreg [dreg:$0x1];
	p0 =	sne.s32 s2, $0x0  }
0x83: {  	s3 =	rddreg [dreg:$0x2];
	[bflag:$0x3] =	sbarrier.arrive $0xFFFF;
	s2 =	simm.s32 @!p0 $0x1C01  }
0x84: {  	[timem:s3], [sflag:s2] =	dma.local @!p0 [hbm:s0], s1  }
0x85: {  	s0 =	simm.s32 @!p0 $0x1  }
0x86: {  	_ =	swait.ge @!p0 [sflag:s0], s1  }
0x87: {  	s1 =	ssub.s32 @!p0 $0x0, s1;
	[sflag:s0] =	ssyncset.done @!p0 $0x0  }
0x88: {  	[sflag:s0] =	ssyncadd.s32 @!p0 s1  }
0x89: {  	[bflag:$0x3] =	sbarrier.arrive $0xFFFF  }
0x8a: {  	_ =	shalt  }

</sc_bundles>
